<compile_context>
chip_gen: v7x
topology: tpu7x:2x2x1
jax: 0.10.2.dev20260603
libtpu: 0.0.44.dev20260713+nightly
codegen_flags: <defaults>
</compile_context>

<pallas_src>
import functools
import math

import jax
import jax.numpy as jnp
from jax import lax
from jax.experimental import pallas as pl
from jax.experimental.pallas import tpu as pltpu
from jax.experimental.pallas import tpu_sc as plsc

N = 10000
E = 320000
C = 128
A = 16
B = 8
H = 8

NC = 2
NS = 16
NW = NC * NS
EW = E // NW
K = 80
NCHUNK = EW // K
N_PAD = 10240
RPT = N_PAD // NS


def _xlin_body(nf_ref, w_ref, o_ref):
    o_ref[...] = jnp.dot(nf_ref[...], w_ref[...],
                         preferred_element_type=jnp.float32) * (1.0 / math.sqrt(C))


def _hp_body(ee_ref, ea_ref, w_ref, o_ref):
    h = jnp.dot(ee_ref[...], w_ref[...], preferred_element_type=jnp.float32)
    h = jax.nn.softplus(h * (1.0 / math.sqrt(B))) - math.log(2.0)
    o_ref[...] = h * ea_ref[...] * (1.0 / math.sqrt(H))


def _final_body(p0_ref, p1_ref, nf_ref, na_ref, w2_ref, scw_ref, o_ref):
    y = jnp.dot(p0_ref[0] + p1_ref[0], w2_ref[...],
                preferred_element_type=jnp.float32)
    y = y * (1.0 / (math.sqrt(32.0) * math.sqrt(C)))
    nf = nf_ref[...]
    na = na_ref[...]
    acc = jnp.zeros_like(y)
    for v in range(A):
        acc = acc + na[:, v:v + 1] * jnp.dot(nf, scw_ref[v],
                                             preferred_element_type=jnp.float32)
    o_ref[...] = y + acc * (1.0 / math.sqrt(float(C * A)))


def _sc_body(xlin, hp, src, dst, fw2, zrows, out,
             src_v, dst_v, h_v, xg_v, ef_v, fw2_v, acc, sem):
    cid = lax.axis_index("c")
    sid = lax.axis_index("s")
    wid = sid * NC + cid

    pltpu.sync_copy(zrows, acc.at[pl.ds(sid * RPT, RPT)])
    pltpu.sync_copy(fw2, fw2_v)
    plsc.subcore_barrier()

    iota = lax.iota(jnp.int32, 16)
    ebase = wid * EW

    def chunk(i, carry):
        base = ebase + i * K
        pltpu.sync_copy(src.at[pl.ds(base, K)], src_v)
        pltpu.sync_copy(dst.at[pl.ds(base, K)], dst_v)
        pltpu.sync_copy(hp.at[pl.ds(base, K)], h_v)
        pltpu.async_copy(xlin.at[src_v], xg_v, sem).wait()

        hs = []
        for g in range(K // 16):
            rows = iota + (g * 16)
            hs.append([plsc.load_gather(h_v, [rows, jnp.full((16,), j, jnp.int32)])
                       for j in range(B)])

        def cbody(cg, carry2):
            c0 = cg * 16
            fv = [fw2_v[j, pl.ds(c0, 16)] for j in range(B)]
            for l in range(16):
                cvec = jnp.zeros((16,), jnp.int32) + (c0 + l)
                for g in range(K // 16):
                    rows = iota + (g * 16)
                    xt = plsc.load_gather(xg_v, [rows, cvec])
                    w = hs[g][0] * fv[0][l]
                    for j in range(1, B):
                        w = w + hs[g][j] * fv[j][l]
                    plsc.store_scatter(ef_v, [rows, cvec], xt * w)
            return carry2
        lax.fori_loop(0, C // 16, cbody, 0)

        pltpu.sync_copy(ef_v, acc.at[dst_v], add=True)
        return carry

    lax.fori_loop(0, NCHUNK, chunk, 0)
    plsc.subcore_barrier()
    pltpu.sync_copy(acc.at[pl.ds(sid * RPT, RPT)],
                    out.at[cid, pl.ds(sid * RPT, RPT)])


_sc_edges = functools.partial(
    pl.kernel,
    out_type=jax.ShapeDtypeStruct((NC, N_PAD, C), jnp.float32),
    mesh=plsc.VectorSubcoreMesh(core_axis_name="c", subcore_axis_name="s",
                                num_cores=NC, num_subcores=NS),
    scratch_types=[
        pltpu.VMEM((K,), jnp.int32),
        pltpu.VMEM((K,), jnp.int32),
        pltpu.VMEM((K, B), jnp.float32),
        pltpu.VMEM((K, C), jnp.float32),
        pltpu.VMEM((K, C), jnp.float32),
        pltpu.VMEM((B, C), jnp.float32),
        pltpu.VMEM_SHARED((N_PAD, C), jnp.float32),
        pltpu.SemaphoreType.DMA,
    ],
    compiler_params=pltpu.CompilerParams(needs_layout_passes=False),
)(_sc_body)


def kernel(node_features, node_attrs, edge_embedding, edge_attrs, edge_index,
           W1, fc_w1, fc_w2, W2, sc_W):
    nblk = 1000
    x_lin = pl.pallas_call(
        _xlin_body,
        grid=(N // nblk,),
        in_specs=[pl.BlockSpec((nblk, C), lambda i: (i, 0)),
                  pl.BlockSpec((C, C), lambda i: (0, 0))],
        out_specs=pl.BlockSpec((nblk, C), lambda i: (i, 0)),
        out_shape=jax.ShapeDtypeStruct((N, C), jnp.float32),
    )(node_features, W1)

    eblk = 8000
    hp = pl.pallas_call(
        _hp_body,
        grid=(E // eblk,),
        in_specs=[pl.BlockSpec((eblk, B), lambda i: (i, 0)),
                  pl.BlockSpec((eblk, 1), lambda i: (i, 0)),
                  pl.BlockSpec((B, B), lambda i: (0, 0))],
        out_specs=pl.BlockSpec((eblk, B), lambda i: (i, 0)),
        out_shape=jax.ShapeDtypeStruct((E, B), jnp.float32),
    )(edge_embedding, edge_attrs, fc_w1)

    src = edge_index[1]
    dst = edge_index[0]
    zrows = jnp.zeros((RPT, C), jnp.float32)

    parts = _sc_edges(x_lin, hp, src, dst, fc_w2, zrows)

    scwt = sc_W.transpose(1, 0, 2)
    y = pl.pallas_call(
        _final_body,
        grid=(N // nblk,),
        in_specs=[pl.BlockSpec((1, nblk, C), lambda i: (0, i, 0)),
                  pl.BlockSpec((1, nblk, C), lambda i: (1, i, 0)),
                  pl.BlockSpec((nblk, C), lambda i: (i, 0)),
                  pl.BlockSpec((nblk, A), lambda i: (i, 0)),
                  pl.BlockSpec((C, C), lambda i: (0, 0)),
                  pl.BlockSpec((A, C, C), lambda i: (0, 0, 0))],
        out_specs=pl.BlockSpec((nblk, C), lambda i: (i, 0)),
        out_shape=jax.ShapeDtypeStruct((N, C), jnp.float32),
    )(parts, parts, node_features, node_attrs, W2, scwt)
    return y

# --- scband reference (transcript-rebuilt; emitter-appended) ---
"""Pipeline reference for scband-interaction-block-14276471292010 (READ-ONLY COPY).

The authoritative reference and input builder live on the scoring server;
editing this copy changes nothing except your own understanding.
"""

import jax, jax.numpy as jnp
import numpy as np
import math

N = 10000   # nodes
E = 320000  # edges
C = 128     # node feature channels (128x0e)
A = 16      # node attr channels (16x0e, species one-hot)
B = 8       # edge embedding basis size (8x0e)
H = 8       # invariant_neurons
AVG_NEIGH = 32.0


def _ssp(x):
    # ShiftedSoftPlus
    return jax.nn.softplus(x) - math.log(2.0)


def setup_inputs(seed: int = 0) -> dict:
    key = jax.random.key(seed)
    ks = jax.random.split(key, 10)
    node_features = jax.random.normal(ks[0], (N, C), dtype=jnp.float32)
    node_attrs = jax.random.uniform(ks[1], (N, A), dtype=jnp.float32)
    edge_embedding = jax.random.uniform(ks[2], (E, B), dtype=jnp.float32)
    edge_attrs = jax.random.normal(ks[3], (E, 1), dtype=jnp.float32)
    edge_index = jax.random.randint(ks[4], (2, E), 0, N, dtype=jnp.int32)
    # learned parameters
    W1 = jax.random.normal(ks[5], (C, C), dtype=jnp.float32)      # linear_1
    fc_w1 = jax.random.normal(ks[6], (B, H), dtype=jnp.float32)   # FullyConnectedNet layer 1
    fc_w2 = jax.random.normal(ks[7], (H, C), dtype=jnp.float32)   # FullyConnectedNet layer 2 -> tp.weight_numel = C
    W2 = jax.random.normal(ks[8], (C, C), dtype=jnp.float32)      # linear_2
    sc_W = jax.random.normal(ks[9], (C, A, C), dtype=jnp.float32) # self-connection FullyConnectedTensorProduct
    return {
        'node_features': node_features,
        'node_attrs': node_attrs,
        'edge_embedding': edge_embedding,
        'edge_attrs': edge_attrs,
        'edge_index': edge_index,
        'W1': W1, 'fc_w1': fc_w1, 'fc_w2': fc_w2, 'W2': W2, 'sc_W': sc_W,
    }


def reference(node_features, node_attrs, edge_embedding, edge_attrs, edge_index,
              W1, fc_w1, fc_w2, W2, sc_W):
    # radial MLP on edge length embedding -> per-edge tensor-product weights (ssp nonlinearity,
    # e3nn FullyConnectedNet normalization: divide by sqrt(fan_in))
    h = _ssp(edge_embedding @ fc_w1 / jnp.sqrt(float(B)))
    weight = h @ fc_w2 / jnp.sqrt(float(H))  # [E, C] (tp.weight_numel = C for scalar uvu paths)

    edge_src = edge_index[1]
    edge_dst = edge_index[0]

    # self-connection: FullyConnectedTensorProduct of node features with node attrs (all 0e)
    sc = jnp.einsum('nu,nv,uvw->nw', node_features, node_attrs, sc_W) / jnp.sqrt(float(C * A))

    # linear_1 (e3nn Linear normalization: 1/sqrt(fan_in))
    x = node_features @ W1 / jnp.sqrt(float(C))

    # tensor product on edges: scalar x scalar uvu path with external per-edge weights
    edge_features = x[edge_src] * edge_attrs * weight  # [E, C]

    # scatter-sum over destination nodes
    x = jax.ops.segment_sum(edge_features, edge_dst, num_segments=N)

    # average-neighbor normalization
    x = x / jnp.sqrt(AVG_NEIGH)

    # linear_2
    x = x @ W2 / jnp.sqrt(float(C))

    # residual self-connection
    x = x + sc
    return x

if __name__ == "__main__":
    import jax
    _d = setup_inputs()
    print(jax.jit(kernel)(*tuple(_d.values())))

</pallas_src>

<mosaic_0001>
#map = affine_map<(d0, d1) -> (0, 0)>
#map1 = affine_map<(d0, d1) -> (0)>
#map2 = affine_map<(d0, d1) -> (0, 0, 0)>
module attributes {stable_mosaic.version = 14 : i64} {
  func.func @_sc_body(%arg0: i32, %arg1: i32, %arg2: memref<10000x128xf32, #tpu.memory_space<hbm>>, %arg3: memref<320000x8xf32, #tpu.memory_space<hbm>>, %arg4: memref<320000xi32, #tpu.memory_space<hbm>>, %arg5: memref<320000xi32, #tpu.memory_space<hbm>>, %arg6: memref<8x128xf32, #tpu.memory_space<hbm>>, %arg7: memref<640x128xf32, #tpu.memory_space<hbm>>, %arg8: memref<2x10240x128xf32, #tpu.memory_space<hbm>>, %arg9: memref<80xi32, #tpu.memory_space<vmem>>, %arg10: memref<80xi32, #tpu.memory_space<vmem>>, %arg11: memref<80x8xf32, #tpu.memory_space<vmem>>, %arg12: memref<80x128xf32, #tpu.memory_space<vmem>>, %arg13: memref<80x128xf32, #tpu.memory_space<vmem>>, %arg14: memref<8x128xf32, #tpu.memory_space<vmem>>, %arg15: memref<10240x128xf32, #tpu.memory_space<vmem_shared>>, %arg16: memref<!tpu.dma_semaphore, #tpu.memory_space<semaphore_mem>>) attributes {dimension_semantics = [#tpu.dimension_semantics<core_parallel>, #tpu.dimension_semantics<subcore_parallel>], iteration_bounds = array<i64: 2, 16>, scalar_prefetch = 0 : i64, scratch_operands = 8 : i64, tpu.core_type = #tpu.core_type<sc_vector_subcore>, window_params = [{transform_indices = #map}, {transform_indices = #map}, {transform_indices = #map1}, {transform_indices = #map1}, {transform_indices = #map}, {transform_indices = #map}, {transform_indices = #map2}]} {
    %mul3A = arith.constant 2 : i32
    %mul3A_0 = arith.muli %arg1, %mul3A : i32
    %add3A = arith.addi %mul3A_0, %arg0 : i32
    %mul3A_1 = arith.constant 640 : i32
    %mul3A_2 = arith.muli %arg1, %mul3A_1 : i32
    "tpu.region"() ({
      %run_scoped3A = tpu.sem_alloc : memref<!tpu.dma_semaphore, #tpu.memory_space<semaphore_mem>>
      %dma_start3A = arith.constant 0 : i32
      %dma_start3A_15 = tpu.memref_slice %arg15[%mul3A_2, %dma_start3A] : memref<10240x128xf32, #tpu.memory_space<vmem_shared>> -> memref<640x128xf32, #tpu.memory_space<vmem_shared>>
      tpu.enqueue_dma source(%arg7 : memref<640x128xf32, #tpu.memory_space<hbm>>) target(%dma_start3A_15 : memref<640x128xf32, #tpu.memory_space<vmem_shared>>) target_semaphore(%run_scoped3A : memref<!tpu.dma_semaphore, #tpu.memory_space<semaphore_mem>>)
      %dma_wait3A = arith.constant 0 : i32
      %dma_wait3A_16 = tpu.memref_slice %arg15[%mul3A_2, %dma_wait3A] : memref<10240x128xf32, #tpu.memory_space<vmem_shared>> -> memref<640x128xf32, #tpu.memory_space<vmem_shared>>
      tpu.wait_dma2 semaphore(%run_scoped3A : memref<!tpu.dma_semaphore, #tpu.memory_space<semaphore_mem>>) src(%arg7 : memref<640x128xf32, #tpu.memory_space<hbm>>) dst(%dma_wait3A_16 : memref<640x128xf32, #tpu.memory_space<vmem_shared>>)
      tpu.yield
    }) : () -> ()
    "tpu.region"() ({
      %run_scoped3A = tpu.sem_alloc : memref<!tpu.dma_semaphore, #tpu.memory_space<semaphore_mem>>
      tpu.enqueue_dma source(%arg6 : memref<8x128xf32, #tpu.memory_space<hbm>>) target(%arg14 : memref<8x128xf32, #tpu.memory_space<vmem>>) target_semaphore(%run_scoped3A : memref<!tpu.dma_semaphore, #tpu.memory_space<semaphore_mem>>)
      tpu.wait_dma2 semaphore(%run_scoped3A : memref<!tpu.dma_semaphore, #tpu.memory_space<semaphore_mem>>) src(%arg6 : memref<8x128xf32, #tpu.memory_space<hbm>>) dst(%arg14 : memref<8x128xf32, #tpu.memory_space<vmem>>)
      tpu.yield
    }) : () -> ()
    %barrier3A = arith.constant 0 : index
    tpu.barrier barrier_id(%barrier3A)
    %iota3A = tpu.iota {dimensions = array<i32: 0>} : vector<16xi32>
    %mul3A_3 = arith.constant 10000 : i32
    %mul3A_4 = arith.muli %add3A, %mul3A_3 : i32
    %scan3A = arith.constant 0 : i32
    %scan3A_5 = arith.constant 0 : i32
    %scan3A_6 = arith.constant 125 : i32
    %scan3A_7 = arith.addi %scan3A_5, %scan3A_6 : i32
    %scan3A_8 = arith.constant 1 : i32
    scf.for %scan3A_15 = %scan3A_5 to %scan3A_7 step %scan3A_8  : i32 {
      %mul3A_16 = arith.constant 80 : i32
      %mul3A_17 = arith.muli %scan3A_15, %mul3A_16 : i32
      %add3A_18 = arith.addi %mul3A_4, %mul3A_17 : i32
      "tpu.region"() ({
        %run_scoped3A = tpu.sem_alloc : memref<!tpu.dma_semaphore, #tpu.memory_space<semaphore_mem>>
        %dma_start3A_162 = tpu.memref_slice %arg4[%add3A_18] : memref<320000xi32, #tpu.memory_space<hbm>> -> memref<80xi32, #tpu.memory_space<hbm>>
        %dma_start3A_163 = tpu.memref_slice %arg4[%add3A_18] : memref<320000xi32, #tpu.memory_space<hbm>> -> memref<80xi32, #tpu.memory_space<hbm>>
        tpu.enqueue_dma source(%dma_start3A_163 : memref<80xi32, #tpu.memory_space<hbm>>) target(%arg9 : memref<80xi32, #tpu.memory_space<vmem>>) target_semaphore(%run_scoped3A : memref<!tpu.dma_semaphore, #tpu.memory_space<semaphore_mem>>)
        %dma_wait3A_164 = tpu.memref_slice %arg4[%add3A_18] : memref<320000xi32, #tpu.memory_space<hbm>> -> memref<80xi32, #tpu.memory_space<hbm>>
        %dma_wait3A_165 = tpu.memref_slice %arg4[%add3A_18] : memref<320000xi32, #tpu.memory_space<hbm>> -> memref<80xi32, #tpu.memory_space<hbm>>
        tpu.wait_dma2 semaphore(%run_scoped3A : memref<!tpu.dma_semaphore, #tpu.memory_space<semaphore_mem>>) src(%dma_wait3A_165 : memref<80xi32, #tpu.memory_space<hbm>>) dst(%arg9 : memref<80xi32, #tpu.memory_space<vmem>>)
        tpu.yield
      }) : () -> ()
      "tpu.region"() ({
        %run_scoped3A = tpu.sem_alloc : memref<!tpu.dma_semaphore, #tpu.memory_space<semaphore_mem>>
        %dma_start3A_162 = tpu.memref_slice %arg5[%add3A_18] : memref<320000xi32, #tpu.memory_space<hbm>> -> memref<80xi32, #tpu.memory_space<hbm>>
        %dma_start3A_163 = tpu.memref_slice %arg5[%add3A_18] : memref<320000xi32, #tpu.memory_space<hbm>> -> memref<80xi32, #tpu.memory_space<hbm>>
        tpu.enqueue_dma source(%dma_start3A_163 : memref<80xi32, #tpu.memory_space<hbm>>) target(%arg10 : memref<80xi32, #tpu.memory_space<vmem>>) target_semaphore(%run_scoped3A : memref<!tpu.dma_semaphore, #tpu.memory_space<semaphore_mem>>)
        %dma_wait3A_164 = tpu.memref_slice %arg5[%add3A_18] : memref<320000xi32, #tpu.memory_space<hbm>> -> memref<80xi32, #tpu.memory_space<hbm>>
        %dma_wait3A_165 = tpu.memref_slice %arg5[%add3A_18] : memref<320000xi32, #tpu.memory_space<hbm>> -> memref<80xi32, #tpu.memory_space<hbm>>
        tpu.wait_dma2 semaphore(%run_scoped3A : memref<!tpu.dma_semaphore, #tpu.memory_space<semaphore_mem>>) src(%dma_wait3A_165 : memref<80xi32, #tpu.memory_space<hbm>>) dst(%arg10 : memref<80xi32, #tpu.memory_space<vmem>>)
        tpu.yield
      }) : () -> ()
      "tpu.region"() ({
        %run_scoped3A = tpu.sem_alloc : memref<!tpu.dma_semaphore, #tpu.memory_space<semaphore_mem>>
        %dma_start3A_162 = arith.constant 0 : i32
        %dma_start3A_163 = tpu.memref_slice %arg3[%add3A_18, %dma_start3A_162] : memref<320000x8xf32, #tpu.memory_space<hbm>> -> memref<80x8xf32, #tpu.memory_space<hbm>>
        %dma_start3A_164 = arith.constant 0 : i32
        %dma_start3A_165 = tpu.memref_slice %arg3[%add3A_18, %dma_start3A_164] : memref<320000x8xf32, #tpu.memory_space<hbm>> -> memref<80x8xf32, #tpu.memory_space<hbm>>
        tpu.enqueue_dma source(%dma_start3A_165 : memref<80x8xf32, #tpu.memory_space<hbm>>) target(%arg11 : memref<80x8xf32, #tpu.memory_space<vmem>>) target_semaphore(%run_scoped3A : memref<!tpu.dma_semaphore, #tpu.memory_space<semaphore_mem>>)
        %dma_wait3A_166 = arith.constant 0 : i32
        %dma_wait3A_167 = tpu.memref_slice %arg3[%add3A_18, %dma_wait3A_166] : memref<320000x8xf32, #tpu.memory_space<hbm>> -> memref<80x8xf32, #tpu.memory_space<hbm>>
        %dma_wait3A_168 = arith.constant 0 : i32
        %dma_wait3A_169 = tpu.memref_slice %arg3[%add3A_18, %dma_wait3A_168] : memref<320000x8xf32, #tpu.memory_space<hbm>> -> memref<80x8xf32, #tpu.memory_space<hbm>>
        tpu.wait_dma2 semaphore(%run_scoped3A : memref<!tpu.dma_semaphore, #tpu.memory_space<semaphore_mem>>) src(%dma_wait3A_169 : memref<80x8xf32, #tpu.memory_space<hbm>>) dst(%arg11 : memref<80x8xf32, #tpu.memory_space<vmem>>)
        tpu.yield
      }) : () -> ()
      %dma_start3A = arith.constant 0 : i32
      %dma_start3A_19 = arith.constant 0 : i32
      %dma_start3A_20 = tpu.memref_slice %arg2[%dma_start3A, %dma_start3A_19] : memref<10000x128xf32, #tpu.memory_space<hbm>> -> memref<10000x128xf32, #tpu.memory_space<hbm>>
      tpu.enqueue_indirect_dma source(%dma_start3A_20 : memref<10000x128xf32, #tpu.memory_space<hbm>>) target(%arg12 : memref<80x128xf32, #tpu.memory_space<vmem>>) offsets(%arg9 : memref<80xi32, #tpu.memory_space<vmem>>) semaphore(%arg16 : memref<!tpu.dma_semaphore, #tpu.memory_space<semaphore_mem>>)
      %dma_wait3A = arith.constant 0 : i32
      %dma_wait3A_21 = arith.constant 0 : i32
      %dma_wait3A_22 = tpu.memref_slice %arg2[%dma_wait3A, %dma_wait3A_21] : memref<10000x128xf32, #tpu.memory_space<hbm>> -> memref<10000x128xf32, #tpu.memory_space<hbm>>
      tpu.wait_indirect_dma semaphore(%arg16 : memref<!tpu.dma_semaphore, #tpu.memory_space<semaphore_mem>>) src(%dma_wait3A_22 : memref<10000x128xf32, #tpu.memory_space<hbm>>) dst(%arg12 : memref<80x128xf32, #tpu.memory_space<vmem>>)
      %add3A_23 = arith.constant 0 : i32
      %add3A_24 = vector.broadcast %add3A_23 : i32 to vector<16xi32>
      %add3A_25 = arith.addi %iota3A, %add3A_24 : vector<16xi32>
      %broadcast_in_dim3A = arith.constant 0 : i32
      %broadcast_in_dim3A_26 = vector.broadcast %broadcast_in_dim3A : i32 to vector<16xi32>
      %gather3A = tpu.vector_load_idx %arg11[%add3A_25, %broadcast_in_dim3A_26] : memref<80x8xf32, #tpu.memory_space<vmem>>[vector<16xi32>, vector<16xi32>], vector<16xf32>,
      %broadcast_in_dim3A_27 = arith.constant 1 : i32
      %broadcast_in_dim3A_28 = vector.broadcast %broadcast_in_dim3A_27 : i32 to vector<16xi32>
      %gather3A_29 = tpu.vector_load_idx %arg11[%add3A_25, %broadcast_in_dim3A_28] : memref<80x8xf32, #tpu.memory_space<vmem>>[vector<16xi32>, vector<16xi32>], vector<16xf32>,
      %broadcast_in_dim3A_30 = arith.constant 2 : i32
      %broadcast_in_dim3A_31 = vector.broadcast %broadcast_in_dim3A_30 : i32 to vector<16xi32>
      %gather3A_32 = tpu.vector_load_idx %arg11[%add3A_25, %broadcast_in_dim3A_31] : memref<80x8xf32, #tpu.memory_space<vmem>>[vector<16xi32>, vector<16xi32>], vector<16xf32>,
      %broadcast_in_dim3A_33 = arith.constant 3 : i32
      %broadcast_in_dim3A_34 = vector.broadcast %broadcast_in_dim3A_33 : i32 to vector<16xi32>
      %gather3A_35 = tpu.vector_load_idx %arg11[%add3A_25, %broadcast_in_dim3A_34] : memref<80x8xf32, #tpu.memory_space<vmem>>[vector<16xi32>, vector<16xi32>], vector<16xf32>,
      %broadcast_in_dim3A_36 = arith.constant 4 : i32
      %broadcast_in_dim3A_37 = vector.broadcast %broadcast_in_dim3A_36 : i32 to vector<16xi32>
      %gather3A_38 = tpu.vector_load_idx %arg11[%add3A_25, %broadcast_in_dim3A_37] : memref<80x8xf32, #tpu.memory_space<vmem>>[vector<16xi32>, vector<16xi32>], vector<16xf32>,
      %broadcast_in_dim3A_39 = arith.constant 5 : i32
      %broadcast_in_dim3A_40 = vector.broadcast %broadcast_in_dim3A_39 : i32 to vector<16xi32>
      %gather3A_41 = tpu.vector_load_idx %arg11[%add3A_25, %broadcast_in_dim3A_40] : memref<80x8xf32, #tpu.memory_space<vmem>>[vector<16xi32>, vector<16xi32>], vector<16xf32>,
      %broadcast_in_dim3A_42 = arith.constant 6 : i32
      %broadcast_in_dim3A_43 = vector.broadcast %broadcast_in_dim3A_42 : i32 to vector<16xi32>
      %gather3A_44 = tpu.vector_load_idx %arg11[%add3A_25, %broadcast_in_dim3A_43] : memref<80x8xf32, #tpu.memory_space<vmem>>[vector<16xi32>, vector<16xi32>], vector<16xf32>,
      %broadcast_in_dim3A_45 = arith.constant 7 : i32
      %broadcast_in_dim3A_46 = vector.broadcast %broadcast_in_dim3A_45 : i32 to vector<16xi32>
      %gather3A_47 = tpu.vector_load_idx %arg11[%add3A_25, %broadcast_in_dim3A_46] : memref<80x8xf32, #tpu.memory_space<vmem>>[vector<16xi32>, vector<16xi32>], vector<16xf32>,
      %add3A_48 = arith.constant 16 : i32
      %add3A_49 = vector.broadcast %add3A_48 : i32 to vector<16xi32>
      %add3A_50 = arith.addi %iota3A, %add3A_49 : vector<16xi32>
      %broadcast_in_dim3A_51 = arith.constant 0 : i32
      %broadcast_in_dim3A_52 = vector.broadcast %broadcast_in_dim3A_51 : i32 to vector<16xi32>
      %gather3A_53 = tpu.vector_load_idx %arg11[%add3A_50, %broadcast_in_dim3A_52] : memref<80x8xf32, #tpu.memory_space<vmem>>[vector<16xi32>, vector<16xi32>], vector<16xf32>,
      %broadcast_in_dim3A_54 = arith.constant 1 : i32
      %broadcast_in_dim3A_55 = vector.broadcast %broadcast_in_dim3A_54 : i32 to vector<16xi32>
      %gather3A_56 = tpu.vector_load_idx %arg11[%add3A_50, %broadcast_in_dim3A_55] : memref<80x8xf32, #tpu.memory_space<vmem>>[vector<16xi32>, vector<16xi32>], vector<16xf32>,
      %broadcast_in_dim3A_57 = arith.constant 2 : i32
      %broadcast_in_dim3A_58 = vector.broadcast %broadcast_in_dim3A_57 : i32 to vector<16xi32>
      %gather3A_59 = tpu.vector_load_idx %arg11[%add3A_50, %broadcast_in_dim3A_58] : memref<80x8xf32, #tpu.memory_space<vmem>>[vector<16xi32>, vector<16xi32>], vector<16xf32>,
      %broadcast_in_dim3A_60 = arith.constant 3 : i32
      %broadcast_in_dim3A_61 = vector.broadcast %broadcast_in_dim3A_60 : i32 to vector<16xi32>
      %gather3A_62 = tpu.vector_load_idx %arg11[%add3A_50, %broadcast_in_dim3A_61] : memref<80x8xf32, #tpu.memory_space<vmem>>[vector<16xi32>, vector<16xi32>], vector<16xf32>,
      %broadcast_in_dim3A_63 = arith.constant 4 : i32
      %broadcast_in_dim3A_64 = vector.broadcast %broadcast_in_dim3A_63 : i32 to vector<16xi32>
      %gather3A_65 = tpu.vector_load_idx %arg11[%add3A_50, %broadcast_in_dim3A_64] : memref<80x8xf32, #tpu.memory_space<vmem>>[vector<16xi32>, vector<16xi32>], vector<16xf32>,
      %broadcast_in_dim3A_66 = arith.constant 5 : i32
      %broadcast_in_dim3A_67 = vector.broadcast %broadcast_in_dim3A_66 : i32 to vector<16xi32>
      %gather3A_68 = tpu.vector_load_idx %arg11[%add3A_50, %broadcast_in_dim3A_67] : memref<80x8xf32, #tpu.memory_space<vmem>>[vector<16xi32>, vector<16xi32>], vector<16xf32>,
      %broadcast_in_dim3A_69 = arith.constant 6 : i32
      %broadcast_in_dim3A_70 = vector.broadcast %broadcast_in_dim3A_69 : i32 to vector<16xi32>
      %gather3A_71 = tpu.vector_load_idx %arg11[%add3A_50, %broadcast_in_dim3A_70] : memref<80x8xf32, #tpu.memory_space<vmem>>[vector<16xi32>, vector<16xi32>], vector<16xf32>,
      %broadcast_in_dim3A_72 = arith.constant 7 : i32
      %broadcast_in_dim3A_73 = vector.broadcast %broadcast_in_dim3A_72 : i32 to vector<16xi32>
      %gather3A_74 = tpu.vector_load_idx %arg11[%add3A_50, %broadcast_in_dim3A_73] : memref<80x8xf32, #tpu.memory_space<vmem>>[vector<16xi32>, vector<16xi32>], vector<16xf32>,
      %add3A_75 = arith.constant 32 : i32
      %add3A_76 = vector.broadcast %add3A_75 : i32 to vector<16xi32>
      %add3A_77 = arith.addi %iota3A, %add3A_76 : vector<16xi32>
      %broadcast_in_dim3A_78 = arith.constant 0 : i32
      %broadcast_in_dim3A_79 = vector.broadcast %broadcast_in_dim3A_78 : i32 to vector<16xi32>
      %gather3A_80 = tpu.vector_load_idx %arg11[%add3A_77, %broadcast_in_dim3A_79] : memref<80x8xf32, #tpu.memory_space<vmem>>[vector<16xi32>, vector<16xi32>], vector<16xf32>,
      %broadcast_in_dim3A_81 = arith.constant 1 : i32
      %broadcast_in_dim3A_82 = vector.broadcast %broadcast_in_dim3A_81 : i32 to vector<16xi32>
      %gather3A_83 = tpu.vector_load_idx %arg11[%add3A_77, %broadcast_in_dim3A_82] : memref<80x8xf32, #tpu.memory_space<vmem>>[vector<16xi32>, vector<16xi32>], vector<16xf32>,
      %broadcast_in_dim3A_84 = arith.constant 2 : i32
      %broadcast_in_dim3A_85 = vector.broadcast %broadcast_in_dim3A_84 : i32 to vector<16xi32>
      %gather3A_86 = tpu.vector_load_idx %arg11[%add3A_77, %broadcast_in_dim3A_85] : memref<80x8xf32, #tpu.memory_space<vmem>>[vector<16xi32>, vector<16xi32>], vector<16xf32>,
      %broadcast_in_dim3A_87 = arith.constant 3 : i32
      %broadcast_in_dim3A_88 = vector.broadcast %broadcast_in_dim3A_87 : i32 to vector<16xi32>
      %gather3A_89 = tpu.vector_load_idx %arg11[%add3A_77, %broadcast_in_dim3A_88] : memref<80x8xf32, #tpu.memory_space<vmem>>[vector<16xi32>, vector<16xi32>], vector<16xf32>,
      %broadcast_in_dim3A_90 = arith.constant 4 : i32
      %broadcast_in_dim3A_91 = vector.broadcast %broadcast_in_dim3A_90 : i32 to vector<16xi32>
      %gather3A_92 = tpu.vector_load_idx %arg11[%add3A_77, %broadcast_in_dim3A_91] : memref<80x8xf32, #tpu.memory_space<vmem>>[vector<16xi32>, vector<16xi32>], vector<16xf32>,
      %broadcast_in_dim3A_93 = arith.constant 5 : i32
      %broadcast_in_dim3A_94 = vector.broadcast %broadcast_in_dim3A_93 : i32 to vector<16xi32>
      %gather3A_95 = tpu.vector_load_idx %arg11[%add3A_77, %broadcast_in_dim3A_94] : memref<80x8xf32, #tpu.memory_space<vmem>>[vector<16xi32>, vector<16xi32>], vector<16xf32>,
      %broadcast_in_dim3A_96 = arith.constant 6 : i32
      %broadcast_in_dim3A_97 = vector.broadcast %broadcast_in_dim3A_96 : i32 to vector<16xi32>
      %gather3A_98 = tpu.vector_load_idx %arg11[%add3A_77, %broadcast_in_dim3A_97] : memref<80x8xf32, #tpu.memory_space<vmem>>[vector<16xi32>, vector<16xi32>], vector<16xf32>,
      %broadcast_in_dim3A_99 = arith.constant 7 : i32
      %broadcast_in_dim3A_100 = vector.broadcast %broadcast_in_dim3A_99 : i32 to vector<16xi32>
      %gather3A_101 = tpu.vector_load_idx %arg11[%add3A_77, %broadcast_in_dim3A_100] : memref<80x8xf32, #tpu.memory_space<vmem>>[vector<16xi32>, vector<16xi32>], vector<16xf32>,
      %add3A_102 = arith.constant 48 : i32
      %add3A_103 = vector.broadcast %add3A_102 : i32 to vector<16xi32>
      %add3A_104 = arith.addi %iota3A, %add3A_103 : vector<16xi32>
      %broadcast_in_dim3A_105 = arith.constant 0 : i32
      %broadcast_in_dim3A_106 = vector.broadcast %broadcast_in_dim3A_105 : i32 to vector<16xi32>
      %gather3A_107 = tpu.vector_load_idx %arg11[%add3A_104, %broadcast_in_dim3A_106] : memref<80x8xf32, #tpu.memory_space<vmem>>[vector<16xi32>, vector<16xi32>], vector<16xf32>,
      %broadcast_in_dim3A_108 = arith.constant 1 : i32
      %broadcast_in_dim3A_109 = vector.broadcast %broadcast_in_dim3A_108 : i32 to vector<16xi32>
      %gather3A_110 = tpu.vector_load_idx %arg11[%add3A_104, %broadcast_in_dim3A_109] : memref<80x8xf32, #tpu.memory_space<vmem>>[vector<16xi32>, vector<16xi32>], vector<16xf32>,
      %broadcast_in_dim3A_111 = arith.constant 2 : i32
      %broadcast_in_dim3A_112 = vector.broadcast %broadcast_in_dim3A_111 : i32 to vector<16xi32>
      %gather3A_113 = tpu.vector_load_idx %arg11[%add3A_104, %broadcast_in_dim3A_112] : memref<80x8xf32, #tpu.memory_space<vmem>>[vector<16xi32>, vector<16xi32>], vector<16xf32>,
      %broadcast_in_dim3A_114 = arith.constant 3 : i32
      %broadcast_in_dim3A_115 = vector.broadcast %broadcast_in_dim3A_114 : i32 to vector<16xi32>
      %gather3A_116 = tpu.vector_load_idx %arg11[%add3A_104, %broadcast_in_dim3A_115] : memref<80x8xf32, #tpu.memory_space<vmem>>[vector<16xi32>, vector<16xi32>], vector<16xf32>,
      %broadcast_in_dim3A_117 = arith.constant 4 : i32
      %broadcast_in_dim3A_118 = vector.broadcast %broadcast_in_dim3A_117 : i32 to vector<16xi32>
      %gather3A_119 = tpu.vector_load_idx %arg11[%add3A_104, %broadcast_in_dim3A_118] : memref<80x8xf32, #tpu.memory_space<vmem>>[vector<16xi32>, vector<16xi32>], vector<16xf32>,
      %broadcast_in_dim3A_120 = arith.constant 5 : i32
      %broadcast_in_dim3A_121 = vector.broadcast %broadcast_in_dim3A_120 : i32 to vector<16xi32>
      %gather3A_122 = tpu.vector_load_idx %arg11[%add3A_104, %broadcast_in_dim3A_121] : memref<80x8xf32, #tpu.memory_space<vmem>>[vector<16xi32>, vector<16xi32>], vector<16xf32>,
      %broadcast_in_dim3A_123 = arith.constant 6 : i32
      %broadcast_in_dim3A_124 = vector.broadcast %broadcast_in_dim3A_123 : i32 to vector<16xi32>
      %gather3A_125 = tpu.vector_load_idx %arg11[%add3A_104, %broadcast_in_dim3A_124] : memref<80x8xf32, #tpu.memory_space<vmem>>[vector<16xi32>, vector<16xi32>], vector<16xf32>,
      %broadcast_in_dim3A_126 = arith.constant 7 : i32
      %broadcast_in_dim3A_127 = vector.broadcast %broadcast_in_dim3A_126 : i32 to vector<16xi32>
      %gather3A_128 = tpu.vector_load_idx %arg11[%add3A_104, %broadcast_in_dim3A_127] : memref<80x8xf32, #tpu.memory_space<vmem>>[vector<16xi32>, vector<16xi32>], vector<16xf32>,
      %add3A_129 = arith.constant 64 : i32
      %add3A_130 = vector.broadcast %add3A_129 : i32 to vector<16xi32>
      %add3A_131 = arith.addi %iota3A, %add3A_130 : vector<16xi32>
      %broadcast_in_dim3A_132 = arith.constant 0 : i32
      %broadcast_in_dim3A_133 = vector.broadcast %broadcast_in_dim3A_132 : i32 to vector<16xi32>
      %gather3A_134 = tpu.vector_load_idx %arg11[%add3A_131, %broadcast_in_dim3A_133] : memref<80x8xf32, #tpu.memory_space<vmem>>[vector<16xi32>, vector<16xi32>], vector<16xf32>,
      %broadcast_in_dim3A_135 = arith.constant 1 : i32
      %broadcast_in_dim3A_136 = vector.broadcast %broadcast_in_dim3A_135 : i32 to vector<16xi32>
      %gather3A_137 = tpu.vector_load_idx %arg11[%add3A_131, %broadcast_in_dim3A_136] : memref<80x8xf32, #tpu.memory_space<vmem>>[vector<16xi32>, vector<16xi32>], vector<16xf32>,
      %broadcast_in_dim3A_138 = arith.constant 2 : i32
      %broadcast_in_dim3A_139 = vector.broadcast %broadcast_in_dim3A_138 : i32 to vector<16xi32>
      %gather3A_140 = tpu.vector_load_idx %arg11[%add3A_131, %broadcast_in_dim3A_139] : memref<80x8xf32, #tpu.memory_space<vmem>>[vector<16xi32>, vector<16xi32>], vector<16xf32>,
      %broadcast_in_dim3A_141 = arith.constant 3 : i32
      %broadcast_in_dim3A_142 = vector.broadcast %broadcast_in_dim3A_141 : i32 to vector<16xi32>
      %gather3A_143 = tpu.vector_load_idx %arg11[%add3A_131, %broadcast_in_dim3A_142] : memref<80x8xf32, #tpu.memory_space<vmem>>[vector<16xi32>, vector<16xi32>], vector<16xf32>,
      %broadcast_in_dim3A_144 = arith.constant 4 : i32
      %broadcast_in_dim3A_145 = vector.broadcast %broadcast_in_dim3A_144 : i32 to vector<16xi32>
      %gather3A_146 = tpu.vector_load_idx %arg11[%add3A_131, %broadcast_in_dim3A_145] : memref<80x8xf32, #tpu.memory_space<vmem>>[vector<16xi32>, vector<16xi32>], vector<16xf32>,
      %broadcast_in_dim3A_147 = arith.constant 5 : i32
      %broadcast_in_dim3A_148 = vector.broadcast %broadcast_in_dim3A_147 : i32 to vector<16xi32>
      %gather3A_149 = tpu.vector_load_idx %arg11[%add3A_131, %broadcast_in_dim3A_148] : memref<80x8xf32, #tpu.memory_space<vmem>>[vector<16xi32>, vector<16xi32>], vector<16xf32>,
      %broadcast_in_dim3A_150 = arith.constant 6 : i32
      %broadcast_in_dim3A_151 = vector.broadcast %broadcast_in_dim3A_150 : i32 to vector<16xi32>
      %gather3A_152 = tpu.vector_load_idx %arg11[%add3A_131, %broadcast_in_dim3A_151] : memref<80x8xf32, #tpu.memory_space<vmem>>[vector<16xi32>, vector<16xi32>], vector<16xf32>,
      %broadcast_in_dim3A_153 = arith.constant 7 : i32
      %broadcast_in_dim3A_154 = vector.broadcast %broadcast_in_dim3A_153 : i32 to vector<16xi32>
      %gather3A_155 = tpu.vector_load_idx %arg11[%add3A_131, %broadcast_in_dim3A_154] : memref<80x8xf32, #tpu.memory_space<vmem>>[vector<16xi32>, vector<16xi32>], vector<16xf32>,
      %scan3A_156 = arith.constant 0 : i32
      %scan3A_157 = arith.constant 0 : i32
      %scan3A_158 = arith.constant 8 : i32
      %scan3A_159 = arith.addi %scan3A_157, %scan3A_158 : i32
      %scan3A_160 = arith.constant 1 : i32
      scf.for %scan3A_162 = %scan3A_157 to %scan3A_159 step %scan3A_160  : i32 {
        %mul3A_163 = arith.constant 16 : i32
        %mul3A_164 = arith.muli %scan3A_162, %mul3A_163 : i32
        %get3A = arith.constant 0 : i32
        %get3A_165 = arith.index_cast %get3A : i32 to index
        %get3A_166 = arith.index_cast %mul3A_164 : i32 to index
        %get3A_167 = tpu.vector_load %arg14[%get3A_165, %get3A_166] {strides = array<i32>} : memref<8x128xf32, #tpu.memory_space<vmem>>, vector<16xf32>,
        %get3A_168 = arith.constant 1 : i32
        %get3A_169 = arith.index_cast %get3A_168 : i32 to index
        %get3A_170 = arith.index_cast %mul3A_164 : i32 to index
        %get3A_171 = tpu.vector_load %arg14[%get3A_169, %get3A_170] {strides = array<i32>} : memref<8x128xf32, #tpu.memory_space<vmem>>, vector<16xf32>,
        %get3A_172 = arith.constant 2 : i32
        %get3A_173 = arith.index_cast %get3A_172 : i32 to index
        %get3A_174 = arith.index_cast %mul3A_164 : i32 to index
        %get3A_175 = tpu.vector_load %arg14[%get3A_173, %get3A_174] {strides = array<i32>} : memref<8x128xf32, #tpu.memory_space<vmem>>, vector<16xf32>,
        %get3A_176 = arith.constant 3 : i32
        %get3A_177 = arith.index_cast %get3A_176 : i32 to index
        %get3A_178 = arith.index_cast %mul3A_164 : i32 to index
        %get3A_179 = tpu.vector_load %arg14[%get3A_177, %get3A_178] {strides = array<i32>} : memref<8x128xf32, #tpu.memory_space<vmem>>, vector<16xf32>,
        %get3A_180 = arith.constant 4 : i32
        %get3A_181 = arith.index_cast %get3A_180 : i32 to index
        %get3A_182 = arith.index_cast %mul3A_164 : i32 to index
        %get3A_183 = tpu.vector_load %arg14[%get3A_181, %get3A_182] {strides = array<i32>} : memref<8x128xf32, #tpu.memory_space<vmem>>, vector<16xf32>,
        %get3A_184 = arith.constant 5 : i32
        %get3A_185 = arith.index_cast %get3A_184 : i32 to index
        %get3A_186 = arith.index_cast %mul3A_164 : i32 to index
        %get3A_187 = tpu.vector_load %arg14[%get3A_185, %get3A_186] {strides = array<i32>} : memref<8x128xf32, #tpu.memory_space<vmem>>, vector<16xf32>,
        %get3A_188 = arith.constant 6 : i32
        %get3A_189 = arith.index_cast %get3A_188 : i32 to index
        %get3A_190 = arith.index_cast %mul3A_164 : i32 to index
        %get3A_191 = tpu.vector_load %arg14[%get3A_189, %get3A_190] {strides = array<i32>} : memref<8x128xf32, #tpu.memory_space<vmem>>, vector<16xf32>,
        %get3A_192 = arith.constant 7 : i32
        %get3A_193 = arith.index_cast %get3A_192 : i32 to index
        %get3A_194 = arith.index_cast %mul3A_164 : i32 to index
        %get3A_195 = tpu.vector_load %arg14[%get3A_193, %get3A_194] {strides = array<i32>} : memref<8x128xf32, #tpu.memory_space<vmem>>, vector<16xf32>,
        %broadcast_in_dim3A_196 = arith.constant 0 : i32
        %broadcast_in_dim3A_197 = vector.broadcast %broadcast_in_dim3A_196 : i32 to vector<16xi32>
        %add3A_198 = arith.constant 0 : i32
        %add3A_199 = arith.addi %mul3A_164, %add3A_198 : i32
        %add3A_200 = vector.broadcast %add3A_199 : i32 to vector<16xi32>
        %add3A_201 = arith.addi %broadcast_in_dim3A_197, %add3A_200 : vector<16xi32>
        %add3A_202 = arith.constant 0 : i32
        %add3A_203 = vector.broadcast %add3A_202 : i32 to vector<16xi32>
        %add3A_204 = arith.addi %iota3A, %add3A_203 : vector<16xi32>
        %gather3A_205 = tpu.vector_load_idx %arg12[%add3A_204, %add3A_201] : memref<80x128xf32, #tpu.memory_space<vmem>>[vector<16xi32>, vector<16xi32>], vector<16xf32>,
        %slice3A = vector.extract_strided_slice %get3A_167 {offsets = [0], sizes = [1], strides = [1]} : vector<16xf32> to vector<1xf32>
        %squeeze3A = vector.extract %slice3A[0] : f32 from vector<1xf32>
        %mul3A_206 = vector.broadcast %squeeze3A : f32 to vector<16xf32>
        %mul3A_207 = arith.mulf %gather3A, %mul3A_206 : vector<16xf32>
        %slice3A_208 = vector.extract_strided_slice %get3A_171 {offsets = [0], sizes = [1], strides = [1]} : vector<16xf32> to vector<1xf32>
        %squeeze3A_209 = vector.extract %slice3A_208[0] : f32 from vector<1xf32>
        %mul3A_210 = vector.broadcast %squeeze3A_209 : f32 to vector<16xf32>
        %mul3A_211 = arith.mulf %gather3A_29, %mul3A_210 : vector<16xf32>
        %add3A_212 = arith.addf %mul3A_207, %mul3A_211 : vector<16xf32>
        %slice3A_213 = vector.extract_strided_slice %get3A_175 {offsets = [0], sizes = [1], strides = [1]} : vector<16xf32> to vector<1xf32>
        %squeeze3A_214 = vector.extract %slice3A_213[0] : f32 from vector<1xf32>
        %mul3A_215 = vector.broadcast %squeeze3A_214 : f32 to vector<16xf32>
        %mul3A_216 = arith.mulf %gather3A_32, %mul3A_215 : vector<16xf32>
        %add3A_217 = arith.addf %add3A_212, %mul3A_216 : vector<16xf32>
        %slice3A_218 = vector.extract_strided_slice %get3A_179 {offsets = [0], sizes = [1], strides = [1]} : vector<16xf32> to vector<1xf32>
        %squeeze3A_219 = vector.extract %slice3A_218[0] : f32 from vector<1xf32>
        %mul3A_220 = vector.broadcast %squeeze3A_219 : f32 to vector<16xf32>
        %mul3A_221 = arith.mulf %gather3A_35, %mul3A_220 : vector<16xf32>
        %add3A_222 = arith.addf %add3A_217, %mul3A_221 : vector<16xf32>
        %slice3A_223 = vector.extract_strided_slice %get3A_183 {offsets = [0], sizes = [1], strides = [1]} : vector<16xf32> to vector<1xf32>
        %squeeze3A_224 = vector.extract %slice3A_223[0] : f32 from vector<1xf32>
        %mul3A_225 = vector.broadcast %squeeze3A_224 : f32 to vector<16xf32>
        %mul3A_226 = arith.mulf %gather3A_38, %mul3A_225 : vector<16xf32>
        %add3A_227 = arith.addf %add3A_222, %mul3A_226 : vector<16xf32>
        %slice3A_228 = vector.extract_strided_slice %get3A_187 {offsets = [0], sizes = [1], strides = [1]} : vector<16xf32> to vector<1xf32>
        %squeeze3A_229 = vector.extract %slice3A_228[0] : f32 from vector<1xf32>
        %mul3A_230 = vector.broadcast %squeeze3A_229 : f32 to vector<16xf32>
        %mul3A_231 = arith.mulf %gather3A_41, %mul3A_230 : vector<16xf32>
        %add3A_232 = arith.addf %add3A_227, %mul3A_231 : vector<16xf32>
        %slice3A_233 = vector.extract_strided_slice %get3A_191 {offsets = [0], sizes = [1], strides = [1]} : vector<16xf32> to vector<1xf32>
        %squeeze3A_234 = vector.extract %slice3A_233[0] : f32 from vector<1xf32>
        %mul3A_235 = vector.broadcast %squeeze3A_234 : f32 to vector<16xf32>
        %mul3A_236 = arith.mulf %gather3A_44, %mul3A_235 : vector<16xf32>
        %add3A_237 = arith.addf %add3A_232, %mul3A_236 : vector<16xf32>
        %slice3A_238 = vector.extract_strided_slice %get3A_195 {offsets = [0], sizes = [1], strides = [1]} : vector<16xf32> to vector<1xf32>
        %squeeze3A_239 = vector.extract %slice3A_238[0] : f32 from vector<1xf32>
        %mul3A_240 = vector.broadcast %squeeze3A_239 : f32 to vector<16xf32>
        %mul3A_241 = arith.mulf %gather3A_47, %mul3A_240 : vector<16xf32>
        %add3A_242 = arith.addf %add3A_237, %mul3A_241 : vector<16xf32>
        %mul3A_243 = arith.mulf %gather3A_205, %add3A_242 : vector<16xf32>
        tpu.vector_store_idx %arg13[%add3A_204, %add3A_201], %mul3A_243 : memref<80x128xf32, #tpu.memory_space<vmem>>[vector<16xi32>, vector<16xi32>], vector<16xf32>,
        %add3A_244 = arith.constant 16 : i32
        %add3A_245 = vector.broadcast %add3A_244 : i32 to vector<16xi32>
        %add3A_246 = arith.addi %iota3A, %add3A_245 : vector<16xi32>
        %gather3A_247 = tpu.vector_load_idx %arg12[%add3A_246, %add3A_201] : memref<80x128xf32, #tpu.memory_space<vmem>>[vector<16xi32>, vector<16xi32>], vector<16xf32>,
        %slice3A_248 = vector.extract_strided_slice %get3A_167 {offsets = [0], sizes = [1], strides = [1]} : vector<16xf32> to vector<1xf32>
        %squeeze3A_249 = vector.extract %slice3A_248[0] : f32 from vector<1xf32>
        %mul3A_250 = vector.broadcast %squeeze3A_249 : f32 to vector<16xf32>
        %mul3A_251 = arith.mulf %gather3A_53, %mul3A_250 : vector<16xf32>
        %slice3A_252 = vector.extract_strided_slice %get3A_171 {offsets = [0], sizes = [1], strides = [1]} : vector<16xf32> to vector<1xf32>
        %squeeze3A_253 = vector.extract %slice3A_252[0] : f32 from vector<1xf32>
        %mul3A_254 = vector.broadcast %squeeze3A_253 : f32 to vector<16xf32>
        %mul3A_255 = arith.mulf %gather3A_56, %mul3A_254 : vector<16xf32>
        %add3A_256 = arith.addf %mul3A_251, %mul3A_255 : vector<16xf32>
        %slice3A_257 = vector.extract_strided_slice %get3A_175 {offsets = [0], sizes = [1], strides = [1]} : vector<16xf32> to vector<1xf32>
        %squeeze3A_258 = vector.extract %slice3A_257[0] : f32 from vector<1xf32>
        %mul3A_259 = vector.broadcast %squeeze3A_258 : f32 to vector<16xf32>
        %mul3A_260 = arith.mulf %gather3A_59, %mul3A_259 : vector<16xf32>
        %add3A_261 = arith.addf %add3A_256, %mul3A_260 : vector<16xf32>
        %slice3A_262 = vector.extract_strided_slice %get3A_179 {offsets = [0], sizes = [1], strides = [1]} : vector<16xf32> to vector<1xf32>
        %squeeze3A_263 = vector.extract %slice3A_262[0] : f32 from vector<1xf32>
        %mul3A_264 = vector.broadcast %squeeze3A_263 : f32 to vector<16xf32>
        %mul3A_265 = arith.mulf %gather3A_62, %mul3A_264 : vector<16xf32>
        %add3A_266 = arith.addf %add3A_261, %mul3A_265 : vector<16xf32>
        %slice3A_267 = vector.extract_strided_slice %get3A_183 {offsets = [0], sizes = [1], strides = [1]} : vector<16xf32> to vector<1xf32>
        %squeeze3A_268 = vector.extract %slice3A_267[0] : f32 from vector<1xf32>
        %mul3A_269 = vector.broadcast %squeeze3A_268 : f32 to vector<16xf32>
        %mul3A_270 = arith.mulf %gather3A_65, %mul3A_269 : vector<16xf32>
        %add3A_271 = arith.addf %add3A_266, %mul3A_270 : vector<16xf32>
        %slice3A_272 = vector.extract_strided_slice %get3A_187 {offsets = [0], sizes = [1], strides = [1]} : vector<16xf32> to vector<1xf32>
        %squeeze3A_273 = vector.extract %slice3A_272[0] : f32 from vector<1xf32>
        %mul3A_274 = vector.broadcast %squeeze3A_273 : f32 to vector<16xf32>
        %mul3A_275 = arith.mulf %gather3A_68, %mul3A_274 : vector<16xf32>
        %add3A_276 = arith.addf %add3A_271, %mul3A_275 : vector<16xf32>
        %slice3A_277 = vector.extract_strided_slice %get3A_191 {offsets = [0], sizes = [1], strides = [1]} : vector<16xf32> to vector<1xf32>
        %squeeze3A_278 = vector.extract %slice3A_277[0] : f32 from vector<1xf32>
        %mul3A_279 = vector.broadcast %squeeze3A_278 : f32 to vector<16xf32>
        %mul3A_280 = arith.mulf %gather3A_71, %mul3A_279 : vector<16xf32>
        %add3A_281 = arith.addf %add3A_276, %mul3A_280 : vector<16xf32>
        %slice3A_282 = vector.extract_strided_slice %get3A_195 {offsets = [0], sizes = [1], strides = [1]} : vector<16xf32> to vector<1xf32>
        %squeeze3A_283 = vector.extract %slice3A_282[0] : f32 from vector<1xf32>
        %mul3A_284 = vector.broadcast %squeeze3A_283 : f32 to vector<16xf32>
        %mul3A_285 = arith.mulf %gather3A_74, %mul3A_284 : vector<16xf32>
        %add3A_286 = arith.addf %add3A_281, %mul3A_285 : vector<16xf32>
        %mul3A_287 = arith.mulf %gather3A_247, %add3A_286 : vector<16xf32>
        tpu.vector_store_idx %arg13[%add3A_246, %add3A_201], %mul3A_287 : memref<80x128xf32, #tpu.memory_space<vmem>>[vector<16xi32>, vector<16xi32>], vector<16xf32>,
        %add3A_288 = arith.constant 32 : i32
        %add3A_289 = vector.broadcast %add3A_288 : i32 to vector<16xi32>
        %add3A_290 = arith.addi %iota3A, %add3A_289 : vector<16xi32>
        %gather3A_291 = tpu.vector_load_idx %arg12[%add3A_290, %add3A_201] : memref<80x128xf32, #tpu.memory_space<vmem>>[vector<16xi32>, vector<16xi32>], vector<16xf32>,
        %slice3A_292 = vector.extract_strided_slice %get3A_167 {offsets = [0], sizes = [1], strides = [1]} : vector<16xf32> to vector<1xf32>
        %squeeze3A_293 = vector.extract %slice3A_292[0] : f32 from vector<1xf32>
        %mul3A_294 = vector.broadcast %squeeze3A_293 : f32 to vector<16xf32>
        %mul3A_295 = arith.mulf %gather3A_80, %mul3A_294 : vector<16xf32>
        %slice3A_296 = vector.extract_strided_slice %get3A_171 {offsets = [0], sizes = [1], strides = [1]} : vector<16xf32> to vector<1xf32>
        %squeeze3A_297 = vector.extract %slice3A_296[0] : f32 from vector<1xf32>
        %mul3A_298 = vector.broadcast %squeeze3A_297 : f32 to vector<16xf32>
        %mul3A_299 = arith.mulf %gather3A_83, %mul3A_298 : vector<16xf32>
        %add3A_300 = arith.addf %mul3A_295, %mul3A_299 : vector<16xf32>
        %slice3A_301 = vector.extract_strided_slice %get3A_175 {offsets = [0], sizes = [1], strides = [1]} : vector<16xf32> to vector<1xf32>
        %squeeze3A_302 = vector.extract %slice3A_301[0] : f32 from vector<1xf32>
        %mul3A_303 = vector.broadcast %squeeze3A_302 : f32 to vector<16xf32>
        %mul3A_304 = arith.mulf %gather3A_86, %mul3A_303 : vector<16xf32>
        %add3A_305 = arith.addf %add3A_300, %mul3A_304 : vector<16xf32>
        %slice3A_306 = vector.extract_strided_slice %get3A_179 {offsets = [0], sizes = [1], strides = [1]} : vector<16xf32> to vector<1xf32>
        %squeeze3A_307 = vector.extract %slice3A_306[0] : f32 from vector<1xf32>
        %mul3A_308 = vector.broadcast %squeeze3A_307 : f32 to vector<16xf32>
        %mul3A_309 = arith.mulf %gather3A_89, %mul3A_308 : vector<16xf32>
        %add3A_310 = arith.addf %add3A_305, %mul3A_309 : vector<16xf32>
        %slice3A_311 = vector.extract_strided_slice %get3A_183 {offsets = [0], sizes = [1], strides = [1]} : vector<16xf32> to vector<1xf32>
        %squeeze3A_312 = vector.extract %slice3A_311[0] : f32 from vector<1xf32>
        %mul3A_313 = vector.broadcast %squeeze3A_312 : f32 to vector<16xf32>
        %mul3A_314 = arith.mulf %gather3A_92, %mul3A_313 : vector<16xf32>
        %add3A_315 = arith.addf %add3A_310, %mul3A_314 : vector<16xf32>
        %slice3A_316 = vector.extract_strided_slice %get3A_187 {offsets = [0], sizes = [1], strides = [1]} : vector<16xf32> to vector<1xf32>
        %squeeze3A_317 = vector.extract %slice3A_316[0] : f32 from vector<1xf32>
        %mul3A_318 = vector.broadcast %squeeze3A_317 : f32 to vector<16xf32>
        %mul3A_319 = arith.mulf %gather3A_95, %mul3A_318 : vector<16xf32>
        %add3A_320 = arith.addf %add3A_315, %mul3A_319 : vector<16xf32>
        %slice3A_321 = vector.extract_strided_slice %get3A_191 {offsets = [0], sizes = [1], strides = [1]} : vector<16xf32> to vector<1xf32>
        %squeeze3A_322 = vector.extract %slice3A_321[0] : f32 from vector<1xf32>
        %mul3A_323 = vector.broadcast %squeeze3A_322 : f32 to vector<16xf32>
        %mul3A_324 = arith.mulf %gather3A_98, %mul3A_323 : vector<16xf32>
        %add3A_325 = arith.addf %add3A_320, %mul3A_324 : vector<16xf32>
        %slice3A_326 = vector.extract_strided_slice %get3A_195 {offsets = [0], sizes = [1], strides = [1]} : vector<16xf32> to vector<1xf32>
        %squeeze3A_327 = vector.extract %slice3A_326[0] : f32 from vector<1xf32>
        %mul3A_328 = vector.broadcast %squeeze3A_327 : f32 to vector<16xf32>
        %mul3A_329 = arith.mulf %gather3A_101, %mul3A_328 : vector<16xf32>
        %add3A_330 = arith.addf %add3A_325, %mul3A_329 : vector<16xf32>
        %mul3A_331 = arith.mulf %gather3A_291, %add3A_330 : vector<16xf32>
        tpu.vector_store_idx %arg13[%add3A_290, %add3A_201], %mul3A_331 : memref<80x128xf32, #tpu.memory_space<vmem>>[vector<16xi32>, vector<16xi32>], vector<16xf32>,
        %add3A_332 = arith.constant 48 : i32
        %add3A_333 = vector.broadcast %add3A_332 : i32 to vector<16xi32>
        %add3A_334 = arith.addi %iota3A, %add3A_333 : vector<16xi32>
        %gather3A_335 = tpu.vector_load_idx %arg12[%add3A_334, %add3A_201] : memref<80x128xf32, #tpu.memory_space<vmem>>[vector<16xi32>, vector<16xi32>], vector<16xf32>,
        %slice3A_336 = vector.extract_strided_slice %get3A_167 {offsets = [0], sizes = [1], strides = [1]} : vector<16xf32> to vector<1xf32>
        %squeeze3A_337 = vector.extract %slice3A_336[0] : f32 from vector<1xf32>
        %mul3A_338 = vector.broadcast %squeeze3A_337 : f32 to vector<16xf32>
        %mul3A_339 = arith.mulf %gather3A_107, %mul3A_338 : vector<16xf32>
        %slice3A_340 = vector.extract_strided_slice %get3A_171 {offsets = [0], sizes = [1], strides = [1]} : vector<16xf32> to vector<1xf32>
        %squeeze3A_341 = vector.extract %slice3A_340[0] : f32 from vector<1xf32>
        %mul3A_342 = vector.broadcast %squeeze3A_341 : f32 to vector<16xf32>
        %mul3A_343 = arith.mulf %gather3A_110, %mul3A_342 : vector<16xf32>
        %add3A_344 = arith.addf %mul3A_339, %mul3A_343 : vector<16xf32>
        %slice3A_345 = vector.extract_strided_slice %get3A_175 {offsets = [0], sizes = [1], strides = [1]} : vector<16xf32> to vector<1xf32>
        %squeeze3A_346 = vector.extract %slice3A_345[0] : f32 from vector<1xf32>
        %mul3A_347 = vector.broadcast %squeeze3A_346 : f32 to vector<16xf32>
        %mul3A_348 = arith.mulf %gather3A_113, %mul3A_347 : vector<16xf32>
        %add3A_349 = arith.addf %add3A_344, %mul3A_348 : vector<16xf32>
        %slice3A_350 = vector.extract_strided_slice %get3A_179 {offsets = [0], sizes = [1], strides = [1]} : vector<16xf32> to vector<1xf32>
        %squeeze3A_351 = vector.extract %slice3A_350[0] : f32 from vector<1xf32>
        %mul3A_352 = vector.broadcast %squeeze3A_351 : f32 to vector<16xf32>
        %mul3A_353 = arith.mulf %gather3A_116, %mul3A_352 : vector<16xf32>
        %add3A_354 = arith.addf %add3A_349, %mul3A_353 : vector<16xf32>
        %slice3A_355 = vector.extract_strided_slice %get3A_183 {offsets = [0], sizes = [1], strides = [1]} : vector<16xf32> to vector<1xf32>
        %squeeze3A_356 = vector.extract %slice3A_355[0] : f32 from vector<1xf32>
        %mul3A_357 = vector.broadcast %squeeze3A_356 : f32 to vector<16xf32>
        %mul3A_358 = arith.mulf %gather3A_119, %mul3A_357 : vector<16xf32>
        %add3A_359 = arith.addf %add3A_354, %mul3A_358 : vector<16xf32>
        %slice3A_360 = vector.extract_strided_slice %get3A_187 {offsets = [0], sizes = [1], strides = [1]} : vector<16xf32> to vector<1xf32>
        %squeeze3A_361 = vector.extract %slice3A_360[0] : f32 from vector<1xf32>
        %mul3A_362 = vector.broadcast %squeeze3A_361 : f32 to vector<16xf32>
        %mul3A_363 = arith.mulf %gather3A_122, %mul3A_362 : vector<16xf32>
        %add3A_364 = arith.addf %add3A_359, %mul3A_363 : vector<16xf32>
        %slice3A_365 = vector.extract_strided_slice %get3A_191 {offsets = [0], sizes = [1], strides = [1]} : vector<16xf32> to vector<1xf32>
        %squeeze3A_366 = vector.extract %slice3A_365[0] : f32 from vector<1xf32>
        %mul3A_367 = vector.broadcast %squeeze3A_366 : f32 to vector<16xf32>
        %mul3A_368 = arith.mulf %gather3A_125, %mul3A_367 : vector<16xf32>
        %add3A_369 = arith.addf %add3A_364, %mul3A_368 : vector<16xf32>
        %slice3A_370 = vector.extract_strided_slice %get3A_195 {offsets = [0], sizes = [1], strides = [1]} : vector<16xf32> to vector<1xf32>
        %squeeze3A_371 = vector.extract %slice3A_370[0] : f32 from vector<1xf32>
        %mul3A_372 = vector.broadcast %squeeze3A_371 : f32 to vector<16xf32>
        %mul3A_373 = arith.mulf %gather3A_128, %mul3A_372 : vector<16xf32>
        %add3A_374 = arith.addf %add3A_369, %mul3A_373 : vector<16xf32>
        %mul3A_375 = arith.mulf %gather3A_335, %add3A_374 : vector<16xf32>
        tpu.vector_store_idx %arg13[%add3A_334, %add3A_201], %mul3A_375 : memref<80x128xf32, #tpu.memory_space<vmem>>[vector<16xi32>, vector<16xi32>], vector<16xf32>,
        %add3A_376 = arith.constant 64 : i32
        %add3A_377 = vector.broadcast %add3A_376 : i32 to vector<16xi32>
        %add3A_378 = arith.addi %iota3A, %add3A_377 : vector<16xi32>
        %gather3A_379 = tpu.vector_load_idx %arg12[%add3A_378, %add3A_201] : memref<80x128xf32, #tpu.memory_space<vmem>>[vector<16xi32>, vector<16xi32>], vector<16xf32>,
        %slice3A_380 = vector.extract_strided_slice %get3A_167 {offsets = [0], sizes = [1], strides = [1]} : vector<16xf32> to vector<1xf32>
        %squeeze3A_381 = vector.extract %slice3A_380[0] : f32 from vector<1xf32>
        %mul3A_382 = vector.broadcast %squeeze3A_381 : f32 to vector<16xf32>
        %mul3A_383 = arith.mulf %gather3A_134, %mul3A_382 : vector<16xf32>
        %slice3A_384 = vector.extract_strided_slice %get3A_171 {offsets = [0], sizes = [1], strides = [1]} : vector<16xf32> to vector<1xf32>
        %squeeze3A_385 = vector.extract %slice3A_384[0] : f32 from vector<1xf32>
        %mul3A_386 = vector.broadcast %squeeze3A_385 : f32 to vector<16xf32>
        %mul3A_387 = arith.mulf %gather3A_137, %mul3A_386 : vector<16xf32>
        %add3A_388 = arith.addf %mul3A_383, %mul3A_387 : vector<16xf32>
        %slice3A_389 = vector.extract_strided_slice %get3A_175 {offsets = [0], sizes = [1], strides = [1]} : vector<16xf32> to vector<1xf32>
        %squeeze3A_390 = vector.extract %slice3A_389[0] : f32 from vector<1xf32>
        %mul3A_391 = vector.broadcast %squeeze3A_390 : f32 to vector<16xf32>
        %mul3A_392 = arith.mulf %gather3A_140, %mul3A_391 : vector<16xf32>
        %add3A_393 = arith.addf %add3A_388, %mul3A_392 : vector<16xf32>
        %slice3A_394 = vector.extract_strided_slice %get3A_179 {offsets = [0], sizes = [1], strides = [1]} : vector<16xf32> to vector<1xf32>
        %squeeze3A_395 = vector.extract %slice3A_394[0] : f32 from vector<1xf32>
        %mul3A_396 = vector.broadcast %squeeze3A_395 : f32 to vector<16xf32>
        %mul3A_397 = arith.mulf %gather3A_143, %mul3A_396 : vector<16xf32>
        %add3A_398 = arith.addf %add3A_393, %mul3A_397 : vector<16xf32>
        %slice3A_399 = vector.extract_strided_slice %get3A_183 {offsets = [0], sizes = [1], strides = [1]} : vector<16xf32> to vector<1xf32>
        %squeeze3A_400 = vector.extract %slice3A_399[0] : f32 from vector<1xf32>
        %mul3A_401 = vector.broadcast %squeeze3A_400 : f32 to vector<16xf32>
        %mul3A_402 = arith.mulf %gather3A_146, %mul3A_401 : vector<16xf32>
        %add3A_403 = arith.addf %add3A_398, %mul3A_402 : vector<16xf32>
        %slice3A_404 = vector.extract_strided_slice %get3A_187 {offsets = [0], sizes = [1], strides = [1]} : vector<16xf32> to vector<1xf32>
        %squeeze3A_405 = vector.extract %slice3A_404[0] : f32 from vector<1xf32>
        %mul3A_406 = vector.broadcast %squeeze3A_405 : f32 to vector<16xf32>
        %mul3A_407 = arith.mulf %gather3A_149, %mul3A_406 : vector<16xf32>
        %add3A_408 = arith.addf %add3A_403, %mul3A_407 : vector<16xf32>
        %slice3A_409 = vector.extract_strided_slice %get3A_191 {offsets = [0], sizes = [1], strides = [1]} : vector<16xf32> to vector<1xf32>
        %squeeze3A_410 = vector.extract %slice3A_409[0] : f32 from vector<1xf32>
        %mul3A_411 = vector.broadcast %squeeze3A_410 : f32 to vector<16xf32>
        %mul3A_412 = arith.mulf %gather3A_152, %mul3A_411 : vector<16xf32>
        %add3A_413 = arith.addf %add3A_408, %mul3A_412 : vector<16xf32>
        %slice3A_414 = vector.extract_strided_slice %get3A_195 {offsets = [0], sizes = [1], strides = [1]} : vector<16xf32> to vector<1xf32>
        %squeeze3A_415 = vector.extract %slice3A_414[0] : f32 from vector<1xf32>
        %mul3A_416 = vector.broadcast %squeeze3A_415 : f32 to vector<16xf32>
        %mul3A_417 = arith.mulf %gather3A_155, %mul3A_416 : vector<16xf32>
        %add3A_418 = arith.addf %add3A_413, %mul3A_417 : vector<16xf32>
        %mul3A_419 = arith.mulf %gather3A_379, %add3A_418 : vector<16xf32>
        tpu.vector_store_idx %arg13[%add3A_378, %add3A_201], %mul3A_419 : memref<80x128xf32, #tpu.memory_space<vmem>>[vector<16xi32>, vector<16xi32>], vector<16xf32>,
        %broadcast_in_dim3A_420 = arith.constant 0 : i32
        %broadcast_in_dim3A_421 = vector.broadcast %broadcast_in_dim3A_420 : i32 to vector<16xi32>
        %add3A_422 = arith.constant 1 : i32
        %add3A_423 = arith.addi %mul3A_164, %add3A_422 : i32
        %add3A_424 = vector.broadcast %add3A_423 : i32 to vector<16xi32>
        %add3A_425 = arith.addi %broadcast_in_dim3A_421, %add3A_424 : vector<16xi32>
        %add3A_426 = arith.constant 0 : i32
        %add3A_427 = vector.broadcast %add3A_426 : i32 to vector<16xi32>
        %add3A_428 = arith.addi %iota3A, %add3A_427 : vector<16xi32>
        %gather3A_429 = tpu.vector_load_idx %arg12[%add3A_428, %add3A_425] : memref<80x128xf32, #tpu.memory_space<vmem>>[vector<16xi32>, vector<16xi32>], vector<16xf32>,
        %slice3A_430 = vector.extract_strided_slice %get3A_167 {offsets = [1], sizes = [1], strides = [1]} : vector<16xf32> to vector<1xf32>
        %squeeze3A_431 = vector.extract %slice3A_430[0] : f32 from vector<1xf32>
        %mul3A_432 = vector.broadcast %squeeze3A_431 : f32 to vector<16xf32>
        %mul3A_433 = arith.mulf %gather3A, %mul3A_432 : vector<16xf32>
        %slice3A_434 = vector.extract_strided_slice %get3A_171 {offsets = [1], sizes = [1], strides = [1]} : vector<16xf32> to vector<1xf32>
        %squeeze3A_435 = vector.extract %slice3A_434[0] : f32 from vector<1xf32>
        %mul3A_436 = vector.broadcast %squeeze3A_435 : f32 to vector<16xf32>
        %mul3A_437 = arith.mulf %gather3A_29, %mul3A_436 : vector<16xf32>
        %add3A_438 = arith.addf %mul3A_433, %mul3A_437 : vector<16xf32>
        %slice3A_439 = vector.extract_strided_slice %get3A_175 {offsets = [1], sizes = [1], strides = [1]} : vector<16xf32> to vector<1xf32>
        %squeeze3A_440 = vector.extract %slice3A_439[0] : f32 from vector<1xf32>
        %mul3A_441 = vector.broadcast %squeeze3A_440 : f32 to vector<16xf32>
        %mul3A_442 = arith.mulf %gather3A_32, %mul3A_441 : vector<16xf32>
        %add3A_443 = arith.addf %add3A_438, %mul3A_442 : vector<16xf32>
        %slice3A_444 = vector.extract_strided_slice %get3A_179 {offsets = [1], sizes = [1], strides = [1]} : vector<16xf32> to vector<1xf32>
        %squeeze3A_445 = vector.extract %slice3A_444[0] : f32 from vector<1xf32>
        %mul3A_446 = vector.broadcast %squeeze3A_445 : f32 to vector<16xf32>
        %mul3A_447 = arith.mulf %gather3A_35, %mul3A_446 : vector<16xf32>
        %add3A_448 = arith.addf %add3A_443, %mul3A_447 : vector<16xf32>
        %slice3A_449 = vector.extract_strided_slice %get3A_183 {offsets = [1], sizes = [1], strides = [1]} : vector<16xf32> to vector<1xf32>
        %squeeze3A_450 = vector.extract %slice3A_449[0] : f32 from vector<1xf32>
        %mul3A_451 = vector.broadcast %squeeze3A_450 : f32 to vector<16xf32>
        %mul3A_452 = arith.mulf %gather3A_38, %mul3A_451 : vector<16xf32>
        %add3A_453 = arith.addf %add3A_448, %mul3A_452 : vector<16xf32>
        %slice3A_454 = vector.extract_strided_slice %get3A_187 {offsets = [1], sizes = [1], strides = [1]} : vector<16xf32> to vector<1xf32>
        %squeeze3A_455 = vector.extract %slice3A_454[0] : f32 from vector<1xf32>
        %mul3A_456 = vector.broadcast %squeeze3A_455 : f32 to vector<16xf32>
        %mul3A_457 = arith.mulf %gather3A_41, %mul3A_456 : vector<16xf32>
        %add3A_458 = arith.addf %add3A_453, %mul3A_457 : vector<16xf32>
        %slice3A_459 = vector.extract_strided_slice %get3A_191 {offsets = [1], sizes = [1], strides = [1]} : vector<16xf32> to vector<1xf32>
        %squeeze3A_460 = vector.extract %slice3A_459[0] : f32 from vector<1xf32>
        %mul3A_461 = vector.broadcast %squeeze3A_460 : f32 to vector<16xf32>
        %mul3A_462 = arith.mulf %gather3A_44, %mul3A_461 : vector<16xf32>
        %add3A_463 = arith.addf %add3A_458, %mul3A_462 : vector<16xf32>
        %slice3A_464 = vector.extract_strided_slice %get3A_195 {offsets = [1], sizes = [1], strides = [1]} : vector<16xf32> to vector<1xf32>
        %squeeze3A_465 = vector.extract %slice3A_464[0] : f32 from vector<1xf32>
        %mul3A_466 = vector.broadcast %squeeze3A_465 : f32 to vector<16xf32>
        %mul3A_467 = arith.mulf %gather3A_47, %mul3A_466 : vector<16xf32>
        %add3A_468 = arith.addf %add3A_463, %mul3A_467 : vector<16xf32>
        %mul3A_469 = arith.mulf %gather3A_429, %add3A_468 : vector<16xf32>
        tpu.vector_store_idx %arg13[%add3A_428, %add3A_425], %mul3A_469 : memref<80x128xf32, #tpu.memory_space<vmem>>[vector<16xi32>, vector<16xi32>], vector<16xf32>,
        %add3A_470 = arith.constant 16 : i32
        %add3A_471 = vector.broadcast %add3A_470 : i32 to vector<16xi32>
        %add3A_472 = arith.addi %iota3A, %add3A_471 : vector<16xi32>
        %gather3A_473 = tpu.vector_load_idx %arg12[%add3A_472, %add3A_425] : memref<80x128xf32, #tpu.memory_space<vmem>>[vector<16xi32>, vector<16xi32>], vector<16xf32>,
        %slice3A_474 = vector.extract_strided_slice %get3A_167 {offsets = [1], sizes = [1], strides = [1]} : vector<16xf32> to vector<1xf32>
        %squeeze3A_475 = vector.extract %slice3A_474[0] : f32 from vector<1xf32>
        %mul3A_476 = vector.broadcast %squeeze3A_475 : f32 to vector<16xf32>
        %mul3A_477 = arith.mulf %gather3A_53, %mul3A_476 : vector<16xf32>
        %slice3A_478 = vector.extract_strided_slice %get3A_171 {offsets = [1], sizes = [1], strides = [1]} : vector<16xf32> to vector<1xf32>
        %squeeze3A_479 = vector.extract %slice3A_478[0] : f32 from vector<1xf32>
        %mul3A_480 = vector.broadcast %squeeze3A_479 : f32 to vector<16xf32>
        %mul3A_481 = arith.mulf %gather3A_56, %mul3A_480 : vector<16xf32>
        %add3A_482 = arith.addf %mul3A_477, %mul3A_481 : vector<16xf32>
        %slice3A_483 = vector.extract_strided_slice %get3A_175 {offsets = [1], sizes = [1], strides = [1]} : vector<16xf32> to vector<1xf32>
        %squeeze3A_484 = vector.extract %slice3A_483[0] : f32 from vector<1xf32>
        %mul3A_485 = vector.broadcast %squeeze3A_484 : f32 to vector<16xf32>
        %mul3A_486 = arith.mulf %gather3A_59, %mul3A_485 : vector<16xf32>
        %add3A_487 = arith.addf %add3A_482, %mul3A_486 : vector<16xf32>
        %slice3A_488 = vector.extract_strided_slice %get3A_179 {offsets = [1], sizes = [1], strides = [1]} : vector<16xf32> to vector<1xf32>
        %squeeze3A_489 = vector.extract %slice3A_488[0] : f32 from vector<1xf32>
        %mul3A_490 = vector.broadcast %squeeze3A_489 : f32 to vector<16xf32>
        %mul3A_491 = arith.mulf %gather3A_62, %mul3A_490 : vector<16xf32>
        %add3A_492 = arith.addf %add3A_487, %mul3A_491 : vector<16xf32>
        %slice3A_493 = vector.extract_strided_slice %get3A_183 {offsets = [1], sizes = [1], strides = [1]} : vector<16xf32> to vector<1xf32>
        %squeeze3A_494 = vector.extract %slice3A_493[0] : f32 from vector<1xf32>
        %mul3A_495 = vector.broadcast %squeeze3A_494 : f32 to vector<16xf32>
        %mul3A_496 = arith.mulf %gather3A_65, %mul3A_495 : vector<16xf32>
        %add3A_497 = arith.addf %add3A_492, %mul3A_496 : vector<16xf32>
        %slice3A_498 = vector.extract_strided_slice %get3A_187 {offsets = [1], sizes = [1], strides = [1]} : vector<16xf32> to vector<1xf32>
        %squeeze3A_499 = vector.extract %slice3A_498[0] : f32 from vector<1xf32>
        %mul3A_500 = vector.broadcast %squeeze3A_499 : f32 to vector<16xf32>
        %mul3A_501 = arith.mulf %gather3A_68, %mul3A_500 : vector<16xf32>
        %add3A_502 = arith.addf %add3A_497, %mul3A_501 : vector<16xf32>
        %slice3A_503 = vector.extract_strided_slice %get3A_191 {offsets = [1], sizes = [1], strides = [1]} : vector<16xf32> to vector<1xf32>
        %squeeze3A_504 = vector.extract %slice3A_503[0] : f32 from vector<1xf32>
        %mul3A_505 = vector.broadcast %squeeze3A_504 : f32 to vector<16xf32>
        %mul3A_506 = arith.mulf %gather3A_71, %mul3A_505 : vector<16xf32>
        %add3A_507 = arith.addf %add3A_502, %mul3A_506 : vector<16xf32>
        %slice3A_508 = vector.extract_strided_slice %get3A_195 {offsets = [1], sizes = [1], strides = [1]} : vector<16xf32> to vector<1xf32>
        %squeeze3A_509 = vector.extract %slice3A_508[0] : f32 from vector<1xf32>
        %mul3A_510 = vector.broadcast %squeeze3A_509 : f32 to vector<16xf32>
        %mul3A_511 = arith.mulf %gather3A_74, %mul3A_510 : vector<16xf32>
        %add3A_512 = arith.addf %add3A_507, %mul3A_511 : vector<16xf32>
        %mul3A_513 = arith.mulf %gather3A_473, %add3A_512 : vector<16xf32>
        tpu.vector_store_idx %arg13[%add3A_472, %add3A_425], %mul3A_513 : memref<80x128xf32, #tpu.memory_space<vmem>>[vector<16xi32>, vector<16xi32>], vector<16xf32>,
        %add3A_514 = arith.constant 32 : i32
        %add3A_515 = vector.broadcast %add3A_514 : i32 to vector<16xi32>
        %add3A_516 = arith.addi %iota3A, %add3A_515 : vector<16xi32>
        %gather3A_517 = tpu.vector_load_idx %arg12[%add3A_516, %add3A_425] : memref<80x128xf32, #tpu.memory_space<vmem>>[vector<16xi32>, vector<16xi32>], vector<16xf32>,
        %slice3A_518 = vector.extract_strided_slice %get3A_167 {offsets = [1], sizes = [1], strides = [1]} : vector<16xf32> to vector<1xf32>
        %squeeze3A_519 = vector.extract %slice3A_518[0] : f32 from vector<1xf32>
        %mul3A_520 = vector.broadcast %squeeze3A_519 : f32 to vector<16xf32>
        %mul3A_521 = arith.mulf %gather3A_80, %mul3A_520 : vector<16xf32>
        %slice3A_522 = vector.extract_strided_slice %get3A_171 {offsets = [1], sizes = [1], strides = [1]} : vector<16xf32> to vector<1xf32>
        %squeeze3A_523 = vector.extract %slice3A_522[0] : f32 from vector<1xf32>
        %mul3A_524 = vector.broadcast %squeeze3A_523 : f32 to vector<16xf32>
        %mul3A_525 = arith.mulf %gather3A_83, %mul3A_524 : vector<16xf32>
        %add3A_526 = arith.addf %mul3A_521, %mul3A_525 : vector<16xf32>
        %slice3A_527 = vector.extract_strided_slice %get3A_175 {offsets = [1], sizes = [1], strides = [1]} : vector<16xf32> to vector<1xf32>
        %squeeze3A_528 = vector.extract %slice3A_527[0] : f32 from vector<1xf32>
        %mul3A_529 = vector.broadcast %squeeze3A_528 : f32 to vector<16xf32>
        %mul3A_530 = arith.mulf %gather3A_86, %mul3A_529 : vector<16xf32>
        %add3A_531 = arith.addf %add3A_526, %mul3A_530 : vector<16xf32>
        %slice3A_532 = vector.extract_strided_slice %get3A_179 {offsets = [1], sizes = [1], strides = [1]} : vector<16xf32> to vector<1xf32>
        %squeeze3A_533 = vector.extract %slice3A_532[0] : f32 from vector<1xf32>
        %mul3A_534 = vector.broadcast %squeeze3A_533 : f32 to vector<16xf32>
        %mul3A_535 = arith.mulf %gather3A_89, %mul3A_534 : vector<16xf32>
        %add3A_536 = arith.addf %add3A_531, %mul3A_535 : vector<16xf32>
        %slice3A_537 = vector.extract_strided_slice %get3A_183 {offsets = [1], sizes = [1], strides = [1]} : vector<16xf32> to vector<1xf32>
        %squeeze3A_538 = vector.extract %slice3A_537[0] : f32 from vector<1xf32>
        %mul3A_539 = vector.broadcast %squeeze3A_538 : f32 to vector<16xf32>
        %mul3A_540 = arith.mulf %gather3A_92, %mul3A_539 : vector<16xf32>
        %add3A_541 = arith.addf %add3A_536, %mul3A_540 : vector<16xf32>
        %slice3A_542 = vector.extract_strided_slice %get3A_187 {offsets = [1], sizes = [1], strides = [1]} : vector<16xf32> to vector<1xf32>
        %squeeze3A_543 = vector.extract %slice3A_542[0] : f32 from vector<1xf32>
        %mul3A_544 = vector.broadcast %squeeze3A_543 : f32 to vector<16xf32>
        %mul3A_545 = arith.mulf %gather3A_95, %mul3A_544 : vector<16xf32>
        %add3A_546 = arith.addf %add3A_541, %mul3A_545 : vector<16xf32>
        %slice3A_547 = vector.extract_strided_slice %get3A_191 {offsets = [1], sizes = [1], strides = [1]} : vector<16xf32> to vector<1xf32>
        %squeeze3A_548 = vector.extract %slice3A_547[0] : f32 from vector<1xf32>
        %mul3A_549 = vector.broadcast %squeeze3A_548 : f32 to vector<16xf32>
        %mul3A_550 = arith.mulf %gather3A_98, %mul3A_549 : vector<16xf32>
        %add3A_551 = arith.addf %add3A_546, %mul3A_550 : vector<16xf32>
        %slice3A_552 = vector.extract_strided_slice %get3A_195 {offsets = [1], sizes = [1], strides = [1]} : vector<16xf32> to vector<1xf32>
        %squeeze3A_553 = vector.extract %slice3A_552[0] : f32 from vector<1xf32>
        %mul3A_554 = vector.broadcast %squeeze3A_553 : f32 to vector<16xf32>
        %mul3A_555 = arith.mulf %gather3A_101, %mul3A_554 : vector<16xf32>
        %add3A_556 = arith.addf %add3A_551, %mul3A_555 : vector<16xf32>
        %mul3A_557 = arith.mulf %gather3A_517, %add3A_556 : vector<16xf32>
        tpu.vector_store_idx %arg13[%add3A_516, %add3A_425], %mul3A_557 : memref<80x128xf32, #tpu.memory_space<vmem>>[vector<16xi32>, vector<16xi32>], vector<16xf32>,
        %add3A_558 = arith.constant 48 : i32
        %add3A_559 = vector.broadcast %add3A_558 : i32 to vector<16xi32>
        %add3A_560 = arith.addi %iota3A, %add3A_559 : vector<16xi32>
        %gather3A_561 = tpu.vector_load_idx %arg12[%add3A_560, %add3A_425] : memref<80x128xf32, #tpu.memory_space<vmem>>[vector<16xi32>, vector<16xi32>], vector<16xf32>,
        %slice3A_562 = vector.extract_strided_slice %get3A_167 {offsets = [1], sizes = [1], strides = [1]} : vector<16xf32> to vector<1xf32>
        %squeeze3A_563 = vector.extract %slice3A_562[0] : f32 from vector<1xf32>
        %mul3A_564 = vector.broadcast %squeeze3A_563 : f32 to vector<16xf32>
        %mul3A_565 = arith.mulf %gather3A_107, %mul3A_564 : vector<16xf32>
        %slice3A_566 = vector.extract_strided_slice %get3A_171 {offsets = [1], sizes = [1], strides = [1]} : vector<16xf32> to vector<1xf32>
        %squeeze3A_567 = vector.extract %slice3A_566[0] : f32 from vector<1xf32>
        %mul3A_568 = vector.broadcast %squeeze3A_567 : f32 to vector<16xf32>
        %mul3A_569 = arith.mulf %gather3A_110, %mul3A_568 : vector<16xf32>
        %add3A_570 = arith.addf %mul3A_565, %mul3A_569 : vector<16xf32>
        %slice3A_571 = vector.extract_strided_slice %get3A_175 {offsets = [1], sizes = [1], strides = [1]} : vector<16xf32> to vector<1xf32>
        %squeeze3A_572 = vector.extract %slice3A_571[0] : f32 from vector<1xf32>
        %mul3A_573 = vector.broadcast %squeeze3A_572 : f32 to vector<16xf32>
        %mul3A_574 = arith.mulf %gather3A_113, %mul3A_573 : vector<16xf32>
        %add3A_575 = arith.addf %add3A_570, %mul3A_574 : vector<16xf32>
        %slice3A_576 = vector.extract_strided_slice %get3A_179 {offsets = [1], sizes = [1], strides = [1]} : vector<16xf32> to vector<1xf32>
        %squeeze3A_577 = vector.extract %slice3A_576[0] : f32 from vector<1xf32>
        %mul3A_578 = vector.broadcast %squeeze3A_577 : f32 to vector<16xf32>
        %mul3A_579 = arith.mulf %gather3A_116, %mul3A_578 : vector<16xf32>
        %add3A_580 = arith.addf %add3A_575, %mul3A_579 : vector<16xf32>
        %slice3A_581 = vector.extract_strided_slice %get3A_183 {offsets = [1], sizes = [1], strides = [1]} : vector<16xf32> to vector<1xf32>
        %squeeze3A_582 = vector.extract %slice3A_581[0] : f32 from vector<1xf32>
        %mul3A_583 = vector.broadcast %squeeze3A_582 : f32 to vector<16xf32>
        %mul3A_584 = arith.mulf %gather3A_119, %mul3A_583 : vector<16xf32>
        %add3A_585 = arith.addf %add3A_580, %mul3A_584 : vector<16xf32>
        %slice3A_586 = vector.extract_strided_slice %get3A_187 {offsets = [1], sizes = [1], strides = [1]} : vector<16xf32> to vector<1xf32>
        %squeeze3A_587 = vector.extract %slice3A_586[0] : f32 from vector<1xf32>
        %mul3A_588 = vector.broadcast %squeeze3A_587 : f32 to vector<16xf32>
        %mul3A_589 = arith.mulf %gather3A_122, %mul3A_588 : vector<16xf32>
        %add3A_590 = arith.addf %add3A_585, %mul3A_589 : vector<16xf32>
        %slice3A_591 = vector.extract_strided_slice %get3A_191 {offsets = [1], sizes = [1], strides = [1]} : vector<16xf32> to vector<1xf32>
        %squeeze3A_592 = vector.extract %slice3A_591[0] : f32 from vector<1xf32>
        %mul3A_593 = vector.broadcast %squeeze3A_592 : f32 to vector<16xf32>
        %mul3A_594 = arith.mulf %gather3A_125, %mul3A_593 : vector<16xf32>
        %add3A_595 = arith.addf %add3A_590, %mul3A_594 : vector<16xf32>
        %slice3A_596 = vector.extract_strided_slice %get3A_195 {offsets = [1], sizes = [1], strides = [1]} : vector<16xf32> to vector<1xf32>
        %squeeze3A_597 = vector.extract %slice3A_596[0] : f32 from vector<1xf32>
        %mul3A_598 = vector.broadcast %squeeze3A_597 : f32 to vector<16xf32>
        %mul3A_599 = arith.mulf %gather3A_128, %mul3A_598 : vector<16xf32>
        %add3A_600 = arith.addf %add3A_595, %mul3A_599 : vector<16xf32>
        %mul3A_601 = arith.mulf %gather3A_561, %add3A_600 : vector<16xf32>
        tpu.vector_store_idx %arg13[%add3A_560, %add3A_425], %mul3A_601 : memref<80x128xf32, #tpu.memory_space<vmem>>[vector<16xi32>, vector<16xi32>], vector<16xf32>,
        %add3A_602 = arith.constant 64 : i32
        %add3A_603 = vector.broadcast %add3A_602 : i32 to vector<16xi32>
        %add3A_604 = arith.addi %iota3A, %add3A_603 : vector<16xi32>
        %gather3A_605 = tpu.vector_load_idx %arg12[%add3A_604, %add3A_425] : memref<80x128xf32, #tpu.memory_space<vmem>>[vector<16xi32>, vector<16xi32>], vector<16xf32>,
        %slice3A_606 = vector.extract_strided_slice %get3A_167 {offsets = [1], sizes = [1], strides = [1]} : vector<16xf32> to vector<1xf32>
        %squeeze3A_607 = vector.extract %slice3A_606[0] : f32 from vector<1xf32>
        %mul3A_608 = vector.broadcast %squeeze3A_607 : f32 to vector<16xf32>
        %mul3A_609 = arith.mulf %gather3A_134, %mul3A_608 : vector<16xf32>
        %slice3A_610 = vector.extract_strided_slice %get3A_171 {offsets = [1], sizes = [1], strides = [1]} : vector<16xf32> to vector<1xf32>
        %squeeze3A_611 = vector.extract %slice3A_610[0] : f32 from vector<1xf32>
        %mul3A_612 = vector.broadcast %squeeze3A_611 : f32 to vector<16xf32>
        %mul3A_613 = arith.mulf %gather3A_137, %mul3A_612 : vector<16xf32>
        %add3A_614 = arith.addf %mul3A_609, %mul3A_613 : vector<16xf32>
        %slice3A_615 = vector.extract_strided_slice %get3A_175 {offsets = [1], sizes = [1], strides = [1]} : vector<16xf32> to vector<1xf32>
        %squeeze3A_616 = vector.extract %slice3A_615[0] : f32 from vector<1xf32>
        %mul3A_617 = vector.broadcast %squeeze3A_616 : f32 to vector<16xf32>
        %mul3A_618 = arith.mulf %gather3A_140, %mul3A_617 : vector<16xf32>
        %add3A_619 = arith.addf %add3A_614, %mul3A_618 : vector<16xf32>
        %slice3A_620 = vector.extract_strided_slice %get3A_179 {offsets = [1], sizes = [1], strides = [1]} : vector<16xf32> to vector<1xf32>
        %squeeze3A_621 = vector.extract %slice3A_620[0] : f32 from vector<1xf32>
        %mul3A_622 = vector.broadcast %squeeze3A_621 : f32 to vector<16xf32>
        %mul3A_623 = arith.mulf %gather3A_143, %mul3A_622 : vector<16xf32>
        %add3A_624 = arith.addf %add3A_619, %mul3A_623 : vector<16xf32>
        %slice3A_625 = vector.extract_strided_slice %get3A_183 {offsets = [1], sizes = [1], strides = [1]} : vector<16xf32> to vector<1xf32>
        %squeeze3A_626 = vector.extract %slice3A_625[0] : f32 from vector<1xf32>
        %mul3A_627 = vector.broadcast %squeeze3A_626 : f32 to vector<16xf32>
        %mul3A_628 = arith.mulf %gather3A_146, %mul3A_627 : vector<16xf32>
        %add3A_629 = arith.addf %add3A_624, %mul3A_628 : vector<16xf32>
        %slice3A_630 = vector.extract_strided_slice %get3A_187 {offsets = [1], sizes = [1], strides = [1]} : vector<16xf32> to vector<1xf32>
        %squeeze3A_631 = vector.extract %slice3A_630[0] : f32 from vector<1xf32>
        %mul3A_632 = vector.broadcast %squeeze3A_631 : f32 to vector<16xf32>
        %mul3A_633 = arith.mulf %gather3A_149, %mul3A_632 : vector<16xf32>
        %add3A_634 = arith.addf %add3A_629, %mul3A_633 : vector<16xf32>
        %slice3A_635 = vector.extract_strided_slice %get3A_191 {offsets = [1], sizes = [1], strides = [1]} : vector<16xf32> to vector<1xf32>
        %squeeze3A_636 = vector.extract %slice3A_635[0] : f32 from vector<1xf32>
        %mul3A_637 = vector.broadcast %squeeze3A_636 : f32 to vector<16xf32>
        %mul3A_638 = arith.mulf %gather3A_152, %mul3A_637 : vector<16xf32>
        %add3A_639 = arith.addf %add3A_634, %mul3A_638 : vector<16xf32>
        %slice3A_640 = vector.extract_strided_slice %get3A_195 {offsets = [1], sizes = [1], strides = [1]} : vector<16xf32> to vector<1xf32>
        %squeeze3A_641 = vector.extract %slice3A_640[0] : f32 from vector<1xf32>
        %mul3A_642 = vector.broadcast %squeeze3A_641 : f32 to vector<16xf32>
        %mul3A_643 = arith.mulf %gather3A_155, %mul3A_642 : vector<16xf32>
        %add3A_644 = arith.addf %add3A_639, %mul3A_643 : vector<16xf32>
        %mul3A_645 = arith.mulf %gather3A_605, %add3A_644 : vector<16xf32>
        tpu.vector_store_idx %arg13[%add3A_604, %add3A_425], %mul3A_645 : memref<80x128xf32, #tpu.memory_space<vmem>>[vector<16xi32>, vector<16xi32>], vector<16xf32>,
        %broadcast_in_dim3A_646 = arith.constant 0 : i32
        %broadcast_in_dim3A_647 = vector.broadcast %broadcast_in_dim3A_646 : i32 to vector<16xi32>
        %add3A_648 = arith.constant 2 : i32
        %add3A_649 = arith.addi %mul3A_164, %add3A_648 : i32
        %add3A_650 = vector.broadcast %add3A_649 : i32 to vector<16xi32>
        %add3A_651 = arith.addi %broadcast_in_dim3A_647, %add3A_650 : vector<16xi32>
        %add3A_652 = arith.constant 0 : i32
        %add3A_653 = vector.broadcast %add3A_652 : i32 to vector<16xi32>
        %add3A_654 = arith.addi %iota3A, %add3A_653 : vector<16xi32>
        %gather3A_655 = tpu.vector_load_idx %arg12[%add3A_654, %add3A_651] : memref<80x128xf32, #tpu.memory_space<vmem>>[vector<16xi32>, vector<16xi32>], vector<16xf32>,
        %slice3A_656 = vector.extract_strided_slice %get3A_167 {offsets = [2], sizes = [1], strides = [1]} : vector<16xf32> to vector<1xf32>
        %squeeze3A_657 = vector.extract %slice3A_656[0] : f32 from vector<1xf32>
        %mul3A_658 = vector.broadcast %squeeze3A_657 : f32 to vector<16xf32>
        %mul3A_659 = arith.mulf %gather3A, %mul3A_658 : vector<16xf32>
        %slice3A_660 = vector.extract_strided_slice %get3A_171 {offsets = [2], sizes = [1], strides = [1]} : vector<16xf32> to vector<1xf32>
        %squeeze3A_661 = vector.extract %slice3A_660[0] : f32 from vector<1xf32>
        %mul3A_662 = vector.broadcast %squeeze3A_661 : f32 to vector<16xf32>
        %mul3A_663 = arith.mulf %gather3A_29, %mul3A_662 : vector<16xf32>
        %add3A_664 = arith.addf %mul3A_659, %mul3A_663 : vector<16xf32>
        %slice3A_665 = vector.extract_strided_slice %get3A_175 {offsets = [2], sizes = [1], strides = [1]} : vector<16xf32> to vector<1xf32>
        %squeeze3A_666 = vector.extract %slice3A_665[0] : f32 from vector<1xf32>
        %mul3A_667 = vector.broadcast %squeeze3A_666 : f32 to vector<16xf32>
        %mul3A_668 = arith.mulf %gather3A_32, %mul3A_667 : vector<16xf32>
        %add3A_669 = arith.addf %add3A_664, %mul3A_668 : vector<16xf32>
        %slice3A_670 = vector.extract_strided_slice %get3A_179 {offsets = [2], sizes = [1], strides = [1]} : vector<16xf32> to vector<1xf32>
        %squeeze3A_671 = vector.extract %slice3A_670[0] : f32 from vector<1xf32>
        %mul3A_672 = vector.broadcast %squeeze3A_671 : f32 to vector<16xf32>
        %mul3A_673 = arith.mulf %gather3A_35, %mul3A_672 : vector<16xf32>
        %add3A_674 = arith.addf %add3A_669, %mul3A_673 : vector<16xf32>
        %slice3A_675 = vector.extract_strided_slice %get3A_183 {offsets = [2], sizes = [1], strides = [1]} : vector<16xf32> to vector<1xf32>
        %squeeze3A_676 = vector.extract %slice3A_675[0] : f32 from vector<1xf32>
        %mul3A_677 = vector.broadcast %squeeze3A_676 : f32 to vector<16xf32>
        %mul3A_678 = arith.mulf %gather3A_38, %mul3A_677 : vector<16xf32>
        %add3A_679 = arith.addf %add3A_674, %mul3A_678 : vector<16xf32>
        %slice3A_680 = vector.extract_strided_slice %get3A_187 {offsets = [2], sizes = [1], strides = [1]} : vector<16xf32> to vector<1xf32>
        %squeeze3A_681 = vector.extract %slice3A_680[0] : f32 from vector<1xf32>
        %mul3A_682 = vector.broadcast %squeeze3A_681 : f32 to vector<16xf32>
        %mul3A_683 = arith.mulf %gather3A_41, %mul3A_682 : vector<16xf32>
        %add3A_684 = arith.addf %add3A_679, %mul3A_683 : vector<16xf32>
        %slice3A_685 = vector.extract_strided_slice %get3A_191 {offsets = [2], sizes = [1], strides = [1]} : vector<16xf32> to vector<1xf32>
        %squeeze3A_686 = vector.extract %slice3A_685[0] : f32 from vector<1xf32>
        %mul3A_687 = vector.broadcast %squeeze3A_686 : f32 to vector<16xf32>
        %mul3A_688 = arith.mulf %gather3A_44, %mul3A_687 : vector<16xf32>
        %add3A_689 = arith.addf %add3A_684, %mul3A_688 : vector<16xf32>
        %slice3A_690 = vector.extract_strided_slice %get3A_195 {offsets = [2], sizes = [1], strides = [1]} : vector<16xf32> to vector<1xf32>
        %squeeze3A_691 = vector.extract %slice3A_690[0] : f32 from vector<1xf32>
        %mul3A_692 = vector.broadcast %squeeze3A_691 : f32 to vector<16xf32>
        %mul3A_693 = arith.mulf %gather3A_47, %mul3A_692 : vector<16xf32>
        %add3A_694 = arith.addf %add3A_689, %mul3A_693 : vector<16xf32>
        %mul3A_695 = arith.mulf %gather3A_655, %add3A_694 : vector<16xf32>
        tpu.vector_store_idx %arg13[%add3A_654, %add3A_651], %mul3A_695 : memref<80x128xf32, #tpu.memory_space<vmem>>[vector<16xi32>, vector<16xi32>], vector<16xf32>,
        %add3A_696 = arith.constant 16 : i32
        %add3A_697 = vector.broadcast %add3A_696 : i32 to vector<16xi32>
        %add3A_698 = arith.addi %iota3A, %add3A_697 : vector<16xi32>
        %gather3A_699 = tpu.vector_load_idx %arg12[%add3A_698, %add3A_651] : memref<80x128xf32, #tpu.memory_space<vmem>>[vector<16xi32>, vector<16xi32>], vector<16xf32>,
        %slice3A_700 = vector.extract_strided_slice %get3A_167 {offsets = [2], sizes = [1], strides = [1]} : vector<16xf32> to vector<1xf32>
        %squeeze3A_701 = vector.extract %slice3A_700[0] : f32 from vector<1xf32>
        %mul3A_702 = vector.broadcast %squeeze3A_701 : f32 to vector<16xf32>
        %mul3A_703 = arith.mulf %gather3A_53, %mul3A_702 : vector<16xf32>
        %slice3A_704 = vector.extract_strided_slice %get3A_171 {offsets = [2], sizes = [1], strides = [1]} : vector<16xf32> to vector<1xf32>
        %squeeze3A_705 = vector.extract %slice3A_704[0] : f32 from vector<1xf32>
        %mul3A_706 = vector.broadcast %squeeze3A_705 : f32 to vector<16xf32>
        %mul3A_707 = arith.mulf %gather3A_56, %mul3A_706 : vector<16xf32>
        %add3A_708 = arith.addf %mul3A_703, %mul3A_707 : vector<16xf32>
        %slice3A_709 = vector.extract_strided_slice %get3A_175 {offsets = [2], sizes = [1], strides = [1]} : vector<16xf32> to vector<1xf32>
        %squeeze3A_710 = vector.extract %slice3A_709[0] : f32 from vector<1xf32>
        %mul3A_711 = vector.broadcast %squeeze3A_710 : f32 to vector<16xf32>
        %mul3A_712 = arith.mulf %gather3A_59, %mul3A_711 : vector<16xf32>
        %add3A_713 = arith.addf %add3A_708, %mul3A_712 : vector<16xf32>
        %slice3A_714 = vector.extract_strided_slice %get3A_179 {offsets = [2], sizes = [1], strides = [1]} : vector<16xf32> to vector<1xf32>
        %squeeze3A_715 = vector.extract %slice3A_714[0] : f32 from vector<1xf32>
        %mul3A_716 = vector.broadcast %squeeze3A_715 : f32 to vector<16xf32>
        %mul3A_717 = arith.mulf %gather3A_62, %mul3A_716 : vector<16xf32>
        %add3A_718 = arith.addf %add3A_713, %mul3A_717 : vector<16xf32>
        %slice3A_719 = vector.extract_strided_slice %get3A_183 {offsets = [2], sizes = [1], strides = [1]} : vector<16xf32> to vector<1xf32>
        %squeeze3A_720 = vector.extract %slice3A_719[0] : f32 from vector<1xf32>
        %mul3A_721 = vector.broadcast %squeeze3A_720 : f32 to vector<16xf32>
        %mul3A_722 = arith.mulf %gather3A_65, %mul3A_721 : vector<16xf32>
        %add3A_723 = arith.addf %add3A_718, %mul3A_722 : vector<16xf32>
        %slice3A_724 = vector.extract_strided_slice %get3A_187 {offsets = [2], sizes = [1], strides = [1]} : vector<16xf32> to vector<1xf32>
        %squeeze3A_725 = vector.extract %slice3A_724[0] : f32 from vector<1xf32>
        %mul3A_726 = vector.broadcast %squeeze3A_725 : f32 to vector<16xf32>
        %mul3A_727 = arith.mulf %gather3A_68, %mul3A_726 : vector<16xf32>
        %add3A_728 = arith.addf %add3A_723, %mul3A_727 : vector<16xf32>
        %slice3A_729 = vector.extract_strided_slice %get3A_191 {offsets = [2], sizes = [1], strides = [1]} : vector<16xf32> to vector<1xf32>
        %squeeze3A_730 = vector.extract %slice3A_729[0] : f32 from vector<1xf32>
        %mul3A_731 = vector.broadcast %squeeze3A_730 : f32 to vector<16xf32>
        %mul3A_732 = arith.mulf %gather3A_71, %mul3A_731 : vector<16xf32>
        %add3A_733 = arith.addf %add3A_728, %mul3A_732 : vector<16xf32>
        %slice3A_734 = vector.extract_strided_slice %get3A_195 {offsets = [2], sizes = [1], strides = [1]} : vector<16xf32> to vector<1xf32>
        %squeeze3A_735 = vector.extract %slice3A_734[0] : f32 from vector<1xf32>
        %mul3A_736 = vector.broadcast %squeeze3A_735 : f32 to vector<16xf32>
        %mul3A_737 = arith.mulf %gather3A_74, %mul3A_736 : vector<16xf32>
        %add3A_738 = arith.addf %add3A_733, %mul3A_737 : vector<16xf32>
        %mul3A_739 = arith.mulf %gather3A_699, %add3A_738 : vector<16xf32>
        tpu.vector_store_idx %arg13[%add3A_698, %add3A_651], %mul3A_739 : memref<80x128xf32, #tpu.memory_space<vmem>>[vector<16xi32>, vector<16xi32>], vector<16xf32>,
        %add3A_740 = arith.constant 32 : i32
        %add3A_741 = vector.broadcast %add3A_740 : i32 to vector<16xi32>
        %add3A_742 = arith.addi %iota3A, %add3A_741 : vector<16xi32>
        %gather3A_743 = tpu.vector_load_idx %arg12[%add3A_742, %add3A_651] : memref<80x128xf32, #tpu.memory_space<vmem>>[vector<16xi32>, vector<16xi32>], vector<16xf32>,
        %slice3A_744 = vector.extract_strided_slice %get3A_167 {offsets = [2], sizes = [1], strides = [1]} : vector<16xf32> to vector<1xf32>
        %squeeze3A_745 = vector.extract %slice3A_744[0] : f32 from vector<1xf32>
        %mul3A_746 = vector.broadcast %squeeze3A_745 : f32 to vector<16xf32>
        %mul3A_747 = arith.mulf %gather3A_80, %mul3A_746 : vector<16xf32>
        %slice3A_748 = vector.extract_strided_slice %get3A_171 {offsets = [2], sizes = [1], strides = [1]} : vector<16xf32> to vector<1xf32>
        %squeeze3A_749 = vector.extract %slice3A_748[0] : f32 from vector<1xf32>
        %mul3A_750 = vector.broadcast %squeeze3A_749 : f32 to vector<16xf32>
        %mul3A_751 = arith.mulf %gather3A_83, %mul3A_750 : vector<16xf32>
        %add3A_752 = arith.addf %mul3A_747, %mul3A_751 : vector<16xf32>
        %slice3A_753 = vector.extract_strided_slice %get3A_175 {offsets = [2], sizes = [1], strides = [1]} : vector<16xf32> to vector<1xf32>
        %squeeze3A_754 = vector.extract %slice3A_753[0] : f32 from vector<1xf32>
        %mul3A_755 = vector.broadcast %squeeze3A_754 : f32 to vector<16xf32>
        %mul3A_756 = arith.mulf %gather3A_86, %mul3A_755 : vector<16xf32>
        %add3A_757 = arith.addf %add3A_752, %mul3A_756 : vector<16xf32>
        %slice3A_758 = vector.extract_strided_slice %get3A_179 {offsets = [2], sizes = [1], strides = [1]} : vector<16xf32> to vector<1xf32>
        %squeeze3A_759 = vector.extract %slice3A_758[0] : f32 from vector<1xf32>
        %mul3A_760 = vector.broadcast %squeeze3A_759 : f32 to vector<16xf32>
        %mul3A_761 = arith.mulf %gather3A_89, %mul3A_760 : vector<16xf32>
        %add3A_762 = arith.addf %add3A_757, %mul3A_761 : vector<16xf32>
        %slice3A_763 = vector.extract_strided_slice %get3A_183 {offsets = [2], sizes = [1], strides = [1]} : vector<16xf32> to vector<1xf32>
        %squeeze3A_764 = vector.extract %slice3A_763[0] : f32 from vector<1xf32>
        %mul3A_765 = vector.broadcast %squeeze3A_764 : f32 to vector<16xf32>
        %mul3A_766 = arith.mulf %gather3A_92, %mul3A_765 : vector<16xf32>
        %add3A_767 = arith.addf %add3A_762, %mul3A_766 : vector<16xf32>
        %slice3A_768 = vector.extract_strided_slice %get3A_187 {offsets = [2], sizes = [1], strides = [1]} : vector<16xf32> to vector<1xf32>
        %squeeze3A_769 = vector.extract %slice3A_768[0] : f32 from vector<1xf32>
        %mul3A_770 = vector.broadcast %squeeze3A_769 : f32 to vector<16xf32>
        %mul3A_771 = arith.mulf %gather3A_95, %mul3A_770 : vector<16xf32>
        %add3A_772 = arith.addf %add3A_767, %mul3A_771 : vector<16xf32>
        %slice3A_773 = vector.extract_strided_slice %get3A_191 {offsets = [2], sizes = [1], strides = [1]} : vector<16xf32> to vector<1xf32>
        %squeeze3A_774 = vector.extract %slice3A_773[0] : f32 from vector<1xf32>
        %mul3A_775 = vector.broadcast %squeeze3A_774 : f32 to vector<16xf32>
        %mul3A_776 = arith.mulf %gather3A_98, %mul3A_775 : vector<16xf32>
        %add3A_777 = arith.addf %add3A_772, %mul3A_776 : vector<16xf32>
        %slice3A_778 = vector.extract_strided_slice %get3A_195 {offsets = [2], sizes = [1], strides = [1]} : vector<16xf32> to vector<1xf32>
        %squeeze3A_779 = vector.extract %slice3A_778[0] : f32 from vector<1xf32>
        %mul3A_780 = vector.broadcast %squeeze3A_779 : f32 to vector<16xf32>
        %mul3A_781 = arith.mulf %gather3A_101, %mul3A_780 : vector<16xf32>
        %add3A_782 = arith.addf %add3A_777, %mul3A_781 : vector<16xf32>
        %mul3A_783 = arith.mulf %gather3A_743, %add3A_782 : vector<16xf32>
        tpu.vector_store_idx %arg13[%add3A_742, %add3A_651], %mul3A_783 : memref<80x128xf32, #tpu.memory_space<vmem>>[vector<16xi32>, vector<16xi32>], vector<16xf32>,
        %add3A_784 = arith.constant 48 : i32
        %add3A_785 = vector.broadcast %add3A_784 : i32 to vector<16xi32>
        %add3A_786 = arith.addi %iota3A, %add3A_785 : vector<16xi32>
        %gather3A_787 = tpu.vector_load_idx %arg12[%add3A_786, %add3A_651] : memref<80x128xf32, #tpu.memory_space<vmem>>[vector<16xi32>, vector<16xi32>], vector<16xf32>,
        %slice3A_788 = vector.extract_strided_slice %get3A_167 {offsets = [2], sizes = [1], strides = [1]} : vector<16xf32> to vector<1xf32>
        %squeeze3A_789 = vector.extract %slice3A_788[0] : f32 from vector<1xf32>
        %mul3A_790 = vector.broadcast %squeeze3A_789 : f32 to vector<16xf32>
        %mul3A_791 = arith.mulf %gather3A_107, %mul3A_790 : vector<16xf32>
        %slice3A_792 = vector.extract_strided_slice %get3A_171 {offsets = [2], sizes = [1], strides = [1]} : vector<16xf32> to vector<1xf32>
        %squeeze3A_793 = vector.extract %slice3A_792[0] : f32 from vector<1xf32>
        %mul3A_794 = vector.broadcast %squeeze3A_793 : f32 to vector<16xf32>
        %mul3A_795 = arith.mulf %gather3A_110, %mul3A_794 : vector<16xf32>
        %add3A_796 = arith.addf %mul3A_791, %mul3A_795 : vector<16xf32>
        %slice3A_797 = vector.extract_strided_slice %get3A_175 {offsets = [2], sizes = [1], strides = [1]} : vector<16xf32> to vector<1xf32>
        %squeeze3A_798 = vector.extract %slice3A_797[0] : f32 from vector<1xf32>
        %mul3A_799 = vector.broadcast %squeeze3A_798 : f32 to vector<16xf32>
        %mul3A_800 = arith.mulf %gather3A_113, %mul3A_799 : vector<16xf32>
        %add3A_801 = arith.addf %add3A_796, %mul3A_800 : vector<16xf32>
        %slice3A_802 = vector.extract_strided_slice %get3A_179 {offsets = [2], sizes = [1], strides = [1]} : vector<16xf32> to vector<1xf32>
        %squeeze3A_803 = vector.extract %slice3A_802[0] : f32 from vector<1xf32>
        %mul3A_804 = vector.broadcast %squeeze3A_803 : f32 to vector<16xf32>
        %mul3A_805 = arith.mulf %gather3A_116, %mul3A_804 : vector<16xf32>
        %add3A_806 = arith.addf %add3A_801, %mul3A_805 : vector<16xf32>
        %slice3A_807 = vector.extract_strided_slice %get3A_183 {offsets = [2], sizes = [1], strides = [1]} : vector<16xf32> to vector<1xf32>
        %squeeze3A_808 = vector.extract %slice3A_807[0] : f32 from vector<1xf32>
        %mul3A_809 = vector.broadcast %squeeze3A_808 : f32 to vector<16xf32>
        %mul3A_810 = arith.mulf %gather3A_119, %mul3A_809 : vector<16xf32>
        %add3A_811 = arith.addf %add3A_806, %mul3A_810 : vector<16xf32>
        %slice3A_812 = vector.extract_strided_slice %get3A_187 {offsets = [2], sizes = [1], strides = [1]} : vector<16xf32> to vector<1xf32>
        %squeeze3A_813 = vector.extract %slice3A_812[0] : f32 from vector<1xf32>
        %mul3A_814 = vector.broadcast %squeeze3A_813 : f32 to vector<16xf32>
        %mul3A_815 = arith.mulf %gather3A_122, %mul3A_814 : vector<16xf32>
        %add3A_816 = arith.addf %add3A_811, %mul3A_815 : vector<16xf32>
        %slice3A_817 = vector.extract_strided_slice %get3A_191 {offsets = [2], sizes = [1], strides = [1]} : vector<16xf32> to vector<1xf32>
        %squeeze3A_818 = vector.extract %slice3A_817[0] : f32 from vector<1xf32>
        %mul3A_819 = vector.broadcast %squeeze3A_818 : f32 to vector<16xf32>
        %mul3A_820 = arith.mulf %gather3A_125, %mul3A_819 : vector<16xf32>
        %add3A_821 = arith.addf %add3A_816, %mul3A_820 : vector<16xf32>
        %slice3A_822 = vector.extract_strided_slice %get3A_195 {offsets = [2], sizes = [1], strides = [1]} : vector<16xf32> to vector<1xf32>
        %squeeze3A_823 = vector.extract %slice3A_822[0] : f32 from vector<1xf32>
        %mul3A_824 = vector.broadcast %squeeze3A_823 : f32 to vector<16xf32>
        %mul3A_825 = arith.mulf %gather3A_128, %mul3A_824 : vector<16xf32>
        %add3A_826 = arith.addf %add3A_821, %mul3A_825 : vector<16xf32>
        %mul3A_827 = arith.mulf %gather3A_787, %add3A_826 : vector<16xf32>
        tpu.vector_store_idx %arg13[%add3A_786, %add3A_651], %mul3A_827 : memref<80x128xf32, #tpu.memory_space<vmem>>[vector<16xi32>, vector<16xi32>], vector<16xf32>,
        %add3A_828 = arith.constant 64 : i32
        %add3A_829 = vector.broadcast %add3A_828 : i32 to vector<16xi32>
        %add3A_830 = arith.addi %iota3A, %add3A_829 : vector<16xi32>
        %gather3A_831 = tpu.vector_load_idx %arg12[%add3A_830, %add3A_651] : memref<80x128xf32, #tpu.memory_space<vmem>>[vector<16xi32>, vector<16xi32>], vector<16xf32>,
        %slice3A_832 = vector.extract_strided_slice %get3A_167 {offsets = [2], sizes = [1], strides = [1]} : vector<16xf32> to vector<1xf32>
        %squeeze3A_833 = vector.extract %slice3A_832[0] : f32 from vector<1xf32>
        %mul3A_834 = vector.broadcast %squeeze3A_833 : f32 to vector<16xf32>
        %mul3A_835 = arith.mulf %gather3A_134, %mul3A_834 : vector<16xf32>
        %slice3A_836 = vector.extract_strided_slice %get3A_171 {offsets = [2], sizes = [1], strides = [1]} : vector<16xf32> to vector<1xf32>
        %squeeze3A_837 = vector.extract %slice3A_836[0] : f32 from vector<1xf32>
        %mul3A_838 = vector.broadcast %squeeze3A_837 : f32 to vector<16xf32>
        %mul3A_839 = arith.mulf %gather3A_137, %mul3A_838 : vector<16xf32>
        %add3A_840 = arith.addf %mul3A_835, %mul3A_839 : vector<16xf32>
        %slice3A_841 = vector.extract_strided_slice %get3A_175 {offsets = [2], sizes = [1], strides = [1]} : vector<16xf32> to vector<1xf32>
        %squeeze3A_842 = vector.extract %slice3A_841[0] : f32 from vector<1xf32>
        %mul3A_843 = vector.broadcast %squeeze3A_842 : f32 to vector<16xf32>
        %mul3A_844 = arith.mulf %gather3A_140, %mul3A_843 : vector<16xf32>
        %add3A_845 = arith.addf %add3A_840, %mul3A_844 : vector<16xf32>
        %slice3A_846 = vector.extract_strided_slice %get3A_179 {offsets = [2], sizes = [1], strides = [1]} : vector<16xf32> to vector<1xf32>
        %squeeze3A_847 = vector.extract %slice3A_846[0] : f32 from vector<1xf32>
        %mul3A_848 = vector.broadcast %squeeze3A_847 : f32 to vector<16xf32>
        %mul3A_849 = arith.mulf %gather3A_143, %mul3A_848 : vector<16xf32>
        %add3A_850 = arith.addf %add3A_845, %mul3A_849 : vector<16xf32>
        %slice3A_851 = vector.extract_strided_slice %get3A_183 {offsets = [2], sizes = [1], strides = [1]} : vector<16xf32> to vector<1xf32>
        %squeeze3A_852 = vector.extract %slice3A_851[0] : f32 from vector<1xf32>
        %mul3A_853 = vector.broadcast %squeeze3A_852 : f32 to vector<16xf32>
        %mul3A_854 = arith.mulf %gather3A_146, %mul3A_853 : vector<16xf32>
        %add3A_855 = arith.addf %add3A_850, %mul3A_854 : vector<16xf32>
        %slice3A_856 = vector.extract_strided_slice %get3A_187 {offsets = [2], sizes = [1], strides = [1]} : vector<16xf32> to vector<1xf32>
        %squeeze3A_857 = vector.extract %slice3A_856[0] : f32 from vector<1xf32>
        %mul3A_858 = vector.broadcast %squeeze3A_857 : f32 to vector<16xf32>
        %mul3A_859 = arith.mulf %gather3A_149, %mul3A_858 : vector<16xf32>
        %add3A_860 = arith.addf %add3A_855, %mul3A_859 : vector<16xf32>
        %slice3A_861 = vector.extract_strided_slice %get3A_191 {offsets = [2], sizes = [1], strides = [1]} : vector<16xf32> to vector<1xf32>
        %squeeze3A_862 = vector.extract %slice3A_861[0] : f32 from vector<1xf32>
        %mul3A_863 = vector.broadcast %squeeze3A_862 : f32 to vector<16xf32>
        %mul3A_864 = arith.mulf %gather3A_152, %mul3A_863 : vector<16xf32>
        %add3A_865 = arith.addf %add3A_860, %mul3A_864 : vector<16xf32>
        %slice3A_866 = vector.extract_strided_slice %get3A_195 {offsets = [2], sizes = [1], strides = [1]} : vector<16xf32> to vector<1xf32>
        %squeeze3A_867 = vector.extract %slice3A_866[0] : f32 from vector<1xf32>
        %mul3A_868 = vector.broadcast %squeeze3A_867 : f32 to vector<16xf32>
        %mul3A_869 = arith.mulf %gather3A_155, %mul3A_868 : vector<16xf32>
        %add3A_870 = arith.addf %add3A_865, %mul3A_869 : vector<16xf32>
        %mul3A_871 = arith.mulf %gather3A_831, %add3A_870 : vector<16xf32>
        tpu.vector_store_idx %arg13[%add3A_830, %add3A_651], %mul3A_871 : memref<80x128xf32, #tpu.memory_space<vmem>>[vector<16xi32>, vector<16xi32>], vector<16xf32>,
        %broadcast_in_dim3A_872 = arith.constant 0 : i32
        %broadcast_in_dim3A_873 = vector.broadcast %broadcast_in_dim3A_872 : i32 to vector<16xi32>
        %add3A_874 = arith.constant 3 : i32
        %add3A_875 = arith.addi %mul3A_164, %add3A_874 : i32
        %add3A_876 = vector.broadcast %add3A_875 : i32 to vector<16xi32>
        %add3A_877 = arith.addi %broadcast_in_dim3A_873, %add3A_876 : vector<16xi32>
        %add3A_878 = arith.constant 0 : i32
        %add3A_879 = vector.broadcast %add3A_878 : i32 to vector<16xi32>
        %add3A_880 = arith.addi %iota3A, %add3A_879 : vector<16xi32>
        %gather3A_881 = tpu.vector_load_idx %arg12[%add3A_880, %add3A_877] : memref<80x128xf32, #tpu.memory_space<vmem>>[vector<16xi32>, vector<16xi32>], vector<16xf32>,
        %slice3A_882 = vector.extract_strided_slice %get3A_167 {offsets = [3], sizes = [1], strides = [1]} : vector<16xf32> to vector<1xf32>
        %squeeze3A_883 = vector.extract %slice3A_882[0] : f32 from vector<1xf32>
        %mul3A_884 = vector.broadcast %squeeze3A_883 : f32 to vector<16xf32>
        %mul3A_885 = arith.mulf %gather3A, %mul3A_884 : vector<16xf32>
        %slice3A_886 = vector.extract_strided_slice %get3A_171 {offsets = [3], sizes = [1], strides = [1]} : vector<16xf32> to vector<1xf32>
        %squeeze3A_887 = vector.extract %slice3A_886[0] : f32 from vector<1xf32>
        %mul3A_888 = vector.broadcast %squeeze3A_887 : f32 to vector<16xf32>
        %mul3A_889 = arith.mulf %gather3A_29, %mul3A_888 : vector<16xf32>
        %add3A_890 = arith.addf %mul3A_885, %mul3A_889 : vector<16xf32>
        %slice3A_891 = vector.extract_strided_slice %get3A_175 {offsets = [3], sizes = [1], strides = [1]} : vector<16xf32> to vector<1xf32>
        %squeeze3A_892 = vector.extract %slice3A_891[0] : f32 from vector<1xf32>
        %mul3A_893 = vector.broadcast %squeeze3A_892 : f32 to vector<16xf32>
        %mul3A_894 = arith.mulf %gather3A_32, %mul3A_893 : vector<16xf32>
        %add3A_895 = arith.addf %add3A_890, %mul3A_894 : vector<16xf32>
        %slice3A_896 = vector.extract_strided_slice %get3A_179 {offsets = [3], sizes = [1], strides = [1]} : vector<16xf32> to vector<1xf32>
        %squeeze3A_897 = vector.extract %slice3A_896[0] : f32 from vector<1xf32>
        %mul3A_898 = vector.broadcast %squeeze3A_897 : f32 to vector<16xf32>
        %mul3A_899 = arith.mulf %gather3A_35, %mul3A_898 : vector<16xf32>
        %add3A_900 = arith.addf %add3A_895, %mul3A_899 : vector<16xf32>
        %slice3A_901 = vector.extract_strided_slice %get3A_183 {offsets = [3], sizes = [1], strides = [1]} : vector<16xf32> to vector<1xf32>
        %squeeze3A_902 = vector.extract %slice3A_901[0] : f32 from vector<1xf32>
        %mul3A_903 = vector.broadcast %squeeze3A_902 : f32 to vector<16xf32>
        %mul3A_904 = arith.mulf %gather3A_38, %mul3A_903 : vector<16xf32>
        %add3A_905 = arith.addf %add3A_900, %mul3A_904 : vector<16xf32>
        %slice3A_906 = vector.extract_strided_slice %get3A_187 {offsets = [3], sizes = [1], strides = [1]} : vector<16xf32> to vector<1xf32>
        %squeeze3A_907 = vector.extract %slice3A_906[0] : f32 from vector<1xf32>
        %mul3A_908 = vector.broadcast %squeeze3A_907 : f32 to vector<16xf32>
        %mul3A_909 = arith.mulf %gather3A_41, %mul3A_908 : vector<16xf32>
        %add3A_910 = arith.addf %add3A_905, %mul3A_909 : vector<16xf32>
        %slice3A_911 = vector.extract_strided_slice %get3A_191 {offsets = [3], sizes = [1], strides = [1]} : vector<16xf32> to vector<1xf32>
        %squeeze3A_912 = vector.extract %slice3A_911[0] : f32 from vector<1xf32>
        %mul3A_913 = vector.broadcast %squeeze3A_912 : f32 to vector<16xf32>
        %mul3A_914 = arith.mulf %gather3A_44, %mul3A_913 : vector<16xf32>
        %add3A_915 = arith.addf %add3A_910, %mul3A_914 : vector<16xf32>
        %slice3A_916 = vector.extract_strided_slice %get3A_195 {offsets = [3], sizes = [1], strides = [1]} : vector<16xf32> to vector<1xf32>
        %squeeze3A_917 = vector.extract %slice3A_916[0] : f32 from vector<1xf32>
        %mul3A_918 = vector.broadcast %squeeze3A_917 : f32 to vector<16xf32>
        %mul3A_919 = arith.mulf %gather3A_47, %mul3A_918 : vector<16xf32>
        %add3A_920 = arith.addf %add3A_915, %mul3A_919 : vector<16xf32>
        %mul3A_921 = arith.mulf %gather3A_881, %add3A_920 : vector<16xf32>
        tpu.vector_store_idx %arg13[%add3A_880, %add3A_877], %mul3A_921 : memref<80x128xf32, #tpu.memory_space<vmem>>[vector<16xi32>, vector<16xi32>], vector<16xf32>,
        %add3A_922 = arith.constant 16 : i32
        %add3A_923 = vector.broadcast %add3A_922 : i32 to vector<16xi32>
        %add3A_924 = arith.addi %iota3A, %add3A_923 : vector<16xi32>
        %gather3A_925 = tpu.vector_load_idx %arg12[%add3A_924, %add3A_877] : memref<80x128xf32, #tpu.memory_space<vmem>>[vector<16xi32>, vector<16xi32>], vector<16xf32>,
        %slice3A_926 = vector.extract_strided_slice %get3A_167 {offsets = [3], sizes = [1], strides = [1]} : vector<16xf32> to vector<1xf32>
        %squeeze3A_927 = vector.extract %slice3A_926[0] : f32 from vector<1xf32>
        %mul3A_928 = vector.broadcast %squeeze3A_927 : f32 to vector<16xf32>
        %mul3A_929 = arith.mulf %gather3A_53, %mul3A_928 : vector<16xf32>
        %slice3A_930 = vector.extract_strided_slice %get3A_171 {offsets = [3], sizes = [1], strides = [1]} : vector<16xf32> to vector<1xf32>
        %squeeze3A_931 = vector.extract %slice3A_930[0] : f32 from vector<1xf32>
        %mul3A_932 = vector.broadcast %squeeze3A_931 : f32 to vector<16xf32>
        %mul3A_933 = arith.mulf %gather3A_56, %mul3A_932 : vector<16xf32>
        %add3A_934 = arith.addf %mul3A_929, %mul3A_933 : vector<16xf32>
        %slice3A_935 = vector.extract_strided_slice %get3A_175 {offsets = [3], sizes = [1], strides = [1]} : vector<16xf32> to vector<1xf32>
        %squeeze3A_936 = vector.extract %slice3A_935[0] : f32 from vector<1xf32>
        %mul3A_937 = vector.broadcast %squeeze3A_936 : f32 to vector<16xf32>
        %mul3A_938 = arith.mulf %gather3A_59, %mul3A_937 : vector<16xf32>
        %add3A_939 = arith.addf %add3A_934, %mul3A_938 : vector<16xf32>
        %slice3A_940 = vector.extract_strided_slice %get3A_179 {offsets = [3], sizes = [1], strides = [1]} : vector<16xf32> to vector<1xf32>
        %squeeze3A_941 = vector.extract %slice3A_940[0] : f32 from vector<1xf32>
        %mul3A_942 = vector.broadcast %squeeze3A_941 : f32 to vector<16xf32>
        %mul3A_943 = arith.mulf %gather3A_62, %mul3A_942 : vector<16xf32>
        %add3A_944 = arith.addf %add3A_939, %mul3A_943 : vector<16xf32>
        %slice3A_945 = vector.extract_strided_slice %get3A_183 {offsets = [3], sizes = [1], strides = [1]} : vector<16xf32> to vector<1xf32>
        %squeeze3A_946 = vector.extract %slice3A_945[0] : f32 from vector<1xf32>
        %mul3A_947 = vector.broadcast %squeeze3A_946 : f32 to vector<16xf32>
        %mul3A_948 = arith.mulf %gather3A_65, %mul3A_947 : vector<16xf32>
        %add3A_949 = arith.addf %add3A_944, %mul3A_948 : vector<16xf32>
        %slice3A_950 = vector.extract_strided_slice %get3A_187 {offsets = [3], sizes = [1], strides = [1]} : vector<16xf32> to vector<1xf32>
        %squeeze3A_951 = vector.extract %slice3A_950[0] : f32 from vector<1xf32>
        %mul3A_952 = vector.broadcast %squeeze3A_951 : f32 to vector<16xf32>
        %mul3A_953 = arith.mulf %gather3A_68, %mul3A_952 : vector<16xf32>
        %add3A_954 = arith.addf %add3A_949, %mul3A_953 : vector<16xf32>
        %slice3A_955 = vector.extract_strided_slice %get3A_191 {offsets = [3], sizes = [1], strides = [1]} : vector<16xf32> to vector<1xf32>
        %squeeze3A_956 = vector.extract %slice3A_955[0] : f32 from vector<1xf32>
        %mul3A_957 = vector.broadcast %squeeze3A_956 : f32 to vector<16xf32>
        %mul3A_958 = arith.mulf %gather3A_71, %mul3A_957 : vector<16xf32>
        %add3A_959 = arith.addf %add3A_954, %mul3A_958 : vector<16xf32>
        %slice3A_960 = vector.extract_strided_slice %get3A_195 {offsets = [3], sizes = [1], strides = [1]} : vector<16xf32> to vector<1xf32>
        %squeeze3A_961 = vector.extract %slice3A_960[0] : f32 from vector<1xf32>
        %mul3A_962 = vector.broadcast %squeeze3A_961 : f32 to vector<16xf32>
        %mul3A_963 = arith.mulf %gather3A_74, %mul3A_962 : vector<16xf32>
        %add3A_964 = arith.addf %add3A_959, %mul3A_963 : vector<16xf32>
        %mul3A_965 = arith.mulf %gather3A_925, %add3A_964 : vector<16xf32>
        tpu.vector_store_idx %arg13[%add3A_924, %add3A_877], %mul3A_965 : memref<80x128xf32, #tpu.memory_space<vmem>>[vector<16xi32>, vector<16xi32>], vector<16xf32>,
        %add3A_966 = arith.constant 32 : i32
        %add3A_967 = vector.broadcast %add3A_966 : i32 to vector<16xi32>
        %add3A_968 = arith.addi %iota3A, %add3A_967 : vector<16xi32>
        %gather3A_969 = tpu.vector_load_idx %arg12[%add3A_968, %add3A_877] : memref<80x128xf32, #tpu.memory_space<vmem>>[vector<16xi32>, vector<16xi32>], vector<16xf32>,
        %slice3A_970 = vector.extract_strided_slice %get3A_167 {offsets = [3], sizes = [1], strides = [1]} : vector<16xf32> to vector<1xf32>
        %squeeze3A_971 = vector.extract %slice3A_970[0] : f32 from vector<1xf32>
        %mul3A_972 = vector.broadcast %squeeze3A_971 : f32 to vector<16xf32>
        %mul3A_973 = arith.mulf %gather3A_80, %mul3A_972 : vector<16xf32>
        %slice3A_974 = vector.extract_strided_slice %get3A_171 {offsets = [3], sizes = [1], strides = [1]} : vector<16xf32> to vector<1xf32>
        %squeeze3A_975 = vector.extract %slice3A_974[0] : f32 from vector<1xf32>
        %mul3A_976 = vector.broadcast %squeeze3A_975 : f32 to vector<16xf32>
        %mul3A_977 = arith.mulf %gather3A_83, %mul3A_976 : vector<16xf32>
        %add3A_978 = arith.addf %mul3A_973, %mul3A_977 : vector<16xf32>
        %slice3A_979 = vector.extract_strided_slice %get3A_175 {offsets = [3], sizes = [1], strides = [1]} : vector<16xf32> to vector<1xf32>
        %squeeze3A_980 = vector.extract %slice3A_979[0] : f32 from vector<1xf32>
        %mul3A_981 = vector.broadcast %squeeze3A_980 : f32 to vector<16xf32>
        %mul3A_982 = arith.mulf %gather3A_86, %mul3A_981 : vector<16xf32>
        %add3A_983 = arith.addf %add3A_978, %mul3A_982 : vector<16xf32>
        %slice3A_984 = vector.extract_strided_slice %get3A_179 {offsets = [3], sizes = [1], strides = [1]} : vector<16xf32> to vector<1xf32>
        %squeeze3A_985 = vector.extract %slice3A_984[0] : f32 from vector<1xf32>
        %mul3A_986 = vector.broadcast %squeeze3A_985 : f32 to vector<16xf32>
        %mul3A_987 = arith.mulf %gather3A_89, %mul3A_986 : vector<16xf32>
        %add3A_988 = arith.addf %add3A_983, %mul3A_987 : vector<16xf32>
        %slice3A_989 = vector.extract_strided_slice %get3A_183 {offsets = [3], sizes = [1], strides = [1]} : vector<16xf32> to vector<1xf32>
        %squeeze3A_990 = vector.extract %slice3A_989[0] : f32 from vector<1xf32>
        %mul3A_991 = vector.broadcast %squeeze3A_990 : f32 to vector<16xf32>
        %mul3A_992 = arith.mulf %gather3A_92, %mul3A_991 : vector<16xf32>
        %add3A_993 = arith.addf %add3A_988, %mul3A_992 : vector<16xf32>
        %slice3A_994 = vector.extract_strided_slice %get3A_187 {offsets = [3], sizes = [1], strides = [1]} : vector<16xf32> to vector<1xf32>
        %squeeze3A_995 = vector.extract %slice3A_994[0] : f32 from vector<1xf32>
        %mul3A_996 = vector.broadcast %squeeze3A_995 : f32 to vector<16xf32>
        %mul3A_997 = arith.mulf %gather3A_95, %mul3A_996 : vector<16xf32>
        %add3A_998 = arith.addf %add3A_993, %mul3A_997 : vector<16xf32>
        %slice3A_999 = vector.extract_strided_slice %get3A_191 {offsets = [3], sizes = [1], strides = [1]} : vector<16xf32> to vector<1xf32>
        %squeeze3A_1000 = vector.extract %slice3A_999[0] : f32 from vector<1xf32>
        %mul3A_1001 = vector.broadcast %squeeze3A_1000 : f32 to vector<16xf32>
        %mul3A_1002 = arith.mulf %gather3A_98, %mul3A_1001 : vector<16xf32>
        %add3A_1003 = arith.addf %add3A_998, %mul3A_1002 : vector<16xf32>
        %slice3A_1004 = vector.extract_strided_slice %get3A_195 {offsets = [3], sizes = [1], strides = [1]} : vector<16xf32> to vector<1xf32>
        %squeeze3A_1005 = vector.extract %slice3A_1004[0] : f32 from vector<1xf32>
        %mul3A_1006 = vector.broadcast %squeeze3A_1005 : f32 to vector<16xf32>
        %mul3A_1007 = arith.mulf %gather3A_101, %mul3A_1006 : vector<16xf32>
        %add3A_1008 = arith.addf %add3A_1003, %mul3A_1007 : vector<16xf32>
        %mul3A_1009 = arith.mulf %gather3A_969, %add3A_1008 : vector<16xf32>
        tpu.vector_store_idx %arg13[%add3A_968, %add3A_877], %mul3A_1009 : memref<80x128xf32, #tpu.memory_space<vmem>>[vector<16xi32>, vector<16xi32>], vector<16xf32>,
        %add3A_1010 = arith.constant 48 : i32
        %add3A_1011 = vector.broadcast %add3A_1010 : i32 to vector<16xi32>
        %add3A_1012 = arith.addi %iota3A, %add3A_1011 : vector<16xi32>
        %gather3A_1013 = tpu.vector_load_idx %arg12[%add3A_1012, %add3A_877] : memref<80x128xf32, #tpu.memory_space<vmem>>[vector<16xi32>, vector<16xi32>], vector<16xf32>,
        %slice3A_1014 = vector.extract_strided_slice %get3A_167 {offsets = [3], sizes = [1], strides = [1]} : vector<16xf32> to vector<1xf32>
        %squeeze3A_1015 = vector.extract %slice3A_1014[0] : f32 from vector<1xf32>
        %mul3A_1016 = vector.broadcast %squeeze3A_1015 : f32 to vector<16xf32>
        %mul3A_1017 = arith.mulf %gather3A_107, %mul3A_1016 : vector<16xf32>
        %slice3A_1018 = vector.extract_strided_slice %get3A_171 {offsets = [3], sizes = [1], strides = [1]} : vector<16xf32> to vector<1xf32>
        %squeeze3A_1019 = vector.extract %slice3A_1018[0] : f32 from vector<1xf32>
        %mul3A_1020 = vector.broadcast %squeeze3A_1019 : f32 to vector<16xf32>
        %mul3A_1021 = arith.mulf %gather3A_110, %mul3A_1020 : vector<16xf32>
        %add3A_1022 = arith.addf %mul3A_1017, %mul3A_1021 : vector<16xf32>
        %slice3A_1023 = vector.extract_strided_slice %get3A_175 {offsets = [3], sizes = [1], strides = [1]} : vector<16xf32> to vector<1xf32>
        %squeeze3A_1024 = vector.extract %slice3A_1023[0] : f32 from vector<1xf32>
        %mul3A_1025 = vector.broadcast %squeeze3A_1024 : f32 to vector<16xf32>
        %mul3A_1026 = arith.mulf %gather3A_113, %mul3A_1025 : vector<16xf32>
        %add3A_1027 = arith.addf %add3A_1022, %mul3A_1026 : vector<16xf32>
        %slice3A_1028 = vector.extract_strided_slice %get3A_179 {offsets = [3], sizes = [1], strides = [1]} : vector<16xf32> to vector<1xf32>
        %squeeze3A_1029 = vector.extract %slice3A_1028[0] : f32 from vector<1xf32>
        %mul3A_1030 = vector.broadcast %squeeze3A_1029 : f32 to vector<16xf32>
        %mul3A_1031 = arith.mulf %gather3A_116, %mul3A_1030 : vector<16xf32>
        %add3A_1032 = arith.addf %add3A_1027, %mul3A_1031 : vector<16xf32>
        %slice3A_1033 = vector.extract_strided_slice %get3A_183 {offsets = [3], sizes = [1], strides = [1]} : vector<16xf32> to vector<1xf32>
        %squeeze3A_1034 = vector.extract %slice3A_1033[0] : f32 from vector<1xf32>
        %mul3A_1035 = vector.broadcast %squeeze3A_1034 : f32 to vector<16xf32>
        %mul3A_1036 = arith.mulf %gather3A_119, %mul3A_1035 : vector<16xf32>
        %add3A_1037 = arith.addf %add3A_1032, %mul3A_1036 : vector<16xf32>
        %slice3A_1038 = vector.extract_strided_slice %get3A_187 {offsets = [3], sizes = [1], strides = [1]} : vector<16xf32> to vector<1xf32>
        %squeeze3A_1039 = vector.extract %slice3A_1038[0] : f32 from vector<1xf32>
        %mul3A_1040 = vector.broadcast %squeeze3A_1039 : f32 to vector<16xf32>
        %mul3A_1041 = arith.mulf %gather3A_122, %mul3A_1040 : vector<16xf32>
        %add3A_1042 = arith.addf %add3A_1037, %mul3A_1041 : vector<16xf32>
        %slice3A_1043 = vector.extract_strided_slice %get3A_191 {offsets = [3], sizes = [1], strides = [1]} : vector<16xf32> to vector<1xf32>
        %squeeze3A_1044 = vector.extract %slice3A_1043[0] : f32 from vector<1xf32>
        %mul3A_1045 = vector.broadcast %squeeze3A_1044 : f32 to vector<16xf32>
        %mul3A_1046 = arith.mulf %gather3A_125, %mul3A_1045 : vector<16xf32>
        %add3A_1047 = arith.addf %add3A_1042, %mul3A_1046 : vector<16xf32>
        %slice3A_1048 = vector.extract_strided_slice %get3A_195 {offsets = [3], sizes = [1], strides = [1]} : vector<16xf32> to vector<1xf32>
        %squeeze3A_1049 = vector.extract %slice3A_1048[0] : f32 from vector<1xf32>
        %mul3A_1050 = vector.broadcast %squeeze3A_1049 : f32 to vector<16xf32>
        %mul3A_1051 = arith.mulf %gather3A_128, %mul3A_1050 : vector<16xf32>
        %add3A_1052 = arith.addf %add3A_1047, %mul3A_1051 : vector<16xf32>
        %mul3A_1053 = arith.mulf %gather3A_1013, %add3A_1052 : vector<16xf32>
        tpu.vector_store_idx %arg13[%add3A_1012, %add3A_877], %mul3A_1053 : memref<80x128xf32, #tpu.memory_space<vmem>>[vector<16xi32>, vector<16xi32>], vector<16xf32>,
        %add3A_1054 = arith.constant 64 : i32
        %add3A_1055 = vector.broadcast %add3A_1054 : i32 to vector<16xi32>
        %add3A_1056 = arith.addi %iota3A, %add3A_1055 : vector<16xi32>
        %gather3A_1057 = tpu.vector_load_idx %arg12[%add3A_1056, %add3A_877] : memref<80x128xf32, #tpu.memory_space<vmem>>[vector<16xi32>, vector<16xi32>], vector<16xf32>,
        %slice3A_1058 = vector.extract_strided_slice %get3A_167 {offsets = [3], sizes = [1], strides = [1]} : vector<16xf32> to vector<1xf32>
        %squeeze3A_1059 = vector.extract %slice3A_1058[0] : f32 from vector<1xf32>
        %mul3A_1060 = vector.broadcast %squeeze3A_1059 : f32 to vector<16xf32>
        %mul3A_1061 = arith.mulf %gather3A_134, %mul3A_1060 : vector<16xf32>
        %slice3A_1062 = vector.extract_strided_slice %get3A_171 {offsets = [3], sizes = [1], strides = [1]} : vector<16xf32> to vector<1xf32>
        %squeeze3A_1063 = vector.extract %slice3A_1062[0] : f32 from vector<1xf32>
        %mul3A_1064 = vector.broadcast %squeeze3A_1063 : f32 to vector<16xf32>
        %mul3A_1065 = arith.mulf %gather3A_137, %mul3A_1064 : vector<16xf32>
        %add3A_1066 = arith.addf %mul3A_1061, %mul3A_1065 : vector<16xf32>
        %slice3A_1067 = vector.extract_strided_slice %get3A_175 {offsets = [3], sizes = [1], strides = [1]} : vector<16xf32> to vector<1xf32>
        %squeeze3A_1068 = vector.extract %slice3A_1067[0] : f32 from vector<1xf32>
        %mul3A_1069 = vector.broadcast %squeeze3A_1068 : f32 to vector<16xf32>
        %mul3A_1070 = arith.mulf %gather3A_140, %mul3A_1069 : vector<16xf32>
        %add3A_1071 = arith.addf %add3A_1066, %mul3A_1070 : vector<16xf32>
        %slice3A_1072 = vector.extract_strided_slice %get3A_179 {offsets = [3], sizes = [1], strides = [1]} : vector<16xf32> to vector<1xf32>
        %squeeze3A_1073 = vector.extract %slice3A_1072[0] : f32 from vector<1xf32>
        %mul3A_1074 = vector.broadcast %squeeze3A_1073 : f32 to vector<16xf32>
        %mul3A_1075 = arith.mulf %gather3A_143, %mul3A_1074 : vector<16xf32>
        %add3A_1076 = arith.addf %add3A_1071, %mul3A_1075 : vector<16xf32>
        %slice3A_1077 = vector.extract_strided_slice %get3A_183 {offsets = [3], sizes = [1], strides = [1]} : vector<16xf32> to vector<1xf32>
        %squeeze3A_1078 = vector.extract %slice3A_1077[0] : f32 from vector<1xf32>
        %mul3A_1079 = vector.broadcast %squeeze3A_1078 : f32 to vector<16xf32>
        %mul3A_1080 = arith.mulf %gather3A_146, %mul3A_1079 : vector<16xf32>
        %add3A_1081 = arith.addf %add3A_1076, %mul3A_1080 : vector<16xf32>
        %slice3A_1082 = vector.extract_strided_slice %get3A_187 {offsets = [3], sizes = [1], strides = [1]} : vector<16xf32> to vector<1xf32>
        %squeeze3A_1083 = vector.extract %slice3A_1082[0] : f32 from vector<1xf32>
        %mul3A_1084 = vector.broadcast %squeeze3A_1083 : f32 to vector<16xf32>
        %mul3A_1085 = arith.mulf %gather3A_149, %mul3A_1084 : vector<16xf32>
        %add3A_1086 = arith.addf %add3A_1081, %mul3A_1085 : vector<16xf32>
        %slice3A_1087 = vector.extract_strided_slice %get3A_191 {offsets = [3], sizes = [1], strides = [1]} : vector<16xf32> to vector<1xf32>
        %squeeze3A_1088 = vector.extract %slice3A_1087[0] : f32 from vector<1xf32>
        %mul3A_1089 = vector.broadcast %squeeze3A_1088 : f32 to vector<16xf32>
        %mul3A_1090 = arith.mulf %gather3A_152, %mul3A_1089 : vector<16xf32>
        %add3A_1091 = arith.addf %add3A_1086, %mul3A_1090 : vector<16xf32>
        %slice3A_1092 = vector.extract_strided_slice %get3A_195 {offsets = [3], sizes = [1], strides = [1]} : vector<16xf32> to vector<1xf32>
        %squeeze3A_1093 = vector.extract %slice3A_1092[0] : f32 from vector<1xf32>
        %mul3A_1094 = vector.broadcast %squeeze3A_1093 : f32 to vector<16xf32>
        %mul3A_1095 = arith.mulf %gather3A_155, %mul3A_1094 : vector<16xf32>
        %add3A_1096 = arith.addf %add3A_1091, %mul3A_1095 : vector<16xf32>
        %mul3A_1097 = arith.mulf %gather3A_1057, %add3A_1096 : vector<16xf32>
        tpu.vector_store_idx %arg13[%add3A_1056, %add3A_877], %mul3A_1097 : memref<80x128xf32, #tpu.memory_space<vmem>>[vector<16xi32>, vector<16xi32>], vector<16xf32>,
        %broadcast_in_dim3A_1098 = arith.constant 0 : i32
        %broadcast_in_dim3A_1099 = vector.broadcast %broadcast_in_dim3A_1098 : i32 to vector<16xi32>
        %add3A_1100 = arith.constant 4 : i32
        %add3A_1101 = arith.addi %mul3A_164, %add3A_1100 : i32
        %add3A_1102 = vector.broadcast %add3A_1101 : i32 to vector<16xi32>
        %add3A_1103 = arith.addi %broadcast_in_dim3A_1099, %add3A_1102 : vector<16xi32>
        %add3A_1104 = arith.constant 0 : i32
        %add3A_1105 = vector.broadcast %add3A_1104 : i32 to vector<16xi32>
        %add3A_1106 = arith.addi %iota3A, %add3A_1105 : vector<16xi32>
        %gather3A_1107 = tpu.vector_load_idx %arg12[%add3A_1106, %add3A_1103] : memref<80x128xf32, #tpu.memory_space<vmem>>[vector<16xi32>, vector<16xi32>], vector<16xf32>,
        %slice3A_1108 = vector.extract_strided_slice %get3A_167 {offsets = [4], sizes = [1], strides = [1]} : vector<16xf32> to vector<1xf32>
        %squeeze3A_1109 = vector.extract %slice3A_1108[0] : f32 from vector<1xf32>
        %mul3A_1110 = vector.broadcast %squeeze3A_1109 : f32 to vector<16xf32>
        %mul3A_1111 = arith.mulf %gather3A, %mul3A_1110 : vector<16xf32>
        %slice3A_1112 = vector.extract_strided_slice %get3A_171 {offsets = [4], sizes = [1], strides = [1]} : vector<16xf32> to vector<1xf32>
        %squeeze3A_1113 = vector.extract %slice3A_1112[0] : f32 from vector<1xf32>
        %mul3A_1114 = vector.broadcast %squeeze3A_1113 : f32 to vector<16xf32>
        %mul3A_1115 = arith.mulf %gather3A_29, %mul3A_1114 : vector<16xf32>
        %add3A_1116 = arith.addf %mul3A_1111, %mul3A_1115 : vector<16xf32>
        %slice3A_1117 = vector.extract_strided_slice %get3A_175 {offsets = [4], sizes = [1], strides = [1]} : vector<16xf32> to vector<1xf32>
        %squeeze3A_1118 = vector.extract %slice3A_1117[0] : f32 from vector<1xf32>
        %mul3A_1119 = vector.broadcast %squeeze3A_1118 : f32 to vector<16xf32>
        %mul3A_1120 = arith.mulf %gather3A_32, %mul3A_1119 : vector<16xf32>
        %add3A_1121 = arith.addf %add3A_1116, %mul3A_1120 : vector<16xf32>
        %slice3A_1122 = vector.extract_strided_slice %get3A_179 {offsets = [4], sizes = [1], strides = [1]} : vector<16xf32> to vector<1xf32>
        %squeeze3A_1123 = vector.extract %slice3A_1122[0] : f32 from vector<1xf32>
        %mul3A_1124 = vector.broadcast %squeeze3A_1123 : f32 to vector<16xf32>
        %mul3A_1125 = arith.mulf %gather3A_35, %mul3A_1124 : vector<16xf32>
        %add3A_1126 = arith.addf %add3A_1121, %mul3A_1125 : vector<16xf32>
        %slice3A_1127 = vector.extract_strided_slice %get3A_183 {offsets = [4], sizes = [1], strides = [1]} : vector<16xf32> to vector<1xf32>
        %squeeze3A_1128 = vector.extract %slice3A_1127[0] : f32 from vector<1xf32>
        %mul3A_1129 = vector.broadcast %squeeze3A_1128 : f32 to vector<16xf32>
        %mul3A_1130 = arith.mulf %gather3A_38, %mul3A_1129 : vector<16xf32>
        %add3A_1131 = arith.addf %add3A_1126, %mul3A_1130 : vector<16xf32>
        %slice3A_1132 = vector.extract_strided_slice %get3A_187 {offsets = [4], sizes = [1], strides = [1]} : vector<16xf32> to vector<1xf32>
        %squeeze3A_1133 = vector.extract %slice3A_1132[0] : f32 from vector<1xf32>
        %mul3A_1134 = vector.broadcast %squeeze3A_1133 : f32 to vector<16xf32>
        %mul3A_1135 = arith.mulf %gather3A_41, %mul3A_1134 : vector<16xf32>
        %add3A_1136 = arith.addf %add3A_1131, %mul3A_1135 : vector<16xf32>
        %slice3A_1137 = vector.extract_strided_slice %get3A_191 {offsets = [4], sizes = [1], strides = [1]} : vector<16xf32> to vector<1xf32>
        %squeeze3A_1138 = vector.extract %slice3A_1137[0] : f32 from vector<1xf32>
        %mul3A_1139 = vector.broadcast %squeeze3A_1138 : f32 to vector<16xf32>
        %mul3A_1140 = arith.mulf %gather3A_44, %mul3A_1139 : vector<16xf32>
        %add3A_1141 = arith.addf %add3A_1136, %mul3A_1140 : vector<16xf32>
        %slice3A_1142 = vector.extract_strided_slice %get3A_195 {offsets = [4], sizes = [1], strides = [1]} : vector<16xf32> to vector<1xf32>
        %squeeze3A_1143 = vector.extract %slice3A_1142[0] : f32 from vector<1xf32>
        %mul3A_1144 = vector.broadcast %squeeze3A_1143 : f32 to vector<16xf32>
        %mul3A_1145 = arith.mulf %gather3A_47, %mul3A_1144 : vector<16xf32>
        %add3A_1146 = arith.addf %add3A_1141, %mul3A_1145 : vector<16xf32>
        %mul3A_1147 = arith.mulf %gather3A_1107, %add3A_1146 : vector<16xf32>
        tpu.vector_store_idx %arg13[%add3A_1106, %add3A_1103], %mul3A_1147 : memref<80x128xf32, #tpu.memory_space<vmem>>[vector<16xi32>, vector<16xi32>], vector<16xf32>,
        %add3A_1148 = arith.constant 16 : i32
        %add3A_1149 = vector.broadcast %add3A_1148 : i32 to vector<16xi32>
        %add3A_1150 = arith.addi %iota3A, %add3A_1149 : vector<16xi32>
        %gather3A_1151 = tpu.vector_load_idx %arg12[%add3A_1150, %add3A_1103] : memref<80x128xf32, #tpu.memory_space<vmem>>[vector<16xi32>, vector<16xi32>], vector<16xf32>,
        %slice3A_1152 = vector.extract_strided_slice %get3A_167 {offsets = [4], sizes = [1], strides = [1]} : vector<16xf32> to vector<1xf32>
        %squeeze3A_1153 = vector.extract %slice3A_1152[0] : f32 from vector<1xf32>
        %mul3A_1154 = vector.broadcast %squeeze3A_1153 : f32 to vector<16xf32>
        %mul3A_1155 = arith.mulf %gather3A_53, %mul3A_1154 : vector<16xf32>
        %slice3A_1156 = vector.extract_strided_slice %get3A_171 {offsets = [4], sizes = [1], strides = [1]} : vector<16xf32> to vector<1xf32>
        %squeeze3A_1157 = vector.extract %slice3A_1156[0] : f32 from vector<1xf32>
        %mul3A_1158 = vector.broadcast %squeeze3A_1157 : f32 to vector<16xf32>
        %mul3A_1159 = arith.mulf %gather3A_56, %mul3A_1158 : vector<16xf32>
        %add3A_1160 = arith.addf %mul3A_1155, %mul3A_1159 : vector<16xf32>
        %slice3A_1161 = vector.extract_strided_slice %get3A_175 {offsets = [4], sizes = [1], strides = [1]} : vector<16xf32> to vector<1xf32>
        %squeeze3A_1162 = vector.extract %slice3A_1161[0] : f32 from vector<1xf32>
        %mul3A_1163 = vector.broadcast %squeeze3A_1162 : f32 to vector<16xf32>
        %mul3A_1164 = arith.mulf %gather3A_59, %mul3A_1163 : vector<16xf32>
        %add3A_1165 = arith.addf %add3A_1160, %mul3A_1164 : vector<16xf32>
        %slice3A_1166 = vector.extract_strided_slice %get3A_179 {offsets = [4], sizes = [1], strides = [1]} : vector<16xf32> to vector<1xf32>
        %squeeze3A_1167 = vector.extract %slice3A_1166[0] : f32 from vector<1xf32>
        %mul3A_1168 = vector.broadcast %squeeze3A_1167 : f32 to vector<16xf32>
        %mul3A_1169 = arith.mulf %gather3A_62, %mul3A_1168 : vector<16xf32>
        %add3A_1170 = arith.addf %add3A_1165, %mul3A_1169 : vector<16xf32>
        %slice3A_1171 = vector.extract_strided_slice %get3A_183 {offsets = [4], sizes = [1], strides = [1]} : vector<16xf32> to vector<1xf32>
        %squeeze3A_1172 = vector.extract %slice3A_1171[0] : f32 from vector<1xf32>
        %mul3A_1173 = vector.broadcast %squeeze3A_1172 : f32 to vector<16xf32>
        %mul3A_1174 = arith.mulf %gather3A_65, %mul3A_1173 : vector<16xf32>
        %add3A_1175 = arith.addf %add3A_1170, %mul3A_1174 : vector<16xf32>
        %slice3A_1176 = vector.extract_strided_slice %get3A_187 {offsets = [4], sizes = [1], strides = [1]} : vector<16xf32> to vector<1xf32>
        %squeeze3A_1177 = vector.extract %slice3A_1176[0] : f32 from vector<1xf32>
        %mul3A_1178 = vector.broadcast %squeeze3A_1177 : f32 to vector<16xf32>
        %mul3A_1179 = arith.mulf %gather3A_68, %mul3A_1178 : vector<16xf32>
        %add3A_1180 = arith.addf %add3A_1175, %mul3A_1179 : vector<16xf32>
        %slice3A_1181 = vector.extract_strided_slice %get3A_191 {offsets = [4], sizes = [1], strides = [1]} : vector<16xf32> to vector<1xf32>
        %squeeze3A_1182 = vector.extract %slice3A_1181[0] : f32 from vector<1xf32>
        %mul3A_1183 = vector.broadcast %squeeze3A_1182 : f32 to vector<16xf32>
        %mul3A_1184 = arith.mulf %gather3A_71, %mul3A_1183 : vector<16xf32>
        %add3A_1185 = arith.addf %add3A_1180, %mul3A_1184 : vector<16xf32>
        %slice3A_1186 = vector.extract_strided_slice %get3A_195 {offsets = [4], sizes = [1], strides = [1]} : vector<16xf32> to vector<1xf32>
        %squeeze3A_1187 = vector.extract %slice3A_1186[0] : f32 from vector<1xf32>
        %mul3A_1188 = vector.broadcast %squeeze3A_1187 : f32 to vector<16xf32>
        %mul3A_1189 = arith.mulf %gather3A_74, %mul3A_1188 : vector<16xf32>
        %add3A_1190 = arith.addf %add3A_1185, %mul3A_1189 : vector<16xf32>
        %mul3A_1191 = arith.mulf %gather3A_1151, %add3A_1190 : vector<16xf32>
        tpu.vector_store_idx %arg13[%add3A_1150, %add3A_1103], %mul3A_1191 : memref<80x128xf32, #tpu.memory_space<vmem>>[vector<16xi32>, vector<16xi32>], vector<16xf32>,
        %add3A_1192 = arith.constant 32 : i32
        %add3A_1193 = vector.broadcast %add3A_1192 : i32 to vector<16xi32>
        %add3A_1194 = arith.addi %iota3A, %add3A_1193 : vector<16xi32>
        %gather3A_1195 = tpu.vector_load_idx %arg12[%add3A_1194, %add3A_1103] : memref<80x128xf32, #tpu.memory_space<vmem>>[vector<16xi32>, vector<16xi32>], vector<16xf32>,
        %slice3A_1196 = vector.extract_strided_slice %get3A_167 {offsets = [4], sizes = [1], strides = [1]} : vector<16xf32> to vector<1xf32>
        %squeeze3A_1197 = vector.extract %slice3A_1196[0] : f32 from vector<1xf32>
        %mul3A_1198 = vector.broadcast %squeeze3A_1197 : f32 to vector<16xf32>
        %mul3A_1199 = arith.mulf %gather3A_80, %mul3A_1198 : vector<16xf32>
        %slice3A_1200 = vector.extract_strided_slice %get3A_171 {offsets = [4], sizes = [1], strides = [1]} : vector<16xf32> to vector<1xf32>
        %squeeze3A_1201 = vector.extract %slice3A_1200[0] : f32 from vector<1xf32>
        %mul3A_1202 = vector.broadcast %squeeze3A_1201 : f32 to vector<16xf32>
        %mul3A_1203 = arith.mulf %gather3A_83, %mul3A_1202 : vector<16xf32>
        %add3A_1204 = arith.addf %mul3A_1199, %mul3A_1203 : vector<16xf32>
        %slice3A_1205 = vector.extract_strided_slice %get3A_175 {offsets = [4], sizes = [1], strides = [1]} : vector<16xf32> to vector<1xf32>
        %squeeze3A_1206 = vector.extract %slice3A_1205[0] : f32 from vector<1xf32>
        %mul3A_1207 = vector.broadcast %squeeze3A_1206 : f32 to vector<16xf32>
        %mul3A_1208 = arith.mulf %gather3A_86, %mul3A_1207 : vector<16xf32>
        %add3A_1209 = arith.addf %add3A_1204, %mul3A_1208 : vector<16xf32>
        %slice3A_1210 = vector.extract_strided_slice %get3A_179 {offsets = [4], sizes = [1], strides = [1]} : vector<16xf32> to vector<1xf32>
        %squeeze3A_1211 = vector.extract %slice3A_1210[0] : f32 from vector<1xf32>
        %mul3A_1212 = vector.broadcast %squeeze3A_1211 : f32 to vector<16xf32>
        %mul3A_1213 = arith.mulf %gather3A_89, %mul3A_1212 : vector<16xf32>
        %add3A_1214 = arith.addf %add3A_1209, %mul3A_1213 : vector<16xf32>
        %slice3A_1215 = vector.extract_strided_slice %get3A_183 {offsets = [4], sizes = [1], strides = [1]} : vector<16xf32> to vector<1xf32>
        %squeeze3A_1216 = vector.extract %slice3A_1215[0] : f32 from vector<1xf32>
        %mul3A_1217 = vector.broadcast %squeeze3A_1216 : f32 to vector<16xf32>
        %mul3A_1218 = arith.mulf %gather3A_92, %mul3A_1217 : vector<16xf32>
        %add3A_1219 = arith.addf %add3A_1214, %mul3A_1218 : vector<16xf32>
        %slice3A_1220 = vector.extract_strided_slice %get3A_187 {offsets = [4], sizes = [1], strides = [1]} : vector<16xf32> to vector<1xf32>
        %squeeze3A_1221 = vector.extract %slice3A_1220[0] : f32 from vector<1xf32>
        %mul3A_1222 = vector.broadcast %squeeze3A_1221 : f32 to vector<16xf32>
        %mul3A_1223 = arith.mulf %gather3A_95, %mul3A_1222 : vector<16xf32>
        %add3A_1224 = arith.addf %add3A_1219, %mul3A_1223 : vector<16xf32>
        %slice3A_1225 = vector.extract_strided_slice %get3A_191 {offsets = [4], sizes = [1], strides = [1]} : vector<16xf32> to vector<1xf32>
        %squeeze3A_1226 = vector.extract %slice3A_1225[0] : f32 from vector<1xf32>
        %mul3A_1227 = vector.broadcast %squeeze3A_1226 : f32 to vector<16xf32>
        %mul3A_1228 = arith.mulf %gather3A_98, %mul3A_1227 : vector<16xf32>
        %add3A_1229 = arith.addf %add3A_1224, %mul3A_1228 : vector<16xf32>
        %slice3A_1230 = vector.extract_strided_slice %get3A_195 {offsets = [4], sizes = [1], strides = [1]} : vector<16xf32> to vector<1xf32>
        %squeeze3A_1231 = vector.extract %slice3A_1230[0] : f32 from vector<1xf32>
        %mul3A_1232 = vector.broadcast %squeeze3A_1231 : f32 to vector<16xf32>
        %mul3A_1233 = arith.mulf %gather3A_101, %mul3A_1232 : vector<16xf32>
        %add3A_1234 = arith.addf %add3A_1229, %mul3A_1233 : vector<16xf32>
        %mul3A_1235 = arith.mulf %gather3A_1195, %add3A_1234 : vector<16xf32>
        tpu.vector_store_idx %arg13[%add3A_1194, %add3A_1103], %mul3A_1235 : memref<80x128xf32, #tpu.memory_space<vmem>>[vector<16xi32>, vector<16xi32>], vector<16xf32>,
        %add3A_1236 = arith.constant 48 : i32
        %add3A_1237 = vector.broadcast %add3A_1236 : i32 to vector<16xi32>
        %add3A_1238 = arith.addi %iota3A, %add3A_1237 : vector<16xi32>
        %gather3A_1239 = tpu.vector_load_idx %arg12[%add3A_1238, %add3A_1103] : memref<80x128xf32, #tpu.memory_space<vmem>>[vector<16xi32>, vector<16xi32>], vector<16xf32>,
        %slice3A_1240 = vector.extract_strided_slice %get3A_167 {offsets = [4], sizes = [1], strides = [1]} : vector<16xf32> to vector<1xf32>
        %squeeze3A_1241 = vector.extract %slice3A_1240[0] : f32 from vector<1xf32>
        %mul3A_1242 = vector.broadcast %squeeze3A_1241 : f32 to vector<16xf32>
        %mul3A_1243 = arith.mulf %gather3A_107, %mul3A_1242 : vector<16xf32>
        %slice3A_1244 = vector.extract_strided_slice %get3A_171 {offsets = [4], sizes = [1], strides = [1]} : vector<16xf32> to vector<1xf32>
        %squeeze3A_1245 = vector.extract %slice3A_1244[0] : f32 from vector<1xf32>
        %mul3A_1246 = vector.broadcast %squeeze3A_1245 : f32 to vector<16xf32>
        %mul3A_1247 = arith.mulf %gather3A_110, %mul3A_1246 : vector<16xf32>
        %add3A_1248 = arith.addf %mul3A_1243, %mul3A_1247 : vector<16xf32>
        %slice3A_1249 = vector.extract_strided_slice %get3A_175 {offsets = [4], sizes = [1], strides = [1]} : vector<16xf32> to vector<1xf32>
        %squeeze3A_1250 = vector.extract %slice3A_1249[0] : f32 from vector<1xf32>
        %mul3A_1251 = vector.broadcast %squeeze3A_1250 : f32 to vector<16xf32>
        %mul3A_1252 = arith.mulf %gather3A_113, %mul3A_1251 : vector<16xf32>
        %add3A_1253 = arith.addf %add3A_1248, %mul3A_1252 : vector<16xf32>
        %slice3A_1254 = vector.extract_strided_slice %get3A_179 {offsets = [4], sizes = [1], strides = [1]} : vector<16xf32> to vector<1xf32>
        %squeeze3A_1255 = vector.extract %slice3A_1254[0] : f32 from vector<1xf32>
        %mul3A_1256 = vector.broadcast %squeeze3A_1255 : f32 to vector<16xf32>
        %mul3A_1257 = arith.mulf %gather3A_116, %mul3A_1256 : vector<16xf32>
        %add3A_1258 = arith.addf %add3A_1253, %mul3A_1257 : vector<16xf32>
        %slice3A_1259 = vector.extract_strided_slice %get3A_183 {offsets = [4], sizes = [1], strides = [1]} : vector<16xf32> to vector<1xf32>
        %squeeze3A_1260 = vector.extract %slice3A_1259[0] : f32 from vector<1xf32>
        %mul3A_1261 = vector.broadcast %squeeze3A_1260 : f32 to vector<16xf32>
        %mul3A_1262 = arith.mulf %gather3A_119, %mul3A_1261 : vector<16xf32>
        %add3A_1263 = arith.addf %add3A_1258, %mul3A_1262 : vector<16xf32>
        %slice3A_1264 = vector.extract_strided_slice %get3A_187 {offsets = [4], sizes = [1], strides = [1]} : vector<16xf32> to vector<1xf32>
        %squeeze3A_1265 = vector.extract %slice3A_1264[0] : f32 from vector<1xf32>
        %mul3A_1266 = vector.broadcast %squeeze3A_1265 : f32 to vector<16xf32>
        %mul3A_1267 = arith.mulf %gather3A_122, %mul3A_1266 : vector<16xf32>
        %add3A_1268 = arith.addf %add3A_1263, %mul3A_1267 : vector<16xf32>
        %slice3A_1269 = vector.extract_strided_slice %get3A_191 {offsets = [4], sizes = [1], strides = [1]} : vector<16xf32> to vector<1xf32>
        %squeeze3A_1270 = vector.extract %slice3A_1269[0] : f32 from vector<1xf32>
        %mul3A_1271 = vector.broadcast %squeeze3A_1270 : f32 to vector<16xf32>
        %mul3A_1272 = arith.mulf %gather3A_125, %mul3A_1271 : vector<16xf32>
        %add3A_1273 = arith.addf %add3A_1268, %mul3A_1272 : vector<16xf32>
        %slice3A_1274 = vector.extract_strided_slice %get3A_195 {offsets = [4], sizes = [1], strides = [1]} : vector<16xf32> to vector<1xf32>
        %squeeze3A_1275 = vector.extract %slice3A_1274[0] : f32 from vector<1xf32>
        %mul3A_1276 = vector.broadcast %squeeze3A_1275 : f32 to vector<16xf32>
        %mul3A_1277 = arith.mulf %gather3A_128, %mul3A_1276 : vector<16xf32>
        %add3A_1278 = arith.addf %add3A_1273, %mul3A_1277 : vector<16xf32>
        %mul3A_1279 = arith.mulf %gather3A_1239, %add3A_1278 : vector<16xf32>
        tpu.vector_store_idx %arg13[%add3A_1238, %add3A_1103], %mul3A_1279 : memref<80x128xf32, #tpu.memory_space<vmem>>[vector<16xi32>, vector<16xi32>], vector<16xf32>,
        %add3A_1280 = arith.constant 64 : i32
        %add3A_1281 = vector.broadcast %add3A_1280 : i32 to vector<16xi32>
        %add3A_1282 = arith.addi %iota3A, %add3A_1281 : vector<16xi32>
        %gather3A_1283 = tpu.vector_load_idx %arg12[%add3A_1282, %add3A_1103] : memref<80x128xf32, #tpu.memory_space<vmem>>[vector<16xi32>, vector<16xi32>], vector<16xf32>,
        %slice3A_1284 = vector.extract_strided_slice %get3A_167 {offsets = [4], sizes = [1], strides = [1]} : vector<16xf32> to vector<1xf32>
        %squeeze3A_1285 = vector.extract %slice3A_1284[0] : f32 from vector<1xf32>
        %mul3A_1286 = vector.broadcast %squeeze3A_1285 : f32 to vector<16xf32>
        %mul3A_1287 = arith.mulf %gather3A_134, %mul3A_1286 : vector<16xf32>
        %slice3A_1288 = vector.extract_strided_slice %get3A_171 {offsets = [4], sizes = [1], strides = [1]} : vector<16xf32> to vector<1xf32>
        %squeeze3A_1289 = vector.extract %slice3A_1288[0] : f32 from vector<1xf32>
        %mul3A_1290 = vector.broadcast %squeeze3A_1289 : f32 to vector<16xf32>
        %mul3A_1291 = arith.mulf %gather3A_137, %mul3A_1290 : vector<16xf32>
        %add3A_1292 = arith.addf %mul3A_1287, %mul3A_1291 : vector<16xf32>
        %slice3A_1293 = vector.extract_strided_slice %get3A_175 {offsets = [4], sizes = [1], strides = [1]} : vector<16xf32> to vector<1xf32>
        %squeeze3A_1294 = vector.extract %slice3A_1293[0] : f32 from vector<1xf32>
        %mul3A_1295 = vector.broadcast %squeeze3A_1294 : f32 to vector<16xf32>
        %mul3A_1296 = arith.mulf %gather3A_140, %mul3A_1295 : vector<16xf32>
        %add3A_1297 = arith.addf %add3A_1292, %mul3A_1296 : vector<16xf32>
        %slice3A_1298 = vector.extract_strided_slice %get3A_179 {offsets = [4], sizes = [1], strides = [1]} : vector<16xf32> to vector<1xf32>
        %squeeze3A_1299 = vector.extract %slice3A_1298[0] : f32 from vector<1xf32>
        %mul3A_1300 = vector.broadcast %squeeze3A_1299 : f32 to vector<16xf32>
        %mul3A_1301 = arith.mulf %gather3A_143, %mul3A_1300 : vector<16xf32>
        %add3A_1302 = arith.addf %add3A_1297, %mul3A_1301 : vector<16xf32>
        %slice3A_1303 = vector.extract_strided_slice %get3A_183 {offsets = [4], sizes = [1], strides = [1]} : vector<16xf32> to vector<1xf32>
        %squeeze3A_1304 = vector.extract %slice3A_1303[0] : f32 from vector<1xf32>
        %mul3A_1305 = vector.broadcast %squeeze3A_1304 : f32 to vector<16xf32>
        %mul3A_1306 = arith.mulf %gather3A_146, %mul3A_1305 : vector<16xf32>
        %add3A_1307 = arith.addf %add3A_1302, %mul3A_1306 : vector<16xf32>
        %slice3A_1308 = vector.extract_strided_slice %get3A_187 {offsets = [4], sizes = [1], strides = [1]} : vector<16xf32> to vector<1xf32>
        %squeeze3A_1309 = vector.extract %slice3A_1308[0] : f32 from vector<1xf32>
        %mul3A_1310 = vector.broadcast %squeeze3A_1309 : f32 to vector<16xf32>
        %mul3A_1311 = arith.mulf %gather3A_149, %mul3A_1310 : vector<16xf32>
        %add3A_1312 = arith.addf %add3A_1307, %mul3A_1311 : vector<16xf32>
        %slice3A_1313 = vector.extract_strided_slice %get3A_191 {offsets = [4], sizes = [1], strides = [1]} : vector<16xf32> to vector<1xf32>
        %squeeze3A_1314 = vector.extract %slice3A_1313[0] : f32 from vector<1xf32>
        %mul3A_1315 = vector.broadcast %squeeze3A_1314 : f32 to vector<16xf32>
        %mul3A_1316 = arith.mulf %gather3A_152, %mul3A_1315 : vector<16xf32>
        %add3A_1317 = arith.addf %add3A_1312, %mul3A_1316 : vector<16xf32>
        %slice3A_1318 = vector.extract_strided_slice %get3A_195 {offsets = [4], sizes = [1], strides = [1]} : vector<16xf32> to vector<1xf32>
        %squeeze3A_1319 = vector.extract %slice3A_1318[0] : f32 from vector<1xf32>
        %mul3A_1320 = vector.broadcast %squeeze3A_1319 : f32 to vector<16xf32>
        %mul3A_1321 = arith.mulf %gather3A_155, %mul3A_1320 : vector<16xf32>
        %add3A_1322 = arith.addf %add3A_1317, %mul3A_1321 : vector<16xf32>
        %mul3A_1323 = arith.mulf %gather3A_1283, %add3A_1322 : vector<16xf32>
        tpu.vector_store_idx %arg13[%add3A_1282, %add3A_1103], %mul3A_1323 : memref<80x128xf32, #tpu.memory_space<vmem>>[vector<16xi32>, vector<16xi32>], vector<16xf32>,
        %broadcast_in_dim3A_1324 = arith.constant 0 : i32
        %broadcast_in_dim3A_1325 = vector.broadcast %broadcast_in_dim3A_1324 : i32 to vector<16xi32>
        %add3A_1326 = arith.constant 5 : i32
        %add3A_1327 = arith.addi %mul3A_164, %add3A_1326 : i32
        %add3A_1328 = vector.broadcast %add3A_1327 : i32 to vector<16xi32>
        %add3A_1329 = arith.addi %broadcast_in_dim3A_1325, %add3A_1328 : vector<16xi32>
        %add3A_1330 = arith.constant 0 : i32
        %add3A_1331 = vector.broadcast %add3A_1330 : i32 to vector<16xi32>
        %add3A_1332 = arith.addi %iota3A, %add3A_1331 : vector<16xi32>
        %gather3A_1333 = tpu.vector_load_idx %arg12[%add3A_1332, %add3A_1329] : memref<80x128xf32, #tpu.memory_space<vmem>>[vector<16xi32>, vector<16xi32>], vector<16xf32>,
        %slice3A_1334 = vector.extract_strided_slice %get3A_167 {offsets = [5], sizes = [1], strides = [1]} : vector<16xf32> to vector<1xf32>
        %squeeze3A_1335 = vector.extract %slice3A_1334[0] : f32 from vector<1xf32>
        %mul3A_1336 = vector.broadcast %squeeze3A_1335 : f32 to vector<16xf32>
        %mul3A_1337 = arith.mulf %gather3A, %mul3A_1336 : vector<16xf32>
        %slice3A_1338 = vector.extract_strided_slice %get3A_171 {offsets = [5], sizes = [1], strides = [1]} : vector<16xf32> to vector<1xf32>
        %squeeze3A_1339 = vector.extract %slice3A_1338[0] : f32 from vector<1xf32>
        %mul3A_1340 = vector.broadcast %squeeze3A_1339 : f32 to vector<16xf32>
        %mul3A_1341 = arith.mulf %gather3A_29, %mul3A_1340 : vector<16xf32>
        %add3A_1342 = arith.addf %mul3A_1337, %mul3A_1341 : vector<16xf32>
        %slice3A_1343 = vector.extract_strided_slice %get3A_175 {offsets = [5], sizes = [1], strides = [1]} : vector<16xf32> to vector<1xf32>
        %squeeze3A_1344 = vector.extract %slice3A_1343[0] : f32 from vector<1xf32>
        %mul3A_1345 = vector.broadcast %squeeze3A_1344 : f32 to vector<16xf32>
        %mul3A_1346 = arith.mulf %gather3A_32, %mul3A_1345 : vector<16xf32>
        %add3A_1347 = arith.addf %add3A_1342, %mul3A_1346 : vector<16xf32>
        %slice3A_1348 = vector.extract_strided_slice %get3A_179 {offsets = [5], sizes = [1], strides = [1]} : vector<16xf32> to vector<1xf32>
        %squeeze3A_1349 = vector.extract %slice3A_1348[0] : f32 from vector<1xf32>
        %mul3A_1350 = vector.broadcast %squeeze3A_1349 : f32 to vector<16xf32>
        %mul3A_1351 = arith.mulf %gather3A_35, %mul3A_1350 : vector<16xf32>
        %add3A_1352 = arith.addf %add3A_1347, %mul3A_1351 : vector<16xf32>
        %slice3A_1353 = vector.extract_strided_slice %get3A_183 {offsets = [5], sizes = [1], strides = [1]} : vector<16xf32> to vector<1xf32>
        %squeeze3A_1354 = vector.extract %slice3A_1353[0] : f32 from vector<1xf32>
        %mul3A_1355 = vector.broadcast %squeeze3A_1354 : f32 to vector<16xf32>
        %mul3A_1356 = arith.mulf %gather3A_38, %mul3A_1355 : vector<16xf32>
        %add3A_1357 = arith.addf %add3A_1352, %mul3A_1356 : vector<16xf32>
        %slice3A_1358 = vector.extract_strided_slice %get3A_187 {offsets = [5], sizes = [1], strides = [1]} : vector<16xf32> to vector<1xf32>
        %squeeze3A_1359 = vector.extract %slice3A_1358[0] : f32 from vector<1xf32>
        %mul3A_1360 = vector.broadcast %squeeze3A_1359 : f32 to vector<16xf32>
        %mul3A_1361 = arith.mulf %gather3A_41, %mul3A_1360 : vector<16xf32>
        %add3A_1362 = arith.addf %add3A_1357, %mul3A_1361 : vector<16xf32>
        %slice3A_1363 = vector.extract_strided_slice %get3A_191 {offsets = [5], sizes = [1], strides = [1]} : vector<16xf32> to vector<1xf32>
        %squeeze3A_1364 = vector.extract %slice3A_1363[0] : f32 from vector<1xf32>
        %mul3A_1365 = vector.broadcast %squeeze3A_1364 : f32 to vector<16xf32>
        %mul3A_1366 = arith.mulf %gather3A_44, %mul3A_1365 : vector<16xf32>
        %add3A_1367 = arith.addf %add3A_1362, %mul3A_1366 : vector<16xf32>
        %slice3A_1368 = vector.extract_strided_slice %get3A_195 {offsets = [5], sizes = [1], strides = [1]} : vector<16xf32> to vector<1xf32>
        %squeeze3A_1369 = vector.extract %slice3A_1368[0] : f32 from vector<1xf32>
        %mul3A_1370 = vector.broadcast %squeeze3A_1369 : f32 to vector<16xf32>
        %mul3A_1371 = arith.mulf %gather3A_47, %mul3A_1370 : vector<16xf32>
        %add3A_1372 = arith.addf %add3A_1367, %mul3A_1371 : vector<16xf32>
        %mul3A_1373 = arith.mulf %gather3A_1333, %add3A_1372 : vector<16xf32>
        tpu.vector_store_idx %arg13[%add3A_1332, %add3A_1329], %mul3A_1373 : memref<80x128xf32, #tpu.memory_space<vmem>>[vector<16xi32>, vector<16xi32>], vector<16xf32>,
        %add3A_1374 = arith.constant 16 : i32
        %add3A_1375 = vector.broadcast %add3A_1374 : i32 to vector<16xi32>
        %add3A_1376 = arith.addi %iota3A, %add3A_1375 : vector<16xi32>
        %gather3A_1377 = tpu.vector_load_idx %arg12[%add3A_1376, %add3A_1329] : memref<80x128xf32, #tpu.memory_space<vmem>>[vector<16xi32>, vector<16xi32>], vector<16xf32>,
        %slice3A_1378 = vector.extract_strided_slice %get3A_167 {offsets = [5], sizes = [1], strides = [1]} : vector<16xf32> to vector<1xf32>
        %squeeze3A_1379 = vector.extract %slice3A_1378[0] : f32 from vector<1xf32>
        %mul3A_1380 = vector.broadcast %squeeze3A_1379 : f32 to vector<16xf32>
        %mul3A_1381 = arith.mulf %gather3A_53, %mul3A_1380 : vector<16xf32>
        %slice3A_1382 = vector.extract_strided_slice %get3A_171 {offsets = [5], sizes = [1], strides = [1]} : vector<16xf32> to vector<1xf32>
        %squeeze3A_1383 = vector.extract %slice3A_1382[0] : f32 from vector<1xf32>
        %mul3A_1384 = vector.broadcast %squeeze3A_1383 : f32 to vector<16xf32>
        %mul3A_1385 = arith.mulf %gather3A_56, %mul3A_1384 : vector<16xf32>
        %add3A_1386 = arith.addf %mul3A_1381, %mul3A_1385 : vector<16xf32>
        %slice3A_1387 = vector.extract_strided_slice %get3A_175 {offsets = [5], sizes = [1], strides = [1]} : vector<16xf32> to vector<1xf32>
        %squeeze3A_1388 = vector.extract %slice3A_1387[0] : f32 from vector<1xf32>
        %mul3A_1389 = vector.broadcast %squeeze3A_1388 : f32 to vector<16xf32>
        %mul3A_1390 = arith.mulf %gather3A_59, %mul3A_1389 : vector<16xf32>
        %add3A_1391 = arith.addf %add3A_1386, %mul3A_1390 : vector<16xf32>
        %slice3A_1392 = vector.extract_strided_slice %get3A_179 {offsets = [5], sizes = [1], strides = [1]} : vector<16xf32> to vector<1xf32>
        %squeeze3A_1393 = vector.extract %slice3A_1392[0] : f32 from vector<1xf32>
        %mul3A_1394 = vector.broadcast %squeeze3A_1393 : f32 to vector<16xf32>
        %mul3A_1395 = arith.mulf %gather3A_62, %mul3A_1394 : vector<16xf32>
        %add3A_1396 = arith.addf %add3A_1391, %mul3A_1395 : vector<16xf32>
        %slice3A_1397 = vector.extract_strided_slice %get3A_183 {offsets = [5], sizes = [1], strides = [1]} : vector<16xf32> to vector<1xf32>
        %squeeze3A_1398 = vector.extract %slice3A_1397[0] : f32 from vector<1xf32>
        %mul3A_1399 = vector.broadcast %squeeze3A_1398 : f32 to vector<16xf32>
        %mul3A_1400 = arith.mulf %gather3A_65, %mul3A_1399 : vector<16xf32>
        %add3A_1401 = arith.addf %add3A_1396, %mul3A_1400 : vector<16xf32>
        %slice3A_1402 = vector.extract_strided_slice %get3A_187 {offsets = [5], sizes = [1], strides = [1]} : vector<16xf32> to vector<1xf32>
        %squeeze3A_1403 = vector.extract %slice3A_1402[0] : f32 from vector<1xf32>
        %mul3A_1404 = vector.broadcast %squeeze3A_1403 : f32 to vector<16xf32>
        %mul3A_1405 = arith.mulf %gather3A_68, %mul3A_1404 : vector<16xf32>
        %add3A_1406 = arith.addf %add3A_1401, %mul3A_1405 : vector<16xf32>
        %slice3A_1407 = vector.extract_strided_slice %get3A_191 {offsets = [5], sizes = [1], strides = [1]} : vector<16xf32> to vector<1xf32>
        %squeeze3A_1408 = vector.extract %slice3A_1407[0] : f32 from vector<1xf32>
        %mul3A_1409 = vector.broadcast %squeeze3A_1408 : f32 to vector<16xf32>
        %mul3A_1410 = arith.mulf %gather3A_71, %mul3A_1409 : vector<16xf32>
        %add3A_1411 = arith.addf %add3A_1406, %mul3A_1410 : vector<16xf32>
        %slice3A_1412 = vector.extract_strided_slice %get3A_195 {offsets = [5], sizes = [1], strides = [1]} : vector<16xf32> to vector<1xf32>
        %squeeze3A_1413 = vector.extract %slice3A_1412[0] : f32 from vector<1xf32>
        %mul3A_1414 = vector.broadcast %squeeze3A_1413 : f32 to vector<16xf32>
        %mul3A_1415 = arith.mulf %gather3A_74, %mul3A_1414 : vector<16xf32>
        %add3A_1416 = arith.addf %add3A_1411, %mul3A_1415 : vector<16xf32>
        %mul3A_1417 = arith.mulf %gather3A_1377, %add3A_1416 : vector<16xf32>
        tpu.vector_store_idx %arg13[%add3A_1376, %add3A_1329], %mul3A_1417 : memref<80x128xf32, #tpu.memory_space<vmem>>[vector<16xi32>, vector<16xi32>], vector<16xf32>,
        %add3A_1418 = arith.constant 32 : i32
        %add3A_1419 = vector.broadcast %add3A_1418 : i32 to vector<16xi32>
        %add3A_1420 = arith.addi %iota3A, %add3A_1419 : vector<16xi32>
        %gather3A_1421 = tpu.vector_load_idx %arg12[%add3A_1420, %add3A_1329] : memref<80x128xf32, #tpu.memory_space<vmem>>[vector<16xi32>, vector<16xi32>], vector<16xf32>,
        %slice3A_1422 = vector.extract_strided_slice %get3A_167 {offsets = [5], sizes = [1], strides = [1]} : vector<16xf32> to vector<1xf32>
        %squeeze3A_1423 = vector.extract %slice3A_1422[0] : f32 from vector<1xf32>
        %mul3A_1424 = vector.broadcast %squeeze3A_1423 : f32 to vector<16xf32>
        %mul3A_1425 = arith.mulf %gather3A_80, %mul3A_1424 : vector<16xf32>
        %slice3A_1426 = vector.extract_strided_slice %get3A_171 {offsets = [5], sizes = [1], strides = [1]} : vector<16xf32> to vector<1xf32>
        %squeeze3A_1427 = vector.extract %slice3A_1426[0] : f32 from vector<1xf32>
        %mul3A_1428 = vector.broadcast %squeeze3A_1427 : f32 to vector<16xf32>
        %mul3A_1429 = arith.mulf %gather3A_83, %mul3A_1428 : vector<16xf32>
        %add3A_1430 = arith.addf %mul3A_1425, %mul3A_1429 : vector<16xf32>
        %slice3A_1431 = vector.extract_strided_slice %get3A_175 {offsets = [5], sizes = [1], strides = [1]} : vector<16xf32> to vector<1xf32>
        %squeeze3A_1432 = vector.extract %slice3A_1431[0] : f32 from vector<1xf32>
        %mul3A_1433 = vector.broadcast %squeeze3A_1432 : f32 to vector<16xf32>
        %mul3A_1434 = arith.mulf %gather3A_86, %mul3A_1433 : vector<16xf32>
        %add3A_1435 = arith.addf %add3A_1430, %mul3A_1434 : vector<16xf32>
        %slice3A_1436 = vector.extract_strided_slice %get3A_179 {offsets = [5], sizes = [1], strides = [1]} : vector<16xf32> to vector<1xf32>
        %squeeze3A_1437 = vector.extract %slice3A_1436[0] : f32 from vector<1xf32>
        %mul3A_1438 = vector.broadcast %squeeze3A_1437 : f32 to vector<16xf32>
        %mul3A_1439 = arith.mulf %gather3A_89, %mul3A_1438 : vector<16xf32>
        %add3A_1440 = arith.addf %add3A_1435, %mul3A_1439 : vector<16xf32>
        %slice3A_1441 = vector.extract_strided_slice %get3A_183 {offsets = [5], sizes = [1], strides = [1]} : vector<16xf32> to vector<1xf32>
        %squeeze3A_1442 = vector.extract %slice3A_1441[0] : f32 from vector<1xf32>
        %mul3A_1443 = vector.broadcast %squeeze3A_1442 : f32 to vector<16xf32>
        %mul3A_1444 = arith.mulf %gather3A_92, %mul3A_1443 : vector<16xf32>
        %add3A_1445 = arith.addf %add3A_1440, %mul3A_1444 : vector<16xf32>
        %slice3A_1446 = vector.extract_strided_slice %get3A_187 {offsets = [5], sizes = [1], strides = [1]} : vector<16xf32> to vector<1xf32>
        %squeeze3A_1447 = vector.extract %slice3A_1446[0] : f32 from vector<1xf32>
        %mul3A_1448 = vector.broadcast %squeeze3A_1447 : f32 to vector<16xf32>
        %mul3A_1449 = arith.mulf %gather3A_95, %mul3A_1448 : vector<16xf32>
        %add3A_1450 = arith.addf %add3A_1445, %mul3A_1449 : vector<16xf32>
        %slice3A_1451 = vector.extract_strided_slice %get3A_191 {offsets = [5], sizes = [1], strides = [1]} : vector<16xf32> to vector<1xf32>
        %squeeze3A_1452 = vector.extract %slice3A_1451[0] : f32 from vector<1xf32>
        %mul3A_1453 = vector.broadcast %squeeze3A_1452 : f32 to vector<16xf32>
        %mul3A_1454 = arith.mulf %gather3A_98, %mul3A_1453 : vector<16xf32>
        %add3A_1455 = arith.addf %add3A_1450, %mul3A_1454 : vector<16xf32>
        %slice3A_1456 = vector.extract_strided_slice %get3A_195 {offsets = [5], sizes = [1], strides = [1]} : vector<16xf32> to vector<1xf32>
        %squeeze3A_1457 = vector.extract %slice3A_1456[0] : f32 from vector<1xf32>
        %mul3A_1458 = vector.broadcast %squeeze3A_1457 : f32 to vector<16xf32>
        %mul3A_1459 = arith.mulf %gather3A_101, %mul3A_1458 : vector<16xf32>
        %add3A_1460 = arith.addf %add3A_1455, %mul3A_1459 : vector<16xf32>
        %mul3A_1461 = arith.mulf %gather3A_1421, %add3A_1460 : vector<16xf32>
        tpu.vector_store_idx %arg13[%add3A_1420, %add3A_1329], %mul3A_1461 : memref<80x128xf32, #tpu.memory_space<vmem>>[vector<16xi32>, vector<16xi32>], vector<16xf32>,
        %add3A_1462 = arith.constant 48 : i32
        %add3A_1463 = vector.broadcast %add3A_1462 : i32 to vector<16xi32>
        %add3A_1464 = arith.addi %iota3A, %add3A_1463 : vector<16xi32>
        %gather3A_1465 = tpu.vector_load_idx %arg12[%add3A_1464, %add3A_1329] : memref<80x128xf32, #tpu.memory_space<vmem>>[vector<16xi32>, vector<16xi32>], vector<16xf32>,
        %slice3A_1466 = vector.extract_strided_slice %get3A_167 {offsets = [5], sizes = [1], strides = [1]} : vector<16xf32> to vector<1xf32>
        %squeeze3A_1467 = vector.extract %slice3A_1466[0] : f32 from vector<1xf32>
        %mul3A_1468 = vector.broadcast %squeeze3A_1467 : f32 to vector<16xf32>
        %mul3A_1469 = arith.mulf %gather3A_107, %mul3A_1468 : vector<16xf32>
        %slice3A_1470 = vector.extract_strided_slice %get3A_171 {offsets = [5], sizes = [1], strides = [1]} : vector<16xf32> to vector<1xf32>
        %squeeze3A_1471 = vector.extract %slice3A_1470[0] : f32 from vector<1xf32>
        %mul3A_1472 = vector.broadcast %squeeze3A_1471 : f32 to vector<16xf32>
        %mul3A_1473 = arith.mulf %gather3A_110, %mul3A_1472 : vector<16xf32>
        %add3A_1474 = arith.addf %mul3A_1469, %mul3A_1473 : vector<16xf32>
        %slice3A_1475 = vector.extract_strided_slice %get3A_175 {offsets = [5], sizes = [1], strides = [1]} : vector<16xf32> to vector<1xf32>
        %squeeze3A_1476 = vector.extract %slice3A_1475[0] : f32 from vector<1xf32>
        %mul3A_1477 = vector.broadcast %squeeze3A_1476 : f32 to vector<16xf32>
        %mul3A_1478 = arith.mulf %gather3A_113, %mul3A_1477 : vector<16xf32>
        %add3A_1479 = arith.addf %add3A_1474, %mul3A_1478 : vector<16xf32>
        %slice3A_1480 = vector.extract_strided_slice %get3A_179 {offsets = [5], sizes = [1], strides = [1]} : vector<16xf32> to vector<1xf32>
        %squeeze3A_1481 = vector.extract %slice3A_1480[0] : f32 from vector<1xf32>
        %mul3A_1482 = vector.broadcast %squeeze3A_1481 : f32 to vector<16xf32>
        %mul3A_1483 = arith.mulf %gather3A_116, %mul3A_1482 : vector<16xf32>
        %add3A_1484 = arith.addf %add3A_1479, %mul3A_1483 : vector<16xf32>
        %slice3A_1485 = vector.extract_strided_slice %get3A_183 {offsets = [5], sizes = [1], strides = [1]} : vector<16xf32> to vector<1xf32>
        %squeeze3A_1486 = vector.extract %slice3A_1485[0] : f32 from vector<1xf32>
        %mul3A_1487 = vector.broadcast %squeeze3A_1486 : f32 to vector<16xf32>
        %mul3A_1488 = arith.mulf %gather3A_119, %mul3A_1487 : vector<16xf32>
        %add3A_1489 = arith.addf %add3A_1484, %mul3A_1488 : vector<16xf32>
        %slice3A_1490 = vector.extract_strided_slice %get3A_187 {offsets = [5], sizes = [1], strides = [1]} : vector<16xf32> to vector<1xf32>
        %squeeze3A_1491 = vector.extract %slice3A_1490[0] : f32 from vector<1xf32>
        %mul3A_1492 = vector.broadcast %squeeze3A_1491 : f32 to vector<16xf32>
        %mul3A_1493 = arith.mulf %gather3A_122, %mul3A_1492 : vector<16xf32>
        %add3A_1494 = arith.addf %add3A_1489, %mul3A_1493 : vector<16xf32>
        %slice3A_1495 = vector.extract_strided_slice %get3A_191 {offsets = [5], sizes = [1], strides = [1]} : vector<16xf32> to vector<1xf32>
        %squeeze3A_1496 = vector.extract %slice3A_1495[0] : f32 from vector<1xf32>
        %mul3A_1497 = vector.broadcast %squeeze3A_1496 : f32 to vector<16xf32>
        %mul3A_1498 = arith.mulf %gather3A_125, %mul3A_1497 : vector<16xf32>
        %add3A_1499 = arith.addf %add3A_1494, %mul3A_1498 : vector<16xf32>
        %slice3A_1500 = vector.extract_strided_slice %get3A_195 {offsets = [5], sizes = [1], strides = [1]} : vector<16xf32> to vector<1xf32>
        %squeeze3A_1501 = vector.extract %slice3A_1500[0] : f32 from vector<1xf32>
        %mul3A_1502 = vector.broadcast %squeeze3A_1501 : f32 to vector<16xf32>
        %mul3A_1503 = arith.mulf %gather3A_128, %mul3A_1502 : vector<16xf32>
        %add3A_1504 = arith.addf %add3A_1499, %mul3A_1503 : vector<16xf32>
        %mul3A_1505 = arith.mulf %gather3A_1465, %add3A_1504 : vector<16xf32>
        tpu.vector_store_idx %arg13[%add3A_1464, %add3A_1329], %mul3A_1505 : memref<80x128xf32, #tpu.memory_space<vmem>>[vector<16xi32>, vector<16xi32>], vector<16xf32>,
        %add3A_1506 = arith.constant 64 : i32
        %add3A_1507 = vector.broadcast %add3A_1506 : i32 to vector<16xi32>
        %add3A_1508 = arith.addi %iota3A, %add3A_1507 : vector<16xi32>
        %gather3A_1509 = tpu.vector_load_idx %arg12[%add3A_1508, %add3A_1329] : memref<80x128xf32, #tpu.memory_space<vmem>>[vector<16xi32>, vector<16xi32>], vector<16xf32>,
        %slice3A_1510 = vector.extract_strided_slice %get3A_167 {offsets = [5], sizes = [1], strides = [1]} : vector<16xf32> to vector<1xf32>
        %squeeze3A_1511 = vector.extract %slice3A_1510[0] : f32 from vector<1xf32>
        %mul3A_1512 = vector.broadcast %squeeze3A_1511 : f32 to vector<16xf32>
        %mul3A_1513 = arith.mulf %gather3A_134, %mul3A_1512 : vector<16xf32>
        %slice3A_1514 = vector.extract_strided_slice %get3A_171 {offsets = [5], sizes = [1], strides = [1]} : vector<16xf32> to vector<1xf32>
        %squeeze3A_1515 = vector.extract %slice3A_1514[0] : f32 from vector<1xf32>
        %mul3A_1516 = vector.broadcast %squeeze3A_1515 : f32 to vector<16xf32>
        %mul3A_1517 = arith.mulf %gather3A_137, %mul3A_1516 : vector<16xf32>
        %add3A_1518 = arith.addf %mul3A_1513, %mul3A_1517 : vector<16xf32>
        %slice3A_1519 = vector.extract_strided_slice %get3A_175 {offsets = [5], sizes = [1], strides = [1]} : vector<16xf32> to vector<1xf32>
        %squeeze3A_1520 = vector.extract %slice3A_1519[0] : f32 from vector<1xf32>
        %mul3A_1521 = vector.broadcast %squeeze3A_1520 : f32 to vector<16xf32>
        %mul3A_1522 = arith.mulf %gather3A_140, %mul3A_1521 : vector<16xf32>
        %add3A_1523 = arith.addf %add3A_1518, %mul3A_1522 : vector<16xf32>
        %slice3A_1524 = vector.extract_strided_slice %get3A_179 {offsets = [5], sizes = [1], strides = [1]} : vector<16xf32> to vector<1xf32>
        %squeeze3A_1525 = vector.extract %slice3A_1524[0] : f32 from vector<1xf32>
        %mul3A_1526 = vector.broadcast %squeeze3A_1525 : f32 to vector<16xf32>
        %mul3A_1527 = arith.mulf %gather3A_143, %mul3A_1526 : vector<16xf32>
        %add3A_1528 = arith.addf %add3A_1523, %mul3A_1527 : vector<16xf32>
        %slice3A_1529 = vector.extract_strided_slice %get3A_183 {offsets = [5], sizes = [1], strides = [1]} : vector<16xf32> to vector<1xf32>
        %squeeze3A_1530 = vector.extract %slice3A_1529[0] : f32 from vector<1xf32>
        %mul3A_1531 = vector.broadcast %squeeze3A_1530 : f32 to vector<16xf32>
        %mul3A_1532 = arith.mulf %gather3A_146, %mul3A_1531 : vector<16xf32>
        %add3A_1533 = arith.addf %add3A_1528, %mul3A_1532 : vector<16xf32>
        %slice3A_1534 = vector.extract_strided_slice %get3A_187 {offsets = [5], sizes = [1], strides = [1]} : vector<16xf32> to vector<1xf32>
        %squeeze3A_1535 = vector.extract %slice3A_1534[0] : f32 from vector<1xf32>
        %mul3A_1536 = vector.broadcast %squeeze3A_1535 : f32 to vector<16xf32>
        %mul3A_1537 = arith.mulf %gather3A_149, %mul3A_1536 : vector<16xf32>
        %add3A_1538 = arith.addf %add3A_1533, %mul3A_1537 : vector<16xf32>
        %slice3A_1539 = vector.extract_strided_slice %get3A_191 {offsets = [5], sizes = [1], strides = [1]} : vector<16xf32> to vector<1xf32>
        %squeeze3A_1540 = vector.extract %slice3A_1539[0] : f32 from vector<1xf32>
        %mul3A_1541 = vector.broadcast %squeeze3A_1540 : f32 to vector<16xf32>
        %mul3A_1542 = arith.mulf %gather3A_152, %mul3A_1541 : vector<16xf32>
        %add3A_1543 = arith.addf %add3A_1538, %mul3A_1542 : vector<16xf32>
        %slice3A_1544 = vector.extract_strided_slice %get3A_195 {offsets = [5], sizes = [1], strides = [1]} : vector<16xf32> to vector<1xf32>
        %squeeze3A_1545 = vector.extract %slice3A_1544[0] : f32 from vector<1xf32>
        %mul3A_1546 = vector.broadcast %squeeze3A_1545 : f32 to vector<16xf32>
        %mul3A_1547 = arith.mulf %gather3A_155, %mul3A_1546 : vector<16xf32>
        %add3A_1548 = arith.addf %add3A_1543, %mul3A_1547 : vector<16xf32>
        %mul3A_1549 = arith.mulf %gather3A_1509, %add3A_1548 : vector<16xf32>
        tpu.vector_store_idx %arg13[%add3A_1508, %add3A_1329], %mul3A_1549 : memref<80x128xf32, #tpu.memory_space<vmem>>[vector<16xi32>, vector<16xi32>], vector<16xf32>,
        %broadcast_in_dim3A_1550 = arith.constant 0 : i32
        %broadcast_in_dim3A_1551 = vector.broadcast %broadcast_in_dim3A_1550 : i32 to vector<16xi32>
        %add3A_1552 = arith.constant 6 : i32
        %add3A_1553 = arith.addi %mul3A_164, %add3A_1552 : i32
        %add3A_1554 = vector.broadcast %add3A_1553 : i32 to vector<16xi32>
        %add3A_1555 = arith.addi %broadcast_in_dim3A_1551, %add3A_1554 : vector<16xi32>
        %add3A_1556 = arith.constant 0 : i32
        %add3A_1557 = vector.broadcast %add3A_1556 : i32 to vector<16xi32>
        %add3A_1558 = arith.addi %iota3A, %add3A_1557 : vector<16xi32>
        %gather3A_1559 = tpu.vector_load_idx %arg12[%add3A_1558, %add3A_1555] : memref<80x128xf32, #tpu.memory_space<vmem>>[vector<16xi32>, vector<16xi32>], vector<16xf32>,
        %slice3A_1560 = vector.extract_strided_slice %get3A_167 {offsets = [6], sizes = [1], strides = [1]} : vector<16xf32> to vector<1xf32>
        %squeeze3A_1561 = vector.extract %slice3A_1560[0] : f32 from vector<1xf32>
        %mul3A_1562 = vector.broadcast %squeeze3A_1561 : f32 to vector<16xf32>
        %mul3A_1563 = arith.mulf %gather3A, %mul3A_1562 : vector<16xf32>
        %slice3A_1564 = vector.extract_strided_slice %get3A_171 {offsets = [6], sizes = [1], strides = [1]} : vector<16xf32> to vector<1xf32>
        %squeeze3A_1565 = vector.extract %slice3A_1564[0] : f32 from vector<1xf32>
        %mul3A_1566 = vector.broadcast %squeeze3A_1565 : f32 to vector<16xf32>
        %mul3A_1567 = arith.mulf %gather3A_29, %mul3A_1566 : vector<16xf32>
        %add3A_1568 = arith.addf %mul3A_1563, %mul3A_1567 : vector<16xf32>
        %slice3A_1569 = vector.extract_strided_slice %get3A_175 {offsets = [6], sizes = [1], strides = [1]} : vector<16xf32> to vector<1xf32>
        %squeeze3A_1570 = vector.extract %slice3A_1569[0] : f32 from vector<1xf32>
        %mul3A_1571 = vector.broadcast %squeeze3A_1570 : f32 to vector<16xf32>
        %mul3A_1572 = arith.mulf %gather3A_32, %mul3A_1571 : vector<16xf32>
        %add3A_1573 = arith.addf %add3A_1568, %mul3A_1572 : vector<16xf32>
        %slice3A_1574 = vector.extract_strided_slice %get3A_179 {offsets = [6], sizes = [1], strides = [1]} : vector<16xf32> to vector<1xf32>
        %squeeze3A_1575 = vector.extract %slice3A_1574[0] : f32 from vector<1xf32>
        %mul3A_1576 = vector.broadcast %squeeze3A_1575 : f32 to vector<16xf32>
        %mul3A_1577 = arith.mulf %gather3A_35, %mul3A_1576 : vector<16xf32>
        %add3A_1578 = arith.addf %add3A_1573, %mul3A_1577 : vector<16xf32>
        %slice3A_1579 = vector.extract_strided_slice %get3A_183 {offsets = [6], sizes = [1], strides = [1]} : vector<16xf32> to vector<1xf32>
        %squeeze3A_1580 = vector.extract %slice3A_1579[0] : f32 from vector<1xf32>
        %mul3A_1581 = vector.broadcast %squeeze3A_1580 : f32 to vector<16xf32>
        %mul3A_1582 = arith.mulf %gather3A_38, %mul3A_1581 : vector<16xf32>
        %add3A_1583 = arith.addf %add3A_1578, %mul3A_1582 : vector<16xf32>
        %slice3A_1584 = vector.extract_strided_slice %get3A_187 {offsets = [6], sizes = [1], strides = [1]} : vector<16xf32> to vector<1xf32>
        %squeeze3A_1585 = vector.extract %slice3A_1584[0] : f32 from vector<1xf32>
        %mul3A_1586 = vector.broadcast %squeeze3A_1585 : f32 to vector<16xf32>
        %mul3A_1587 = arith.mulf %gather3A_41, %mul3A_1586 : vector<16xf32>
        %add3A_1588 = arith.addf %add3A_1583, %mul3A_1587 : vector<16xf32>
        %slice3A_1589 = vector.extract_strided_slice %get3A_191 {offsets = [6], sizes = [1], strides = [1]} : vector<16xf32> to vector<1xf32>
        %squeeze3A_1590 = vector.extract %slice3A_1589[0] : f32 from vector<1xf32>
        %mul3A_1591 = vector.broadcast %squeeze3A_1590 : f32 to vector<16xf32>
        %mul3A_1592 = arith.mulf %gather3A_44, %mul3A_1591 : vector<16xf32>
        %add3A_1593 = arith.addf %add3A_1588, %mul3A_1592 : vector<16xf32>
        %slice3A_1594 = vector.extract_strided_slice %get3A_195 {offsets = [6], sizes = [1], strides = [1]} : vector<16xf32> to vector<1xf32>
        %squeeze3A_1595 = vector.extract %slice3A_1594[0] : f32 from vector<1xf32>
        %mul3A_1596 = vector.broadcast %squeeze3A_1595 : f32 to vector<16xf32>
        %mul3A_1597 = arith.mulf %gather3A_47, %mul3A_1596 : vector<16xf32>
        %add3A_1598 = arith.addf %add3A_1593, %mul3A_1597 : vector<16xf32>
        %mul3A_1599 = arith.mulf %gather3A_1559, %add3A_1598 : vector<16xf32>
        tpu.vector_store_idx %arg13[%add3A_1558, %add3A_1555], %mul3A_1599 : memref<80x128xf32, #tpu.memory_space<vmem>>[vector<16xi32>, vector<16xi32>], vector<16xf32>,
        %add3A_1600 = arith.constant 16 : i32
        %add3A_1601 = vector.broadcast %add3A_1600 : i32 to vector<16xi32>
        %add3A_1602 = arith.addi %iota3A, %add3A_1601 : vector<16xi32>
        %gather3A_1603 = tpu.vector_load_idx %arg12[%add3A_1602, %add3A_1555] : memref<80x128xf32, #tpu.memory_space<vmem>>[vector<16xi32>, vector<16xi32>], vector<16xf32>,
        %slice3A_1604 = vector.extract_strided_slice %get3A_167 {offsets = [6], sizes = [1], strides = [1]} : vector<16xf32> to vector<1xf32>
        %squeeze3A_1605 = vector.extract %slice3A_1604[0] : f32 from vector<1xf32>
        %mul3A_1606 = vector.broadcast %squeeze3A_1605 : f32 to vector<16xf32>
        %mul3A_1607 = arith.mulf %gather3A_53, %mul3A_1606 : vector<16xf32>
        %slice3A_1608 = vector.extract_strided_slice %get3A_171 {offsets = [6], sizes = [1], strides = [1]} : vector<16xf32> to vector<1xf32>
        %squeeze3A_1609 = vector.extract %slice3A_1608[0] : f32 from vector<1xf32>
        %mul3A_1610 = vector.broadcast %squeeze3A_1609 : f32 to vector<16xf32>
        %mul3A_1611 = arith.mulf %gather3A_56, %mul3A_1610 : vector<16xf32>
        %add3A_1612 = arith.addf %mul3A_1607, %mul3A_1611 : vector<16xf32>
        %slice3A_1613 = vector.extract_strided_slice %get3A_175 {offsets = [6], sizes = [1], strides = [1]} : vector<16xf32> to vector<1xf32>
        %squeeze3A_1614 = vector.extract %slice3A_1613[0] : f32 from vector<1xf32>
        %mul3A_1615 = vector.broadcast %squeeze3A_1614 : f32 to vector<16xf32>
        %mul3A_1616 = arith.mulf %gather3A_59, %mul3A_1615 : vector<16xf32>
        %add3A_1617 = arith.addf %add3A_1612, %mul3A_1616 : vector<16xf32>
        %slice3A_1618 = vector.extract_strided_slice %get3A_179 {offsets = [6], sizes = [1], strides = [1]} : vector<16xf32> to vector<1xf32>
        %squeeze3A_1619 = vector.extract %slice3A_1618[0] : f32 from vector<1xf32>
        %mul3A_1620 = vector.broadcast %squeeze3A_1619 : f32 to vector<16xf32>
        %mul3A_1621 = arith.mulf %gather3A_62, %mul3A_1620 : vector<16xf32>
        %add3A_1622 = arith.addf %add3A_1617, %mul3A_1621 : vector<16xf32>
        %slice3A_1623 = vector.extract_strided_slice %get3A_183 {offsets = [6], sizes = [1], strides = [1]} : vector<16xf32> to vector<1xf32>
        %squeeze3A_1624 = vector.extract %slice3A_1623[0] : f32 from vector<1xf32>
        %mul3A_1625 = vector.broadcast %squeeze3A_1624 : f32 to vector<16xf32>
        %mul3A_1626 = arith.mulf %gather3A_65, %mul3A_1625 : vector<16xf32>
        %add3A_1627 = arith.addf %add3A_1622, %mul3A_1626 : vector<16xf32>
        %slice3A_1628 = vector.extract_strided_slice %get3A_187 {offsets = [6], sizes = [1], strides = [1]} : vector<16xf32> to vector<1xf32>
        %squeeze3A_1629 = vector.extract %slice3A_1628[0] : f32 from vector<1xf32>
        %mul3A_1630 = vector.broadcast %squeeze3A_1629 : f32 to vector<16xf32>
        %mul3A_1631 = arith.mulf %gather3A_68, %mul3A_1630 : vector<16xf32>
        %add3A_1632 = arith.addf %add3A_1627, %mul3A_1631 : vector<16xf32>
        %slice3A_1633 = vector.extract_strided_slice %get3A_191 {offsets = [6], sizes = [1], strides = [1]} : vector<16xf32> to vector<1xf32>
        %squeeze3A_1634 = vector.extract %slice3A_1633[0] : f32 from vector<1xf32>
        %mul3A_1635 = vector.broadcast %squeeze3A_1634 : f32 to vector<16xf32>
        %mul3A_1636 = arith.mulf %gather3A_71, %mul3A_1635 : vector<16xf32>
        %add3A_1637 = arith.addf %add3A_1632, %mul3A_1636 : vector<16xf32>
        %slice3A_1638 = vector.extract_strided_slice %get3A_195 {offsets = [6], sizes = [1], strides = [1]} : vector<16xf32> to vector<1xf32>
        %squeeze3A_1639 = vector.extract %slice3A_1638[0] : f32 from vector<1xf32>
        %mul3A_1640 = vector.broadcast %squeeze3A_1639 : f32 to vector<16xf32>
        %mul3A_1641 = arith.mulf %gather3A_74, %mul3A_1640 : vector<16xf32>
        %add3A_1642 = arith.addf %add3A_1637, %mul3A_1641 : vector<16xf32>
        %mul3A_1643 = arith.mulf %gather3A_1603, %add3A_1642 : vector<16xf32>
        tpu.vector_store_idx %arg13[%add3A_1602, %add3A_1555], %mul3A_1643 : memref<80x128xf32, #tpu.memory_space<vmem>>[vector<16xi32>, vector<16xi32>], vector<16xf32>,
        %add3A_1644 = arith.constant 32 : i32
        %add3A_1645 = vector.broadcast %add3A_1644 : i32 to vector<16xi32>
        %add3A_1646 = arith.addi %iota3A, %add3A_1645 : vector<16xi32>
        %gather3A_1647 = tpu.vector_load_idx %arg12[%add3A_1646, %add3A_1555] : memref<80x128xf32, #tpu.memory_space<vmem>>[vector<16xi32>, vector<16xi32>], vector<16xf32>,
        %slice3A_1648 = vector.extract_strided_slice %get3A_167 {offsets = [6], sizes = [1], strides = [1]} : vector<16xf32> to vector<1xf32>
        %squeeze3A_1649 = vector.extract %slice3A_1648[0] : f32 from vector<1xf32>
        %mul3A_1650 = vector.broadcast %squeeze3A_1649 : f32 to vector<16xf32>
        %mul3A_1651 = arith.mulf %gather3A_80, %mul3A_1650 : vector<16xf32>
        %slice3A_1652 = vector.extract_strided_slice %get3A_171 {offsets = [6], sizes = [1], strides = [1]} : vector<16xf32> to vector<1xf32>
        %squeeze3A_1653 = vector.extract %slice3A_1652[0] : f32 from vector<1xf32>
        %mul3A_1654 = vector.broadcast %squeeze3A_1653 : f32 to vector<16xf32>
        %mul3A_1655 = arith.mulf %gather3A_83, %mul3A_1654 : vector<16xf32>
        %add3A_1656 = arith.addf %mul3A_1651, %mul3A_1655 : vector<16xf32>
        %slice3A_1657 = vector.extract_strided_slice %get3A_175 {offsets = [6], sizes = [1], strides = [1]} : vector<16xf32> to vector<1xf32>
        %squeeze3A_1658 = vector.extract %slice3A_1657[0] : f32 from vector<1xf32>
        %mul3A_1659 = vector.broadcast %squeeze3A_1658 : f32 to vector<16xf32>
        %mul3A_1660 = arith.mulf %gather3A_86, %mul3A_1659 : vector<16xf32>
        %add3A_1661 = arith.addf %add3A_1656, %mul3A_1660 : vector<16xf32>
        %slice3A_1662 = vector.extract_strided_slice %get3A_179 {offsets = [6], sizes = [1], strides = [1]} : vector<16xf32> to vector<1xf32>
        %squeeze3A_1663 = vector.extract %slice3A_1662[0] : f32 from vector<1xf32>
        %mul3A_1664 = vector.broadcast %squeeze3A_1663 : f32 to vector<16xf32>
        %mul3A_1665 = arith.mulf %gather3A_89, %mul3A_1664 : vector<16xf32>
        %add3A_1666 = arith.addf %add3A_1661, %mul3A_1665 : vector<16xf32>
        %slice3A_1667 = vector.extract_strided_slice %get3A_183 {offsets = [6], sizes = [1], strides = [1]} : vector<16xf32> to vector<1xf32>
        %squeeze3A_1668 = vector.extract %slice3A_1667[0] : f32 from vector<1xf32>
        %mul3A_1669 = vector.broadcast %squeeze3A_1668 : f32 to vector<16xf32>
        %mul3A_1670 = arith.mulf %gather3A_92, %mul3A_1669 : vector<16xf32>
        %add3A_1671 = arith.addf %add3A_1666, %mul3A_1670 : vector<16xf32>
        %slice3A_1672 = vector.extract_strided_slice %get3A_187 {offsets = [6], sizes = [1], strides = [1]} : vector<16xf32> to vector<1xf32>
        %squeeze3A_1673 = vector.extract %slice3A_1672[0] : f32 from vector<1xf32>
        %mul3A_1674 = vector.broadcast %squeeze3A_1673 : f32 to vector<16xf32>
        %mul3A_1675 = arith.mulf %gather3A_95, %mul3A_1674 : vector<16xf32>
        %add3A_1676 = arith.addf %add3A_1671, %mul3A_1675 : vector<16xf32>
        %slice3A_1677 = vector.extract_strided_slice %get3A_191 {offsets = [6], sizes = [1], strides = [1]} : vector<16xf32> to vector<1xf32>
        %squeeze3A_1678 = vector.extract %slice3A_1677[0] : f32 from vector<1xf32>
        %mul3A_1679 = vector.broadcast %squeeze3A_1678 : f32 to vector<16xf32>
        %mul3A_1680 = arith.mulf %gather3A_98, %mul3A_1679 : vector<16xf32>
        %add3A_1681 = arith.addf %add3A_1676, %mul3A_1680 : vector<16xf32>
        %slice3A_1682 = vector.extract_strided_slice %get3A_195 {offsets = [6], sizes = [1], strides = [1]} : vector<16xf32> to vector<1xf32>
        %squeeze3A_1683 = vector.extract %slice3A_1682[0] : f32 from vector<1xf32>
        %mul3A_1684 = vector.broadcast %squeeze3A_1683 : f32 to vector<16xf32>
        %mul3A_1685 = arith.mulf %gather3A_101, %mul3A_1684 : vector<16xf32>
        %add3A_1686 = arith.addf %add3A_1681, %mul3A_1685 : vector<16xf32>
        %mul3A_1687 = arith.mulf %gather3A_1647, %add3A_1686 : vector<16xf32>
        tpu.vector_store_idx %arg13[%add3A_1646, %add3A_1555], %mul3A_1687 : memref<80x128xf32, #tpu.memory_space<vmem>>[vector<16xi32>, vector<16xi32>], vector<16xf32>,
        %add3A_1688 = arith.constant 48 : i32
        %add3A_1689 = vector.broadcast %add3A_1688 : i32 to vector<16xi32>
        %add3A_1690 = arith.addi %iota3A, %add3A_1689 : vector<16xi32>
        %gather3A_1691 = tpu.vector_load_idx %arg12[%add3A_1690, %add3A_1555] : memref<80x128xf32, #tpu.memory_space<vmem>>[vector<16xi32>, vector<16xi32>], vector<16xf32>,
        %slice3A_1692 = vector.extract_strided_slice %get3A_167 {offsets = [6], sizes = [1], strides = [1]} : vector<16xf32> to vector<1xf32>
        %squeeze3A_1693 = vector.extract %slice3A_1692[0] : f32 from vector<1xf32>
        %mul3A_1694 = vector.broadcast %squeeze3A_1693 : f32 to vector<16xf32>
        %mul3A_1695 = arith.mulf %gather3A_107, %mul3A_1694 : vector<16xf32>
        %slice3A_1696 = vector.extract_strided_slice %get3A_171 {offsets = [6], sizes = [1], strides = [1]} : vector<16xf32> to vector<1xf32>
        %squeeze3A_1697 = vector.extract %slice3A_1696[0] : f32 from vector<1xf32>
        %mul3A_1698 = vector.broadcast %squeeze3A_1697 : f32 to vector<16xf32>
        %mul3A_1699 = arith.mulf %gather3A_110, %mul3A_1698 : vector<16xf32>
        %add3A_1700 = arith.addf %mul3A_1695, %mul3A_1699 : vector<16xf32>
        %slice3A_1701 = vector.extract_strided_slice %get3A_175 {offsets = [6], sizes = [1], strides = [1]} : vector<16xf32> to vector<1xf32>
        %squeeze3A_1702 = vector.extract %slice3A_1701[0] : f32 from vector<1xf32>
        %mul3A_1703 = vector.broadcast %squeeze3A_1702 : f32 to vector<16xf32>
        %mul3A_1704 = arith.mulf %gather3A_113, %mul3A_1703 : vector<16xf32>
        %add3A_1705 = arith.addf %add3A_1700, %mul3A_1704 : vector<16xf32>
        %slice3A_1706 = vector.extract_strided_slice %get3A_179 {offsets = [6], sizes = [1], strides = [1]} : vector<16xf32> to vector<1xf32>
        %squeeze3A_1707 = vector.extract %slice3A_1706[0] : f32 from vector<1xf32>
        %mul3A_1708 = vector.broadcast %squeeze3A_1707 : f32 to vector<16xf32>
        %mul3A_1709 = arith.mulf %gather3A_116, %mul3A_1708 : vector<16xf32>
        %add3A_1710 = arith.addf %add3A_1705, %mul3A_1709 : vector<16xf32>
        %slice3A_1711 = vector.extract_strided_slice %get3A_183 {offsets = [6], sizes = [1], strides = [1]} : vector<16xf32> to vector<1xf32>
        %squeeze3A_1712 = vector.extract %slice3A_1711[0] : f32 from vector<1xf32>
        %mul3A_1713 = vector.broadcast %squeeze3A_1712 : f32 to vector<16xf32>
        %mul3A_1714 = arith.mulf %gather3A_119, %mul3A_1713 : vector<16xf32>
        %add3A_1715 = arith.addf %add3A_1710, %mul3A_1714 : vector<16xf32>
        %slice3A_1716 = vector.extract_strided_slice %get3A_187 {offsets = [6], sizes = [1], strides = [1]} : vector<16xf32> to vector<1xf32>
        %squeeze3A_1717 = vector.extract %slice3A_1716[0] : f32 from vector<1xf32>
        %mul3A_1718 = vector.broadcast %squeeze3A_1717 : f32 to vector<16xf32>
        %mul3A_1719 = arith.mulf %gather3A_122, %mul3A_1718 : vector<16xf32>
        %add3A_1720 = arith.addf %add3A_1715, %mul3A_1719 : vector<16xf32>
        %slice3A_1721 = vector.extract_strided_slice %get3A_191 {offsets = [6], sizes = [1], strides = [1]} : vector<16xf32> to vector<1xf32>
        %squeeze3A_1722 = vector.extract %slice3A_1721[0] : f32 from vector<1xf32>
        %mul3A_1723 = vector.broadcast %squeeze3A_1722 : f32 to vector<16xf32>
        %mul3A_1724 = arith.mulf %gather3A_125, %mul3A_1723 : vector<16xf32>
        %add3A_1725 = arith.addf %add3A_1720, %mul3A_1724 : vector<16xf32>
        %slice3A_1726 = vector.extract_strided_slice %get3A_195 {offsets = [6], sizes = [1], strides = [1]} : vector<16xf32> to vector<1xf32>
        %squeeze3A_1727 = vector.extract %slice3A_1726[0] : f32 from vector<1xf32>
        %mul3A_1728 = vector.broadcast %squeeze3A_1727 : f32 to vector<16xf32>
        %mul3A_1729 = arith.mulf %gather3A_128, %mul3A_1728 : vector<16xf32>
        %add3A_1730 = arith.addf %add3A_1725, %mul3A_1729 : vector<16xf32>
        %mul3A_1731 = arith.mulf %gather3A_1691, %add3A_1730 : vector<16xf32>
        tpu.vector_store_idx %arg13[%add3A_1690, %add3A_1555], %mul3A_1731 : memref<80x128xf32, #tpu.memory_space<vmem>>[vector<16xi32>, vector<16xi32>], vector<16xf32>,
        %add3A_1732 = arith.constant 64 : i32
        %add3A_1733 = vector.broadcast %add3A_1732 : i32 to vector<16xi32>
        %add3A_1734 = arith.addi %iota3A, %add3A_1733 : vector<16xi32>
        %gather3A_1735 = tpu.vector_load_idx %arg12[%add3A_1734, %add3A_1555] : memref<80x128xf32, #tpu.memory_space<vmem>>[vector<16xi32>, vector<16xi32>], vector<16xf32>,
        %slice3A_1736 = vector.extract_strided_slice %get3A_167 {offsets = [6], sizes = [1], strides = [1]} : vector<16xf32> to vector<1xf32>
        %squeeze3A_1737 = vector.extract %slice3A_1736[0] : f32 from vector<1xf32>
        %mul3A_1738 = vector.broadcast %squeeze3A_1737 : f32 to vector<16xf32>
        %mul3A_1739 = arith.mulf %gather3A_134, %mul3A_1738 : vector<16xf32>
        %slice3A_1740 = vector.extract_strided_slice %get3A_171 {offsets = [6], sizes = [1], strides = [1]} : vector<16xf32> to vector<1xf32>
        %squeeze3A_1741 = vector.extract %slice3A_1740[0] : f32 from vector<1xf32>
        %mul3A_1742 = vector.broadcast %squeeze3A_1741 : f32 to vector<16xf32>
        %mul3A_1743 = arith.mulf %gather3A_137, %mul3A_1742 : vector<16xf32>
        %add3A_1744 = arith.addf %mul3A_1739, %mul3A_1743 : vector<16xf32>
        %slice3A_1745 = vector.extract_strided_slice %get3A_175 {offsets = [6], sizes = [1], strides = [1]} : vector<16xf32> to vector<1xf32>
        %squeeze3A_1746 = vector.extract %slice3A_1745[0] : f32 from vector<1xf32>
        %mul3A_1747 = vector.broadcast %squeeze3A_1746 : f32 to vector<16xf32>
        %mul3A_1748 = arith.mulf %gather3A_140, %mul3A_1747 : vector<16xf32>
        %add3A_1749 = arith.addf %add3A_1744, %mul3A_1748 : vector<16xf32>
        %slice3A_1750 = vector.extract_strided_slice %get3A_179 {offsets = [6], sizes = [1], strides = [1]} : vector<16xf32> to vector<1xf32>
        %squeeze3A_1751 = vector.extract %slice3A_1750[0] : f32 from vector<1xf32>
        %mul3A_1752 = vector.broadcast %squeeze3A_1751 : f32 to vector<16xf32>
        %mul3A_1753 = arith.mulf %gather3A_143, %mul3A_1752 : vector<16xf32>
        %add3A_1754 = arith.addf %add3A_1749, %mul3A_1753 : vector<16xf32>
        %slice3A_1755 = vector.extract_strided_slice %get3A_183 {offsets = [6], sizes = [1], strides = [1]} : vector<16xf32> to vector<1xf32>
        %squeeze3A_1756 = vector.extract %slice3A_1755[0] : f32 from vector<1xf32>
        %mul3A_1757 = vector.broadcast %squeeze3A_1756 : f32 to vector<16xf32>
        %mul3A_1758 = arith.mulf %gather3A_146, %mul3A_1757 : vector<16xf32>
        %add3A_1759 = arith.addf %add3A_1754, %mul3A_1758 : vector<16xf32>
        %slice3A_1760 = vector.extract_strided_slice %get3A_187 {offsets = [6], sizes = [1], strides = [1]} : vector<16xf32> to vector<1xf32>
        %squeeze3A_1761 = vector.extract %slice3A_1760[0] : f32 from vector<1xf32>
        %mul3A_1762 = vector.broadcast %squeeze3A_1761 : f32 to vector<16xf32>
        %mul3A_1763 = arith.mulf %gather3A_149, %mul3A_1762 : vector<16xf32>
        %add3A_1764 = arith.addf %add3A_1759, %mul3A_1763 : vector<16xf32>
        %slice3A_1765 = vector.extract_strided_slice %get3A_191 {offsets = [6], sizes = [1], strides = [1]} : vector<16xf32> to vector<1xf32>
        %squeeze3A_1766 = vector.extract %slice3A_1765[0] : f32 from vector<1xf32>
        %mul3A_1767 = vector.broadcast %squeeze3A_1766 : f32 to vector<16xf32>
        %mul3A_1768 = arith.mulf %gather3A_152, %mul3A_1767 : vector<16xf32>
        %add3A_1769 = arith.addf %add3A_1764, %mul3A_1768 : vector<16xf32>
        %slice3A_1770 = vector.extract_strided_slice %get3A_195 {offsets = [6], sizes = [1], strides = [1]} : vector<16xf32> to vector<1xf32>
        %squeeze3A_1771 = vector.extract %slice3A_1770[0] : f32 from vector<1xf32>
        %mul3A_1772 = vector.broadcast %squeeze3A_1771 : f32 to vector<16xf32>
        %mul3A_1773 = arith.mulf %gather3A_155, %mul3A_1772 : vector<16xf32>
        %add3A_1774 = arith.addf %add3A_1769, %mul3A_1773 : vector<16xf32>
        %mul3A_1775 = arith.mulf %gather3A_1735, %add3A_1774 : vector<16xf32>
        tpu.vector_store_idx %arg13[%add3A_1734, %add3A_1555], %mul3A_1775 : memref<80x128xf32, #tpu.memory_space<vmem>>[vector<16xi32>, vector<16xi32>], vector<16xf32>,
        %broadcast_in_dim3A_1776 = arith.constant 0 : i32
        %broadcast_in_dim3A_1777 = vector.broadcast %broadcast_in_dim3A_1776 : i32 to vector<16xi32>
        %add3A_1778 = arith.constant 7 : i32
        %add3A_1779 = arith.addi %mul3A_164, %add3A_1778 : i32
        %add3A_1780 = vector.broadcast %add3A_1779 : i32 to vector<16xi32>
        %add3A_1781 = arith.addi %broadcast_in_dim3A_1777, %add3A_1780 : vector<16xi32>
        %add3A_1782 = arith.constant 0 : i32
        %add3A_1783 = vector.broadcast %add3A_1782 : i32 to vector<16xi32>
        %add3A_1784 = arith.addi %iota3A, %add3A_1783 : vector<16xi32>
        %gather3A_1785 = tpu.vector_load_idx %arg12[%add3A_1784, %add3A_1781] : memref<80x128xf32, #tpu.memory_space<vmem>>[vector<16xi32>, vector<16xi32>], vector<16xf32>,
        %slice3A_1786 = vector.extract_strided_slice %get3A_167 {offsets = [7], sizes = [1], strides = [1]} : vector<16xf32> to vector<1xf32>
        %squeeze3A_1787 = vector.extract %slice3A_1786[0] : f32 from vector<1xf32>
        %mul3A_1788 = vector.broadcast %squeeze3A_1787 : f32 to vector<16xf32>
        %mul3A_1789 = arith.mulf %gather3A, %mul3A_1788 : vector<16xf32>
        %slice3A_1790 = vector.extract_strided_slice %get3A_171 {offsets = [7], sizes = [1], strides = [1]} : vector<16xf32> to vector<1xf32>
        %squeeze3A_1791 = vector.extract %slice3A_1790[0] : f32 from vector<1xf32>
        %mul3A_1792 = vector.broadcast %squeeze3A_1791 : f32 to vector<16xf32>
        %mul3A_1793 = arith.mulf %gather3A_29, %mul3A_1792 : vector<16xf32>
        %add3A_1794 = arith.addf %mul3A_1789, %mul3A_1793 : vector<16xf32>
        %slice3A_1795 = vector.extract_strided_slice %get3A_175 {offsets = [7], sizes = [1], strides = [1]} : vector<16xf32> to vector<1xf32>
        %squeeze3A_1796 = vector.extract %slice3A_1795[0] : f32 from vector<1xf32>
        %mul3A_1797 = vector.broadcast %squeeze3A_1796 : f32 to vector<16xf32>
        %mul3A_1798 = arith.mulf %gather3A_32, %mul3A_1797 : vector<16xf32>
        %add3A_1799 = arith.addf %add3A_1794, %mul3A_1798 : vector<16xf32>
        %slice3A_1800 = vector.extract_strided_slice %get3A_179 {offsets = [7], sizes = [1], strides = [1]} : vector<16xf32> to vector<1xf32>
        %squeeze3A_1801 = vector.extract %slice3A_1800[0] : f32 from vector<1xf32>
        %mul3A_1802 = vector.broadcast %squeeze3A_1801 : f32 to vector<16xf32>
        %mul3A_1803 = arith.mulf %gather3A_35, %mul3A_1802 : vector<16xf32>
        %add3A_1804 = arith.addf %add3A_1799, %mul3A_1803 : vector<16xf32>
        %slice3A_1805 = vector.extract_strided_slice %get3A_183 {offsets = [7], sizes = [1], strides = [1]} : vector<16xf32> to vector<1xf32>
        %squeeze3A_1806 = vector.extract %slice3A_1805[0] : f32 from vector<1xf32>
        %mul3A_1807 = vector.broadcast %squeeze3A_1806 : f32 to vector<16xf32>
        %mul3A_1808 = arith.mulf %gather3A_38, %mul3A_1807 : vector<16xf32>
        %add3A_1809 = arith.addf %add3A_1804, %mul3A_1808 : vector<16xf32>
        %slice3A_1810 = vector.extract_strided_slice %get3A_187 {offsets = [7], sizes = [1], strides = [1]} : vector<16xf32> to vector<1xf32>
        %squeeze3A_1811 = vector.extract %slice3A_1810[0] : f32 from vector<1xf32>
        %mul3A_1812 = vector.broadcast %squeeze3A_1811 : f32 to vector<16xf32>
        %mul3A_1813 = arith.mulf %gather3A_41, %mul3A_1812 : vector<16xf32>
        %add3A_1814 = arith.addf %add3A_1809, %mul3A_1813 : vector<16xf32>
        %slice3A_1815 = vector.extract_strided_slice %get3A_191 {offsets = [7], sizes = [1], strides = [1]} : vector<16xf32> to vector<1xf32>
        %squeeze3A_1816 = vector.extract %slice3A_1815[0] : f32 from vector<1xf32>
        %mul3A_1817 = vector.broadcast %squeeze3A_1816 : f32 to vector<16xf32>
        %mul3A_1818 = arith.mulf %gather3A_44, %mul3A_1817 : vector<16xf32>
        %add3A_1819 = arith.addf %add3A_1814, %mul3A_1818 : vector<16xf32>
        %slice3A_1820 = vector.extract_strided_slice %get3A_195 {offsets = [7], sizes = [1], strides = [1]} : vector<16xf32> to vector<1xf32>
        %squeeze3A_1821 = vector.extract %slice3A_1820[0] : f32 from vector<1xf32>
        %mul3A_1822 = vector.broadcast %squeeze3A_1821 : f32 to vector<16xf32>
        %mul3A_1823 = arith.mulf %gather3A_47, %mul3A_1822 : vector<16xf32>
        %add3A_1824 = arith.addf %add3A_1819, %mul3A_1823 : vector<16xf32>
        %mul3A_1825 = arith.mulf %gather3A_1785, %add3A_1824 : vector<16xf32>
        tpu.vector_store_idx %arg13[%add3A_1784, %add3A_1781], %mul3A_1825 : memref<80x128xf32, #tpu.memory_space<vmem>>[vector<16xi32>, vector<16xi32>], vector<16xf32>,
        %add3A_1826 = arith.constant 16 : i32
        %add3A_1827 = vector.broadcast %add3A_1826 : i32 to vector<16xi32>
        %add3A_1828 = arith.addi %iota3A, %add3A_1827 : vector<16xi32>
        %gather3A_1829 = tpu.vector_load_idx %arg12[%add3A_1828, %add3A_1781] : memref<80x128xf32, #tpu.memory_space<vmem>>[vector<16xi32>, vector<16xi32>], vector<16xf32>,
        %slice3A_1830 = vector.extract_strided_slice %get3A_167 {offsets = [7], sizes = [1], strides = [1]} : vector<16xf32> to vector<1xf32>
        %squeeze3A_1831 = vector.extract %slice3A_1830[0] : f32 from vector<1xf32>
        %mul3A_1832 = vector.broadcast %squeeze3A_1831 : f32 to vector<16xf32>
        %mul3A_1833 = arith.mulf %gather3A_53, %mul3A_1832 : vector<16xf32>
        %slice3A_1834 = vector.extract_strided_slice %get3A_171 {offsets = [7], sizes = [1], strides = [1]} : vector<16xf32> to vector<1xf32>
        %squeeze3A_1835 = vector.extract %slice3A_1834[0] : f32 from vector<1xf32>
        %mul3A_1836 = vector.broadcast %squeeze3A_1835 : f32 to vector<16xf32>
        %mul3A_1837 = arith.mulf %gather3A_56, %mul3A_1836 : vector<16xf32>
        %add3A_1838 = arith.addf %mul3A_1833, %mul3A_1837 : vector<16xf32>
        %slice3A_1839 = vector.extract_strided_slice %get3A_175 {offsets = [7], sizes = [1], strides = [1]} : vector<16xf32> to vector<1xf32>
        %squeeze3A_1840 = vector.extract %slice3A_1839[0] : f32 from vector<1xf32>
        %mul3A_1841 = vector.broadcast %squeeze3A_1840 : f32 to vector<16xf32>
        %mul3A_1842 = arith.mulf %gather3A_59, %mul3A_1841 : vector<16xf32>
        %add3A_1843 = arith.addf %add3A_1838, %mul3A_1842 : vector<16xf32>
        %slice3A_1844 = vector.extract_strided_slice %get3A_179 {offsets = [7], sizes = [1], strides = [1]} : vector<16xf32> to vector<1xf32>
        %squeeze3A_1845 = vector.extract %slice3A_1844[0] : f32 from vector<1xf32>
        %mul3A_1846 = vector.broadcast %squeeze3A_1845 : f32 to vector<16xf32>
        %mul3A_1847 = arith.mulf %gather3A_62, %mul3A_1846 : vector<16xf32>
        %add3A_1848 = arith.addf %add3A_1843, %mul3A_1847 : vector<16xf32>
        %slice3A_1849 = vector.extract_strided_slice %get3A_183 {offsets = [7], sizes = [1], strides = [1]} : vector<16xf32> to vector<1xf32>
        %squeeze3A_1850 = vector.extract %slice3A_1849[0] : f32 from vector<1xf32>
        %mul3A_1851 = vector.broadcast %squeeze3A_1850 : f32 to vector<16xf32>
        %mul3A_1852 = arith.mulf %gather3A_65, %mul3A_1851 : vector<16xf32>
        %add3A_1853 = arith.addf %add3A_1848, %mul3A_1852 : vector<16xf32>
        %slice3A_1854 = vector.extract_strided_slice %get3A_187 {offsets = [7], sizes = [1], strides = [1]} : vector<16xf32> to vector<1xf32>
        %squeeze3A_1855 = vector.extract %slice3A_1854[0] : f32 from vector<1xf32>
        %mul3A_1856 = vector.broadcast %squeeze3A_1855 : f32 to vector<16xf32>
        %mul3A_1857 = arith.mulf %gather3A_68, %mul3A_1856 : vector<16xf32>
        %add3A_1858 = arith.addf %add3A_1853, %mul3A_1857 : vector<16xf32>
        %slice3A_1859 = vector.extract_strided_slice %get3A_191 {offsets = [7], sizes = [1], strides = [1]} : vector<16xf32> to vector<1xf32>
        %squeeze3A_1860 = vector.extract %slice3A_1859[0] : f32 from vector<1xf32>
        %mul3A_1861 = vector.broadcast %squeeze3A_1860 : f32 to vector<16xf32>
        %mul3A_1862 = arith.mulf %gather3A_71, %mul3A_1861 : vector<16xf32>
        %add3A_1863 = arith.addf %add3A_1858, %mul3A_1862 : vector<16xf32>
        %slice3A_1864 = vector.extract_strided_slice %get3A_195 {offsets = [7], sizes = [1], strides = [1]} : vector<16xf32> to vector<1xf32>
        %squeeze3A_1865 = vector.extract %slice3A_1864[0] : f32 from vector<1xf32>
        %mul3A_1866 = vector.broadcast %squeeze3A_1865 : f32 to vector<16xf32>
        %mul3A_1867 = arith.mulf %gather3A_74, %mul3A_1866 : vector<16xf32>
        %add3A_1868 = arith.addf %add3A_1863, %mul3A_1867 : vector<16xf32>
        %mul3A_1869 = arith.mulf %gather3A_1829, %add3A_1868 : vector<16xf32>
        tpu.vector_store_idx %arg13[%add3A_1828, %add3A_1781], %mul3A_1869 : memref<80x128xf32, #tpu.memory_space<vmem>>[vector<16xi32>, vector<16xi32>], vector<16xf32>,
        %add3A_1870 = arith.constant 32 : i32
        %add3A_1871 = vector.broadcast %add3A_1870 : i32 to vector<16xi32>
        %add3A_1872 = arith.addi %iota3A, %add3A_1871 : vector<16xi32>
        %gather3A_1873 = tpu.vector_load_idx %arg12[%add3A_1872, %add3A_1781] : memref<80x128xf32, #tpu.memory_space<vmem>>[vector<16xi32>, vector<16xi32>], vector<16xf32>,
        %slice3A_1874 = vector.extract_strided_slice %get3A_167 {offsets = [7], sizes = [1], strides = [1]} : vector<16xf32> to vector<1xf32>
        %squeeze3A_1875 = vector.extract %slice3A_1874[0] : f32 from vector<1xf32>
        %mul3A_1876 = vector.broadcast %squeeze3A_1875 : f32 to vector<16xf32>
        %mul3A_1877 = arith.mulf %gather3A_80, %mul3A_1876 : vector<16xf32>
        %slice3A_1878 = vector.extract_strided_slice %get3A_171 {offsets = [7], sizes = [1], strides = [1]} : vector<16xf32> to vector<1xf32>
        %squeeze3A_1879 = vector.extract %slice3A_1878[0] : f32 from vector<1xf32>
        %mul3A_1880 = vector.broadcast %squeeze3A_1879 : f32 to vector<16xf32>
        %mul3A_1881 = arith.mulf %gather3A_83, %mul3A_1880 : vector<16xf32>
        %add3A_1882 = arith.addf %mul3A_1877, %mul3A_1881 : vector<16xf32>
        %slice3A_1883 = vector.extract_strided_slice %get3A_175 {offsets = [7], sizes = [1], strides = [1]} : vector<16xf32> to vector<1xf32>
        %squeeze3A_1884 = vector.extract %slice3A_1883[0] : f32 from vector<1xf32>
        %mul3A_1885 = vector.broadcast %squeeze3A_1884 : f32 to vector<16xf32>
        %mul3A_1886 = arith.mulf %gather3A_86, %mul3A_1885 : vector<16xf32>
        %add3A_1887 = arith.addf %add3A_1882, %mul3A_1886 : vector<16xf32>
        %slice3A_1888 = vector.extract_strided_slice %get3A_179 {offsets = [7], sizes = [1], strides = [1]} : vector<16xf32> to vector<1xf32>
        %squeeze3A_1889 = vector.extract %slice3A_1888[0] : f32 from vector<1xf32>
        %mul3A_1890 = vector.broadcast %squeeze3A_1889 : f32 to vector<16xf32>
        %mul3A_1891 = arith.mulf %gather3A_89, %mul3A_1890 : vector<16xf32>
        %add3A_1892 = arith.addf %add3A_1887, %mul3A_1891 : vector<16xf32>
        %slice3A_1893 = vector.extract_strided_slice %get3A_183 {offsets = [7], sizes = [1], strides = [1]} : vector<16xf32> to vector<1xf32>
        %squeeze3A_1894 = vector.extract %slice3A_1893[0] : f32 from vector<1xf32>
        %mul3A_1895 = vector.broadcast %squeeze3A_1894 : f32 to vector<16xf32>
        %mul3A_1896 = arith.mulf %gather3A_92, %mul3A_1895 : vector<16xf32>
        %add3A_1897 = arith.addf %add3A_1892, %mul3A_1896 : vector<16xf32>
        %slice3A_1898 = vector.extract_strided_slice %get3A_187 {offsets = [7], sizes = [1], strides = [1]} : vector<16xf32> to vector<1xf32>
        %squeeze3A_1899 = vector.extract %slice3A_1898[0] : f32 from vector<1xf32>
        %mul3A_1900 = vector.broadcast %squeeze3A_1899 : f32 to vector<16xf32>
        %mul3A_1901 = arith.mulf %gather3A_95, %mul3A_1900 : vector<16xf32>
        %add3A_1902 = arith.addf %add3A_1897, %mul3A_1901 : vector<16xf32>
        %slice3A_1903 = vector.extract_strided_slice %get3A_191 {offsets = [7], sizes = [1], strides = [1]} : vector<16xf32> to vector<1xf32>
        %squeeze3A_1904 = vector.extract %slice3A_1903[0] : f32 from vector<1xf32>
        %mul3A_1905 = vector.broadcast %squeeze3A_1904 : f32 to vector<16xf32>
        %mul3A_1906 = arith.mulf %gather3A_98, %mul3A_1905 : vector<16xf32>
        %add3A_1907 = arith.addf %add3A_1902, %mul3A_1906 : vector<16xf32>
        %slice3A_1908 = vector.extract_strided_slice %get3A_195 {offsets = [7], sizes = [1], strides = [1]} : vector<16xf32> to vector<1xf32>
        %squeeze3A_1909 = vector.extract %slice3A_1908[0] : f32 from vector<1xf32>
        %mul3A_1910 = vector.broadcast %squeeze3A_1909 : f32 to vector<16xf32>
        %mul3A_1911 = arith.mulf %gather3A_101, %mul3A_1910 : vector<16xf32>
        %add3A_1912 = arith.addf %add3A_1907, %mul3A_1911 : vector<16xf32>
        %mul3A_1913 = arith.mulf %gather3A_1873, %add3A_1912 : vector<16xf32>
        tpu.vector_store_idx %arg13[%add3A_1872, %add3A_1781], %mul3A_1913 : memref<80x128xf32, #tpu.memory_space<vmem>>[vector<16xi32>, vector<16xi32>], vector<16xf32>,
        %add3A_1914 = arith.constant 48 : i32
        %add3A_1915 = vector.broadcast %add3A_1914 : i32 to vector<16xi32>
        %add3A_1916 = arith.addi %iota3A, %add3A_1915 : vector<16xi32>
        %gather3A_1917 = tpu.vector_load_idx %arg12[%add3A_1916, %add3A_1781] : memref<80x128xf32, #tpu.memory_space<vmem>>[vector<16xi32>, vector<16xi32>], vector<16xf32>,
        %slice3A_1918 = vector.extract_strided_slice %get3A_167 {offsets = [7], sizes = [1], strides = [1]} : vector<16xf32> to vector<1xf32>
        %squeeze3A_1919 = vector.extract %slice3A_1918[0] : f32 from vector<1xf32>
        %mul3A_1920 = vector.broadcast %squeeze3A_1919 : f32 to vector<16xf32>
        %mul3A_1921 = arith.mulf %gather3A_107, %mul3A_1920 : vector<16xf32>
        %slice3A_1922 = vector.extract_strided_slice %get3A_171 {offsets = [7], sizes = [1], strides = [1]} : vector<16xf32> to vector<1xf32>
        %squeeze3A_1923 = vector.extract %slice3A_1922[0] : f32 from vector<1xf32>
        %mul3A_1924 = vector.broadcast %squeeze3A_1923 : f32 to vector<16xf32>
        %mul3A_1925 = arith.mulf %gather3A_110, %mul3A_1924 : vector<16xf32>
        %add3A_1926 = arith.addf %mul3A_1921, %mul3A_1925 : vector<16xf32>
        %slice3A_1927 = vector.extract_strided_slice %get3A_175 {offsets = [7], sizes = [1], strides = [1]} : vector<16xf32> to vector<1xf32>
        %squeeze3A_1928 = vector.extract %slice3A_1927[0] : f32 from vector<1xf32>
        %mul3A_1929 = vector.broadcast %squeeze3A_1928 : f32 to vector<16xf32>
        %mul3A_1930 = arith.mulf %gather3A_113, %mul3A_1929 : vector<16xf32>
        %add3A_1931 = arith.addf %add3A_1926, %mul3A_1930 : vector<16xf32>
        %slice3A_1932 = vector.extract_strided_slice %get3A_179 {offsets = [7], sizes = [1], strides = [1]} : vector<16xf32> to vector<1xf32>
        %squeeze3A_1933 = vector.extract %slice3A_1932[0] : f32 from vector<1xf32>
        %mul3A_1934 = vector.broadcast %squeeze3A_1933 : f32 to vector<16xf32>
        %mul3A_1935 = arith.mulf %gather3A_116, %mul3A_1934 : vector<16xf32>
        %add3A_1936 = arith.addf %add3A_1931, %mul3A_1935 : vector<16xf32>
        %slice3A_1937 = vector.extract_strided_slice %get3A_183 {offsets = [7], sizes = [1], strides = [1]} : vector<16xf32> to vector<1xf32>
        %squeeze3A_1938 = vector.extract %slice3A_1937[0] : f32 from vector<1xf32>
        %mul3A_1939 = vector.broadcast %squeeze3A_1938 : f32 to vector<16xf32>
        %mul3A_1940 = arith.mulf %gather3A_119, %mul3A_1939 : vector<16xf32>
        %add3A_1941 = arith.addf %add3A_1936, %mul3A_1940 : vector<16xf32>
        %slice3A_1942 = vector.extract_strided_slice %get3A_187 {offsets = [7], sizes = [1], strides = [1]} : vector<16xf32> to vector<1xf32>
        %squeeze3A_1943 = vector.extract %slice3A_1942[0] : f32 from vector<1xf32>
        %mul3A_1944 = vector.broadcast %squeeze3A_1943 : f32 to vector<16xf32>
        %mul3A_1945 = arith.mulf %gather3A_122, %mul3A_1944 : vector<16xf32>
        %add3A_1946 = arith.addf %add3A_1941, %mul3A_1945 : vector<16xf32>
        %slice3A_1947 = vector.extract_strided_slice %get3A_191 {offsets = [7], sizes = [1], strides = [1]} : vector<16xf32> to vector<1xf32>
        %squeeze3A_1948 = vector.extract %slice3A_1947[0] : f32 from vector<1xf32>
        %mul3A_1949 = vector.broadcast %squeeze3A_1948 : f32 to vector<16xf32>
        %mul3A_1950 = arith.mulf %gather3A_125, %mul3A_1949 : vector<16xf32>
        %add3A_1951 = arith.addf %add3A_1946, %mul3A_1950 : vector<16xf32>
        %slice3A_1952 = vector.extract_strided_slice %get3A_195 {offsets = [7], sizes = [1], strides = [1]} : vector<16xf32> to vector<1xf32>
        %squeeze3A_1953 = vector.extract %slice3A_1952[0] : f32 from vector<1xf32>
        %mul3A_1954 = vector.broadcast %squeeze3A_1953 : f32 to vector<16xf32>
        %mul3A_1955 = arith.mulf %gather3A_128, %mul3A_1954 : vector<16xf32>
        %add3A_1956 = arith.addf %add3A_1951, %mul3A_1955 : vector<16xf32>
        %mul3A_1957 = arith.mulf %gather3A_1917, %add3A_1956 : vector<16xf32>
        tpu.vector_store_idx %arg13[%add3A_1916, %add3A_1781], %mul3A_1957 : memref<80x128xf32, #tpu.memory_space<vmem>>[vector<16xi32>, vector<16xi32>], vector<16xf32>,
        %add3A_1958 = arith.constant 64 : i32
        %add3A_1959 = vector.broadcast %add3A_1958 : i32 to vector<16xi32>
        %add3A_1960 = arith.addi %iota3A, %add3A_1959 : vector<16xi32>
        %gather3A_1961 = tpu.vector_load_idx %arg12[%add3A_1960, %add3A_1781] : memref<80x128xf32, #tpu.memory_space<vmem>>[vector<16xi32>, vector<16xi32>], vector<16xf32>,
        %slice3A_1962 = vector.extract_strided_slice %get3A_167 {offsets = [7], sizes = [1], strides = [1]} : vector<16xf32> to vector<1xf32>
        %squeeze3A_1963 = vector.extract %slice3A_1962[0] : f32 from vector<1xf32>
        %mul3A_1964 = vector.broadcast %squeeze3A_1963 : f32 to vector<16xf32>
        %mul3A_1965 = arith.mulf %gather3A_134, %mul3A_1964 : vector<16xf32>
        %slice3A_1966 = vector.extract_strided_slice %get3A_171 {offsets = [7], sizes = [1], strides = [1]} : vector<16xf32> to vector<1xf32>
        %squeeze3A_1967 = vector.extract %slice3A_1966[0] : f32 from vector<1xf32>
        %mul3A_1968 = vector.broadcast %squeeze3A_1967 : f32 to vector<16xf32>
        %mul3A_1969 = arith.mulf %gather3A_137, %mul3A_1968 : vector<16xf32>
        %add3A_1970 = arith.addf %mul3A_1965, %mul3A_1969 : vector<16xf32>
        %slice3A_1971 = vector.extract_strided_slice %get3A_175 {offsets = [7], sizes = [1], strides = [1]} : vector<16xf32> to vector<1xf32>
        %squeeze3A_1972 = vector.extract %slice3A_1971[0] : f32 from vector<1xf32>
        %mul3A_1973 = vector.broadcast %squeeze3A_1972 : f32 to vector<16xf32>
        %mul3A_1974 = arith.mulf %gather3A_140, %mul3A_1973 : vector<16xf32>
        %add3A_1975 = arith.addf %add3A_1970, %mul3A_1974 : vector<16xf32>
        %slice3A_1976 = vector.extract_strided_slice %get3A_179 {offsets = [7], sizes = [1], strides = [1]} : vector<16xf32> to vector<1xf32>
        %squeeze3A_1977 = vector.extract %slice3A_1976[0] : f32 from vector<1xf32>
        %mul3A_1978 = vector.broadcast %squeeze3A_1977 : f32 to vector<16xf32>
        %mul3A_1979 = arith.mulf %gather3A_143, %mul3A_1978 : vector<16xf32>
        %add3A_1980 = arith.addf %add3A_1975, %mul3A_1979 : vector<16xf32>
        %slice3A_1981 = vector.extract_strided_slice %get3A_183 {offsets = [7], sizes = [1], strides = [1]} : vector<16xf32> to vector<1xf32>
        %squeeze3A_1982 = vector.extract %slice3A_1981[0] : f32 from vector<1xf32>
        %mul3A_1983 = vector.broadcast %squeeze3A_1982 : f32 to vector<16xf32>
        %mul3A_1984 = arith.mulf %gather3A_146, %mul3A_1983 : vector<16xf32>
        %add3A_1985 = arith.addf %add3A_1980, %mul3A_1984 : vector<16xf32>
        %slice3A_1986 = vector.extract_strided_slice %get3A_187 {offsets = [7], sizes = [1], strides = [1]} : vector<16xf32> to vector<1xf32>
        %squeeze3A_1987 = vector.extract %slice3A_1986[0] : f32 from vector<1xf32>
        %mul3A_1988 = vector.broadcast %squeeze3A_1987 : f32 to vector<16xf32>
        %mul3A_1989 = arith.mulf %gather3A_149, %mul3A_1988 : vector<16xf32>
        %add3A_1990 = arith.addf %add3A_1985, %mul3A_1989 : vector<16xf32>
        %slice3A_1991 = vector.extract_strided_slice %get3A_191 {offsets = [7], sizes = [1], strides = [1]} : vector<16xf32> to vector<1xf32>
        %squeeze3A_1992 = vector.extract %slice3A_1991[0] : f32 from vector<1xf32>
        %mul3A_1993 = vector.broadcast %squeeze3A_1992 : f32 to vector<16xf32>
        %mul3A_1994 = arith.mulf %gather3A_152, %mul3A_1993 : vector<16xf32>
        %add3A_1995 = arith.addf %add3A_1990, %mul3A_1994 : vector<16xf32>
        %slice3A_1996 = vector.extract_strided_slice %get3A_195 {offsets = [7], sizes = [1], strides = [1]} : vector<16xf32> to vector<1xf32>
        %squeeze3A_1997 = vector.extract %slice3A_1996[0] : f32 from vector<1xf32>
        %mul3A_1998 = vector.broadcast %squeeze3A_1997 : f32 to vector<16xf32>
        %mul3A_1999 = arith.mulf %gather3A_155, %mul3A_1998 : vector<16xf32>
        %add3A_2000 = arith.addf %add3A_1995, %mul3A_1999 : vector<16xf32>
        %mul3A_2001 = arith.mulf %gather3A_1961, %add3A_2000 : vector<16xf32>
        tpu.vector_store_idx %arg13[%add3A_1960, %add3A_1781], %mul3A_2001 : memref<80x128xf32, #tpu.memory_space<vmem>>[vector<16xi32>, vector<16xi32>], vector<16xf32>,
        %broadcast_in_dim3A_2002 = arith.constant 0 : i32
        %broadcast_in_dim3A_2003 = vector.broadcast %broadcast_in_dim3A_2002 : i32 to vector<16xi32>
        %add3A_2004 = arith.constant 8 : i32
        %add3A_2005 = arith.addi %mul3A_164, %add3A_2004 : i32
        %add3A_2006 = vector.broadcast %add3A_2005 : i32 to vector<16xi32>
        %add3A_2007 = arith.addi %broadcast_in_dim3A_2003, %add3A_2006 : vector<16xi32>
        %add3A_2008 = arith.constant 0 : i32
        %add3A_2009 = vector.broadcast %add3A_2008 : i32 to vector<16xi32>
        %add3A_2010 = arith.addi %iota3A, %add3A_2009 : vector<16xi32>
        %gather3A_2011 = tpu.vector_load_idx %arg12[%add3A_2010, %add3A_2007] : memref<80x128xf32, #tpu.memory_space<vmem>>[vector<16xi32>, vector<16xi32>], vector<16xf32>,
        %slice3A_2012 = vector.extract_strided_slice %get3A_167 {offsets = [8], sizes = [1], strides = [1]} : vector<16xf32> to vector<1xf32>
        %squeeze3A_2013 = vector.extract %slice3A_2012[0] : f32 from vector<1xf32>
        %mul3A_2014 = vector.broadcast %squeeze3A_2013 : f32 to vector<16xf32>
        %mul3A_2015 = arith.mulf %gather3A, %mul3A_2014 : vector<16xf32>
        %slice3A_2016 = vector.extract_strided_slice %get3A_171 {offsets = [8], sizes = [1], strides = [1]} : vector<16xf32> to vector<1xf32>
        %squeeze3A_2017 = vector.extract %slice3A_2016[0] : f32 from vector<1xf32>
        %mul3A_2018 = vector.broadcast %squeeze3A_2017 : f32 to vector<16xf32>
        %mul3A_2019 = arith.mulf %gather3A_29, %mul3A_2018 : vector<16xf32>
        %add3A_2020 = arith.addf %mul3A_2015, %mul3A_2019 : vector<16xf32>
        %slice3A_2021 = vector.extract_strided_slice %get3A_175 {offsets = [8], sizes = [1], strides = [1]} : vector<16xf32> to vector<1xf32>
        %squeeze3A_2022 = vector.extract %slice3A_2021[0] : f32 from vector<1xf32>
        %mul3A_2023 = vector.broadcast %squeeze3A_2022 : f32 to vector<16xf32>
        %mul3A_2024 = arith.mulf %gather3A_32, %mul3A_2023 : vector<16xf32>
        %add3A_2025 = arith.addf %add3A_2020, %mul3A_2024 : vector<16xf32>
        %slice3A_2026 = vector.extract_strided_slice %get3A_179 {offsets = [8], sizes = [1], strides = [1]} : vector<16xf32> to vector<1xf32>
        %squeeze3A_2027 = vector.extract %slice3A_2026[0] : f32 from vector<1xf32>
        %mul3A_2028 = vector.broadcast %squeeze3A_2027 : f32 to vector<16xf32>
        %mul3A_2029 = arith.mulf %gather3A_35, %mul3A_2028 : vector<16xf32>
        %add3A_2030 = arith.addf %add3A_2025, %mul3A_2029 : vector<16xf32>
        %slice3A_2031 = vector.extract_strided_slice %get3A_183 {offsets = [8], sizes = [1], strides = [1]} : vector<16xf32> to vector<1xf32>
        %squeeze3A_2032 = vector.extract %slice3A_2031[0] : f32 from vector<1xf32>
        %mul3A_2033 = vector.broadcast %squeeze3A_2032 : f32 to vector<16xf32>
        %mul3A_2034 = arith.mulf %gather3A_38, %mul3A_2033 : vector<16xf32>
        %add3A_2035 = arith.addf %add3A_2030, %mul3A_2034 : vector<16xf32>
        %slice3A_2036 = vector.extract_strided_slice %get3A_187 {offsets = [8], sizes = [1], strides = [1]} : vector<16xf32> to vector<1xf32>
        %squeeze3A_2037 = vector.extract %slice3A_2036[0] : f32 from vector<1xf32>
        %mul3A_2038 = vector.broadcast %squeeze3A_2037 : f32 to vector<16xf32>
        %mul3A_2039 = arith.mulf %gather3A_41, %mul3A_2038 : vector<16xf32>
        %add3A_2040 = arith.addf %add3A_2035, %mul3A_2039 : vector<16xf32>
        %slice3A_2041 = vector.extract_strided_slice %get3A_191 {offsets = [8], sizes = [1], strides = [1]} : vector<16xf32> to vector<1xf32>
        %squeeze3A_2042 = vector.extract %slice3A_2041[0] : f32 from vector<1xf32>
        %mul3A_2043 = vector.broadcast %squeeze3A_2042 : f32 to vector<16xf32>
        %mul3A_2044 = arith.mulf %gather3A_44, %mul3A_2043 : vector<16xf32>
        %add3A_2045 = arith.addf %add3A_2040, %mul3A_2044 : vector<16xf32>
        %slice3A_2046 = vector.extract_strided_slice %get3A_195 {offsets = [8], sizes = [1], strides = [1]} : vector<16xf32> to vector<1xf32>
        %squeeze3A_2047 = vector.extract %slice3A_2046[0] : f32 from vector<1xf32>
        %mul3A_2048 = vector.broadcast %squeeze3A_2047 : f32 to vector<16xf32>
        %mul3A_2049 = arith.mulf %gather3A_47, %mul3A_2048 : vector<16xf32>
        %add3A_2050 = arith.addf %add3A_2045, %mul3A_2049 : vector<16xf32>
        %mul3A_2051 = arith.mulf %gather3A_2011, %add3A_2050 : vector<16xf32>
        tpu.vector_store_idx %arg13[%add3A_2010, %add3A_2007], %mul3A_2051 : memref<80x128xf32, #tpu.memory_space<vmem>>[vector<16xi32>, vector<16xi32>], vector<16xf32>,
        %add3A_2052 = arith.constant 16 : i32
        %add3A_2053 = vector.broadcast %add3A_2052 : i32 to vector<16xi32>
        %add3A_2054 = arith.addi %iota3A, %add3A_2053 : vector<16xi32>
        %gather3A_2055 = tpu.vector_load_idx %arg12[%add3A_2054, %add3A_2007] : memref<80x128xf32, #tpu.memory_space<vmem>>[vector<16xi32>, vector<16xi32>], vector<16xf32>,
        %slice3A_2056 = vector.extract_strided_slice %get3A_167 {offsets = [8], sizes = [1], strides = [1]} : vector<16xf32> to vector<1xf32>
        %squeeze3A_2057 = vector.extract %slice3A_2056[0] : f32 from vector<1xf32>
        %mul3A_2058 = vector.broadcast %squeeze3A_2057 : f32 to vector<16xf32>
        %mul3A_2059 = arith.mulf %gather3A_53, %mul3A_2058 : vector<16xf32>
        %slice3A_2060 = vector.extract_strided_slice %get3A_171 {offsets = [8], sizes = [1], strides = [1]} : vector<16xf32> to vector<1xf32>
        %squeeze3A_2061 = vector.extract %slice3A_2060[0] : f32 from vector<1xf32>
        %mul3A_2062 = vector.broadcast %squeeze3A_2061 : f32 to vector<16xf32>
        %mul3A_2063 = arith.mulf %gather3A_56, %mul3A_2062 : vector<16xf32>
        %add3A_2064 = arith.addf %mul3A_2059, %mul3A_2063 : vector<16xf32>
        %slice3A_2065 = vector.extract_strided_slice %get3A_175 {offsets = [8], sizes = [1], strides = [1]} : vector<16xf32> to vector<1xf32>
        %squeeze3A_2066 = vector.extract %slice3A_2065[0] : f32 from vector<1xf32>
        %mul3A_2067 = vector.broadcast %squeeze3A_2066 : f32 to vector<16xf32>
        %mul3A_2068 = arith.mulf %gather3A_59, %mul3A_2067 : vector<16xf32>
        %add3A_2069 = arith.addf %add3A_2064, %mul3A_2068 : vector<16xf32>
        %slice3A_2070 = vector.extract_strided_slice %get3A_179 {offsets = [8], sizes = [1], strides = [1]} : vector<16xf32> to vector<1xf32>
        %squeeze3A_2071 = vector.extract %slice3A_2070[0] : f32 from vector<1xf32>
        %mul3A_2072 = vector.broadcast %squeeze3A_2071 : f32 to vector<16xf32>
        %mul3A_2073 = arith.mulf %gather3A_62, %mul3A_2072 : vector<16xf32>
        %add3A_2074 = arith.addf %add3A_2069, %mul3A_2073 : vector<16xf32>
        %slice3A_2075 = vector.extract_strided_slice %get3A_183 {offsets = [8], sizes = [1], strides = [1]} : vector<16xf32> to vector<1xf32>
        %squeeze3A_2076 = vector.extract %slice3A_2075[0] : f32 from vector<1xf32>
        %mul3A_2077 = vector.broadcast %squeeze3A_2076 : f32 to vector<16xf32>
        %mul3A_2078 = arith.mulf %gather3A_65, %mul3A_2077 : vector<16xf32>
        %add3A_2079 = arith.addf %add3A_2074, %mul3A_2078 : vector<16xf32>
        %slice3A_2080 = vector.extract_strided_slice %get3A_187 {offsets = [8], sizes = [1], strides = [1]} : vector<16xf32> to vector<1xf32>
        %squeeze3A_2081 = vector.extract %slice3A_2080[0] : f32 from vector<1xf32>
        %mul3A_2082 = vector.broadcast %squeeze3A_2081 : f32 to vector<16xf32>
        %mul3A_2083 = arith.mulf %gather3A_68, %mul3A_2082 : vector<16xf32>
        %add3A_2084 = arith.addf %add3A_2079, %mul3A_2083 : vector<16xf32>
        %slice3A_2085 = vector.extract_strided_slice %get3A_191 {offsets = [8], sizes = [1], strides = [1]} : vector<16xf32> to vector<1xf32>
        %squeeze3A_2086 = vector.extract %slice3A_2085[0] : f32 from vector<1xf32>
        %mul3A_2087 = vector.broadcast %squeeze3A_2086 : f32 to vector<16xf32>
        %mul3A_2088 = arith.mulf %gather3A_71, %mul3A_2087 : vector<16xf32>
        %add3A_2089 = arith.addf %add3A_2084, %mul3A_2088 : vector<16xf32>
        %slice3A_2090 = vector.extract_strided_slice %get3A_195 {offsets = [8], sizes = [1], strides = [1]} : vector<16xf32> to vector<1xf32>
        %squeeze3A_2091 = vector.extract %slice3A_2090[0] : f32 from vector<1xf32>
        %mul3A_2092 = vector.broadcast %squeeze3A_2091 : f32 to vector<16xf32>
        %mul3A_2093 = arith.mulf %gather3A_74, %mul3A_2092 : vector<16xf32>
        %add3A_2094 = arith.addf %add3A_2089, %mul3A_2093 : vector<16xf32>
        %mul3A_2095 = arith.mulf %gather3A_2055, %add3A_2094 : vector<16xf32>
        tpu.vector_store_idx %arg13[%add3A_2054, %add3A_2007], %mul3A_2095 : memref<80x128xf32, #tpu.memory_space<vmem>>[vector<16xi32>, vector<16xi32>], vector<16xf32>,
        %add3A_2096 = arith.constant 32 : i32
        %add3A_2097 = vector.broadcast %add3A_2096 : i32 to vector<16xi32>
        %add3A_2098 = arith.addi %iota3A, %add3A_2097 : vector<16xi32>
        %gather3A_2099 = tpu.vector_load_idx %arg12[%add3A_2098, %add3A_2007] : memref<80x128xf32, #tpu.memory_space<vmem>>[vector<16xi32>, vector<16xi32>], vector<16xf32>,
        %slice3A_2100 = vector.extract_strided_slice %get3A_167 {offsets = [8], sizes = [1], strides = [1]} : vector<16xf32> to vector<1xf32>
        %squeeze3A_2101 = vector.extract %slice3A_2100[0] : f32 from vector<1xf32>
        %mul3A_2102 = vector.broadcast %squeeze3A_2101 : f32 to vector<16xf32>
        %mul3A_2103 = arith.mulf %gather3A_80, %mul3A_2102 : vector<16xf32>
        %slice3A_2104 = vector.extract_strided_slice %get3A_171 {offsets = [8], sizes = [1], strides = [1]} : vector<16xf32> to vector<1xf32>
        %squeeze3A_2105 = vector.extract %slice3A_2104[0] : f32 from vector<1xf32>
        %mul3A_2106 = vector.broadcast %squeeze3A_2105 : f32 to vector<16xf32>
        %mul3A_2107 = arith.mulf %gather3A_83, %mul3A_2106 : vector<16xf32>
        %add3A_2108 = arith.addf %mul3A_2103, %mul3A_2107 : vector<16xf32>
        %slice3A_2109 = vector.extract_strided_slice %get3A_175 {offsets = [8], sizes = [1], strides = [1]} : vector<16xf32> to vector<1xf32>
        %squeeze3A_2110 = vector.extract %slice3A_2109[0] : f32 from vector<1xf32>
        %mul3A_2111 = vector.broadcast %squeeze3A_2110 : f32 to vector<16xf32>
        %mul3A_2112 = arith.mulf %gather3A_86, %mul3A_2111 : vector<16xf32>
        %add3A_2113 = arith.addf %add3A_2108, %mul3A_2112 : vector<16xf32>
        %slice3A_2114 = vector.extract_strided_slice %get3A_179 {offsets = [8], sizes = [1], strides = [1]} : vector<16xf32> to vector<1xf32>
        %squeeze3A_2115 = vector.extract %slice3A_2114[0] : f32 from vector<1xf32>
        %mul3A_2116 = vector.broadcast %squeeze3A_2115 : f32 to vector<16xf32>
        %mul3A_2117 = arith.mulf %gather3A_89, %mul3A_2116 : vector<16xf32>
        %add3A_2118 = arith.addf %add3A_2113, %mul3A_2117 : vector<16xf32>
        %slice3A_2119 = vector.extract_strided_slice %get3A_183 {offsets = [8], sizes = [1], strides = [1]} : vector<16xf32> to vector<1xf32>
        %squeeze3A_2120 = vector.extract %slice3A_2119[0] : f32 from vector<1xf32>
        %mul3A_2121 = vector.broadcast %squeeze3A_2120 : f32 to vector<16xf32>
        %mul3A_2122 = arith.mulf %gather3A_92, %mul3A_2121 : vector<16xf32>
        %add3A_2123 = arith.addf %add3A_2118, %mul3A_2122 : vector<16xf32>
        %slice3A_2124 = vector.extract_strided_slice %get3A_187 {offsets = [8], sizes = [1], strides = [1]} : vector<16xf32> to vector<1xf32>
        %squeeze3A_2125 = vector.extract %slice3A_2124[0] : f32 from vector<1xf32>
        %mul3A_2126 = vector.broadcast %squeeze3A_2125 : f32 to vector<16xf32>
        %mul3A_2127 = arith.mulf %gather3A_95, %mul3A_2126 : vector<16xf32>
        %add3A_2128 = arith.addf %add3A_2123, %mul3A_2127 : vector<16xf32>
        %slice3A_2129 = vector.extract_strided_slice %get3A_191 {offsets = [8], sizes = [1], strides = [1]} : vector<16xf32> to vector<1xf32>
        %squeeze3A_2130 = vector.extract %slice3A_2129[0] : f32 from vector<1xf32>
        %mul3A_2131 = vector.broadcast %squeeze3A_2130 : f32 to vector<16xf32>
        %mul3A_2132 = arith.mulf %gather3A_98, %mul3A_2131 : vector<16xf32>
        %add3A_2133 = arith.addf %add3A_2128, %mul3A_2132 : vector<16xf32>
        %slice3A_2134 = vector.extract_strided_slice %get3A_195 {offsets = [8], sizes = [1], strides = [1]} : vector<16xf32> to vector<1xf32>
        %squeeze3A_2135 = vector.extract %slice3A_2134[0] : f32 from vector<1xf32>
        %mul3A_2136 = vector.broadcast %squeeze3A_2135 : f32 to vector<16xf32>
        %mul3A_2137 = arith.mulf %gather3A_101, %mul3A_2136 : vector<16xf32>
        %add3A_2138 = arith.addf %add3A_2133, %mul3A_2137 : vector<16xf32>
        %mul3A_2139 = arith.mulf %gather3A_2099, %add3A_2138 : vector<16xf32>
        tpu.vector_store_idx %arg13[%add3A_2098, %add3A_2007], %mul3A_2139 : memref<80x128xf32, #tpu.memory_space<vmem>>[vector<16xi32>, vector<16xi32>], vector<16xf32>,
        %add3A_2140 = arith.constant 48 : i32
        %add3A_2141 = vector.broadcast %add3A_2140 : i32 to vector<16xi32>
        %add3A_2142 = arith.addi %iota3A, %add3A_2141 : vector<16xi32>
        %gather3A_2143 = tpu.vector_load_idx %arg12[%add3A_2142, %add3A_2007] : memref<80x128xf32, #tpu.memory_space<vmem>>[vector<16xi32>, vector<16xi32>], vector<16xf32>,
        %slice3A_2144 = vector.extract_strided_slice %get3A_167 {offsets = [8], sizes = [1], strides = [1]} : vector<16xf32> to vector<1xf32>
        %squeeze3A_2145 = vector.extract %slice3A_2144[0] : f32 from vector<1xf32>
        %mul3A_2146 = vector.broadcast %squeeze3A_2145 : f32 to vector<16xf32>
        %mul3A_2147 = arith.mulf %gather3A_107, %mul3A_2146 : vector<16xf32>
        %slice3A_2148 = vector.extract_strided_slice %get3A_171 {offsets = [8], sizes = [1], strides = [1]} : vector<16xf32> to vector<1xf32>
        %squeeze3A_2149 = vector.extract %slice3A_2148[0] : f32 from vector<1xf32>
        %mul3A_2150 = vector.broadcast %squeeze3A_2149 : f32 to vector<16xf32>
        %mul3A_2151 = arith.mulf %gather3A_110, %mul3A_2150 : vector<16xf32>
        %add3A_2152 = arith.addf %mul3A_2147, %mul3A_2151 : vector<16xf32>
        %slice3A_2153 = vector.extract_strided_slice %get3A_175 {offsets = [8], sizes = [1], strides = [1]} : vector<16xf32> to vector<1xf32>
        %squeeze3A_2154 = vector.extract %slice3A_2153[0] : f32 from vector<1xf32>
        %mul3A_2155 = vector.broadcast %squeeze3A_2154 : f32 to vector<16xf32>
        %mul3A_2156 = arith.mulf %gather3A_113, %mul3A_2155 : vector<16xf32>
        %add3A_2157 = arith.addf %add3A_2152, %mul3A_2156 : vector<16xf32>
        %slice3A_2158 = vector.extract_strided_slice %get3A_179 {offsets = [8], sizes = [1], strides = [1]} : vector<16xf32> to vector<1xf32>
        %squeeze3A_2159 = vector.extract %slice3A_2158[0] : f32 from vector<1xf32>
        %mul3A_2160 = vector.broadcast %squeeze3A_2159 : f32 to vector<16xf32>
        %mul3A_2161 = arith.mulf %gather3A_116, %mul3A_2160 : vector<16xf32>
        %add3A_2162 = arith.addf %add3A_2157, %mul3A_2161 : vector<16xf32>
        %slice3A_2163 = vector.extract_strided_slice %get3A_183 {offsets = [8], sizes = [1], strides = [1]} : vector<16xf32> to vector<1xf32>
        %squeeze3A_2164 = vector.extract %slice3A_2163[0] : f32 from vector<1xf32>
        %mul3A_2165 = vector.broadcast %squeeze3A_2164 : f32 to vector<16xf32>
        %mul3A_2166 = arith.mulf %gather3A_119, %mul3A_2165 : vector<16xf32>
        %add3A_2167 = arith.addf %add3A_2162, %mul3A_2166 : vector<16xf32>
        %slice3A_2168 = vector.extract_strided_slice %get3A_187 {offsets = [8], sizes = [1], strides = [1]} : vector<16xf32> to vector<1xf32>
        %squeeze3A_2169 = vector.extract %slice3A_2168[0] : f32 from vector<1xf32>
        %mul3A_2170 = vector.broadcast %squeeze3A_2169 : f32 to vector<16xf32>
        %mul3A_2171 = arith.mulf %gather3A_122, %mul3A_2170 : vector<16xf32>
        %add3A_2172 = arith.addf %add3A_2167, %mul3A_2171 : vector<16xf32>
        %slice3A_2173 = vector.extract_strided_slice %get3A_191 {offsets = [8], sizes = [1], strides = [1]} : vector<16xf32> to vector<1xf32>
        %squeeze3A_2174 = vector.extract %slice3A_2173[0] : f32 from vector<1xf32>
        %mul3A_2175 = vector.broadcast %squeeze3A_2174 : f32 to vector<16xf32>
        %mul3A_2176 = arith.mulf %gather3A_125, %mul3A_2175 : vector<16xf32>
        %add3A_2177 = arith.addf %add3A_2172, %mul3A_2176 : vector<16xf32>
        %slice3A_2178 = vector.extract_strided_slice %get3A_195 {offsets = [8], sizes = [1], strides = [1]} : vector<16xf32> to vector<1xf32>
        %squeeze3A_2179 = vector.extract %slice3A_2178[0] : f32 from vector<1xf32>
        %mul3A_2180 = vector.broadcast %squeeze3A_2179 : f32 to vector<16xf32>
        %mul3A_2181 = arith.mulf %gather3A_128, %mul3A_2180 : vector<16xf32>
        %add3A_2182 = arith.addf %add3A_2177, %mul3A_2181 : vector<16xf32>
        %mul3A_2183 = arith.mulf %gather3A_2143, %add3A_2182 : vector<16xf32>
        tpu.vector_store_idx %arg13[%add3A_2142, %add3A_2007], %mul3A_2183 : memref<80x128xf32, #tpu.memory_space<vmem>>[vector<16xi32>, vector<16xi32>], vector<16xf32>,
        %add3A_2184 = arith.constant 64 : i32
        %add3A_2185 = vector.broadcast %add3A_2184 : i32 to vector<16xi32>
        %add3A_2186 = arith.addi %iota3A, %add3A_2185 : vector<16xi32>
        %gather3A_2187 = tpu.vector_load_idx %arg12[%add3A_2186, %add3A_2007] : memref<80x128xf32, #tpu.memory_space<vmem>>[vector<16xi32>, vector<16xi32>], vector<16xf32>,
        %slice3A_2188 = vector.extract_strided_slice %get3A_167 {offsets = [8], sizes = [1], strides = [1]} : vector<16xf32> to vector<1xf32>
        %squeeze3A_2189 = vector.extract %slice3A_2188[0] : f32 from vector<1xf32>
        %mul3A_2190 = vector.broadcast %squeeze3A_2189 : f32 to vector<16xf32>
        %mul3A_2191 = arith.mulf %gather3A_134, %mul3A_2190 : vector<16xf32>
        %slice3A_2192 = vector.extract_strided_slice %get3A_171 {offsets = [8], sizes = [1], strides = [1]} : vector<16xf32> to vector<1xf32>
        %squeeze3A_2193 = vector.extract %slice3A_2192[0] : f32 from vector<1xf32>
        %mul3A_2194 = vector.broadcast %squeeze3A_2193 : f32 to vector<16xf32>
        %mul3A_2195 = arith.mulf %gather3A_137, %mul3A_2194 : vector<16xf32>
        %add3A_2196 = arith.addf %mul3A_2191, %mul3A_2195 : vector<16xf32>
        %slice3A_2197 = vector.extract_strided_slice %get3A_175 {offsets = [8], sizes = [1], strides = [1]} : vector<16xf32> to vector<1xf32>
        %squeeze3A_2198 = vector.extract %slice3A_2197[0] : f32 from vector<1xf32>
        %mul3A_2199 = vector.broadcast %squeeze3A_2198 : f32 to vector<16xf32>
        %mul3A_2200 = arith.mulf %gather3A_140, %mul3A_2199 : vector<16xf32>
        %add3A_2201 = arith.addf %add3A_2196, %mul3A_2200 : vector<16xf32>
        %slice3A_2202 = vector.extract_strided_slice %get3A_179 {offsets = [8], sizes = [1], strides = [1]} : vector<16xf32> to vector<1xf32>
        %squeeze3A_2203 = vector.extract %slice3A_2202[0] : f32 from vector<1xf32>
        %mul3A_2204 = vector.broadcast %squeeze3A_2203 : f32 to vector<16xf32>
        %mul3A_2205 = arith.mulf %gather3A_143, %mul3A_2204 : vector<16xf32>
        %add3A_2206 = arith.addf %add3A_2201, %mul3A_2205 : vector<16xf32>
        %slice3A_2207 = vector.extract_strided_slice %get3A_183 {offsets = [8], sizes = [1], strides = [1]} : vector<16xf32> to vector<1xf32>
        %squeeze3A_2208 = vector.extract %slice3A_2207[0] : f32 from vector<1xf32>
        %mul3A_2209 = vector.broadcast %squeeze3A_2208 : f32 to vector<16xf32>
        %mul3A_2210 = arith.mulf %gather3A_146, %mul3A_2209 : vector<16xf32>
        %add3A_2211 = arith.addf %add3A_2206, %mul3A_2210 : vector<16xf32>
        %slice3A_2212 = vector.extract_strided_slice %get3A_187 {offsets = [8], sizes = [1], strides = [1]} : vector<16xf32> to vector<1xf32>
        %squeeze3A_2213 = vector.extract %slice3A_2212[0] : f32 from vector<1xf32>
        %mul3A_2214 = vector.broadcast %squeeze3A_2213 : f32 to vector<16xf32>
        %mul3A_2215 = arith.mulf %gather3A_149, %mul3A_2214 : vector<16xf32>
        %add3A_2216 = arith.addf %add3A_2211, %mul3A_2215 : vector<16xf32>
        %slice3A_2217 = vector.extract_strided_slice %get3A_191 {offsets = [8], sizes = [1], strides = [1]} : vector<16xf32> to vector<1xf32>
        %squeeze3A_2218 = vector.extract %slice3A_2217[0] : f32 from vector<1xf32>
        %mul3A_2219 = vector.broadcast %squeeze3A_2218 : f32 to vector<16xf32>
        %mul3A_2220 = arith.mulf %gather3A_152, %mul3A_2219 : vector<16xf32>
        %add3A_2221 = arith.addf %add3A_2216, %mul3A_2220 : vector<16xf32>
        %slice3A_2222 = vector.extract_strided_slice %get3A_195 {offsets = [8], sizes = [1], strides = [1]} : vector<16xf32> to vector<1xf32>
        %squeeze3A_2223 = vector.extract %slice3A_2222[0] : f32 from vector<1xf32>
        %mul3A_2224 = vector.broadcast %squeeze3A_2223 : f32 to vector<16xf32>
        %mul3A_2225 = arith.mulf %gather3A_155, %mul3A_2224 : vector<16xf32>
        %add3A_2226 = arith.addf %add3A_2221, %mul3A_2225 : vector<16xf32>
        %mul3A_2227 = arith.mulf %gather3A_2187, %add3A_2226 : vector<16xf32>
        tpu.vector_store_idx %arg13[%add3A_2186, %add3A_2007], %mul3A_2227 : memref<80x128xf32, #tpu.memory_space<vmem>>[vector<16xi32>, vector<16xi32>], vector<16xf32>,
        %broadcast_in_dim3A_2228 = arith.constant 0 : i32
        %broadcast_in_dim3A_2229 = vector.broadcast %broadcast_in_dim3A_2228 : i32 to vector<16xi32>
        %add3A_2230 = arith.constant 9 : i32
        %add3A_2231 = arith.addi %mul3A_164, %add3A_2230 : i32
        %add3A_2232 = vector.broadcast %add3A_2231 : i32 to vector<16xi32>
        %add3A_2233 = arith.addi %broadcast_in_dim3A_2229, %add3A_2232 : vector<16xi32>
        %add3A_2234 = arith.constant 0 : i32
        %add3A_2235 = vector.broadcast %add3A_2234 : i32 to vector<16xi32>
        %add3A_2236 = arith.addi %iota3A, %add3A_2235 : vector<16xi32>
        %gather3A_2237 = tpu.vector_load_idx %arg12[%add3A_2236, %add3A_2233] : memref<80x128xf32, #tpu.memory_space<vmem>>[vector<16xi32>, vector<16xi32>], vector<16xf32>,
        %slice3A_2238 = vector.extract_strided_slice %get3A_167 {offsets = [9], sizes = [1], strides = [1]} : vector<16xf32> to vector<1xf32>
        %squeeze3A_2239 = vector.extract %slice3A_2238[0] : f32 from vector<1xf32>
        %mul3A_2240 = vector.broadcast %squeeze3A_2239 : f32 to vector<16xf32>
        %mul3A_2241 = arith.mulf %gather3A, %mul3A_2240 : vector<16xf32>
        %slice3A_2242 = vector.extract_strided_slice %get3A_171 {offsets = [9], sizes = [1], strides = [1]} : vector<16xf32> to vector<1xf32>
        %squeeze3A_2243 = vector.extract %slice3A_2242[0] : f32 from vector<1xf32>
        %mul3A_2244 = vector.broadcast %squeeze3A_2243 : f32 to vector<16xf32>
        %mul3A_2245 = arith.mulf %gather3A_29, %mul3A_2244 : vector<16xf32>
        %add3A_2246 = arith.addf %mul3A_2241, %mul3A_2245 : vector<16xf32>
        %slice3A_2247 = vector.extract_strided_slice %get3A_175 {offsets = [9], sizes = [1], strides = [1]} : vector<16xf32> to vector<1xf32>
        %squeeze3A_2248 = vector.extract %slice3A_2247[0] : f32 from vector<1xf32>
        %mul3A_2249 = vector.broadcast %squeeze3A_2248 : f32 to vector<16xf32>
        %mul3A_2250 = arith.mulf %gather3A_32, %mul3A_2249 : vector<16xf32>
        %add3A_2251 = arith.addf %add3A_2246, %mul3A_2250 : vector<16xf32>
        %slice3A_2252 = vector.extract_strided_slice %get3A_179 {offsets = [9], sizes = [1], strides = [1]} : vector<16xf32> to vector<1xf32>
        %squeeze3A_2253 = vector.extract %slice3A_2252[0] : f32 from vector<1xf32>
        %mul3A_2254 = vector.broadcast %squeeze3A_2253 : f32 to vector<16xf32>
        %mul3A_2255 = arith.mulf %gather3A_35, %mul3A_2254 : vector<16xf32>
        %add3A_2256 = arith.addf %add3A_2251, %mul3A_2255 : vector<16xf32>
        %slice3A_2257 = vector.extract_strided_slice %get3A_183 {offsets = [9], sizes = [1], strides = [1]} : vector<16xf32> to vector<1xf32>
        %squeeze3A_2258 = vector.extract %slice3A_2257[0] : f32 from vector<1xf32>
        %mul3A_2259 = vector.broadcast %squeeze3A_2258 : f32 to vector<16xf32>
        %mul3A_2260 = arith.mulf %gather3A_38, %mul3A_2259 : vector<16xf32>
        %add3A_2261 = arith.addf %add3A_2256, %mul3A_2260 : vector<16xf32>
        %slice3A_2262 = vector.extract_strided_slice %get3A_187 {offsets = [9], sizes = [1], strides = [1]} : vector<16xf32> to vector<1xf32>
        %squeeze3A_2263 = vector.extract %slice3A_2262[0] : f32 from vector<1xf32>
        %mul3A_2264 = vector.broadcast %squeeze3A_2263 : f32 to vector<16xf32>
        %mul3A_2265 = arith.mulf %gather3A_41, %mul3A_2264 : vector<16xf32>
        %add3A_2266 = arith.addf %add3A_2261, %mul3A_2265 : vector<16xf32>
        %slice3A_2267 = vector.extract_strided_slice %get3A_191 {offsets = [9], sizes = [1], strides = [1]} : vector<16xf32> to vector<1xf32>
        %squeeze3A_2268 = vector.extract %slice3A_2267[0] : f32 from vector<1xf32>
        %mul3A_2269 = vector.broadcast %squeeze3A_2268 : f32 to vector<16xf32>
        %mul3A_2270 = arith.mulf %gather3A_44, %mul3A_2269 : vector<16xf32>
        %add3A_2271 = arith.addf %add3A_2266, %mul3A_2270 : vector<16xf32>
        %slice3A_2272 = vector.extract_strided_slice %get3A_195 {offsets = [9], sizes = [1], strides = [1]} : vector<16xf32> to vector<1xf32>
        %squeeze3A_2273 = vector.extract %slice3A_2272[0] : f32 from vector<1xf32>
        %mul3A_2274 = vector.broadcast %squeeze3A_2273 : f32 to vector<16xf32>
        %mul3A_2275 = arith.mulf %gather3A_47, %mul3A_2274 : vector<16xf32>
        %add3A_2276 = arith.addf %add3A_2271, %mul3A_2275 : vector<16xf32>
        %mul3A_2277 = arith.mulf %gather3A_2237, %add3A_2276 : vector<16xf32>
        tpu.vector_store_idx %arg13[%add3A_2236, %add3A_2233], %mul3A_2277 : memref<80x128xf32, #tpu.memory_space<vmem>>[vector<16xi32>, vector<16xi32>], vector<16xf32>,
        %add3A_2278 = arith.constant 16 : i32
        %add3A_2279 = vector.broadcast %add3A_2278 : i32 to vector<16xi32>
        %add3A_2280 = arith.addi %iota3A, %add3A_2279 : vector<16xi32>
        %gather3A_2281 = tpu.vector_load_idx %arg12[%add3A_2280, %add3A_2233] : memref<80x128xf32, #tpu.memory_space<vmem>>[vector<16xi32>, vector<16xi32>], vector<16xf32>,
        %slice3A_2282 = vector.extract_strided_slice %get3A_167 {offsets = [9], sizes = [1], strides = [1]} : vector<16xf32> to vector<1xf32>
        %squeeze3A_2283 = vector.extract %slice3A_2282[0] : f32 from vector<1xf32>
        %mul3A_2284 = vector.broadcast %squeeze3A_2283 : f32 to vector<16xf32>
        %mul3A_2285 = arith.mulf %gather3A_53, %mul3A_2284 : vector<16xf32>
        %slice3A_2286 = vector.extract_strided_slice %get3A_171 {offsets = [9], sizes = [1], strides = [1]} : vector<16xf32> to vector<1xf32>
        %squeeze3A_2287 = vector.extract %slice3A_2286[0] : f32 from vector<1xf32>
        %mul3A_2288 = vector.broadcast %squeeze3A_2287 : f32 to vector<16xf32>
        %mul3A_2289 = arith.mulf %gather3A_56, %mul3A_2288 : vector<16xf32>
        %add3A_2290 = arith.addf %mul3A_2285, %mul3A_2289 : vector<16xf32>
        %slice3A_2291 = vector.extract_strided_slice %get3A_175 {offsets = [9], sizes = [1], strides = [1]} : vector<16xf32> to vector<1xf32>
        %squeeze3A_2292 = vector.extract %slice3A_2291[0] : f32 from vector<1xf32>
        %mul3A_2293 = vector.broadcast %squeeze3A_2292 : f32 to vector<16xf32>
        %mul3A_2294 = arith.mulf %gather3A_59, %mul3A_2293 : vector<16xf32>
        %add3A_2295 = arith.addf %add3A_2290, %mul3A_2294 : vector<16xf32>
        %slice3A_2296 = vector.extract_strided_slice %get3A_179 {offsets = [9], sizes = [1], strides = [1]} : vector<16xf32> to vector<1xf32>
        %squeeze3A_2297 = vector.extract %slice3A_2296[0] : f32 from vector<1xf32>
        %mul3A_2298 = vector.broadcast %squeeze3A_2297 : f32 to vector<16xf32>
        %mul3A_2299 = arith.mulf %gather3A_62, %mul3A_2298 : vector<16xf32>
        %add3A_2300 = arith.addf %add3A_2295, %mul3A_2299 : vector<16xf32>
        %slice3A_2301 = vector.extract_strided_slice %get3A_183 {offsets = [9], sizes = [1], strides = [1]} : vector<16xf32> to vector<1xf32>
        %squeeze3A_2302 = vector.extract %slice3A_2301[0] : f32 from vector<1xf32>
        %mul3A_2303 = vector.broadcast %squeeze3A_2302 : f32 to vector<16xf32>
        %mul3A_2304 = arith.mulf %gather3A_65, %mul3A_2303 : vector<16xf32>
        %add3A_2305 = arith.addf %add3A_2300, %mul3A_2304 : vector<16xf32>
        %slice3A_2306 = vector.extract_strided_slice %get3A_187 {offsets = [9], sizes = [1], strides = [1]} : vector<16xf32> to vector<1xf32>
        %squeeze3A_2307 = vector.extract %slice3A_2306[0] : f32 from vector<1xf32>
        %mul3A_2308 = vector.broadcast %squeeze3A_2307 : f32 to vector<16xf32>
        %mul3A_2309 = arith.mulf %gather3A_68, %mul3A_2308 : vector<16xf32>
        %add3A_2310 = arith.addf %add3A_2305, %mul3A_2309 : vector<16xf32>
        %slice3A_2311 = vector.extract_strided_slice %get3A_191 {offsets = [9], sizes = [1], strides = [1]} : vector<16xf32> to vector<1xf32>
        %squeeze3A_2312 = vector.extract %slice3A_2311[0] : f32 from vector<1xf32>
        %mul3A_2313 = vector.broadcast %squeeze3A_2312 : f32 to vector<16xf32>
        %mul3A_2314 = arith.mulf %gather3A_71, %mul3A_2313 : vector<16xf32>
        %add3A_2315 = arith.addf %add3A_2310, %mul3A_2314 : vector<16xf32>
        %slice3A_2316 = vector.extract_strided_slice %get3A_195 {offsets = [9], sizes = [1], strides = [1]} : vector<16xf32> to vector<1xf32>
        %squeeze3A_2317 = vector.extract %slice3A_2316[0] : f32 from vector<1xf32>
        %mul3A_2318 = vector.broadcast %squeeze3A_2317 : f32 to vector<16xf32>
        %mul3A_2319 = arith.mulf %gather3A_74, %mul3A_2318 : vector<16xf32>
        %add3A_2320 = arith.addf %add3A_2315, %mul3A_2319 : vector<16xf32>
        %mul3A_2321 = arith.mulf %gather3A_2281, %add3A_2320 : vector<16xf32>
        tpu.vector_store_idx %arg13[%add3A_2280, %add3A_2233], %mul3A_2321 : memref<80x128xf32, #tpu.memory_space<vmem>>[vector<16xi32>, vector<16xi32>], vector<16xf32>,
        %add3A_2322 = arith.constant 32 : i32
        %add3A_2323 = vector.broadcast %add3A_2322 : i32 to vector<16xi32>
        %add3A_2324 = arith.addi %iota3A, %add3A_2323 : vector<16xi32>
        %gather3A_2325 = tpu.vector_load_idx %arg12[%add3A_2324, %add3A_2233] : memref<80x128xf32, #tpu.memory_space<vmem>>[vector<16xi32>, vector<16xi32>], vector<16xf32>,
        %slice3A_2326 = vector.extract_strided_slice %get3A_167 {offsets = [9], sizes = [1], strides = [1]} : vector<16xf32> to vector<1xf32>
        %squeeze3A_2327 = vector.extract %slice3A_2326[0] : f32 from vector<1xf32>
        %mul3A_2328 = vector.broadcast %squeeze3A_2327 : f32 to vector<16xf32>
        %mul3A_2329 = arith.mulf %gather3A_80, %mul3A_2328 : vector<16xf32>
        %slice3A_2330 = vector.extract_strided_slice %get3A_171 {offsets = [9], sizes = [1], strides = [1]} : vector<16xf32> to vector<1xf32>
        %squeeze3A_2331 = vector.extract %slice3A_2330[0] : f32 from vector<1xf32>
        %mul3A_2332 = vector.broadcast %squeeze3A_2331 : f32 to vector<16xf32>
        %mul3A_2333 = arith.mulf %gather3A_83, %mul3A_2332 : vector<16xf32>
        %add3A_2334 = arith.addf %mul3A_2329, %mul3A_2333 : vector<16xf32>
        %slice3A_2335 = vector.extract_strided_slice %get3A_175 {offsets = [9], sizes = [1], strides = [1]} : vector<16xf32> to vector<1xf32>
        %squeeze3A_2336 = vector.extract %slice3A_2335[0] : f32 from vector<1xf32>
        %mul3A_2337 = vector.broadcast %squeeze3A_2336 : f32 to vector<16xf32>
        %mul3A_2338 = arith.mulf %gather3A_86, %mul3A_2337 : vector<16xf32>
        %add3A_2339 = arith.addf %add3A_2334, %mul3A_2338 : vector<16xf32>
        %slice3A_2340 = vector.extract_strided_slice %get3A_179 {offsets = [9], sizes = [1], strides = [1]} : vector<16xf32> to vector<1xf32>
        %squeeze3A_2341 = vector.extract %slice3A_2340[0] : f32 from vector<1xf32>
        %mul3A_2342 = vector.broadcast %squeeze3A_2341 : f32 to vector<16xf32>
        %mul3A_2343 = arith.mulf %gather3A_89, %mul3A_2342 : vector<16xf32>
        %add3A_2344 = arith.addf %add3A_2339, %mul3A_2343 : vector<16xf32>
        %slice3A_2345 = vector.extract_strided_slice %get3A_183 {offsets = [9], sizes = [1], strides = [1]} : vector<16xf32> to vector<1xf32>
        %squeeze3A_2346 = vector.extract %slice3A_2345[0] : f32 from vector<1xf32>
        %mul3A_2347 = vector.broadcast %squeeze3A_2346 : f32 to vector<16xf32>
        %mul3A_2348 = arith.mulf %gather3A_92, %mul3A_2347 : vector<16xf32>
        %add3A_2349 = arith.addf %add3A_2344, %mul3A_2348 : vector<16xf32>
        %slice3A_2350 = vector.extract_strided_slice %get3A_187 {offsets = [9], sizes = [1], strides = [1]} : vector<16xf32> to vector<1xf32>
        %squeeze3A_2351 = vector.extract %slice3A_2350[0] : f32 from vector<1xf32>
        %mul3A_2352 = vector.broadcast %squeeze3A_2351 : f32 to vector<16xf32>
        %mul3A_2353 = arith.mulf %gather3A_95, %mul3A_2352 : vector<16xf32>
        %add3A_2354 = arith.addf %add3A_2349, %mul3A_2353 : vector<16xf32>
        %slice3A_2355 = vector.extract_strided_slice %get3A_191 {offsets = [9], sizes = [1], strides = [1]} : vector<16xf32> to vector<1xf32>
        %squeeze3A_2356 = vector.extract %slice3A_2355[0] : f32 from vector<1xf32>
        %mul3A_2357 = vector.broadcast %squeeze3A_2356 : f32 to vector<16xf32>
        %mul3A_2358 = arith.mulf %gather3A_98, %mul3A_2357 : vector<16xf32>
        %add3A_2359 = arith.addf %add3A_2354, %mul3A_2358 : vector<16xf32>
        %slice3A_2360 = vector.extract_strided_slice %get3A_195 {offsets = [9], sizes = [1], strides = [1]} : vector<16xf32> to vector<1xf32>
        %squeeze3A_2361 = vector.extract %slice3A_2360[0] : f32 from vector<1xf32>
        %mul3A_2362 = vector.broadcast %squeeze3A_2361 : f32 to vector<16xf32>
        %mul3A_2363 = arith.mulf %gather3A_101, %mul3A_2362 : vector<16xf32>
        %add3A_2364 = arith.addf %add3A_2359, %mul3A_2363 : vector<16xf32>
        %mul3A_2365 = arith.mulf %gather3A_2325, %add3A_2364 : vector<16xf32>
        tpu.vector_store_idx %arg13[%add3A_2324, %add3A_2233], %mul3A_2365 : memref<80x128xf32, #tpu.memory_space<vmem>>[vector<16xi32>, vector<16xi32>], vector<16xf32>,
        %add3A_2366 = arith.constant 48 : i32
        %add3A_2367 = vector.broadcast %add3A_2366 : i32 to vector<16xi32>
        %add3A_2368 = arith.addi %iota3A, %add3A_2367 : vector<16xi32>
        %gather3A_2369 = tpu.vector_load_idx %arg12[%add3A_2368, %add3A_2233] : memref<80x128xf32, #tpu.memory_space<vmem>>[vector<16xi32>, vector<16xi32>], vector<16xf32>,
        %slice3A_2370 = vector.extract_strided_slice %get3A_167 {offsets = [9], sizes = [1], strides = [1]} : vector<16xf32> to vector<1xf32>
        %squeeze3A_2371 = vector.extract %slice3A_2370[0] : f32 from vector<1xf32>
        %mul3A_2372 = vector.broadcast %squeeze3A_2371 : f32 to vector<16xf32>
        %mul3A_2373 = arith.mulf %gather3A_107, %mul3A_2372 : vector<16xf32>
        %slice3A_2374 = vector.extract_strided_slice %get3A_171 {offsets = [9], sizes = [1], strides = [1]} : vector<16xf32> to vector<1xf32>
        %squeeze3A_2375 = vector.extract %slice3A_2374[0] : f32 from vector<1xf32>
        %mul3A_2376 = vector.broadcast %squeeze3A_2375 : f32 to vector<16xf32>
        %mul3A_2377 = arith.mulf %gather3A_110, %mul3A_2376 : vector<16xf32>
        %add3A_2378 = arith.addf %mul3A_2373, %mul3A_2377 : vector<16xf32>
        %slice3A_2379 = vector.extract_strided_slice %get3A_175 {offsets = [9], sizes = [1], strides = [1]} : vector<16xf32> to vector<1xf32>
        %squeeze3A_2380 = vector.extract %slice3A_2379[0] : f32 from vector<1xf32>
        %mul3A_2381 = vector.broadcast %squeeze3A_2380 : f32 to vector<16xf32>
        %mul3A_2382 = arith.mulf %gather3A_113, %mul3A_2381 : vector<16xf32>
        %add3A_2383 = arith.addf %add3A_2378, %mul3A_2382 : vector<16xf32>
        %slice3A_2384 = vector.extract_strided_slice %get3A_179 {offsets = [9], sizes = [1], strides = [1]} : vector<16xf32> to vector<1xf32>
        %squeeze3A_2385 = vector.extract %slice3A_2384[0] : f32 from vector<1xf32>
        %mul3A_2386 = vector.broadcast %squeeze3A_2385 : f32 to vector<16xf32>
        %mul3A_2387 = arith.mulf %gather3A_116, %mul3A_2386 : vector<16xf32>
        %add3A_2388 = arith.addf %add3A_2383, %mul3A_2387 : vector<16xf32>
        %slice3A_2389 = vector.extract_strided_slice %get3A_183 {offsets = [9], sizes = [1], strides = [1]} : vector<16xf32> to vector<1xf32>
        %squeeze3A_2390 = vector.extract %slice3A_2389[0] : f32 from vector<1xf32>
        %mul3A_2391 = vector.broadcast %squeeze3A_2390 : f32 to vector<16xf32>
        %mul3A_2392 = arith.mulf %gather3A_119, %mul3A_2391 : vector<16xf32>
        %add3A_2393 = arith.addf %add3A_2388, %mul3A_2392 : vector<16xf32>
        %slice3A_2394 = vector.extract_strided_slice %get3A_187 {offsets = [9], sizes = [1], strides = [1]} : vector<16xf32> to vector<1xf32>
        %squeeze3A_2395 = vector.extract %slice3A_2394[0] : f32 from vector<1xf32>
        %mul3A_2396 = vector.broadcast %squeeze3A_2395 : f32 to vector<16xf32>
        %mul3A_2397 = arith.mulf %gather3A_122, %mul3A_2396 : vector<16xf32>
        %add3A_2398 = arith.addf %add3A_2393, %mul3A_2397 : vector<16xf32>
        %slice3A_2399 = vector.extract_strided_slice %get3A_191 {offsets = [9], sizes = [1], strides = [1]} : vector<16xf32> to vector<1xf32>
        %squeeze3A_2400 = vector.extract %slice3A_2399[0] : f32 from vector<1xf32>
        %mul3A_2401 = vector.broadcast %squeeze3A_2400 : f32 to vector<16xf32>
        %mul3A_2402 = arith.mulf %gather3A_125, %mul3A_2401 : vector<16xf32>
        %add3A_2403 = arith.addf %add3A_2398, %mul3A_2402 : vector<16xf32>
        %slice3A_2404 = vector.extract_strided_slice %get3A_195 {offsets = [9], sizes = [1], strides = [1]} : vector<16xf32> to vector<1xf32>
        %squeeze3A_2405 = vector.extract %slice3A_2404[0] : f32 from vector<1xf32>
        %mul3A_2406 = vector.broadcast %squeeze3A_2405 : f32 to vector<16xf32>
        %mul3A_2407 = arith.mulf %gather3A_128, %mul3A_2406 : vector<16xf32>
        %add3A_2408 = arith.addf %add3A_2403, %mul3A_2407 : vector<16xf32>
        %mul3A_2409 = arith.mulf %gather3A_2369, %add3A_2408 : vector<16xf32>
        tpu.vector_store_idx %arg13[%add3A_2368, %add3A_2233], %mul3A_2409 : memref<80x128xf32, #tpu.memory_space<vmem>>[vector<16xi32>, vector<16xi32>], vector<16xf32>,
        %add3A_2410 = arith.constant 64 : i32
        %add3A_2411 = vector.broadcast %add3A_2410 : i32 to vector<16xi32>
        %add3A_2412 = arith.addi %iota3A, %add3A_2411 : vector<16xi32>
        %gather3A_2413 = tpu.vector_load_idx %arg12[%add3A_2412, %add3A_2233] : memref<80x128xf32, #tpu.memory_space<vmem>>[vector<16xi32>, vector<16xi32>], vector<16xf32>,
        %slice3A_2414 = vector.extract_strided_slice %get3A_167 {offsets = [9], sizes = [1], strides = [1]} : vector<16xf32> to vector<1xf32>
        %squeeze3A_2415 = vector.extract %slice3A_2414[0] : f32 from vector<1xf32>
        %mul3A_2416 = vector.broadcast %squeeze3A_2415 : f32 to vector<16xf32>
        %mul3A_2417 = arith.mulf %gather3A_134, %mul3A_2416 : vector<16xf32>
        %slice3A_2418 = vector.extract_strided_slice %get3A_171 {offsets = [9], sizes = [1], strides = [1]} : vector<16xf32> to vector<1xf32>
        %squeeze3A_2419 = vector.extract %slice3A_2418[0] : f32 from vector<1xf32>
        %mul3A_2420 = vector.broadcast %squeeze3A_2419 : f32 to vector<16xf32>
        %mul3A_2421 = arith.mulf %gather3A_137, %mul3A_2420 : vector<16xf32>
        %add3A_2422 = arith.addf %mul3A_2417, %mul3A_2421 : vector<16xf32>
        %slice3A_2423 = vector.extract_strided_slice %get3A_175 {offsets = [9], sizes = [1], strides = [1]} : vector<16xf32> to vector<1xf32>
        %squeeze3A_2424 = vector.extract %slice3A_2423[0] : f32 from vector<1xf32>
        %mul3A_2425 = vector.broadcast %squeeze3A_2424 : f32 to vector<16xf32>
        %mul3A_2426 = arith.mulf %gather3A_140, %mul3A_2425 : vector<16xf32>
        %add3A_2427 = arith.addf %add3A_2422, %mul3A_2426 : vector<16xf32>
        %slice3A_2428 = vector.extract_strided_slice %get3A_179 {offsets = [9], sizes = [1], strides = [1]} : vector<16xf32> to vector<1xf32>
        %squeeze3A_2429 = vector.extract %slice3A_2428[0] : f32 from vector<1xf32>
        %mul3A_2430 = vector.broadcast %squeeze3A_2429 : f32 to vector<16xf32>
        %mul3A_2431 = arith.mulf %gather3A_143, %mul3A_2430 : vector<16xf32>
        %add3A_2432 = arith.addf %add3A_2427, %mul3A_2431 : vector<16xf32>
        %slice3A_2433 = vector.extract_strided_slice %get3A_183 {offsets = [9], sizes = [1], strides = [1]} : vector<16xf32> to vector<1xf32>
        %squeeze3A_2434 = vector.extract %slice3A_2433[0] : f32 from vector<1xf32>
        %mul3A_2435 = vector.broadcast %squeeze3A_2434 : f32 to vector<16xf32>
        %mul3A_2436 = arith.mulf %gather3A_146, %mul3A_2435 : vector<16xf32>
        %add3A_2437 = arith.addf %add3A_2432, %mul3A_2436 : vector<16xf32>
        %slice3A_2438 = vector.extract_strided_slice %get3A_187 {offsets = [9], sizes = [1], strides = [1]} : vector<16xf32> to vector<1xf32>
        %squeeze3A_2439 = vector.extract %slice3A_2438[0] : f32 from vector<1xf32>
        %mul3A_2440 = vector.broadcast %squeeze3A_2439 : f32 to vector<16xf32>
        %mul3A_2441 = arith.mulf %gather3A_149, %mul3A_2440 : vector<16xf32>
        %add3A_2442 = arith.addf %add3A_2437, %mul3A_2441 : vector<16xf32>
        %slice3A_2443 = vector.extract_strided_slice %get3A_191 {offsets = [9], sizes = [1], strides = [1]} : vector<16xf32> to vector<1xf32>
        %squeeze3A_2444 = vector.extract %slice3A_2443[0] : f32 from vector<1xf32>
        %mul3A_2445 = vector.broadcast %squeeze3A_2444 : f32 to vector<16xf32>
        %mul3A_2446 = arith.mulf %gather3A_152, %mul3A_2445 : vector<16xf32>
        %add3A_2447 = arith.addf %add3A_2442, %mul3A_2446 : vector<16xf32>
        %slice3A_2448 = vector.extract_strided_slice %get3A_195 {offsets = [9], sizes = [1], strides = [1]} : vector<16xf32> to vector<1xf32>
        %squeeze3A_2449 = vector.extract %slice3A_2448[0] : f32 from vector<1xf32>
        %mul3A_2450 = vector.broadcast %squeeze3A_2449 : f32 to vector<16xf32>
        %mul3A_2451 = arith.mulf %gather3A_155, %mul3A_2450 : vector<16xf32>
        %add3A_2452 = arith.addf %add3A_2447, %mul3A_2451 : vector<16xf32>
        %mul3A_2453 = arith.mulf %gather3A_2413, %add3A_2452 : vector<16xf32>
        tpu.vector_store_idx %arg13[%add3A_2412, %add3A_2233], %mul3A_2453 : memref<80x128xf32, #tpu.memory_space<vmem>>[vector<16xi32>, vector<16xi32>], vector<16xf32>,
        %broadcast_in_dim3A_2454 = arith.constant 0 : i32
        %broadcast_in_dim3A_2455 = vector.broadcast %broadcast_in_dim3A_2454 : i32 to vector<16xi32>
        %add3A_2456 = arith.constant 10 : i32
        %add3A_2457 = arith.addi %mul3A_164, %add3A_2456 : i32
        %add3A_2458 = vector.broadcast %add3A_2457 : i32 to vector<16xi32>
        %add3A_2459 = arith.addi %broadcast_in_dim3A_2455, %add3A_2458 : vector<16xi32>
        %add3A_2460 = arith.constant 0 : i32
        %add3A_2461 = vector.broadcast %add3A_2460 : i32 to vector<16xi32>
        %add3A_2462 = arith.addi %iota3A, %add3A_2461 : vector<16xi32>
        %gather3A_2463 = tpu.vector_load_idx %arg12[%add3A_2462, %add3A_2459] : memref<80x128xf32, #tpu.memory_space<vmem>>[vector<16xi32>, vector<16xi32>], vector<16xf32>,
        %slice3A_2464 = vector.extract_strided_slice %get3A_167 {offsets = [10], sizes = [1], strides = [1]} : vector<16xf32> to vector<1xf32>
        %squeeze3A_2465 = vector.extract %slice3A_2464[0] : f32 from vector<1xf32>
        %mul3A_2466 = vector.broadcast %squeeze3A_2465 : f32 to vector<16xf32>
        %mul3A_2467 = arith.mulf %gather3A, %mul3A_2466 : vector<16xf32>
        %slice3A_2468 = vector.extract_strided_slice %get3A_171 {offsets = [10], sizes = [1], strides = [1]} : vector<16xf32> to vector<1xf32>
        %squeeze3A_2469 = vector.extract %slice3A_2468[0] : f32 from vector<1xf32>
        %mul3A_2470 = vector.broadcast %squeeze3A_2469 : f32 to vector<16xf32>
        %mul3A_2471 = arith.mulf %gather3A_29, %mul3A_2470 : vector<16xf32>
        %add3A_2472 = arith.addf %mul3A_2467, %mul3A_2471 : vector<16xf32>
        %slice3A_2473 = vector.extract_strided_slice %get3A_175 {offsets = [10], sizes = [1], strides = [1]} : vector<16xf32> to vector<1xf32>
        %squeeze3A_2474 = vector.extract %slice3A_2473[0] : f32 from vector<1xf32>
        %mul3A_2475 = vector.broadcast %squeeze3A_2474 : f32 to vector<16xf32>
        %mul3A_2476 = arith.mulf %gather3A_32, %mul3A_2475 : vector<16xf32>
        %add3A_2477 = arith.addf %add3A_2472, %mul3A_2476 : vector<16xf32>
        %slice3A_2478 = vector.extract_strided_slice %get3A_179 {offsets = [10], sizes = [1], strides = [1]} : vector<16xf32> to vector<1xf32>
        %squeeze3A_2479 = vector.extract %slice3A_2478[0] : f32 from vector<1xf32>
        %mul3A_2480 = vector.broadcast %squeeze3A_2479 : f32 to vector<16xf32>
        %mul3A_2481 = arith.mulf %gather3A_35, %mul3A_2480 : vector<16xf32>
        %add3A_2482 = arith.addf %add3A_2477, %mul3A_2481 : vector<16xf32>
        %slice3A_2483 = vector.extract_strided_slice %get3A_183 {offsets = [10], sizes = [1], strides = [1]} : vector<16xf32> to vector<1xf32>
        %squeeze3A_2484 = vector.extract %slice3A_2483[0] : f32 from vector<1xf32>
        %mul3A_2485 = vector.broadcast %squeeze3A_2484 : f32 to vector<16xf32>
        %mul3A_2486 = arith.mulf %gather3A_38, %mul3A_2485 : vector<16xf32>
        %add3A_2487 = arith.addf %add3A_2482, %mul3A_2486 : vector<16xf32>
        %slice3A_2488 = vector.extract_strided_slice %get3A_187 {offsets = [10], sizes = [1], strides = [1]} : vector<16xf32> to vector<1xf32>
        %squeeze3A_2489 = vector.extract %slice3A_2488[0] : f32 from vector<1xf32>
        %mul3A_2490 = vector.broadcast %squeeze3A_2489 : f32 to vector<16xf32>
        %mul3A_2491 = arith.mulf %gather3A_41, %mul3A_2490 : vector<16xf32>
        %add3A_2492 = arith.addf %add3A_2487, %mul3A_2491 : vector<16xf32>
        %slice3A_2493 = vector.extract_strided_slice %get3A_191 {offsets = [10], sizes = [1], strides = [1]} : vector<16xf32> to vector<1xf32>
        %squeeze3A_2494 = vector.extract %slice3A_2493[0] : f32 from vector<1xf32>
        %mul3A_2495 = vector.broadcast %squeeze3A_2494 : f32 to vector<16xf32>
        %mul3A_2496 = arith.mulf %gather3A_44, %mul3A_2495 : vector<16xf32>
        %add3A_2497 = arith.addf %add3A_2492, %mul3A_2496 : vector<16xf32>
        %slice3A_2498 = vector.extract_strided_slice %get3A_195 {offsets = [10], sizes = [1], strides = [1]} : vector<16xf32> to vector<1xf32>
        %squeeze3A_2499 = vector.extract %slice3A_2498[0] : f32 from vector<1xf32>
        %mul3A_2500 = vector.broadcast %squeeze3A_2499 : f32 to vector<16xf32>
        %mul3A_2501 = arith.mulf %gather3A_47, %mul3A_2500 : vector<16xf32>
        %add3A_2502 = arith.addf %add3A_2497, %mul3A_2501 : vector<16xf32>
        %mul3A_2503 = arith.mulf %gather3A_2463, %add3A_2502 : vector<16xf32>
        tpu.vector_store_idx %arg13[%add3A_2462, %add3A_2459], %mul3A_2503 : memref<80x128xf32, #tpu.memory_space<vmem>>[vector<16xi32>, vector<16xi32>], vector<16xf32>,
        %add3A_2504 = arith.constant 16 : i32
        %add3A_2505 = vector.broadcast %add3A_2504 : i32 to vector<16xi32>
        %add3A_2506 = arith.addi %iota3A, %add3A_2505 : vector<16xi32>
        %gather3A_2507 = tpu.vector_load_idx %arg12[%add3A_2506, %add3A_2459] : memref<80x128xf32, #tpu.memory_space<vmem>>[vector<16xi32>, vector<16xi32>], vector<16xf32>,
        %slice3A_2508 = vector.extract_strided_slice %get3A_167 {offsets = [10], sizes = [1], strides = [1]} : vector<16xf32> to vector<1xf32>
        %squeeze3A_2509 = vector.extract %slice3A_2508[0] : f32 from vector<1xf32>
        %mul3A_2510 = vector.broadcast %squeeze3A_2509 : f32 to vector<16xf32>
        %mul3A_2511 = arith.mulf %gather3A_53, %mul3A_2510 : vector<16xf32>
        %slice3A_2512 = vector.extract_strided_slice %get3A_171 {offsets = [10], sizes = [1], strides = [1]} : vector<16xf32> to vector<1xf32>
        %squeeze3A_2513 = vector.extract %slice3A_2512[0] : f32 from vector<1xf32>
        %mul3A_2514 = vector.broadcast %squeeze3A_2513 : f32 to vector<16xf32>
        %mul3A_2515 = arith.mulf %gather3A_56, %mul3A_2514 : vector<16xf32>
        %add3A_2516 = arith.addf %mul3A_2511, %mul3A_2515 : vector<16xf32>
        %slice3A_2517 = vector.extract_strided_slice %get3A_175 {offsets = [10], sizes = [1], strides = [1]} : vector<16xf32> to vector<1xf32>
        %squeeze3A_2518 = vector.extract %slice3A_2517[0] : f32 from vector<1xf32>
        %mul3A_2519 = vector.broadcast %squeeze3A_2518 : f32 to vector<16xf32>
        %mul3A_2520 = arith.mulf %gather3A_59, %mul3A_2519 : vector<16xf32>
        %add3A_2521 = arith.addf %add3A_2516, %mul3A_2520 : vector<16xf32>
        %slice3A_2522 = vector.extract_strided_slice %get3A_179 {offsets = [10], sizes = [1], strides = [1]} : vector<16xf32> to vector<1xf32>
        %squeeze3A_2523 = vector.extract %slice3A_2522[0] : f32 from vector<1xf32>
        %mul3A_2524 = vector.broadcast %squeeze3A_2523 : f32 to vector<16xf32>
        %mul3A_2525 = arith.mulf %gather3A_62, %mul3A_2524 : vector<16xf32>
        %add3A_2526 = arith.addf %add3A_2521, %mul3A_2525 : vector<16xf32>
        %slice3A_2527 = vector.extract_strided_slice %get3A_183 {offsets = [10], sizes = [1], strides = [1]} : vector<16xf32> to vector<1xf32>
        %squeeze3A_2528 = vector.extract %slice3A_2527[0] : f32 from vector<1xf32>
        %mul3A_2529 = vector.broadcast %squeeze3A_2528 : f32 to vector<16xf32>
        %mul3A_2530 = arith.mulf %gather3A_65, %mul3A_2529 : vector<16xf32>
        %add3A_2531 = arith.addf %add3A_2526, %mul3A_2530 : vector<16xf32>
        %slice3A_2532 = vector.extract_strided_slice %get3A_187 {offsets = [10], sizes = [1], strides = [1]} : vector<16xf32> to vector<1xf32>
        %squeeze3A_2533 = vector.extract %slice3A_2532[0] : f32 from vector<1xf32>
        %mul3A_2534 = vector.broadcast %squeeze3A_2533 : f32 to vector<16xf32>
        %mul3A_2535 = arith.mulf %gather3A_68, %mul3A_2534 : vector<16xf32>
        %add3A_2536 = arith.addf %add3A_2531, %mul3A_2535 : vector<16xf32>
        %slice3A_2537 = vector.extract_strided_slice %get3A_191 {offsets = [10], sizes = [1], strides = [1]} : vector<16xf32> to vector<1xf32>
        %squeeze3A_2538 = vector.extract %slice3A_2537[0] : f32 from vector<1xf32>
        %mul3A_2539 = vector.broadcast %squeeze3A_2538 : f32 to vector<16xf32>
        %mul3A_2540 = arith.mulf %gather3A_71, %mul3A_2539 : vector<16xf32>
        %add3A_2541 = arith.addf %add3A_2536, %mul3A_2540 : vector<16xf32>
        %slice3A_2542 = vector.extract_strided_slice %get3A_195 {offsets = [10], sizes = [1], strides = [1]} : vector<16xf32> to vector<1xf32>
        %squeeze3A_2543 = vector.extract %slice3A_2542[0] : f32 from vector<1xf32>
        %mul3A_2544 = vector.broadcast %squeeze3A_2543 : f32 to vector<16xf32>
        %mul3A_2545 = arith.mulf %gather3A_74, %mul3A_2544 : vector<16xf32>
        %add3A_2546 = arith.addf %add3A_2541, %mul3A_2545 : vector<16xf32>
        %mul3A_2547 = arith.mulf %gather3A_2507, %add3A_2546 : vector<16xf32>
        tpu.vector_store_idx %arg13[%add3A_2506, %add3A_2459], %mul3A_2547 : memref<80x128xf32, #tpu.memory_space<vmem>>[vector<16xi32>, vector<16xi32>], vector<16xf32>,
        %add3A_2548 = arith.constant 32 : i32
        %add3A_2549 = vector.broadcast %add3A_2548 : i32 to vector<16xi32>
        %add3A_2550 = arith.addi %iota3A, %add3A_2549 : vector<16xi32>
        %gather3A_2551 = tpu.vector_load_idx %arg12[%add3A_2550, %add3A_2459] : memref<80x128xf32, #tpu.memory_space<vmem>>[vector<16xi32>, vector<16xi32>], vector<16xf32>,
        %slice3A_2552 = vector.extract_strided_slice %get3A_167 {offsets = [10], sizes = [1], strides = [1]} : vector<16xf32> to vector<1xf32>
        %squeeze3A_2553 = vector.extract %slice3A_2552[0] : f32 from vector<1xf32>
        %mul3A_2554 = vector.broadcast %squeeze3A_2553 : f32 to vector<16xf32>
        %mul3A_2555 = arith.mulf %gather3A_80, %mul3A_2554 : vector<16xf32>
        %slice3A_2556 = vector.extract_strided_slice %get3A_171 {offsets = [10], sizes = [1], strides = [1]} : vector<16xf32> to vector<1xf32>
        %squeeze3A_2557 = vector.extract %slice3A_2556[0] : f32 from vector<1xf32>
        %mul3A_2558 = vector.broadcast %squeeze3A_2557 : f32 to vector<16xf32>
        %mul3A_2559 = arith.mulf %gather3A_83, %mul3A_2558 : vector<16xf32>
        %add3A_2560 = arith.addf %mul3A_2555, %mul3A_2559 : vector<16xf32>
        %slice3A_2561 = vector.extract_strided_slice %get3A_175 {offsets = [10], sizes = [1], strides = [1]} : vector<16xf32> to vector<1xf32>
        %squeeze3A_2562 = vector.extract %slice3A_2561[0] : f32 from vector<1xf32>
        %mul3A_2563 = vector.broadcast %squeeze3A_2562 : f32 to vector<16xf32>
        %mul3A_2564 = arith.mulf %gather3A_86, %mul3A_2563 : vector<16xf32>
        %add3A_2565 = arith.addf %add3A_2560, %mul3A_2564 : vector<16xf32>
        %slice3A_2566 = vector.extract_strided_slice %get3A_179 {offsets = [10], sizes = [1], strides = [1]} : vector<16xf32> to vector<1xf32>
        %squeeze3A_2567 = vector.extract %slice3A_2566[0] : f32 from vector<1xf32>
        %mul3A_2568 = vector.broadcast %squeeze3A_2567 : f32 to vector<16xf32>
        %mul3A_2569 = arith.mulf %gather3A_89, %mul3A_2568 : vector<16xf32>
        %add3A_2570 = arith.addf %add3A_2565, %mul3A_2569 : vector<16xf32>
        %slice3A_2571 = vector.extract_strided_slice %get3A_183 {offsets = [10], sizes = [1], strides = [1]} : vector<16xf32> to vector<1xf32>
        %squeeze3A_2572 = vector.extract %slice3A_2571[0] : f32 from vector<1xf32>
        %mul3A_2573 = vector.broadcast %squeeze3A_2572 : f32 to vector<16xf32>
        %mul3A_2574 = arith.mulf %gather3A_92, %mul3A_2573 : vector<16xf32>
        %add3A_2575 = arith.addf %add3A_2570, %mul3A_2574 : vector<16xf32>
        %slice3A_2576 = vector.extract_strided_slice %get3A_187 {offsets = [10], sizes = [1], strides = [1]} : vector<16xf32> to vector<1xf32>
        %squeeze3A_2577 = vector.extract %slice3A_2576[0] : f32 from vector<1xf32>
        %mul3A_2578 = vector.broadcast %squeeze3A_2577 : f32 to vector<16xf32>
        %mul3A_2579 = arith.mulf %gather3A_95, %mul3A_2578 : vector<16xf32>
        %add3A_2580 = arith.addf %add3A_2575, %mul3A_2579 : vector<16xf32>
        %slice3A_2581 = vector.extract_strided_slice %get3A_191 {offsets = [10], sizes = [1], strides = [1]} : vector<16xf32> to vector<1xf32>
        %squeeze3A_2582 = vector.extract %slice3A_2581[0] : f32 from vector<1xf32>
        %mul3A_2583 = vector.broadcast %squeeze3A_2582 : f32 to vector<16xf32>
        %mul3A_2584 = arith.mulf %gather3A_98, %mul3A_2583 : vector<16xf32>
        %add3A_2585 = arith.addf %add3A_2580, %mul3A_2584 : vector<16xf32>
        %slice3A_2586 = vector.extract_strided_slice %get3A_195 {offsets = [10], sizes = [1], strides = [1]} : vector<16xf32> to vector<1xf32>
        %squeeze3A_2587 = vector.extract %slice3A_2586[0] : f32 from vector<1xf32>
        %mul3A_2588 = vector.broadcast %squeeze3A_2587 : f32 to vector<16xf32>
        %mul3A_2589 = arith.mulf %gather3A_101, %mul3A_2588 : vector<16xf32>
        %add3A_2590 = arith.addf %add3A_2585, %mul3A_2589 : vector<16xf32>
        %mul3A_2591 = arith.mulf %gather3A_2551, %add3A_2590 : vector<16xf32>
        tpu.vector_store_idx %arg13[%add3A_2550, %add3A_2459], %mul3A_2591 : memref<80x128xf32, #tpu.memory_space<vmem>>[vector<16xi32>, vector<16xi32>], vector<16xf32>,
        %add3A_2592 = arith.constant 48 : i32
        %add3A_2593 = vector.broadcast %add3A_2592 : i32 to vector<16xi32>
        %add3A_2594 = arith.addi %iota3A, %add3A_2593 : vector<16xi32>
        %gather3A_2595 = tpu.vector_load_idx %arg12[%add3A_2594, %add3A_2459] : memref<80x128xf32, #tpu.memory_space<vmem>>[vector<16xi32>, vector<16xi32>], vector<16xf32>,
        %slice3A_2596 = vector.extract_strided_slice %get3A_167 {offsets = [10], sizes = [1], strides = [1]} : vector<16xf32> to vector<1xf32>
        %squeeze3A_2597 = vector.extract %slice3A_2596[0] : f32 from vector<1xf32>
        %mul3A_2598 = vector.broadcast %squeeze3A_2597 : f32 to vector<16xf32>
        %mul3A_2599 = arith.mulf %gather3A_107, %mul3A_2598 : vector<16xf32>
        %slice3A_2600 = vector.extract_strided_slice %get3A_171 {offsets = [10], sizes = [1], strides = [1]} : vector<16xf32> to vector<1xf32>
        %squeeze3A_2601 = vector.extract %slice3A_2600[0] : f32 from vector<1xf32>
        %mul3A_2602 = vector.broadcast %squeeze3A_2601 : f32 to vector<16xf32>
        %mul3A_2603 = arith.mulf %gather3A_110, %mul3A_2602 : vector<16xf32>
        %add3A_2604 = arith.addf %mul3A_2599, %mul3A_2603 : vector<16xf32>
        %slice3A_2605 = vector.extract_strided_slice %get3A_175 {offsets = [10], sizes = [1], strides = [1]} : vector<16xf32> to vector<1xf32>
        %squeeze3A_2606 = vector.extract %slice3A_2605[0] : f32 from vector<1xf32>
        %mul3A_2607 = vector.broadcast %squeeze3A_2606 : f32 to vector<16xf32>
        %mul3A_2608 = arith.mulf %gather3A_113, %mul3A_2607 : vector<16xf32>
        %add3A_2609 = arith.addf %add3A_2604, %mul3A_2608 : vector<16xf32>
        %slice3A_2610 = vector.extract_strided_slice %get3A_179 {offsets = [10], sizes = [1], strides = [1]} : vector<16xf32> to vector<1xf32>
        %squeeze3A_2611 = vector.extract %slice3A_2610[0] : f32 from vector<1xf32>
        %mul3A_2612 = vector.broadcast %squeeze3A_2611 : f32 to vector<16xf32>
        %mul3A_2613 = arith.mulf %gather3A_116, %mul3A_2612 : vector<16xf32>
        %add3A_2614 = arith.addf %add3A_2609, %mul3A_2613 : vector<16xf32>
        %slice3A_2615 = vector.extract_strided_slice %get3A_183 {offsets = [10], sizes = [1], strides = [1]} : vector<16xf32> to vector<1xf32>
        %squeeze3A_2616 = vector.extract %slice3A_2615[0] : f32 from vector<1xf32>
        %mul3A_2617 = vector.broadcast %squeeze3A_2616 : f32 to vector<16xf32>
        %mul3A_2618 = arith.mulf %gather3A_119, %mul3A_2617 : vector<16xf32>
        %add3A_2619 = arith.addf %add3A_2614, %mul3A_2618 : vector<16xf32>
        %slice3A_2620 = vector.extract_strided_slice %get3A_187 {offsets = [10], sizes = [1], strides = [1]} : vector<16xf32> to vector<1xf32>
        %squeeze3A_2621 = vector.extract %slice3A_2620[0] : f32 from vector<1xf32>
        %mul3A_2622 = vector.broadcast %squeeze3A_2621 : f32 to vector<16xf32>
        %mul3A_2623 = arith.mulf %gather3A_122, %mul3A_2622 : vector<16xf32>
        %add3A_2624 = arith.addf %add3A_2619, %mul3A_2623 : vector<16xf32>
        %slice3A_2625 = vector.extract_strided_slice %get3A_191 {offsets = [10], sizes = [1], strides = [1]} : vector<16xf32> to vector<1xf32>
        %squeeze3A_2626 = vector.extract %slice3A_2625[0] : f32 from vector<1xf32>
        %mul3A_2627 = vector.broadcast %squeeze3A_2626 : f32 to vector<16xf32>
        %mul3A_2628 = arith.mulf %gather3A_125, %mul3A_2627 : vector<16xf32>
        %add3A_2629 = arith.addf %add3A_2624, %mul3A_2628 : vector<16xf32>
        %slice3A_2630 = vector.extract_strided_slice %get3A_195 {offsets = [10], sizes = [1], strides = [1]} : vector<16xf32> to vector<1xf32>
        %squeeze3A_2631 = vector.extract %slice3A_2630[0] : f32 from vector<1xf32>
        %mul3A_2632 = vector.broadcast %squeeze3A_2631 : f32 to vector<16xf32>
        %mul3A_2633 = arith.mulf %gather3A_128, %mul3A_2632 : vector<16xf32>
        %add3A_2634 = arith.addf %add3A_2629, %mul3A_2633 : vector<16xf32>
        %mul3A_2635 = arith.mulf %gather3A_2595, %add3A_2634 : vector<16xf32>
        tpu.vector_store_idx %arg13[%add3A_2594, %add3A_2459], %mul3A_2635 : memref<80x128xf32, #tpu.memory_space<vmem>>[vector<16xi32>, vector<16xi32>], vector<16xf32>,
        %add3A_2636 = arith.constant 64 : i32
        %add3A_2637 = vector.broadcast %add3A_2636 : i32 to vector<16xi32>
        %add3A_2638 = arith.addi %iota3A, %add3A_2637 : vector<16xi32>
        %gather3A_2639 = tpu.vector_load_idx %arg12[%add3A_2638, %add3A_2459] : memref<80x128xf32, #tpu.memory_space<vmem>>[vector<16xi32>, vector<16xi32>], vector<16xf32>,
        %slice3A_2640 = vector.extract_strided_slice %get3A_167 {offsets = [10], sizes = [1], strides = [1]} : vector<16xf32> to vector<1xf32>
        %squeeze3A_2641 = vector.extract %slice3A_2640[0] : f32 from vector<1xf32>
        %mul3A_2642 = vector.broadcast %squeeze3A_2641 : f32 to vector<16xf32>
        %mul3A_2643 = arith.mulf %gather3A_134, %mul3A_2642 : vector<16xf32>
        %slice3A_2644 = vector.extract_strided_slice %get3A_171 {offsets = [10], sizes = [1], strides = [1]} : vector<16xf32> to vector<1xf32>
        %squeeze3A_2645 = vector.extract %slice3A_2644[0] : f32 from vector<1xf32>
        %mul3A_2646 = vector.broadcast %squeeze3A_2645 : f32 to vector<16xf32>
        %mul3A_2647 = arith.mulf %gather3A_137, %mul3A_2646 : vector<16xf32>
        %add3A_2648 = arith.addf %mul3A_2643, %mul3A_2647 : vector<16xf32>
        %slice3A_2649 = vector.extract_strided_slice %get3A_175 {offsets = [10], sizes = [1], strides = [1]} : vector<16xf32> to vector<1xf32>
        %squeeze3A_2650 = vector.extract %slice3A_2649[0] : f32 from vector<1xf32>
        %mul3A_2651 = vector.broadcast %squeeze3A_2650 : f32 to vector<16xf32>
        %mul3A_2652 = arith.mulf %gather3A_140, %mul3A_2651 : vector<16xf32>
        %add3A_2653 = arith.addf %add3A_2648, %mul3A_2652 : vector<16xf32>
        %slice3A_2654 = vector.extract_strided_slice %get3A_179 {offsets = [10], sizes = [1], strides = [1]} : vector<16xf32> to vector<1xf32>
        %squeeze3A_2655 = vector.extract %slice3A_2654[0] : f32 from vector<1xf32>
        %mul3A_2656 = vector.broadcast %squeeze3A_2655 : f32 to vector<16xf32>
        %mul3A_2657 = arith.mulf %gather3A_143, %mul3A_2656 : vector<16xf32>
        %add3A_2658 = arith.addf %add3A_2653, %mul3A_2657 : vector<16xf32>
        %slice3A_2659 = vector.extract_strided_slice %get3A_183 {offsets = [10], sizes = [1], strides = [1]} : vector<16xf32> to vector<1xf32>
        %squeeze3A_2660 = vector.extract %slice3A_2659[0] : f32 from vector<1xf32>
        %mul3A_2661 = vector.broadcast %squeeze3A_2660 : f32 to vector<16xf32>
        %mul3A_2662 = arith.mulf %gather3A_146, %mul3A_2661 : vector<16xf32>
        %add3A_2663 = arith.addf %add3A_2658, %mul3A_2662 : vector<16xf32>
        %slice3A_2664 = vector.extract_strided_slice %get3A_187 {offsets = [10], sizes = [1], strides = [1]} : vector<16xf32> to vector<1xf32>
        %squeeze3A_2665 = vector.extract %slice3A_2664[0] : f32 from vector<1xf32>
        %mul3A_2666 = vector.broadcast %squeeze3A_2665 : f32 to vector<16xf32>
        %mul3A_2667 = arith.mulf %gather3A_149, %mul3A_2666 : vector<16xf32>
        %add3A_2668 = arith.addf %add3A_2663, %mul3A_2667 : vector<16xf32>
        %slice3A_2669 = vector.extract_strided_slice %get3A_191 {offsets = [10], sizes = [1], strides = [1]} : vector<16xf32> to vector<1xf32>
        %squeeze3A_2670 = vector.extract %slice3A_2669[0] : f32 from vector<1xf32>
        %mul3A_2671 = vector.broadcast %squeeze3A_2670 : f32 to vector<16xf32>
        %mul3A_2672 = arith.mulf %gather3A_152, %mul3A_2671 : vector<16xf32>
        %add3A_2673 = arith.addf %add3A_2668, %mul3A_2672 : vector<16xf32>
        %slice3A_2674 = vector.extract_strided_slice %get3A_195 {offsets = [10], sizes = [1], strides = [1]} : vector<16xf32> to vector<1xf32>
        %squeeze3A_2675 = vector.extract %slice3A_2674[0] : f32 from vector<1xf32>
        %mul3A_2676 = vector.broadcast %squeeze3A_2675 : f32 to vector<16xf32>
        %mul3A_2677 = arith.mulf %gather3A_155, %mul3A_2676 : vector<16xf32>
        %add3A_2678 = arith.addf %add3A_2673, %mul3A_2677 : vector<16xf32>
        %mul3A_2679 = arith.mulf %gather3A_2639, %add3A_2678 : vector<16xf32>
        tpu.vector_store_idx %arg13[%add3A_2638, %add3A_2459], %mul3A_2679 : memref<80x128xf32, #tpu.memory_space<vmem>>[vector<16xi32>, vector<16xi32>], vector<16xf32>,
        %broadcast_in_dim3A_2680 = arith.constant 0 : i32
        %broadcast_in_dim3A_2681 = vector.broadcast %broadcast_in_dim3A_2680 : i32 to vector<16xi32>
        %add3A_2682 = arith.constant 11 : i32
        %add3A_2683 = arith.addi %mul3A_164, %add3A_2682 : i32
        %add3A_2684 = vector.broadcast %add3A_2683 : i32 to vector<16xi32>
        %add3A_2685 = arith.addi %broadcast_in_dim3A_2681, %add3A_2684 : vector<16xi32>
        %add3A_2686 = arith.constant 0 : i32
        %add3A_2687 = vector.broadcast %add3A_2686 : i32 to vector<16xi32>
        %add3A_2688 = arith.addi %iota3A, %add3A_2687 : vector<16xi32>
        %gather3A_2689 = tpu.vector_load_idx %arg12[%add3A_2688, %add3A_2685] : memref<80x128xf32, #tpu.memory_space<vmem>>[vector<16xi32>, vector<16xi32>], vector<16xf32>,
        %slice3A_2690 = vector.extract_strided_slice %get3A_167 {offsets = [11], sizes = [1], strides = [1]} : vector<16xf32> to vector<1xf32>
        %squeeze3A_2691 = vector.extract %slice3A_2690[0] : f32 from vector<1xf32>
        %mul3A_2692 = vector.broadcast %squeeze3A_2691 : f32 to vector<16xf32>
        %mul3A_2693 = arith.mulf %gather3A, %mul3A_2692 : vector<16xf32>
        %slice3A_2694 = vector.extract_strided_slice %get3A_171 {offsets = [11], sizes = [1], strides = [1]} : vector<16xf32> to vector<1xf32>
        %squeeze3A_2695 = vector.extract %slice3A_2694[0] : f32 from vector<1xf32>
        %mul3A_2696 = vector.broadcast %squeeze3A_2695 : f32 to vector<16xf32>
        %mul3A_2697 = arith.mulf %gather3A_29, %mul3A_2696 : vector<16xf32>
        %add3A_2698 = arith.addf %mul3A_2693, %mul3A_2697 : vector<16xf32>
        %slice3A_2699 = vector.extract_strided_slice %get3A_175 {offsets = [11], sizes = [1], strides = [1]} : vector<16xf32> to vector<1xf32>
        %squeeze3A_2700 = vector.extract %slice3A_2699[0] : f32 from vector<1xf32>
        %mul3A_2701 = vector.broadcast %squeeze3A_2700 : f32 to vector<16xf32>
        %mul3A_2702 = arith.mulf %gather3A_32, %mul3A_2701 : vector<16xf32>
        %add3A_2703 = arith.addf %add3A_2698, %mul3A_2702 : vector<16xf32>
        %slice3A_2704 = vector.extract_strided_slice %get3A_179 {offsets = [11], sizes = [1], strides = [1]} : vector<16xf32> to vector<1xf32>
        %squeeze3A_2705 = vector.extract %slice3A_2704[0] : f32 from vector<1xf32>
        %mul3A_2706 = vector.broadcast %squeeze3A_2705 : f32 to vector<16xf32>
        %mul3A_2707 = arith.mulf %gather3A_35, %mul3A_2706 : vector<16xf32>
        %add3A_2708 = arith.addf %add3A_2703, %mul3A_2707 : vector<16xf32>
        %slice3A_2709 = vector.extract_strided_slice %get3A_183 {offsets = [11], sizes = [1], strides = [1]} : vector<16xf32> to vector<1xf32>
        %squeeze3A_2710 = vector.extract %slice3A_2709[0] : f32 from vector<1xf32>
        %mul3A_2711 = vector.broadcast %squeeze3A_2710 : f32 to vector<16xf32>
        %mul3A_2712 = arith.mulf %gather3A_38, %mul3A_2711 : vector<16xf32>
        %add3A_2713 = arith.addf %add3A_2708, %mul3A_2712 : vector<16xf32>
        %slice3A_2714 = vector.extract_strided_slice %get3A_187 {offsets = [11], sizes = [1], strides = [1]} : vector<16xf32> to vector<1xf32>
        %squeeze3A_2715 = vector.extract %slice3A_2714[0] : f32 from vector<1xf32>
        %mul3A_2716 = vector.broadcast %squeeze3A_2715 : f32 to vector<16xf32>
        %mul3A_2717 = arith.mulf %gather3A_41, %mul3A_2716 : vector<16xf32>
        %add3A_2718 = arith.addf %add3A_2713, %mul3A_2717 : vector<16xf32>
        %slice3A_2719 = vector.extract_strided_slice %get3A_191 {offsets = [11], sizes = [1], strides = [1]} : vector<16xf32> to vector<1xf32>
        %squeeze3A_2720 = vector.extract %slice3A_2719[0] : f32 from vector<1xf32>
        %mul3A_2721 = vector.broadcast %squeeze3A_2720 : f32 to vector<16xf32>
        %mul3A_2722 = arith.mulf %gather3A_44, %mul3A_2721 : vector<16xf32>
        %add3A_2723 = arith.addf %add3A_2718, %mul3A_2722 : vector<16xf32>
        %slice3A_2724 = vector.extract_strided_slice %get3A_195 {offsets = [11], sizes = [1], strides = [1]} : vector<16xf32> to vector<1xf32>
        %squeeze3A_2725 = vector.extract %slice3A_2724[0] : f32 from vector<1xf32>
        %mul3A_2726 = vector.broadcast %squeeze3A_2725 : f32 to vector<16xf32>
        %mul3A_2727 = arith.mulf %gather3A_47, %mul3A_2726 : vector<16xf32>
        %add3A_2728 = arith.addf %add3A_2723, %mul3A_2727 : vector<16xf32>
        %mul3A_2729 = arith.mulf %gather3A_2689, %add3A_2728 : vector<16xf32>
        tpu.vector_store_idx %arg13[%add3A_2688, %add3A_2685], %mul3A_2729 : memref<80x128xf32, #tpu.memory_space<vmem>>[vector<16xi32>, vector<16xi32>], vector<16xf32>,
        %add3A_2730 = arith.constant 16 : i32
        %add3A_2731 = vector.broadcast %add3A_2730 : i32 to vector<16xi32>
        %add3A_2732 = arith.addi %iota3A, %add3A_2731 : vector<16xi32>
        %gather3A_2733 = tpu.vector_load_idx %arg12[%add3A_2732, %add3A_2685] : memref<80x128xf32, #tpu.memory_space<vmem>>[vector<16xi32>, vector<16xi32>], vector<16xf32>,
        %slice3A_2734 = vector.extract_strided_slice %get3A_167 {offsets = [11], sizes = [1], strides = [1]} : vector<16xf32> to vector<1xf32>
        %squeeze3A_2735 = vector.extract %slice3A_2734[0] : f32 from vector<1xf32>
        %mul3A_2736 = vector.broadcast %squeeze3A_2735 : f32 to vector<16xf32>
        %mul3A_2737 = arith.mulf %gather3A_53, %mul3A_2736 : vector<16xf32>
        %slice3A_2738 = vector.extract_strided_slice %get3A_171 {offsets = [11], sizes = [1], strides = [1]} : vector<16xf32> to vector<1xf32>
        %squeeze3A_2739 = vector.extract %slice3A_2738[0] : f32 from vector<1xf32>
        %mul3A_2740 = vector.broadcast %squeeze3A_2739 : f32 to vector<16xf32>
        %mul3A_2741 = arith.mulf %gather3A_56, %mul3A_2740 : vector<16xf32>
        %add3A_2742 = arith.addf %mul3A_2737, %mul3A_2741 : vector<16xf32>
        %slice3A_2743 = vector.extract_strided_slice %get3A_175 {offsets = [11], sizes = [1], strides = [1]} : vector<16xf32> to vector<1xf32>
        %squeeze3A_2744 = vector.extract %slice3A_2743[0] : f32 from vector<1xf32>
        %mul3A_2745 = vector.broadcast %squeeze3A_2744 : f32 to vector<16xf32>
        %mul3A_2746 = arith.mulf %gather3A_59, %mul3A_2745 : vector<16xf32>
        %add3A_2747 = arith.addf %add3A_2742, %mul3A_2746 : vector<16xf32>
        %slice3A_2748 = vector.extract_strided_slice %get3A_179 {offsets = [11], sizes = [1], strides = [1]} : vector<16xf32> to vector<1xf32>
        %squeeze3A_2749 = vector.extract %slice3A_2748[0] : f32 from vector<1xf32>
        %mul3A_2750 = vector.broadcast %squeeze3A_2749 : f32 to vector<16xf32>
        %mul3A_2751 = arith.mulf %gather3A_62, %mul3A_2750 : vector<16xf32>
        %add3A_2752 = arith.addf %add3A_2747, %mul3A_2751 : vector<16xf32>
        %slice3A_2753 = vector.extract_strided_slice %get3A_183 {offsets = [11], sizes = [1], strides = [1]} : vector<16xf32> to vector<1xf32>
        %squeeze3A_2754 = vector.extract %slice3A_2753[0] : f32 from vector<1xf32>
        %mul3A_2755 = vector.broadcast %squeeze3A_2754 : f32 to vector<16xf32>
        %mul3A_2756 = arith.mulf %gather3A_65, %mul3A_2755 : vector<16xf32>
        %add3A_2757 = arith.addf %add3A_2752, %mul3A_2756 : vector<16xf32>
        %slice3A_2758 = vector.extract_strided_slice %get3A_187 {offsets = [11], sizes = [1], strides = [1]} : vector<16xf32> to vector<1xf32>
        %squeeze3A_2759 = vector.extract %slice3A_2758[0] : f32 from vector<1xf32>
        %mul3A_2760 = vector.broadcast %squeeze3A_2759 : f32 to vector<16xf32>
        %mul3A_2761 = arith.mulf %gather3A_68, %mul3A_2760 : vector<16xf32>
        %add3A_2762 = arith.addf %add3A_2757, %mul3A_2761 : vector<16xf32>
        %slice3A_2763 = vector.extract_strided_slice %get3A_191 {offsets = [11], sizes = [1], strides = [1]} : vector<16xf32> to vector<1xf32>
        %squeeze3A_2764 = vector.extract %slice3A_2763[0] : f32 from vector<1xf32>
        %mul3A_2765 = vector.broadcast %squeeze3A_2764 : f32 to vector<16xf32>
        %mul3A_2766 = arith.mulf %gather3A_71, %mul3A_2765 : vector<16xf32>
        %add3A_2767 = arith.addf %add3A_2762, %mul3A_2766 : vector<16xf32>
        %slice3A_2768 = vector.extract_strided_slice %get3A_195 {offsets = [11], sizes = [1], strides = [1]} : vector<16xf32> to vector<1xf32>
        %squeeze3A_2769 = vector.extract %slice3A_2768[0] : f32 from vector<1xf32>
        %mul3A_2770 = vector.broadcast %squeeze3A_2769 : f32 to vector<16xf32>
        %mul3A_2771 = arith.mulf %gather3A_74, %mul3A_2770 : vector<16xf32>
        %add3A_2772 = arith.addf %add3A_2767, %mul3A_2771 : vector<16xf32>
        %mul3A_2773 = arith.mulf %gather3A_2733, %add3A_2772 : vector<16xf32>
        tpu.vector_store_idx %arg13[%add3A_2732, %add3A_2685], %mul3A_2773 : memref<80x128xf32, #tpu.memory_space<vmem>>[vector<16xi32>, vector<16xi32>], vector<16xf32>,
        %add3A_2774 = arith.constant 32 : i32
        %add3A_2775 = vector.broadcast %add3A_2774 : i32 to vector<16xi32>
        %add3A_2776 = arith.addi %iota3A, %add3A_2775 : vector<16xi32>
        %gather3A_2777 = tpu.vector_load_idx %arg12[%add3A_2776, %add3A_2685] : memref<80x128xf32, #tpu.memory_space<vmem>>[vector<16xi32>, vector<16xi32>], vector<16xf32>,
        %slice3A_2778 = vector.extract_strided_slice %get3A_167 {offsets = [11], sizes = [1], strides = [1]} : vector<16xf32> to vector<1xf32>
        %squeeze3A_2779 = vector.extract %slice3A_2778[0] : f32 from vector<1xf32>
        %mul3A_2780 = vector.broadcast %squeeze3A_2779 : f32 to vector<16xf32>
        %mul3A_2781 = arith.mulf %gather3A_80, %mul3A_2780 : vector<16xf32>
        %slice3A_2782 = vector.extract_strided_slice %get3A_171 {offsets = [11], sizes = [1], strides = [1]} : vector<16xf32> to vector<1xf32>
        %squeeze3A_2783 = vector.extract %slice3A_2782[0] : f32 from vector<1xf32>
        %mul3A_2784 = vector.broadcast %squeeze3A_2783 : f32 to vector<16xf32>
        %mul3A_2785 = arith.mulf %gather3A_83, %mul3A_2784 : vector<16xf32>
        %add3A_2786 = arith.addf %mul3A_2781, %mul3A_2785 : vector<16xf32>
        %slice3A_2787 = vector.extract_strided_slice %get3A_175 {offsets = [11], sizes = [1], strides = [1]} : vector<16xf32> to vector<1xf32>
        %squeeze3A_2788 = vector.extract %slice3A_2787[0] : f32 from vector<1xf32>
        %mul3A_2789 = vector.broadcast %squeeze3A_2788 : f32 to vector<16xf32>
        %mul3A_2790 = arith.mulf %gather3A_86, %mul3A_2789 : vector<16xf32>
        %add3A_2791 = arith.addf %add3A_2786, %mul3A_2790 : vector<16xf32>
        %slice3A_2792 = vector.extract_strided_slice %get3A_179 {offsets = [11], sizes = [1], strides = [1]} : vector<16xf32> to vector<1xf32>
        %squeeze3A_2793 = vector.extract %slice3A_2792[0] : f32 from vector<1xf32>
        %mul3A_2794 = vector.broadcast %squeeze3A_2793 : f32 to vector<16xf32>
        %mul3A_2795 = arith.mulf %gather3A_89, %mul3A_2794 : vector<16xf32>
        %add3A_2796 = arith.addf %add3A_2791, %mul3A_2795 : vector<16xf32>
        %slice3A_2797 = vector.extract_strided_slice %get3A_183 {offsets = [11], sizes = [1], strides = [1]} : vector<16xf32> to vector<1xf32>
        %squeeze3A_2798 = vector.extract %slice3A_2797[0] : f32 from vector<1xf32>
        %mul3A_2799 = vector.broadcast %squeeze3A_2798 : f32 to vector<16xf32>
        %mul3A_2800 = arith.mulf %gather3A_92, %mul3A_2799 : vector<16xf32>
        %add3A_2801 = arith.addf %add3A_2796, %mul3A_2800 : vector<16xf32>
        %slice3A_2802 = vector.extract_strided_slice %get3A_187 {offsets = [11], sizes = [1], strides = [1]} : vector<16xf32> to vector<1xf32>
        %squeeze3A_2803 = vector.extract %slice3A_2802[0] : f32 from vector<1xf32>
        %mul3A_2804 = vector.broadcast %squeeze3A_2803 : f32 to vector<16xf32>
        %mul3A_2805 = arith.mulf %gather3A_95, %mul3A_2804 : vector<16xf32>
        %add3A_2806 = arith.addf %add3A_2801, %mul3A_2805 : vector<16xf32>
        %slice3A_2807 = vector.extract_strided_slice %get3A_191 {offsets = [11], sizes = [1], strides = [1]} : vector<16xf32> to vector<1xf32>
        %squeeze3A_2808 = vector.extract %slice3A_2807[0] : f32 from vector<1xf32>
        %mul3A_2809 = vector.broadcast %squeeze3A_2808 : f32 to vector<16xf32>
        %mul3A_2810 = arith.mulf %gather3A_98, %mul3A_2809 : vector<16xf32>
        %add3A_2811 = arith.addf %add3A_2806, %mul3A_2810 : vector<16xf32>
        %slice3A_2812 = vector.extract_strided_slice %get3A_195 {offsets = [11], sizes = [1], strides = [1]} : vector<16xf32> to vector<1xf32>
        %squeeze3A_2813 = vector.extract %slice3A_2812[0] : f32 from vector<1xf32>
        %mul3A_2814 = vector.broadcast %squeeze3A_2813 : f32 to vector<16xf32>
        %mul3A_2815 = arith.mulf %gather3A_101, %mul3A_2814 : vector<16xf32>
        %add3A_2816 = arith.addf %add3A_2811, %mul3A_2815 : vector<16xf32>
        %mul3A_2817 = arith.mulf %gather3A_2777, %add3A_2816 : vector<16xf32>
        tpu.vector_store_idx %arg13[%add3A_2776, %add3A_2685], %mul3A_2817 : memref<80x128xf32, #tpu.memory_space<vmem>>[vector<16xi32>, vector<16xi32>], vector<16xf32>,
        %add3A_2818 = arith.constant 48 : i32
        %add3A_2819 = vector.broadcast %add3A_2818 : i32 to vector<16xi32>
        %add3A_2820 = arith.addi %iota3A, %add3A_2819 : vector<16xi32>
        %gather3A_2821 = tpu.vector_load_idx %arg12[%add3A_2820, %add3A_2685] : memref<80x128xf32, #tpu.memory_space<vmem>>[vector<16xi32>, vector<16xi32>], vector<16xf32>,
        %slice3A_2822 = vector.extract_strided_slice %get3A_167 {offsets = [11], sizes = [1], strides = [1]} : vector<16xf32> to vector<1xf32>
        %squeeze3A_2823 = vector.extract %slice3A_2822[0] : f32 from vector<1xf32>
        %mul3A_2824 = vector.broadcast %squeeze3A_2823 : f32 to vector<16xf32>
        %mul3A_2825 = arith.mulf %gather3A_107, %mul3A_2824 : vector<16xf32>
        %slice3A_2826 = vector.extract_strided_slice %get3A_171 {offsets = [11], sizes = [1], strides = [1]} : vector<16xf32> to vector<1xf32>
        %squeeze3A_2827 = vector.extract %slice3A_2826[0] : f32 from vector<1xf32>
        %mul3A_2828 = vector.broadcast %squeeze3A_2827 : f32 to vector<16xf32>
        %mul3A_2829 = arith.mulf %gather3A_110, %mul3A_2828 : vector<16xf32>
        %add3A_2830 = arith.addf %mul3A_2825, %mul3A_2829 : vector<16xf32>
        %slice3A_2831 = vector.extract_strided_slice %get3A_175 {offsets = [11], sizes = [1], strides = [1]} : vector<16xf32> to vector<1xf32>
        %squeeze3A_2832 = vector.extract %slice3A_2831[0] : f32 from vector<1xf32>
        %mul3A_2833 = vector.broadcast %squeeze3A_2832 : f32 to vector<16xf32>
        %mul3A_2834 = arith.mulf %gather3A_113, %mul3A_2833 : vector<16xf32>
        %add3A_2835 = arith.addf %add3A_2830, %mul3A_2834 : vector<16xf32>
        %slice3A_2836 = vector.extract_strided_slice %get3A_179 {offsets = [11], sizes = [1], strides = [1]} : vector<16xf32> to vector<1xf32>
        %squeeze3A_2837 = vector.extract %slice3A_2836[0] : f32 from vector<1xf32>
        %mul3A_2838 = vector.broadcast %squeeze3A_2837 : f32 to vector<16xf32>
        %mul3A_2839 = arith.mulf %gather3A_116, %mul3A_2838 : vector<16xf32>
        %add3A_2840 = arith.addf %add3A_2835, %mul3A_2839 : vector<16xf32>
        %slice3A_2841 = vector.extract_strided_slice %get3A_183 {offsets = [11], sizes = [1], strides = [1]} : vector<16xf32> to vector<1xf32>
        %squeeze3A_2842 = vector.extract %slice3A_2841[0] : f32 from vector<1xf32>
        %mul3A_2843 = vector.broadcast %squeeze3A_2842 : f32 to vector<16xf32>
        %mul3A_2844 = arith.mulf %gather3A_119, %mul3A_2843 : vector<16xf32>
        %add3A_2845 = arith.addf %add3A_2840, %mul3A_2844 : vector<16xf32>
        %slice3A_2846 = vector.extract_strided_slice %get3A_187 {offsets = [11], sizes = [1], strides = [1]} : vector<16xf32> to vector<1xf32>
        %squeeze3A_2847 = vector.extract %slice3A_2846[0] : f32 from vector<1xf32>
        %mul3A_2848 = vector.broadcast %squeeze3A_2847 : f32 to vector<16xf32>
        %mul3A_2849 = arith.mulf %gather3A_122, %mul3A_2848 : vector<16xf32>
        %add3A_2850 = arith.addf %add3A_2845, %mul3A_2849 : vector<16xf32>
        %slice3A_2851 = vector.extract_strided_slice %get3A_191 {offsets = [11], sizes = [1], strides = [1]} : vector<16xf32> to vector<1xf32>
        %squeeze3A_2852 = vector.extract %slice3A_2851[0] : f32 from vector<1xf32>
        %mul3A_2853 = vector.broadcast %squeeze3A_2852 : f32 to vector<16xf32>
        %mul3A_2854 = arith.mulf %gather3A_125, %mul3A_2853 : vector<16xf32>
        %add3A_2855 = arith.addf %add3A_2850, %mul3A_2854 : vector<16xf32>
        %slice3A_2856 = vector.extract_strided_slice %get3A_195 {offsets = [11], sizes = [1], strides = [1]} : vector<16xf32> to vector<1xf32>
        %squeeze3A_2857 = vector.extract %slice3A_2856[0] : f32 from vector<1xf32>
        %mul3A_2858 = vector.broadcast %squeeze3A_2857 : f32 to vector<16xf32>
        %mul3A_2859 = arith.mulf %gather3A_128, %mul3A_2858 : vector<16xf32>
        %add3A_2860 = arith.addf %add3A_2855, %mul3A_2859 : vector<16xf32>
        %mul3A_2861 = arith.mulf %gather3A_2821, %add3A_2860 : vector<16xf32>
        tpu.vector_store_idx %arg13[%add3A_2820, %add3A_2685], %mul3A_2861 : memref<80x128xf32, #tpu.memory_space<vmem>>[vector<16xi32>, vector<16xi32>], vector<16xf32>,
        %add3A_2862 = arith.constant 64 : i32
        %add3A_2863 = vector.broadcast %add3A_2862 : i32 to vector<16xi32>
        %add3A_2864 = arith.addi %iota3A, %add3A_2863 : vector<16xi32>
        %gather3A_2865 = tpu.vector_load_idx %arg12[%add3A_2864, %add3A_2685] : memref<80x128xf32, #tpu.memory_space<vmem>>[vector<16xi32>, vector<16xi32>], vector<16xf32>,
        %slice3A_2866 = vector.extract_strided_slice %get3A_167 {offsets = [11], sizes = [1], strides = [1]} : vector<16xf32> to vector<1xf32>
        %squeeze3A_2867 = vector.extract %slice3A_2866[0] : f32 from vector<1xf32>
        %mul3A_2868 = vector.broadcast %squeeze3A_2867 : f32 to vector<16xf32>
        %mul3A_2869 = arith.mulf %gather3A_134, %mul3A_2868 : vector<16xf32>
        %slice3A_2870 = vector.extract_strided_slice %get3A_171 {offsets = [11], sizes = [1], strides = [1]} : vector<16xf32> to vector<1xf32>
        %squeeze3A_2871 = vector.extract %slice3A_2870[0] : f32 from vector<1xf32>
        %mul3A_2872 = vector.broadcast %squeeze3A_2871 : f32 to vector<16xf32>
        %mul3A_2873 = arith.mulf %gather3A_137, %mul3A_2872 : vector<16xf32>
        %add3A_2874 = arith.addf %mul3A_2869, %mul3A_2873 : vector<16xf32>
        %slice3A_2875 = vector.extract_strided_slice %get3A_175 {offsets = [11], sizes = [1], strides = [1]} : vector<16xf32> to vector<1xf32>
        %squeeze3A_2876 = vector.extract %slice3A_2875[0] : f32 from vector<1xf32>
        %mul3A_2877 = vector.broadcast %squeeze3A_2876 : f32 to vector<16xf32>
        %mul3A_2878 = arith.mulf %gather3A_140, %mul3A_2877 : vector<16xf32>
        %add3A_2879 = arith.addf %add3A_2874, %mul3A_2878 : vector<16xf32>
        %slice3A_2880 = vector.extract_strided_slice %get3A_179 {offsets = [11], sizes = [1], strides = [1]} : vector<16xf32> to vector<1xf32>
        %squeeze3A_2881 = vector.extract %slice3A_2880[0] : f32 from vector<1xf32>
        %mul3A_2882 = vector.broadcast %squeeze3A_2881 : f32 to vector<16xf32>
        %mul3A_2883 = arith.mulf %gather3A_143, %mul3A_2882 : vector<16xf32>
        %add3A_2884 = arith.addf %add3A_2879, %mul3A_2883 : vector<16xf32>
        %slice3A_2885 = vector.extract_strided_slice %get3A_183 {offsets = [11], sizes = [1], strides = [1]} : vector<16xf32> to vector<1xf32>
        %squeeze3A_2886 = vector.extract %slice3A_2885[0] : f32 from vector<1xf32>
        %mul3A_2887 = vector.broadcast %squeeze3A_2886 : f32 to vector<16xf32>
        %mul3A_2888 = arith.mulf %gather3A_146, %mul3A_2887 : vector<16xf32>
        %add3A_2889 = arith.addf %add3A_2884, %mul3A_2888 : vector<16xf32>
        %slice3A_2890 = vector.extract_strided_slice %get3A_187 {offsets = [11], sizes = [1], strides = [1]} : vector<16xf32> to vector<1xf32>
        %squeeze3A_2891 = vector.extract %slice3A_2890[0] : f32 from vector<1xf32>
        %mul3A_2892 = vector.broadcast %squeeze3A_2891 : f32 to vector<16xf32>
        %mul3A_2893 = arith.mulf %gather3A_149, %mul3A_2892 : vector<16xf32>
        %add3A_2894 = arith.addf %add3A_2889, %mul3A_2893 : vector<16xf32>
        %slice3A_2895 = vector.extract_strided_slice %get3A_191 {offsets = [11], sizes = [1], strides = [1]} : vector<16xf32> to vector<1xf32>
        %squeeze3A_2896 = vector.extract %slice3A_2895[0] : f32 from vector<1xf32>
        %mul3A_2897 = vector.broadcast %squeeze3A_2896 : f32 to vector<16xf32>
        %mul3A_2898 = arith.mulf %gather3A_152, %mul3A_2897 : vector<16xf32>
        %add3A_2899 = arith.addf %add3A_2894, %mul3A_2898 : vector<16xf32>
        %slice3A_2900 = vector.extract_strided_slice %get3A_195 {offsets = [11], sizes = [1], strides = [1]} : vector<16xf32> to vector<1xf32>
        %squeeze3A_2901 = vector.extract %slice3A_2900[0] : f32 from vector<1xf32>
        %mul3A_2902 = vector.broadcast %squeeze3A_2901 : f32 to vector<16xf32>
        %mul3A_2903 = arith.mulf %gather3A_155, %mul3A_2902 : vector<16xf32>
        %add3A_2904 = arith.addf %add3A_2899, %mul3A_2903 : vector<16xf32>
        %mul3A_2905 = arith.mulf %gather3A_2865, %add3A_2904 : vector<16xf32>
        tpu.vector_store_idx %arg13[%add3A_2864, %add3A_2685], %mul3A_2905 : memref<80x128xf32, #tpu.memory_space<vmem>>[vector<16xi32>, vector<16xi32>], vector<16xf32>,
        %broadcast_in_dim3A_2906 = arith.constant 0 : i32
        %broadcast_in_dim3A_2907 = vector.broadcast %broadcast_in_dim3A_2906 : i32 to vector<16xi32>
        %add3A_2908 = arith.constant 12 : i32
        %add3A_2909 = arith.addi %mul3A_164, %add3A_2908 : i32
        %add3A_2910 = vector.broadcast %add3A_2909 : i32 to vector<16xi32>
        %add3A_2911 = arith.addi %broadcast_in_dim3A_2907, %add3A_2910 : vector<16xi32>
        %add3A_2912 = arith.constant 0 : i32
        %add3A_2913 = vector.broadcast %add3A_2912 : i32 to vector<16xi32>
        %add3A_2914 = arith.addi %iota3A, %add3A_2913 : vector<16xi32>
        %gather3A_2915 = tpu.vector_load_idx %arg12[%add3A_2914, %add3A_2911] : memref<80x128xf32, #tpu.memory_space<vmem>>[vector<16xi32>, vector<16xi32>], vector<16xf32>,
        %slice3A_2916 = vector.extract_strided_slice %get3A_167 {offsets = [12], sizes = [1], strides = [1]} : vector<16xf32> to vector<1xf32>
        %squeeze3A_2917 = vector.extract %slice3A_2916[0] : f32 from vector<1xf32>
        %mul3A_2918 = vector.broadcast %squeeze3A_2917 : f32 to vector<16xf32>
        %mul3A_2919 = arith.mulf %gather3A, %mul3A_2918 : vector<16xf32>
        %slice3A_2920 = vector.extract_strided_slice %get3A_171 {offsets = [12], sizes = [1], strides = [1]} : vector<16xf32> to vector<1xf32>
        %squeeze3A_2921 = vector.extract %slice3A_2920[0] : f32 from vector<1xf32>
        %mul3A_2922 = vector.broadcast %squeeze3A_2921 : f32 to vector<16xf32>
        %mul3A_2923 = arith.mulf %gather3A_29, %mul3A_2922 : vector<16xf32>
        %add3A_2924 = arith.addf %mul3A_2919, %mul3A_2923 : vector<16xf32>
        %slice3A_2925 = vector.extract_strided_slice %get3A_175 {offsets = [12], sizes = [1], strides = [1]} : vector<16xf32> to vector<1xf32>
        %squeeze3A_2926 = vector.extract %slice3A_2925[0] : f32 from vector<1xf32>
        %mul3A_2927 = vector.broadcast %squeeze3A_2926 : f32 to vector<16xf32>
        %mul3A_2928 = arith.mulf %gather3A_32, %mul3A_2927 : vector<16xf32>
        %add3A_2929 = arith.addf %add3A_2924, %mul3A_2928 : vector<16xf32>
        %slice3A_2930 = vector.extract_strided_slice %get3A_179 {offsets = [12], sizes = [1], strides = [1]} : vector<16xf32> to vector<1xf32>
        %squeeze3A_2931 = vector.extract %slice3A_2930[0] : f32 from vector<1xf32>
        %mul3A_2932 = vector.broadcast %squeeze3A_2931 : f32 to vector<16xf32>
        %mul3A_2933 = arith.mulf %gather3A_35, %mul3A_2932 : vector<16xf32>
        %add3A_2934 = arith.addf %add3A_2929, %mul3A_2933 : vector<16xf32>
        %slice3A_2935 = vector.extract_strided_slice %get3A_183 {offsets = [12], sizes = [1], strides = [1]} : vector<16xf32> to vector<1xf32>
        %squeeze3A_2936 = vector.extract %slice3A_2935[0] : f32 from vector<1xf32>
        %mul3A_2937 = vector.broadcast %squeeze3A_2936 : f32 to vector<16xf32>
        %mul3A_2938 = arith.mulf %gather3A_38, %mul3A_2937 : vector<16xf32>
        %add3A_2939 = arith.addf %add3A_2934, %mul3A_2938 : vector<16xf32>
        %slice3A_2940 = vector.extract_strided_slice %get3A_187 {offsets = [12], sizes = [1], strides = [1]} : vector<16xf32> to vector<1xf32>
        %squeeze3A_2941 = vector.extract %slice3A_2940[0] : f32 from vector<1xf32>
        %mul3A_2942 = vector.broadcast %squeeze3A_2941 : f32 to vector<16xf32>
        %mul3A_2943 = arith.mulf %gather3A_41, %mul3A_2942 : vector<16xf32>
        %add3A_2944 = arith.addf %add3A_2939, %mul3A_2943 : vector<16xf32>
        %slice3A_2945 = vector.extract_strided_slice %get3A_191 {offsets = [12], sizes = [1], strides = [1]} : vector<16xf32> to vector<1xf32>
        %squeeze3A_2946 = vector.extract %slice3A_2945[0] : f32 from vector<1xf32>
        %mul3A_2947 = vector.broadcast %squeeze3A_2946 : f32 to vector<16xf32>
        %mul3A_2948 = arith.mulf %gather3A_44, %mul3A_2947 : vector<16xf32>
        %add3A_2949 = arith.addf %add3A_2944, %mul3A_2948 : vector<16xf32>
        %slice3A_2950 = vector.extract_strided_slice %get3A_195 {offsets = [12], sizes = [1], strides = [1]} : vector<16xf32> to vector<1xf32>
        %squeeze3A_2951 = vector.extract %slice3A_2950[0] : f32 from vector<1xf32>
        %mul3A_2952 = vector.broadcast %squeeze3A_2951 : f32 to vector<16xf32>
        %mul3A_2953 = arith.mulf %gather3A_47, %mul3A_2952 : vector<16xf32>
        %add3A_2954 = arith.addf %add3A_2949, %mul3A_2953 : vector<16xf32>
        %mul3A_2955 = arith.mulf %gather3A_2915, %add3A_2954 : vector<16xf32>
        tpu.vector_store_idx %arg13[%add3A_2914, %add3A_2911], %mul3A_2955 : memref<80x128xf32, #tpu.memory_space<vmem>>[vector<16xi32>, vector<16xi32>], vector<16xf32>,
        %add3A_2956 = arith.constant 16 : i32
        %add3A_2957 = vector.broadcast %add3A_2956 : i32 to vector<16xi32>
        %add3A_2958 = arith.addi %iota3A, %add3A_2957 : vector<16xi32>
        %gather3A_2959 = tpu.vector_load_idx %arg12[%add3A_2958, %add3A_2911] : memref<80x128xf32, #tpu.memory_space<vmem>>[vector<16xi32>, vector<16xi32>], vector<16xf32>,
        %slice3A_2960 = vector.extract_strided_slice %get3A_167 {offsets = [12], sizes = [1], strides = [1]} : vector<16xf32> to vector<1xf32>
        %squeeze3A_2961 = vector.extract %slice3A_2960[0] : f32 from vector<1xf32>
        %mul3A_2962 = vector.broadcast %squeeze3A_2961 : f32 to vector<16xf32>
        %mul3A_2963 = arith.mulf %gather3A_53, %mul3A_2962 : vector<16xf32>
        %slice3A_2964 = vector.extract_strided_slice %get3A_171 {offsets = [12], sizes = [1], strides = [1]} : vector<16xf32> to vector<1xf32>
        %squeeze3A_2965 = vector.extract %slice3A_2964[0] : f32 from vector<1xf32>
        %mul3A_2966 = vector.broadcast %squeeze3A_2965 : f32 to vector<16xf32>
        %mul3A_2967 = arith.mulf %gather3A_56, %mul3A_2966 : vector<16xf32>
        %add3A_2968 = arith.addf %mul3A_2963, %mul3A_2967 : vector<16xf32>
        %slice3A_2969 = vector.extract_strided_slice %get3A_175 {offsets = [12], sizes = [1], strides = [1]} : vector<16xf32> to vector<1xf32>
        %squeeze3A_2970 = vector.extract %slice3A_2969[0] : f32 from vector<1xf32>
        %mul3A_2971 = vector.broadcast %squeeze3A_2970 : f32 to vector<16xf32>
        %mul3A_2972 = arith.mulf %gather3A_59, %mul3A_2971 : vector<16xf32>
        %add3A_2973 = arith.addf %add3A_2968, %mul3A_2972 : vector<16xf32>
        %slice3A_2974 = vector.extract_strided_slice %get3A_179 {offsets = [12], sizes = [1], strides = [1]} : vector<16xf32> to vector<1xf32>
        %squeeze3A_2975 = vector.extract %slice3A_2974[0] : f32 from vector<1xf32>
        %mul3A_2976 = vector.broadcast %squeeze3A_2975 : f32 to vector<16xf32>
        %mul3A_2977 = arith.mulf %gather3A_62, %mul3A_2976 : vector<16xf32>
        %add3A_2978 = arith.addf %add3A_2973, %mul3A_2977 : vector<16xf32>
        %slice3A_2979 = vector.extract_strided_slice %get3A_183 {offsets = [12], sizes = [1], strides = [1]} : vector<16xf32> to vector<1xf32>
        %squeeze3A_2980 = vector.extract %slice3A_2979[0] : f32 from vector<1xf32>
        %mul3A_2981 = vector.broadcast %squeeze3A_2980 : f32 to vector<16xf32>
        %mul3A_2982 = arith.mulf %gather3A_65, %mul3A_2981 : vector<16xf32>
        %add3A_2983 = arith.addf %add3A_2978, %mul3A_2982 : vector<16xf32>
        %slice3A_2984 = vector.extract_strided_slice %get3A_187 {offsets = [12], sizes = [1], strides = [1]} : vector<16xf32> to vector<1xf32>
        %squeeze3A_2985 = vector.extract %slice3A_2984[0] : f32 from vector<1xf32>
        %mul3A_2986 = vector.broadcast %squeeze3A_2985 : f32 to vector<16xf32>
        %mul3A_2987 = arith.mulf %gather3A_68, %mul3A_2986 : vector<16xf32>
        %add3A_2988 = arith.addf %add3A_2983, %mul3A_2987 : vector<16xf32>
        %slice3A_2989 = vector.extract_strided_slice %get3A_191 {offsets = [12], sizes = [1], strides = [1]} : vector<16xf32> to vector<1xf32>
        %squeeze3A_2990 = vector.extract %slice3A_2989[0] : f32 from vector<1xf32>
        %mul3A_2991 = vector.broadcast %squeeze3A_2990 : f32 to vector<16xf32>
        %mul3A_2992 = arith.mulf %gather3A_71, %mul3A_2991 : vector<16xf32>
        %add3A_2993 = arith.addf %add3A_2988, %mul3A_2992 : vector<16xf32>
        %slice3A_2994 = vector.extract_strided_slice %get3A_195 {offsets = [12], sizes = [1], strides = [1]} : vector<16xf32> to vector<1xf32>
        %squeeze3A_2995 = vector.extract %slice3A_2994[0] : f32 from vector<1xf32>
        %mul3A_2996 = vector.broadcast %squeeze3A_2995 : f32 to vector<16xf32>
        %mul3A_2997 = arith.mulf %gather3A_74, %mul3A_2996 : vector<16xf32>
        %add3A_2998 = arith.addf %add3A_2993, %mul3A_2997 : vector<16xf32>
        %mul3A_2999 = arith.mulf %gather3A_2959, %add3A_2998 : vector<16xf32>
        tpu.vector_store_idx %arg13[%add3A_2958, %add3A_2911], %mul3A_2999 : memref<80x128xf32, #tpu.memory_space<vmem>>[vector<16xi32>, vector<16xi32>], vector<16xf32>,
        %add3A_3000 = arith.constant 32 : i32
        %add3A_3001 = vector.broadcast %add3A_3000 : i32 to vector<16xi32>
        %add3A_3002 = arith.addi %iota3A, %add3A_3001 : vector<16xi32>
        %gather3A_3003 = tpu.vector_load_idx %arg12[%add3A_3002, %add3A_2911] : memref<80x128xf32, #tpu.memory_space<vmem>>[vector<16xi32>, vector<16xi32>], vector<16xf32>,
        %slice3A_3004 = vector.extract_strided_slice %get3A_167 {offsets = [12], sizes = [1], strides = [1]} : vector<16xf32> to vector<1xf32>
        %squeeze3A_3005 = vector.extract %slice3A_3004[0] : f32 from vector<1xf32>
        %mul3A_3006 = vector.broadcast %squeeze3A_3005 : f32 to vector<16xf32>
        %mul3A_3007 = arith.mulf %gather3A_80, %mul3A_3006 : vector<16xf32>
        %slice3A_3008 = vector.extract_strided_slice %get3A_171 {offsets = [12], sizes = [1], strides = [1]} : vector<16xf32> to vector<1xf32>
        %squeeze3A_3009 = vector.extract %slice3A_3008[0] : f32 from vector<1xf32>
        %mul3A_3010 = vector.broadcast %squeeze3A_3009 : f32 to vector<16xf32>
        %mul3A_3011 = arith.mulf %gather3A_83, %mul3A_3010 : vector<16xf32>
        %add3A_3012 = arith.addf %mul3A_3007, %mul3A_3011 : vector<16xf32>
        %slice3A_3013 = vector.extract_strided_slice %get3A_175 {offsets = [12], sizes = [1], strides = [1]} : vector<16xf32> to vector<1xf32>
        %squeeze3A_3014 = vector.extract %slice3A_3013[0] : f32 from vector<1xf32>
        %mul3A_3015 = vector.broadcast %squeeze3A_3014 : f32 to vector<16xf32>
        %mul3A_3016 = arith.mulf %gather3A_86, %mul3A_3015 : vector<16xf32>
        %add3A_3017 = arith.addf %add3A_3012, %mul3A_3016 : vector<16xf32>
        %slice3A_3018 = vector.extract_strided_slice %get3A_179 {offsets = [12], sizes = [1], strides = [1]} : vector<16xf32> to vector<1xf32>
        %squeeze3A_3019 = vector.extract %slice3A_3018[0] : f32 from vector<1xf32>
        %mul3A_3020 = vector.broadcast %squeeze3A_3019 : f32 to vector<16xf32>
        %mul3A_3021 = arith.mulf %gather3A_89, %mul3A_3020 : vector<16xf32>
        %add3A_3022 = arith.addf %add3A_3017, %mul3A_3021 : vector<16xf32>
        %slice3A_3023 = vector.extract_strided_slice %get3A_183 {offsets = [12], sizes = [1], strides = [1]} : vector<16xf32> to vector<1xf32>
        %squeeze3A_3024 = vector.extract %slice3A_3023[0] : f32 from vector<1xf32>
        %mul3A_3025 = vector.broadcast %squeeze3A_3024 : f32 to vector<16xf32>
        %mul3A_3026 = arith.mulf %gather3A_92, %mul3A_3025 : vector<16xf32>
        %add3A_3027 = arith.addf %add3A_3022, %mul3A_3026 : vector<16xf32>
        %slice3A_3028 = vector.extract_strided_slice %get3A_187 {offsets = [12], sizes = [1], strides = [1]} : vector<16xf32> to vector<1xf32>
        %squeeze3A_3029 = vector.extract %slice3A_3028[0] : f32 from vector<1xf32>
        %mul3A_3030 = vector.broadcast %squeeze3A_3029 : f32 to vector<16xf32>
        %mul3A_3031 = arith.mulf %gather3A_95, %mul3A_3030 : vector<16xf32>
        %add3A_3032 = arith.addf %add3A_3027, %mul3A_3031 : vector<16xf32>
        %slice3A_3033 = vector.extract_strided_slice %get3A_191 {offsets = [12], sizes = [1], strides = [1]} : vector<16xf32> to vector<1xf32>
        %squeeze3A_3034 = vector.extract %slice3A_3033[0] : f32 from vector<1xf32>
        %mul3A_3035 = vector.broadcast %squeeze3A_3034 : f32 to vector<16xf32>
        %mul3A_3036 = arith.mulf %gather3A_98, %mul3A_3035 : vector<16xf32>
        %add3A_3037 = arith.addf %add3A_3032, %mul3A_3036 : vector<16xf32>
        %slice3A_3038 = vector.extract_strided_slice %get3A_195 {offsets = [12], sizes = [1], strides = [1]} : vector<16xf32> to vector<1xf32>
        %squeeze3A_3039 = vector.extract %slice3A_3038[0] : f32 from vector<1xf32>
        %mul3A_3040 = vector.broadcast %squeeze3A_3039 : f32 to vector<16xf32>
        %mul3A_3041 = arith.mulf %gather3A_101, %mul3A_3040 : vector<16xf32>
        %add3A_3042 = arith.addf %add3A_3037, %mul3A_3041 : vector<16xf32>
        %mul3A_3043 = arith.mulf %gather3A_3003, %add3A_3042 : vector<16xf32>
        tpu.vector_store_idx %arg13[%add3A_3002, %add3A_2911], %mul3A_3043 : memref<80x128xf32, #tpu.memory_space<vmem>>[vector<16xi32>, vector<16xi32>], vector<16xf32>,
        %add3A_3044 = arith.constant 48 : i32
        %add3A_3045 = vector.broadcast %add3A_3044 : i32 to vector<16xi32>
        %add3A_3046 = arith.addi %iota3A, %add3A_3045 : vector<16xi32>
        %gather3A_3047 = tpu.vector_load_idx %arg12[%add3A_3046, %add3A_2911] : memref<80x128xf32, #tpu.memory_space<vmem>>[vector<16xi32>, vector<16xi32>], vector<16xf32>,
        %slice3A_3048 = vector.extract_strided_slice %get3A_167 {offsets = [12], sizes = [1], strides = [1]} : vector<16xf32> to vector<1xf32>
        %squeeze3A_3049 = vector.extract %slice3A_3048[0] : f32 from vector<1xf32>
        %mul3A_3050 = vector.broadcast %squeeze3A_3049 : f32 to vector<16xf32>
        %mul3A_3051 = arith.mulf %gather3A_107, %mul3A_3050 : vector<16xf32>
        %slice3A_3052 = vector.extract_strided_slice %get3A_171 {offsets = [12], sizes = [1], strides = [1]} : vector<16xf32> to vector<1xf32>
        %squeeze3A_3053 = vector.extract %slice3A_3052[0] : f32 from vector<1xf32>
        %mul3A_3054 = vector.broadcast %squeeze3A_3053 : f32 to vector<16xf32>
        %mul3A_3055 = arith.mulf %gather3A_110, %mul3A_3054 : vector<16xf32>
        %add3A_3056 = arith.addf %mul3A_3051, %mul3A_3055 : vector<16xf32>
        %slice3A_3057 = vector.extract_strided_slice %get3A_175 {offsets = [12], sizes = [1], strides = [1]} : vector<16xf32> to vector<1xf32>
        %squeeze3A_3058 = vector.extract %slice3A_3057[0] : f32 from vector<1xf32>
        %mul3A_3059 = vector.broadcast %squeeze3A_3058 : f32 to vector<16xf32>
        %mul3A_3060 = arith.mulf %gather3A_113, %mul3A_3059 : vector<16xf32>
        %add3A_3061 = arith.addf %add3A_3056, %mul3A_3060 : vector<16xf32>
        %slice3A_3062 = vector.extract_strided_slice %get3A_179 {offsets = [12], sizes = [1], strides = [1]} : vector<16xf32> to vector<1xf32>
        %squeeze3A_3063 = vector.extract %slice3A_3062[0] : f32 from vector<1xf32>
        %mul3A_3064 = vector.broadcast %squeeze3A_3063 : f32 to vector<16xf32>
        %mul3A_3065 = arith.mulf %gather3A_116, %mul3A_3064 : vector<16xf32>
        %add3A_3066 = arith.addf %add3A_3061, %mul3A_3065 : vector<16xf32>
        %slice3A_3067 = vector.extract_strided_slice %get3A_183 {offsets = [12], sizes = [1], strides = [1]} : vector<16xf32> to vector<1xf32>
        %squeeze3A_3068 = vector.extract %slice3A_3067[0] : f32 from vector<1xf32>
        %mul3A_3069 = vector.broadcast %squeeze3A_3068 : f32 to vector<16xf32>
        %mul3A_3070 = arith.mulf %gather3A_119, %mul3A_3069 : vector<16xf32>
        %add3A_3071 = arith.addf %add3A_3066, %mul3A_3070 : vector<16xf32>
        %slice3A_3072 = vector.extract_strided_slice %get3A_187 {offsets = [12], sizes = [1], strides = [1]} : vector<16xf32> to vector<1xf32>
        %squeeze3A_3073 = vector.extract %slice3A_3072[0] : f32 from vector<1xf32>
        %mul3A_3074 = vector.broadcast %squeeze3A_3073 : f32 to vector<16xf32>
        %mul3A_3075 = arith.mulf %gather3A_122, %mul3A_3074 : vector<16xf32>
        %add3A_3076 = arith.addf %add3A_3071, %mul3A_3075 : vector<16xf32>
        %slice3A_3077 = vector.extract_strided_slice %get3A_191 {offsets = [12], sizes = [1], strides = [1]} : vector<16xf32> to vector<1xf32>
        %squeeze3A_3078 = vector.extract %slice3A_3077[0] : f32 from vector<1xf32>
        %mul3A_3079 = vector.broadcast %squeeze3A_3078 : f32 to vector<16xf32>
        %mul3A_3080 = arith.mulf %gather3A_125, %mul3A_3079 : vector<16xf32>
        %add3A_3081 = arith.addf %add3A_3076, %mul3A_3080 : vector<16xf32>
        %slice3A_3082 = vector.extract_strided_slice %get3A_195 {offsets = [12], sizes = [1], strides = [1]} : vector<16xf32> to vector<1xf32>
        %squeeze3A_3083 = vector.extract %slice3A_3082[0] : f32 from vector<1xf32>
        %mul3A_3084 = vector.broadcast %squeeze3A_3083 : f32 to vector<16xf32>
        %mul3A_3085 = arith.mulf %gather3A_128, %mul3A_3084 : vector<16xf32>
        %add3A_3086 = arith.addf %add3A_3081, %mul3A_3085 : vector<16xf32>
        %mul3A_3087 = arith.mulf %gather3A_3047, %add3A_3086 : vector<16xf32>
        tpu.vector_store_idx %arg13[%add3A_3046, %add3A_2911], %mul3A_3087 : memref<80x128xf32, #tpu.memory_space<vmem>>[vector<16xi32>, vector<16xi32>], vector<16xf32>,
        %add3A_3088 = arith.constant 64 : i32
        %add3A_3089 = vector.broadcast %add3A_3088 : i32 to vector<16xi32>
        %add3A_3090 = arith.addi %iota3A, %add3A_3089 : vector<16xi32>
        %gather3A_3091 = tpu.vector_load_idx %arg12[%add3A_3090, %add3A_2911] : memref<80x128xf32, #tpu.memory_space<vmem>>[vector<16xi32>, vector<16xi32>], vector<16xf32>,
        %slice3A_3092 = vector.extract_strided_slice %get3A_167 {offsets = [12], sizes = [1], strides = [1]} : vector<16xf32> to vector<1xf32>
        %squeeze3A_3093 = vector.extract %slice3A_3092[0] : f32 from vector<1xf32>
        %mul3A_3094 = vector.broadcast %squeeze3A_3093 : f32 to vector<16xf32>
        %mul3A_3095 = arith.mulf %gather3A_134, %mul3A_3094 : vector<16xf32>
        %slice3A_3096 = vector.extract_strided_slice %get3A_171 {offsets = [12], sizes = [1], strides = [1]} : vector<16xf32> to vector<1xf32>
        %squeeze3A_3097 = vector.extract %slice3A_3096[0] : f32 from vector<1xf32>
        %mul3A_3098 = vector.broadcast %squeeze3A_3097 : f32 to vector<16xf32>
        %mul3A_3099 = arith.mulf %gather3A_137, %mul3A_3098 : vector<16xf32>
        %add3A_3100 = arith.addf %mul3A_3095, %mul3A_3099 : vector<16xf32>
        %slice3A_3101 = vector.extract_strided_slice %get3A_175 {offsets = [12], sizes = [1], strides = [1]} : vector<16xf32> to vector<1xf32>
        %squeeze3A_3102 = vector.extract %slice3A_3101[0] : f32 from vector<1xf32>
        %mul3A_3103 = vector.broadcast %squeeze3A_3102 : f32 to vector<16xf32>
        %mul3A_3104 = arith.mulf %gather3A_140, %mul3A_3103 : vector<16xf32>
        %add3A_3105 = arith.addf %add3A_3100, %mul3A_3104 : vector<16xf32>
        %slice3A_3106 = vector.extract_strided_slice %get3A_179 {offsets = [12], sizes = [1], strides = [1]} : vector<16xf32> to vector<1xf32>
        %squeeze3A_3107 = vector.extract %slice3A_3106[0] : f32 from vector<1xf32>
        %mul3A_3108 = vector.broadcast %squeeze3A_3107 : f32 to vector<16xf32>
        %mul3A_3109 = arith.mulf %gather3A_143, %mul3A_3108 : vector<16xf32>
        %add3A_3110 = arith.addf %add3A_3105, %mul3A_3109 : vector<16xf32>
        %slice3A_3111 = vector.extract_strided_slice %get3A_183 {offsets = [12], sizes = [1], strides = [1]} : vector<16xf32> to vector<1xf32>
        %squeeze3A_3112 = vector.extract %slice3A_3111[0] : f32 from vector<1xf32>
        %mul3A_3113 = vector.broadcast %squeeze3A_3112 : f32 to vector<16xf32>
        %mul3A_3114 = arith.mulf %gather3A_146, %mul3A_3113 : vector<16xf32>
        %add3A_3115 = arith.addf %add3A_3110, %mul3A_3114 : vector<16xf32>
        %slice3A_3116 = vector.extract_strided_slice %get3A_187 {offsets = [12], sizes = [1], strides = [1]} : vector<16xf32> to vector<1xf32>
        %squeeze3A_3117 = vector.extract %slice3A_3116[0] : f32 from vector<1xf32>
        %mul3A_3118 = vector.broadcast %squeeze3A_3117 : f32 to vector<16xf32>
        %mul3A_3119 = arith.mulf %gather3A_149, %mul3A_3118 : vector<16xf32>
        %add3A_3120 = arith.addf %add3A_3115, %mul3A_3119 : vector<16xf32>
        %slice3A_3121 = vector.extract_strided_slice %get3A_191 {offsets = [12], sizes = [1], strides = [1]} : vector<16xf32> to vector<1xf32>
        %squeeze3A_3122 = vector.extract %slice3A_3121[0] : f32 from vector<1xf32>
        %mul3A_3123 = vector.broadcast %squeeze3A_3122 : f32 to vector<16xf32>
        %mul3A_3124 = arith.mulf %gather3A_152, %mul3A_3123 : vector<16xf32>
        %add3A_3125 = arith.addf %add3A_3120, %mul3A_3124 : vector<16xf32>
        %slice3A_3126 = vector.extract_strided_slice %get3A_195 {offsets = [12], sizes = [1], strides = [1]} : vector<16xf32> to vector<1xf32>
        %squeeze3A_3127 = vector.extract %slice3A_3126[0] : f32 from vector<1xf32>
        %mul3A_3128 = vector.broadcast %squeeze3A_3127 : f32 to vector<16xf32>
        %mul3A_3129 = arith.mulf %gather3A_155, %mul3A_3128 : vector<16xf32>
        %add3A_3130 = arith.addf %add3A_3125, %mul3A_3129 : vector<16xf32>
        %mul3A_3131 = arith.mulf %gather3A_3091, %add3A_3130 : vector<16xf32>
        tpu.vector_store_idx %arg13[%add3A_3090, %add3A_2911], %mul3A_3131 : memref<80x128xf32, #tpu.memory_space<vmem>>[vector<16xi32>, vector<16xi32>], vector<16xf32>,
        %broadcast_in_dim3A_3132 = arith.constant 0 : i32
        %broadcast_in_dim3A_3133 = vector.broadcast %broadcast_in_dim3A_3132 : i32 to vector<16xi32>
        %add3A_3134 = arith.constant 13 : i32
        %add3A_3135 = arith.addi %mul3A_164, %add3A_3134 : i32
        %add3A_3136 = vector.broadcast %add3A_3135 : i32 to vector<16xi32>
        %add3A_3137 = arith.addi %broadcast_in_dim3A_3133, %add3A_3136 : vector<16xi32>
        %add3A_3138 = arith.constant 0 : i32
        %add3A_3139 = vector.broadcast %add3A_3138 : i32 to vector<16xi32>
        %add3A_3140 = arith.addi %iota3A, %add3A_3139 : vector<16xi32>
        %gather3A_3141 = tpu.vector_load_idx %arg12[%add3A_3140, %add3A_3137] : memref<80x128xf32, #tpu.memory_space<vmem>>[vector<16xi32>, vector<16xi32>], vector<16xf32>,
        %slice3A_3142 = vector.extract_strided_slice %get3A_167 {offsets = [13], sizes = [1], strides = [1]} : vector<16xf32> to vector<1xf32>
        %squeeze3A_3143 = vector.extract %slice3A_3142[0] : f32 from vector<1xf32>
        %mul3A_3144 = vector.broadcast %squeeze3A_3143 : f32 to vector<16xf32>
        %mul3A_3145 = arith.mulf %gather3A, %mul3A_3144 : vector<16xf32>
        %slice3A_3146 = vector.extract_strided_slice %get3A_171 {offsets = [13], sizes = [1], strides = [1]} : vector<16xf32> to vector<1xf32>
        %squeeze3A_3147 = vector.extract %slice3A_3146[0] : f32 from vector<1xf32>
        %mul3A_3148 = vector.broadcast %squeeze3A_3147 : f32 to vector<16xf32>
        %mul3A_3149 = arith.mulf %gather3A_29, %mul3A_3148 : vector<16xf32>
        %add3A_3150 = arith.addf %mul3A_3145, %mul3A_3149 : vector<16xf32>
        %slice3A_3151 = vector.extract_strided_slice %get3A_175 {offsets = [13], sizes = [1], strides = [1]} : vector<16xf32> to vector<1xf32>
        %squeeze3A_3152 = vector.extract %slice3A_3151[0] : f32 from vector<1xf32>
        %mul3A_3153 = vector.broadcast %squeeze3A_3152 : f32 to vector<16xf32>
        %mul3A_3154 = arith.mulf %gather3A_32, %mul3A_3153 : vector<16xf32>
        %add3A_3155 = arith.addf %add3A_3150, %mul3A_3154 : vector<16xf32>
        %slice3A_3156 = vector.extract_strided_slice %get3A_179 {offsets = [13], sizes = [1], strides = [1]} : vector<16xf32> to vector<1xf32>
        %squeeze3A_3157 = vector.extract %slice3A_3156[0] : f32 from vector<1xf32>
        %mul3A_3158 = vector.broadcast %squeeze3A_3157 : f32 to vector<16xf32>
        %mul3A_3159 = arith.mulf %gather3A_35, %mul3A_3158 : vector<16xf32>
        %add3A_3160 = arith.addf %add3A_3155, %mul3A_3159 : vector<16xf32>
        %slice3A_3161 = vector.extract_strided_slice %get3A_183 {offsets = [13], sizes = [1], strides = [1]} : vector<16xf32> to vector<1xf32>
        %squeeze3A_3162 = vector.extract %slice3A_3161[0] : f32 from vector<1xf32>
        %mul3A_3163 = vector.broadcast %squeeze3A_3162 : f32 to vector<16xf32>
        %mul3A_3164 = arith.mulf %gather3A_38, %mul3A_3163 : vector<16xf32>
        %add3A_3165 = arith.addf %add3A_3160, %mul3A_3164 : vector<16xf32>
        %slice3A_3166 = vector.extract_strided_slice %get3A_187 {offsets = [13], sizes = [1], strides = [1]} : vector<16xf32> to vector<1xf32>
        %squeeze3A_3167 = vector.extract %slice3A_3166[0] : f32 from vector<1xf32>
        %mul3A_3168 = vector.broadcast %squeeze3A_3167 : f32 to vector<16xf32>
        %mul3A_3169 = arith.mulf %gather3A_41, %mul3A_3168 : vector<16xf32>
        %add3A_3170 = arith.addf %add3A_3165, %mul3A_3169 : vector<16xf32>
        %slice3A_3171 = vector.extract_strided_slice %get3A_191 {offsets = [13], sizes = [1], strides = [1]} : vector<16xf32> to vector<1xf32>
        %squeeze3A_3172 = vector.extract %slice3A_3171[0] : f32 from vector<1xf32>
        %mul3A_3173 = vector.broadcast %squeeze3A_3172 : f32 to vector<16xf32>
        %mul3A_3174 = arith.mulf %gather3A_44, %mul3A_3173 : vector<16xf32>
        %add3A_3175 = arith.addf %add3A_3170, %mul3A_3174 : vector<16xf32>
        %slice3A_3176 = vector.extract_strided_slice %get3A_195 {offsets = [13], sizes = [1], strides = [1]} : vector<16xf32> to vector<1xf32>
        %squeeze3A_3177 = vector.extract %slice3A_3176[0] : f32 from vector<1xf32>
        %mul3A_3178 = vector.broadcast %squeeze3A_3177 : f32 to vector<16xf32>
        %mul3A_3179 = arith.mulf %gather3A_47, %mul3A_3178 : vector<16xf32>
        %add3A_3180 = arith.addf %add3A_3175, %mul3A_3179 : vector<16xf32>
        %mul3A_3181 = arith.mulf %gather3A_3141, %add3A_3180 : vector<16xf32>
        tpu.vector_store_idx %arg13[%add3A_3140, %add3A_3137], %mul3A_3181 : memref<80x128xf32, #tpu.memory_space<vmem>>[vector<16xi32>, vector<16xi32>], vector<16xf32>,
        %add3A_3182 = arith.constant 16 : i32
        %add3A_3183 = vector.broadcast %add3A_3182 : i32 to vector<16xi32>
        %add3A_3184 = arith.addi %iota3A, %add3A_3183 : vector<16xi32>
        %gather3A_3185 = tpu.vector_load_idx %arg12[%add3A_3184, %add3A_3137] : memref<80x128xf32, #tpu.memory_space<vmem>>[vector<16xi32>, vector<16xi32>], vector<16xf32>,
        %slice3A_3186 = vector.extract_strided_slice %get3A_167 {offsets = [13], sizes = [1], strides = [1]} : vector<16xf32> to vector<1xf32>
        %squeeze3A_3187 = vector.extract %slice3A_3186[0] : f32 from vector<1xf32>
        %mul3A_3188 = vector.broadcast %squeeze3A_3187 : f32 to vector<16xf32>
        %mul3A_3189 = arith.mulf %gather3A_53, %mul3A_3188 : vector<16xf32>
        %slice3A_3190 = vector.extract_strided_slice %get3A_171 {offsets = [13], sizes = [1], strides = [1]} : vector<16xf32> to vector<1xf32>
        %squeeze3A_3191 = vector.extract %slice3A_3190[0] : f32 from vector<1xf32>
        %mul3A_3192 = vector.broadcast %squeeze3A_3191 : f32 to vector<16xf32>
        %mul3A_3193 = arith.mulf %gather3A_56, %mul3A_3192 : vector<16xf32>
        %add3A_3194 = arith.addf %mul3A_3189, %mul3A_3193 : vector<16xf32>
        %slice3A_3195 = vector.extract_strided_slice %get3A_175 {offsets = [13], sizes = [1], strides = [1]} : vector<16xf32> to vector<1xf32>
        %squeeze3A_3196 = vector.extract %slice3A_3195[0] : f32 from vector<1xf32>
        %mul3A_3197 = vector.broadcast %squeeze3A_3196 : f32 to vector<16xf32>
        %mul3A_3198 = arith.mulf %gather3A_59, %mul3A_3197 : vector<16xf32>
        %add3A_3199 = arith.addf %add3A_3194, %mul3A_3198 : vector<16xf32>
        %slice3A_3200 = vector.extract_strided_slice %get3A_179 {offsets = [13], sizes = [1], strides = [1]} : vector<16xf32> to vector<1xf32>
        %squeeze3A_3201 = vector.extract %slice3A_3200[0] : f32 from vector<1xf32>
        %mul3A_3202 = vector.broadcast %squeeze3A_3201 : f32 to vector<16xf32>
        %mul3A_3203 = arith.mulf %gather3A_62, %mul3A_3202 : vector<16xf32>
        %add3A_3204 = arith.addf %add3A_3199, %mul3A_3203 : vector<16xf32>
        %slice3A_3205 = vector.extract_strided_slice %get3A_183 {offsets = [13], sizes = [1], strides = [1]} : vector<16xf32> to vector<1xf32>
        %squeeze3A_3206 = vector.extract %slice3A_3205[0] : f32 from vector<1xf32>
        %mul3A_3207 = vector.broadcast %squeeze3A_3206 : f32 to vector<16xf32>
        %mul3A_3208 = arith.mulf %gather3A_65, %mul3A_3207 : vector<16xf32>
        %add3A_3209 = arith.addf %add3A_3204, %mul3A_3208 : vector<16xf32>
        %slice3A_3210 = vector.extract_strided_slice %get3A_187 {offsets = [13], sizes = [1], strides = [1]} : vector<16xf32> to vector<1xf32>
        %squeeze3A_3211 = vector.extract %slice3A_3210[0] : f32 from vector<1xf32>
        %mul3A_3212 = vector.broadcast %squeeze3A_3211 : f32 to vector<16xf32>
        %mul3A_3213 = arith.mulf %gather3A_68, %mul3A_3212 : vector<16xf32>
        %add3A_3214 = arith.addf %add3A_3209, %mul3A_3213 : vector<16xf32>
        %slice3A_3215 = vector.extract_strided_slice %get3A_191 {offsets = [13], sizes = [1], strides = [1]} : vector<16xf32> to vector<1xf32>
        %squeeze3A_3216 = vector.extract %slice3A_3215[0] : f32 from vector<1xf32>
        %mul3A_3217 = vector.broadcast %squeeze3A_3216 : f32 to vector<16xf32>
        %mul3A_3218 = arith.mulf %gather3A_71, %mul3A_3217 : vector<16xf32>
        %add3A_3219 = arith.addf %add3A_3214, %mul3A_3218 : vector<16xf32>
        %slice3A_3220 = vector.extract_strided_slice %get3A_195 {offsets = [13], sizes = [1], strides = [1]} : vector<16xf32> to vector<1xf32>
        %squeeze3A_3221 = vector.extract %slice3A_3220[0] : f32 from vector<1xf32>
        %mul3A_3222 = vector.broadcast %squeeze3A_3221 : f32 to vector<16xf32>
        %mul3A_3223 = arith.mulf %gather3A_74, %mul3A_3222 : vector<16xf32>
        %add3A_3224 = arith.addf %add3A_3219, %mul3A_3223 : vector<16xf32>
        %mul3A_3225 = arith.mulf %gather3A_3185, %add3A_3224 : vector<16xf32>
        tpu.vector_store_idx %arg13[%add3A_3184, %add3A_3137], %mul3A_3225 : memref<80x128xf32, #tpu.memory_space<vmem>>[vector<16xi32>, vector<16xi32>], vector<16xf32>,
        %add3A_3226 = arith.constant 32 : i32
        %add3A_3227 = vector.broadcast %add3A_3226 : i32 to vector<16xi32>
        %add3A_3228 = arith.addi %iota3A, %add3A_3227 : vector<16xi32>
        %gather3A_3229 = tpu.vector_load_idx %arg12[%add3A_3228, %add3A_3137] : memref<80x128xf32, #tpu.memory_space<vmem>>[vector<16xi32>, vector<16xi32>], vector<16xf32>,
        %slice3A_3230 = vector.extract_strided_slice %get3A_167 {offsets = [13], sizes = [1], strides = [1]} : vector<16xf32> to vector<1xf32>
        %squeeze3A_3231 = vector.extract %slice3A_3230[0] : f32 from vector<1xf32>
        %mul3A_3232 = vector.broadcast %squeeze3A_3231 : f32 to vector<16xf32>
        %mul3A_3233 = arith.mulf %gather3A_80, %mul3A_3232 : vector<16xf32>
        %slice3A_3234 = vector.extract_strided_slice %get3A_171 {offsets = [13], sizes = [1], strides = [1]} : vector<16xf32> to vector<1xf32>
        %squeeze3A_3235 = vector.extract %slice3A_3234[0] : f32 from vector<1xf32>
        %mul3A_3236 = vector.broadcast %squeeze3A_3235 : f32 to vector<16xf32>
        %mul3A_3237 = arith.mulf %gather3A_83, %mul3A_3236 : vector<16xf32>
        %add3A_3238 = arith.addf %mul3A_3233, %mul3A_3237 : vector<16xf32>
        %slice3A_3239 = vector.extract_strided_slice %get3A_175 {offsets = [13], sizes = [1], strides = [1]} : vector<16xf32> to vector<1xf32>
        %squeeze3A_3240 = vector.extract %slice3A_3239[0] : f32 from vector<1xf32>
        %mul3A_3241 = vector.broadcast %squeeze3A_3240 : f32 to vector<16xf32>
        %mul3A_3242 = arith.mulf %gather3A_86, %mul3A_3241 : vector<16xf32>
        %add3A_3243 = arith.addf %add3A_3238, %mul3A_3242 : vector<16xf32>
        %slice3A_3244 = vector.extract_strided_slice %get3A_179 {offsets = [13], sizes = [1], strides = [1]} : vector<16xf32> to vector<1xf32>
        %squeeze3A_3245 = vector.extract %slice3A_3244[0] : f32 from vector<1xf32>
        %mul3A_3246 = vector.broadcast %squeeze3A_3245 : f32 to vector<16xf32>
        %mul3A_3247 = arith.mulf %gather3A_89, %mul3A_3246 : vector<16xf32>
        %add3A_3248 = arith.addf %add3A_3243, %mul3A_3247 : vector<16xf32>
        %slice3A_3249 = vector.extract_strided_slice %get3A_183 {offsets = [13], sizes = [1], strides = [1]} : vector<16xf32> to vector<1xf32>
        %squeeze3A_3250 = vector.extract %slice3A_3249[0] : f32 from vector<1xf32>
        %mul3A_3251 = vector.broadcast %squeeze3A_3250 : f32 to vector<16xf32>
        %mul3A_3252 = arith.mulf %gather3A_92, %mul3A_3251 : vector<16xf32>
        %add3A_3253 = arith.addf %add3A_3248, %mul3A_3252 : vector<16xf32>
        %slice3A_3254 = vector.extract_strided_slice %get3A_187 {offsets = [13], sizes = [1], strides = [1]} : vector<16xf32> to vector<1xf32>
        %squeeze3A_3255 = vector.extract %slice3A_3254[0] : f32 from vector<1xf32>
        %mul3A_3256 = vector.broadcast %squeeze3A_3255 : f32 to vector<16xf32>
        %mul3A_3257 = arith.mulf %gather3A_95, %mul3A_3256 : vector<16xf32>
        %add3A_3258 = arith.addf %add3A_3253, %mul3A_3257 : vector<16xf32>
        %slice3A_3259 = vector.extract_strided_slice %get3A_191 {offsets = [13], sizes = [1], strides = [1]} : vector<16xf32> to vector<1xf32>
        %squeeze3A_3260 = vector.extract %slice3A_3259[0] : f32 from vector<1xf32>
        %mul3A_3261 = vector.broadcast %squeeze3A_3260 : f32 to vector<16xf32>
        %mul3A_3262 = arith.mulf %gather3A_98, %mul3A_3261 : vector<16xf32>
        %add3A_3263 = arith.addf %add3A_3258, %mul3A_3262 : vector<16xf32>
        %slice3A_3264 = vector.extract_strided_slice %get3A_195 {offsets = [13], sizes = [1], strides = [1]} : vector<16xf32> to vector<1xf32>
        %squeeze3A_3265 = vector.extract %slice3A_3264[0] : f32 from vector<1xf32>
        %mul3A_3266 = vector.broadcast %squeeze3A_3265 : f32 to vector<16xf32>
        %mul3A_3267 = arith.mulf %gather3A_101, %mul3A_3266 : vector<16xf32>
        %add3A_3268 = arith.addf %add3A_3263, %mul3A_3267 : vector<16xf32>
        %mul3A_3269 = arith.mulf %gather3A_3229, %add3A_3268 : vector<16xf32>
        tpu.vector_store_idx %arg13[%add3A_3228, %add3A_3137], %mul3A_3269 : memref<80x128xf32, #tpu.memory_space<vmem>>[vector<16xi32>, vector<16xi32>], vector<16xf32>,
        %add3A_3270 = arith.constant 48 : i32
        %add3A_3271 = vector.broadcast %add3A_3270 : i32 to vector<16xi32>
        %add3A_3272 = arith.addi %iota3A, %add3A_3271 : vector<16xi32>
        %gather3A_3273 = tpu.vector_load_idx %arg12[%add3A_3272, %add3A_3137] : memref<80x128xf32, #tpu.memory_space<vmem>>[vector<16xi32>, vector<16xi32>], vector<16xf32>,
        %slice3A_3274 = vector.extract_strided_slice %get3A_167 {offsets = [13], sizes = [1], strides = [1]} : vector<16xf32> to vector<1xf32>
        %squeeze3A_3275 = vector.extract %slice3A_3274[0] : f32 from vector<1xf32>
        %mul3A_3276 = vector.broadcast %squeeze3A_3275 : f32 to vector<16xf32>
        %mul3A_3277 = arith.mulf %gather3A_107, %mul3A_3276 : vector<16xf32>
        %slice3A_3278 = vector.extract_strided_slice %get3A_171 {offsets = [13], sizes = [1], strides = [1]} : vector<16xf32> to vector<1xf32>
        %squeeze3A_3279 = vector.extract %slice3A_3278[0] : f32 from vector<1xf32>
        %mul3A_3280 = vector.broadcast %squeeze3A_3279 : f32 to vector<16xf32>
        %mul3A_3281 = arith.mulf %gather3A_110, %mul3A_3280 : vector<16xf32>
        %add3A_3282 = arith.addf %mul3A_3277, %mul3A_3281 : vector<16xf32>
        %slice3A_3283 = vector.extract_strided_slice %get3A_175 {offsets = [13], sizes = [1], strides = [1]} : vector<16xf32> to vector<1xf32>
        %squeeze3A_3284 = vector.extract %slice3A_3283[0] : f32 from vector<1xf32>
        %mul3A_3285 = vector.broadcast %squeeze3A_3284 : f32 to vector<16xf32>
        %mul3A_3286 = arith.mulf %gather3A_113, %mul3A_3285 : vector<16xf32>
        %add3A_3287 = arith.addf %add3A_3282, %mul3A_3286 : vector<16xf32>
        %slice3A_3288 = vector.extract_strided_slice %get3A_179 {offsets = [13], sizes = [1], strides = [1]} : vector<16xf32> to vector<1xf32>
        %squeeze3A_3289 = vector.extract %slice3A_3288[0] : f32 from vector<1xf32>
        %mul3A_3290 = vector.broadcast %squeeze3A_3289 : f32 to vector<16xf32>
        %mul3A_3291 = arith.mulf %gather3A_116, %mul3A_3290 : vector<16xf32>
        %add3A_3292 = arith.addf %add3A_3287, %mul3A_3291 : vector<16xf32>
        %slice3A_3293 = vector.extract_strided_slice %get3A_183 {offsets = [13], sizes = [1], strides = [1]} : vector<16xf32> to vector<1xf32>
        %squeeze3A_3294 = vector.extract %slice3A_3293[0] : f32 from vector<1xf32>
        %mul3A_3295 = vector.broadcast %squeeze3A_3294 : f32 to vector<16xf32>
        %mul3A_3296 = arith.mulf %gather3A_119, %mul3A_3295 : vector<16xf32>
        %add3A_3297 = arith.addf %add3A_3292, %mul3A_3296 : vector<16xf32>
        %slice3A_3298 = vector.extract_strided_slice %get3A_187 {offsets = [13], sizes = [1], strides = [1]} : vector<16xf32> to vector<1xf32>
        %squeeze3A_3299 = vector.extract %slice3A_3298[0] : f32 from vector<1xf32>
        %mul3A_3300 = vector.broadcast %squeeze3A_3299 : f32 to vector<16xf32>
        %mul3A_3301 = arith.mulf %gather3A_122, %mul3A_3300 : vector<16xf32>
        %add3A_3302 = arith.addf %add3A_3297, %mul3A_3301 : vector<16xf32>
        %slice3A_3303 = vector.extract_strided_slice %get3A_191 {offsets = [13], sizes = [1], strides = [1]} : vector<16xf32> to vector<1xf32>
        %squeeze3A_3304 = vector.extract %slice3A_3303[0] : f32 from vector<1xf32>
        %mul3A_3305 = vector.broadcast %squeeze3A_3304 : f32 to vector<16xf32>
        %mul3A_3306 = arith.mulf %gather3A_125, %mul3A_3305 : vector<16xf32>
        %add3A_3307 = arith.addf %add3A_3302, %mul3A_3306 : vector<16xf32>
        %slice3A_3308 = vector.extract_strided_slice %get3A_195 {offsets = [13], sizes = [1], strides = [1]} : vector<16xf32> to vector<1xf32>
        %squeeze3A_3309 = vector.extract %slice3A_3308[0] : f32 from vector<1xf32>
        %mul3A_3310 = vector.broadcast %squeeze3A_3309 : f32 to vector<16xf32>
        %mul3A_3311 = arith.mulf %gather3A_128, %mul3A_3310 : vector<16xf32>
        %add3A_3312 = arith.addf %add3A_3307, %mul3A_3311 : vector<16xf32>
        %mul3A_3313 = arith.mulf %gather3A_3273, %add3A_3312 : vector<16xf32>
        tpu.vector_store_idx %arg13[%add3A_3272, %add3A_3137], %mul3A_3313 : memref<80x128xf32, #tpu.memory_space<vmem>>[vector<16xi32>, vector<16xi32>], vector<16xf32>,
        %add3A_3314 = arith.constant 64 : i32
        %add3A_3315 = vector.broadcast %add3A_3314 : i32 to vector<16xi32>
        %add3A_3316 = arith.addi %iota3A, %add3A_3315 : vector<16xi32>
        %gather3A_3317 = tpu.vector_load_idx %arg12[%add3A_3316, %add3A_3137] : memref<80x128xf32, #tpu.memory_space<vmem>>[vector<16xi32>, vector<16xi32>], vector<16xf32>,
        %slice3A_3318 = vector.extract_strided_slice %get3A_167 {offsets = [13], sizes = [1], strides = [1]} : vector<16xf32> to vector<1xf32>
        %squeeze3A_3319 = vector.extract %slice3A_3318[0] : f32 from vector<1xf32>
        %mul3A_3320 = vector.broadcast %squeeze3A_3319 : f32 to vector<16xf32>
        %mul3A_3321 = arith.mulf %gather3A_134, %mul3A_3320 : vector<16xf32>
        %slice3A_3322 = vector.extract_strided_slice %get3A_171 {offsets = [13], sizes = [1], strides = [1]} : vector<16xf32> to vector<1xf32>
        %squeeze3A_3323 = vector.extract %slice3A_3322[0] : f32 from vector<1xf32>
        %mul3A_3324 = vector.broadcast %squeeze3A_3323 : f32 to vector<16xf32>
        %mul3A_3325 = arith.mulf %gather3A_137, %mul3A_3324 : vector<16xf32>
        %add3A_3326 = arith.addf %mul3A_3321, %mul3A_3325 : vector<16xf32>
        %slice3A_3327 = vector.extract_strided_slice %get3A_175 {offsets = [13], sizes = [1], strides = [1]} : vector<16xf32> to vector<1xf32>
        %squeeze3A_3328 = vector.extract %slice3A_3327[0] : f32 from vector<1xf32>
        %mul3A_3329 = vector.broadcast %squeeze3A_3328 : f32 to vector<16xf32>
        %mul3A_3330 = arith.mulf %gather3A_140, %mul3A_3329 : vector<16xf32>
        %add3A_3331 = arith.addf %add3A_3326, %mul3A_3330 : vector<16xf32>
        %slice3A_3332 = vector.extract_strided_slice %get3A_179 {offsets = [13], sizes = [1], strides = [1]} : vector<16xf32> to vector<1xf32>
        %squeeze3A_3333 = vector.extract %slice3A_3332[0] : f32 from vector<1xf32>
        %mul3A_3334 = vector.broadcast %squeeze3A_3333 : f32 to vector<16xf32>
        %mul3A_3335 = arith.mulf %gather3A_143, %mul3A_3334 : vector<16xf32>
        %add3A_3336 = arith.addf %add3A_3331, %mul3A_3335 : vector<16xf32>
        %slice3A_3337 = vector.extract_strided_slice %get3A_183 {offsets = [13], sizes = [1], strides = [1]} : vector<16xf32> to vector<1xf32>
        %squeeze3A_3338 = vector.extract %slice3A_3337[0] : f32 from vector<1xf32>
        %mul3A_3339 = vector.broadcast %squeeze3A_3338 : f32 to vector<16xf32>
        %mul3A_3340 = arith.mulf %gather3A_146, %mul3A_3339 : vector<16xf32>
        %add3A_3341 = arith.addf %add3A_3336, %mul3A_3340 : vector<16xf32>
        %slice3A_3342 = vector.extract_strided_slice %get3A_187 {offsets = [13], sizes = [1], strides = [1]} : vector<16xf32> to vector<1xf32>
        %squeeze3A_3343 = vector.extract %slice3A_3342[0] : f32 from vector<1xf32>
        %mul3A_3344 = vector.broadcast %squeeze3A_3343 : f32 to vector<16xf32>
        %mul3A_3345 = arith.mulf %gather3A_149, %mul3A_3344 : vector<16xf32>
        %add3A_3346 = arith.addf %add3A_3341, %mul3A_3345 : vector<16xf32>
        %slice3A_3347 = vector.extract_strided_slice %get3A_191 {offsets = [13], sizes = [1], strides = [1]} : vector<16xf32> to vector<1xf32>
        %squeeze3A_3348 = vector.extract %slice3A_3347[0] : f32 from vector<1xf32>
        %mul3A_3349 = vector.broadcast %squeeze3A_3348 : f32 to vector<16xf32>
        %mul3A_3350 = arith.mulf %gather3A_152, %mul3A_3349 : vector<16xf32>
        %add3A_3351 = arith.addf %add3A_3346, %mul3A_3350 : vector<16xf32>
        %slice3A_3352 = vector.extract_strided_slice %get3A_195 {offsets = [13], sizes = [1], strides = [1]} : vector<16xf32> to vector<1xf32>
        %squeeze3A_3353 = vector.extract %slice3A_3352[0] : f32 from vector<1xf32>
        %mul3A_3354 = vector.broadcast %squeeze3A_3353 : f32 to vector<16xf32>
        %mul3A_3355 = arith.mulf %gather3A_155, %mul3A_3354 : vector<16xf32>
        %add3A_3356 = arith.addf %add3A_3351, %mul3A_3355 : vector<16xf32>
        %mul3A_3357 = arith.mulf %gather3A_3317, %add3A_3356 : vector<16xf32>
        tpu.vector_store_idx %arg13[%add3A_3316, %add3A_3137], %mul3A_3357 : memref<80x128xf32, #tpu.memory_space<vmem>>[vector<16xi32>, vector<16xi32>], vector<16xf32>,
        %broadcast_in_dim3A_3358 = arith.constant 0 : i32
        %broadcast_in_dim3A_3359 = vector.broadcast %broadcast_in_dim3A_3358 : i32 to vector<16xi32>
        %add3A_3360 = arith.constant 14 : i32
        %add3A_3361 = arith.addi %mul3A_164, %add3A_3360 : i32
        %add3A_3362 = vector.broadcast %add3A_3361 : i32 to vector<16xi32>
        %add3A_3363 = arith.addi %broadcast_in_dim3A_3359, %add3A_3362 : vector<16xi32>
        %add3A_3364 = arith.constant 0 : i32
        %add3A_3365 = vector.broadcast %add3A_3364 : i32 to vector<16xi32>
        %add3A_3366 = arith.addi %iota3A, %add3A_3365 : vector<16xi32>
        %gather3A_3367 = tpu.vector_load_idx %arg12[%add3A_3366, %add3A_3363] : memref<80x128xf32, #tpu.memory_space<vmem>>[vector<16xi32>, vector<16xi32>], vector<16xf32>,
        %slice3A_3368 = vector.extract_strided_slice %get3A_167 {offsets = [14], sizes = [1], strides = [1]} : vector<16xf32> to vector<1xf32>
        %squeeze3A_3369 = vector.extract %slice3A_3368[0] : f32 from vector<1xf32>
        %mul3A_3370 = vector.broadcast %squeeze3A_3369 : f32 to vector<16xf32>
        %mul3A_3371 = arith.mulf %gather3A, %mul3A_3370 : vector<16xf32>
        %slice3A_3372 = vector.extract_strided_slice %get3A_171 {offsets = [14], sizes = [1], strides = [1]} : vector<16xf32> to vector<1xf32>
        %squeeze3A_3373 = vector.extract %slice3A_3372[0] : f32 from vector<1xf32>
        %mul3A_3374 = vector.broadcast %squeeze3A_3373 : f32 to vector<16xf32>
        %mul3A_3375 = arith.mulf %gather3A_29, %mul3A_3374 : vector<16xf32>
        %add3A_3376 = arith.addf %mul3A_3371, %mul3A_3375 : vector<16xf32>
        %slice3A_3377 = vector.extract_strided_slice %get3A_175 {offsets = [14], sizes = [1], strides = [1]} : vector<16xf32> to vector<1xf32>
        %squeeze3A_3378 = vector.extract %slice3A_3377[0] : f32 from vector<1xf32>
        %mul3A_3379 = vector.broadcast %squeeze3A_3378 : f32 to vector<16xf32>
        %mul3A_3380 = arith.mulf %gather3A_32, %mul3A_3379 : vector<16xf32>
        %add3A_3381 = arith.addf %add3A_3376, %mul3A_3380 : vector<16xf32>
        %slice3A_3382 = vector.extract_strided_slice %get3A_179 {offsets = [14], sizes = [1], strides = [1]} : vector<16xf32> to vector<1xf32>
        %squeeze3A_3383 = vector.extract %slice3A_3382[0] : f32 from vector<1xf32>
        %mul3A_3384 = vector.broadcast %squeeze3A_3383 : f32 to vector<16xf32>
        %mul3A_3385 = arith.mulf %gather3A_35, %mul3A_3384 : vector<16xf32>
        %add3A_3386 = arith.addf %add3A_3381, %mul3A_3385 : vector<16xf32>
        %slice3A_3387 = vector.extract_strided_slice %get3A_183 {offsets = [14], sizes = [1], strides = [1]} : vector<16xf32> to vector<1xf32>
        %squeeze3A_3388 = vector.extract %slice3A_3387[0] : f32 from vector<1xf32>
        %mul3A_3389 = vector.broadcast %squeeze3A_3388 : f32 to vector<16xf32>
        %mul3A_3390 = arith.mulf %gather3A_38, %mul3A_3389 : vector<16xf32>
        %add3A_3391 = arith.addf %add3A_3386, %mul3A_3390 : vector<16xf32>
        %slice3A_3392 = vector.extract_strided_slice %get3A_187 {offsets = [14], sizes = [1], strides = [1]} : vector<16xf32> to vector<1xf32>
        %squeeze3A_3393 = vector.extract %slice3A_3392[0] : f32 from vector<1xf32>
        %mul3A_3394 = vector.broadcast %squeeze3A_3393 : f32 to vector<16xf32>
        %mul3A_3395 = arith.mulf %gather3A_41, %mul3A_3394 : vector<16xf32>
        %add3A_3396 = arith.addf %add3A_3391, %mul3A_3395 : vector<16xf32>
        %slice3A_3397 = vector.extract_strided_slice %get3A_191 {offsets = [14], sizes = [1], strides = [1]} : vector<16xf32> to vector<1xf32>
        %squeeze3A_3398 = vector.extract %slice3A_3397[0] : f32 from vector<1xf32>
        %mul3A_3399 = vector.broadcast %squeeze3A_3398 : f32 to vector<16xf32>
        %mul3A_3400 = arith.mulf %gather3A_44, %mul3A_3399 : vector<16xf32>
        %add3A_3401 = arith.addf %add3A_3396, %mul3A_3400 : vector<16xf32>
        %slice3A_3402 = vector.extract_strided_slice %get3A_195 {offsets = [14], sizes = [1], strides = [1]} : vector<16xf32> to vector<1xf32>
        %squeeze3A_3403 = vector.extract %slice3A_3402[0] : f32 from vector<1xf32>
        %mul3A_3404 = vector.broadcast %squeeze3A_3403 : f32 to vector<16xf32>
        %mul3A_3405 = arith.mulf %gather3A_47, %mul3A_3404 : vector<16xf32>
        %add3A_3406 = arith.addf %add3A_3401, %mul3A_3405 : vector<16xf32>
        %mul3A_3407 = arith.mulf %gather3A_3367, %add3A_3406 : vector<16xf32>
        tpu.vector_store_idx %arg13[%add3A_3366, %add3A_3363], %mul3A_3407 : memref<80x128xf32, #tpu.memory_space<vmem>>[vector<16xi32>, vector<16xi32>], vector<16xf32>,
        %add3A_3408 = arith.constant 16 : i32
        %add3A_3409 = vector.broadcast %add3A_3408 : i32 to vector<16xi32>
        %add3A_3410 = arith.addi %iota3A, %add3A_3409 : vector<16xi32>
        %gather3A_3411 = tpu.vector_load_idx %arg12[%add3A_3410, %add3A_3363] : memref<80x128xf32, #tpu.memory_space<vmem>>[vector<16xi32>, vector<16xi32>], vector<16xf32>,
        %slice3A_3412 = vector.extract_strided_slice %get3A_167 {offsets = [14], sizes = [1], strides = [1]} : vector<16xf32> to vector<1xf32>
        %squeeze3A_3413 = vector.extract %slice3A_3412[0] : f32 from vector<1xf32>
        %mul3A_3414 = vector.broadcast %squeeze3A_3413 : f32 to vector<16xf32>
        %mul3A_3415 = arith.mulf %gather3A_53, %mul3A_3414 : vector<16xf32>
        %slice3A_3416 = vector.extract_strided_slice %get3A_171 {offsets = [14], sizes = [1], strides = [1]} : vector<16xf32> to vector<1xf32>
        %squeeze3A_3417 = vector.extract %slice3A_3416[0] : f32 from vector<1xf32>
        %mul3A_3418 = vector.broadcast %squeeze3A_3417 : f32 to vector<16xf32>
        %mul3A_3419 = arith.mulf %gather3A_56, %mul3A_3418 : vector<16xf32>
        %add3A_3420 = arith.addf %mul3A_3415, %mul3A_3419 : vector<16xf32>
        %slice3A_3421 = vector.extract_strided_slice %get3A_175 {offsets = [14], sizes = [1], strides = [1]} : vector<16xf32> to vector<1xf32>
        %squeeze3A_3422 = vector.extract %slice3A_3421[0] : f32 from vector<1xf32>
        %mul3A_3423 = vector.broadcast %squeeze3A_3422 : f32 to vector<16xf32>
        %mul3A_3424 = arith.mulf %gather3A_59, %mul3A_3423 : vector<16xf32>
        %add3A_3425 = arith.addf %add3A_3420, %mul3A_3424 : vector<16xf32>
        %slice3A_3426 = vector.extract_strided_slice %get3A_179 {offsets = [14], sizes = [1], strides = [1]} : vector<16xf32> to vector<1xf32>
        %squeeze3A_3427 = vector.extract %slice3A_3426[0] : f32 from vector<1xf32>
        %mul3A_3428 = vector.broadcast %squeeze3A_3427 : f32 to vector<16xf32>
        %mul3A_3429 = arith.mulf %gather3A_62, %mul3A_3428 : vector<16xf32>
        %add3A_3430 = arith.addf %add3A_3425, %mul3A_3429 : vector<16xf32>
        %slice3A_3431 = vector.extract_strided_slice %get3A_183 {offsets = [14], sizes = [1], strides = [1]} : vector<16xf32> to vector<1xf32>
        %squeeze3A_3432 = vector.extract %slice3A_3431[0] : f32 from vector<1xf32>
        %mul3A_3433 = vector.broadcast %squeeze3A_3432 : f32 to vector<16xf32>
        %mul3A_3434 = arith.mulf %gather3A_65, %mul3A_3433 : vector<16xf32>
        %add3A_3435 = arith.addf %add3A_3430, %mul3A_3434 : vector<16xf32>
        %slice3A_3436 = vector.extract_strided_slice %get3A_187 {offsets = [14], sizes = [1], strides = [1]} : vector<16xf32> to vector<1xf32>
        %squeeze3A_3437 = vector.extract %slice3A_3436[0] : f32 from vector<1xf32>
        %mul3A_3438 = vector.broadcast %squeeze3A_3437 : f32 to vector<16xf32>
        %mul3A_3439 = arith.mulf %gather3A_68, %mul3A_3438 : vector<16xf32>
        %add3A_3440 = arith.addf %add3A_3435, %mul3A_3439 : vector<16xf32>
        %slice3A_3441 = vector.extract_strided_slice %get3A_191 {offsets = [14], sizes = [1], strides = [1]} : vector<16xf32> to vector<1xf32>
        %squeeze3A_3442 = vector.extract %slice3A_3441[0] : f32 from vector<1xf32>
        %mul3A_3443 = vector.broadcast %squeeze3A_3442 : f32 to vector<16xf32>
        %mul3A_3444 = arith.mulf %gather3A_71, %mul3A_3443 : vector<16xf32>
        %add3A_3445 = arith.addf %add3A_3440, %mul3A_3444 : vector<16xf32>
        %slice3A_3446 = vector.extract_strided_slice %get3A_195 {offsets = [14], sizes = [1], strides = [1]} : vector<16xf32> to vector<1xf32>
        %squeeze3A_3447 = vector.extract %slice3A_3446[0] : f32 from vector<1xf32>
        %mul3A_3448 = vector.broadcast %squeeze3A_3447 : f32 to vector<16xf32>
        %mul3A_3449 = arith.mulf %gather3A_74, %mul3A_3448 : vector<16xf32>
        %add3A_3450 = arith.addf %add3A_3445, %mul3A_3449 : vector<16xf32>
        %mul3A_3451 = arith.mulf %gather3A_3411, %add3A_3450 : vector<16xf32>
        tpu.vector_store_idx %arg13[%add3A_3410, %add3A_3363], %mul3A_3451 : memref<80x128xf32, #tpu.memory_space<vmem>>[vector<16xi32>, vector<16xi32>], vector<16xf32>,
        %add3A_3452 = arith.constant 32 : i32
        %add3A_3453 = vector.broadcast %add3A_3452 : i32 to vector<16xi32>
        %add3A_3454 = arith.addi %iota3A, %add3A_3453 : vector<16xi32>
        %gather3A_3455 = tpu.vector_load_idx %arg12[%add3A_3454, %add3A_3363] : memref<80x128xf32, #tpu.memory_space<vmem>>[vector<16xi32>, vector<16xi32>], vector<16xf32>,
        %slice3A_3456 = vector.extract_strided_slice %get3A_167 {offsets = [14], sizes = [1], strides = [1]} : vector<16xf32> to vector<1xf32>
        %squeeze3A_3457 = vector.extract %slice3A_3456[0] : f32 from vector<1xf32>
        %mul3A_3458 = vector.broadcast %squeeze3A_3457 : f32 to vector<16xf32>
        %mul3A_3459 = arith.mulf %gather3A_80, %mul3A_3458 : vector<16xf32>
        %slice3A_3460 = vector.extract_strided_slice %get3A_171 {offsets = [14], sizes = [1], strides = [1]} : vector<16xf32> to vector<1xf32>
        %squeeze3A_3461 = vector.extract %slice3A_3460[0] : f32 from vector<1xf32>
        %mul3A_3462 = vector.broadcast %squeeze3A_3461 : f32 to vector<16xf32>
        %mul3A_3463 = arith.mulf %gather3A_83, %mul3A_3462 : vector<16xf32>
        %add3A_3464 = arith.addf %mul3A_3459, %mul3A_3463 : vector<16xf32>
        %slice3A_3465 = vector.extract_strided_slice %get3A_175 {offsets = [14], sizes = [1], strides = [1]} : vector<16xf32> to vector<1xf32>
        %squeeze3A_3466 = vector.extract %slice3A_3465[0] : f32 from vector<1xf32>
        %mul3A_3467 = vector.broadcast %squeeze3A_3466 : f32 to vector<16xf32>
        %mul3A_3468 = arith.mulf %gather3A_86, %mul3A_3467 : vector<16xf32>
        %add3A_3469 = arith.addf %add3A_3464, %mul3A_3468 : vector<16xf32>
        %slice3A_3470 = vector.extract_strided_slice %get3A_179 {offsets = [14], sizes = [1], strides = [1]} : vector<16xf32> to vector<1xf32>
        %squeeze3A_3471 = vector.extract %slice3A_3470[0] : f32 from vector<1xf32>
        %mul3A_3472 = vector.broadcast %squeeze3A_3471 : f32 to vector<16xf32>
        %mul3A_3473 = arith.mulf %gather3A_89, %mul3A_3472 : vector<16xf32>
        %add3A_3474 = arith.addf %add3A_3469, %mul3A_3473 : vector<16xf32>
        %slice3A_3475 = vector.extract_strided_slice %get3A_183 {offsets = [14], sizes = [1], strides = [1]} : vector<16xf32> to vector<1xf32>
        %squeeze3A_3476 = vector.extract %slice3A_3475[0] : f32 from vector<1xf32>
        %mul3A_3477 = vector.broadcast %squeeze3A_3476 : f32 to vector<16xf32>
        %mul3A_3478 = arith.mulf %gather3A_92, %mul3A_3477 : vector<16xf32>
        %add3A_3479 = arith.addf %add3A_3474, %mul3A_3478 : vector<16xf32>
        %slice3A_3480 = vector.extract_strided_slice %get3A_187 {offsets = [14], sizes = [1], strides = [1]} : vector<16xf32> to vector<1xf32>
        %squeeze3A_3481 = vector.extract %slice3A_3480[0] : f32 from vector<1xf32>
        %mul3A_3482 = vector.broadcast %squeeze3A_3481 : f32 to vector<16xf32>
        %mul3A_3483 = arith.mulf %gather3A_95, %mul3A_3482 : vector<16xf32>
        %add3A_3484 = arith.addf %add3A_3479, %mul3A_3483 : vector<16xf32>
        %slice3A_3485 = vector.extract_strided_slice %get3A_191 {offsets = [14], sizes = [1], strides = [1]} : vector<16xf32> to vector<1xf32>
        %squeeze3A_3486 = vector.extract %slice3A_3485[0] : f32 from vector<1xf32>
        %mul3A_3487 = vector.broadcast %squeeze3A_3486 : f32 to vector<16xf32>
        %mul3A_3488 = arith.mulf %gather3A_98, %mul3A_3487 : vector<16xf32>
        %add3A_3489 = arith.addf %add3A_3484, %mul3A_3488 : vector<16xf32>
        %slice3A_3490 = vector.extract_strided_slice %get3A_195 {offsets = [14], sizes = [1], strides = [1]} : vector<16xf32> to vector<1xf32>
        %squeeze3A_3491 = vector.extract %slice3A_3490[0] : f32 from vector<1xf32>
        %mul3A_3492 = vector.broadcast %squeeze3A_3491 : f32 to vector<16xf32>
        %mul3A_3493 = arith.mulf %gather3A_101, %mul3A_3492 : vector<16xf32>
        %add3A_3494 = arith.addf %add3A_3489, %mul3A_3493 : vector<16xf32>
        %mul3A_3495 = arith.mulf %gather3A_3455, %add3A_3494 : vector<16xf32>
        tpu.vector_store_idx %arg13[%add3A_3454, %add3A_3363], %mul3A_3495 : memref<80x128xf32, #tpu.memory_space<vmem>>[vector<16xi32>, vector<16xi32>], vector<16xf32>,
        %add3A_3496 = arith.constant 48 : i32
        %add3A_3497 = vector.broadcast %add3A_3496 : i32 to vector<16xi32>
        %add3A_3498 = arith.addi %iota3A, %add3A_3497 : vector<16xi32>
        %gather3A_3499 = tpu.vector_load_idx %arg12[%add3A_3498, %add3A_3363] : memref<80x128xf32, #tpu.memory_space<vmem>>[vector<16xi32>, vector<16xi32>], vector<16xf32>,
        %slice3A_3500 = vector.extract_strided_slice %get3A_167 {offsets = [14], sizes = [1], strides = [1]} : vector<16xf32> to vector<1xf32>
        %squeeze3A_3501 = vector.extract %slice3A_3500[0] : f32 from vector<1xf32>
        %mul3A_3502 = vector.broadcast %squeeze3A_3501 : f32 to vector<16xf32>
        %mul3A_3503 = arith.mulf %gather3A_107, %mul3A_3502 : vector<16xf32>
        %slice3A_3504 = vector.extract_strided_slice %get3A_171 {offsets = [14], sizes = [1], strides = [1]} : vector<16xf32> to vector<1xf32>
        %squeeze3A_3505 = vector.extract %slice3A_3504[0] : f32 from vector<1xf32>
        %mul3A_3506 = vector.broadcast %squeeze3A_3505 : f32 to vector<16xf32>
        %mul3A_3507 = arith.mulf %gather3A_110, %mul3A_3506 : vector<16xf32>
        %add3A_3508 = arith.addf %mul3A_3503, %mul3A_3507 : vector<16xf32>
        %slice3A_3509 = vector.extract_strided_slice %get3A_175 {offsets = [14], sizes = [1], strides = [1]} : vector<16xf32> to vector<1xf32>
        %squeeze3A_3510 = vector.extract %slice3A_3509[0] : f32 from vector<1xf32>
        %mul3A_3511 = vector.broadcast %squeeze3A_3510 : f32 to vector<16xf32>
        %mul3A_3512 = arith.mulf %gather3A_113, %mul3A_3511 : vector<16xf32>
        %add3A_3513 = arith.addf %add3A_3508, %mul3A_3512 : vector<16xf32>
        %slice3A_3514 = vector.extract_strided_slice %get3A_179 {offsets = [14], sizes = [1], strides = [1]} : vector<16xf32> to vector<1xf32>
        %squeeze3A_3515 = vector.extract %slice3A_3514[0] : f32 from vector<1xf32>
        %mul3A_3516 = vector.broadcast %squeeze3A_3515 : f32 to vector<16xf32>
        %mul3A_3517 = arith.mulf %gather3A_116, %mul3A_3516 : vector<16xf32>
        %add3A_3518 = arith.addf %add3A_3513, %mul3A_3517 : vector<16xf32>
        %slice3A_3519 = vector.extract_strided_slice %get3A_183 {offsets = [14], sizes = [1], strides = [1]} : vector<16xf32> to vector<1xf32>
        %squeeze3A_3520 = vector.extract %slice3A_3519[0] : f32 from vector<1xf32>
        %mul3A_3521 = vector.broadcast %squeeze3A_3520 : f32 to vector<16xf32>
        %mul3A_3522 = arith.mulf %gather3A_119, %mul3A_3521 : vector<16xf32>
        %add3A_3523 = arith.addf %add3A_3518, %mul3A_3522 : vector<16xf32>
        %slice3A_3524 = vector.extract_strided_slice %get3A_187 {offsets = [14], sizes = [1], strides = [1]} : vector<16xf32> to vector<1xf32>
        %squeeze3A_3525 = vector.extract %slice3A_3524[0] : f32 from vector<1xf32>
        %mul3A_3526 = vector.broadcast %squeeze3A_3525 : f32 to vector<16xf32>
        %mul3A_3527 = arith.mulf %gather3A_122, %mul3A_3526 : vector<16xf32>
        %add3A_3528 = arith.addf %add3A_3523, %mul3A_3527 : vector<16xf32>
        %slice3A_3529 = vector.extract_strided_slice %get3A_191 {offsets = [14], sizes = [1], strides = [1]} : vector<16xf32> to vector<1xf32>
        %squeeze3A_3530 = vector.extract %slice3A_3529[0] : f32 from vector<1xf32>
        %mul3A_3531 = vector.broadcast %squeeze3A_3530 : f32 to vector<16xf32>
        %mul3A_3532 = arith.mulf %gather3A_125, %mul3A_3531 : vector<16xf32>
        %add3A_3533 = arith.addf %add3A_3528, %mul3A_3532 : vector<16xf32>
        %slice3A_3534 = vector.extract_strided_slice %get3A_195 {offsets = [14], sizes = [1], strides = [1]} : vector<16xf32> to vector<1xf32>
        %squeeze3A_3535 = vector.extract %slice3A_3534[0] : f32 from vector<1xf32>
        %mul3A_3536 = vector.broadcast %squeeze3A_3535 : f32 to vector<16xf32>
        %mul3A_3537 = arith.mulf %gather3A_128, %mul3A_3536 : vector<16xf32>
        %add3A_3538 = arith.addf %add3A_3533, %mul3A_3537 : vector<16xf32>
        %mul3A_3539 = arith.mulf %gather3A_3499, %add3A_3538 : vector<16xf32>
        tpu.vector_store_idx %arg13[%add3A_3498, %add3A_3363], %mul3A_3539 : memref<80x128xf32, #tpu.memory_space<vmem>>[vector<16xi32>, vector<16xi32>], vector<16xf32>,
        %add3A_3540 = arith.constant 64 : i32
        %add3A_3541 = vector.broadcast %add3A_3540 : i32 to vector<16xi32>
        %add3A_3542 = arith.addi %iota3A, %add3A_3541 : vector<16xi32>
        %gather3A_3543 = tpu.vector_load_idx %arg12[%add3A_3542, %add3A_3363] : memref<80x128xf32, #tpu.memory_space<vmem>>[vector<16xi32>, vector<16xi32>], vector<16xf32>,
        %slice3A_3544 = vector.extract_strided_slice %get3A_167 {offsets = [14], sizes = [1], strides = [1]} : vector<16xf32> to vector<1xf32>
        %squeeze3A_3545 = vector.extract %slice3A_3544[0] : f32 from vector<1xf32>
        %mul3A_3546 = vector.broadcast %squeeze3A_3545 : f32 to vector<16xf32>
        %mul3A_3547 = arith.mulf %gather3A_134, %mul3A_3546 : vector<16xf32>
        %slice3A_3548 = vector.extract_strided_slice %get3A_171 {offsets = [14], sizes = [1], strides = [1]} : vector<16xf32> to vector<1xf32>
        %squeeze3A_3549 = vector.extract %slice3A_3548[0] : f32 from vector<1xf32>
        %mul3A_3550 = vector.broadcast %squeeze3A_3549 : f32 to vector<16xf32>
        %mul3A_3551 = arith.mulf %gather3A_137, %mul3A_3550 : vector<16xf32>
        %add3A_3552 = arith.addf %mul3A_3547, %mul3A_3551 : vector<16xf32>
        %slice3A_3553 = vector.extract_strided_slice %get3A_175 {offsets = [14], sizes = [1], strides = [1]} : vector<16xf32> to vector<1xf32>
        %squeeze3A_3554 = vector.extract %slice3A_3553[0] : f32 from vector<1xf32>
        %mul3A_3555 = vector.broadcast %squeeze3A_3554 : f32 to vector<16xf32>
        %mul3A_3556 = arith.mulf %gather3A_140, %mul3A_3555 : vector<16xf32>
        %add3A_3557 = arith.addf %add3A_3552, %mul3A_3556 : vector<16xf32>
        %slice3A_3558 = vector.extract_strided_slice %get3A_179 {offsets = [14], sizes = [1], strides = [1]} : vector<16xf32> to vector<1xf32>
        %squeeze3A_3559 = vector.extract %slice3A_3558[0] : f32 from vector<1xf32>
        %mul3A_3560 = vector.broadcast %squeeze3A_3559 : f32 to vector<16xf32>
        %mul3A_3561 = arith.mulf %gather3A_143, %mul3A_3560 : vector<16xf32>
        %add3A_3562 = arith.addf %add3A_3557, %mul3A_3561 : vector<16xf32>
        %slice3A_3563 = vector.extract_strided_slice %get3A_183 {offsets = [14], sizes = [1], strides = [1]} : vector<16xf32> to vector<1xf32>
        %squeeze3A_3564 = vector.extract %slice3A_3563[0] : f32 from vector<1xf32>
        %mul3A_3565 = vector.broadcast %squeeze3A_3564 : f32 to vector<16xf32>
        %mul3A_3566 = arith.mulf %gather3A_146, %mul3A_3565 : vector<16xf32>
        %add3A_3567 = arith.addf %add3A_3562, %mul3A_3566 : vector<16xf32>
        %slice3A_3568 = vector.extract_strided_slice %get3A_187 {offsets = [14], sizes = [1], strides = [1]} : vector<16xf32> to vector<1xf32>
        %squeeze3A_3569 = vector.extract %slice3A_3568[0] : f32 from vector<1xf32>
        %mul3A_3570 = vector.broadcast %squeeze3A_3569 : f32 to vector<16xf32>
        %mul3A_3571 = arith.mulf %gather3A_149, %mul3A_3570 : vector<16xf32>
        %add3A_3572 = arith.addf %add3A_3567, %mul3A_3571 : vector<16xf32>
        %slice3A_3573 = vector.extract_strided_slice %get3A_191 {offsets = [14], sizes = [1], strides = [1]} : vector<16xf32> to vector<1xf32>
        %squeeze3A_3574 = vector.extract %slice3A_3573[0] : f32 from vector<1xf32>
        %mul3A_3575 = vector.broadcast %squeeze3A_3574 : f32 to vector<16xf32>
        %mul3A_3576 = arith.mulf %gather3A_152, %mul3A_3575 : vector<16xf32>
        %add3A_3577 = arith.addf %add3A_3572, %mul3A_3576 : vector<16xf32>
        %slice3A_3578 = vector.extract_strided_slice %get3A_195 {offsets = [14], sizes = [1], strides = [1]} : vector<16xf32> to vector<1xf32>
        %squeeze3A_3579 = vector.extract %slice3A_3578[0] : f32 from vector<1xf32>
        %mul3A_3580 = vector.broadcast %squeeze3A_3579 : f32 to vector<16xf32>
        %mul3A_3581 = arith.mulf %gather3A_155, %mul3A_3580 : vector<16xf32>
        %add3A_3582 = arith.addf %add3A_3577, %mul3A_3581 : vector<16xf32>
        %mul3A_3583 = arith.mulf %gather3A_3543, %add3A_3582 : vector<16xf32>
        tpu.vector_store_idx %arg13[%add3A_3542, %add3A_3363], %mul3A_3583 : memref<80x128xf32, #tpu.memory_space<vmem>>[vector<16xi32>, vector<16xi32>], vector<16xf32>,
        %broadcast_in_dim3A_3584 = arith.constant 0 : i32
        %broadcast_in_dim3A_3585 = vector.broadcast %broadcast_in_dim3A_3584 : i32 to vector<16xi32>
        %add3A_3586 = arith.constant 15 : i32
        %add3A_3587 = arith.addi %mul3A_164, %add3A_3586 : i32
        %add3A_3588 = vector.broadcast %add3A_3587 : i32 to vector<16xi32>
        %add3A_3589 = arith.addi %broadcast_in_dim3A_3585, %add3A_3588 : vector<16xi32>
        %add3A_3590 = arith.constant 0 : i32
        %add3A_3591 = vector.broadcast %add3A_3590 : i32 to vector<16xi32>
        %add3A_3592 = arith.addi %iota3A, %add3A_3591 : vector<16xi32>
        %gather3A_3593 = tpu.vector_load_idx %arg12[%add3A_3592, %add3A_3589] : memref<80x128xf32, #tpu.memory_space<vmem>>[vector<16xi32>, vector<16xi32>], vector<16xf32>,
        %slice3A_3594 = vector.extract_strided_slice %get3A_167 {offsets = [15], sizes = [1], strides = [1]} : vector<16xf32> to vector<1xf32>
        %squeeze3A_3595 = vector.extract %slice3A_3594[0] : f32 from vector<1xf32>
        %mul3A_3596 = vector.broadcast %squeeze3A_3595 : f32 to vector<16xf32>
        %mul3A_3597 = arith.mulf %gather3A, %mul3A_3596 : vector<16xf32>
        %slice3A_3598 = vector.extract_strided_slice %get3A_171 {offsets = [15], sizes = [1], strides = [1]} : vector<16xf32> to vector<1xf32>
        %squeeze3A_3599 = vector.extract %slice3A_3598[0] : f32 from vector<1xf32>
        %mul3A_3600 = vector.broadcast %squeeze3A_3599 : f32 to vector<16xf32>
        %mul3A_3601 = arith.mulf %gather3A_29, %mul3A_3600 : vector<16xf32>
        %add3A_3602 = arith.addf %mul3A_3597, %mul3A_3601 : vector<16xf32>
        %slice3A_3603 = vector.extract_strided_slice %get3A_175 {offsets = [15], sizes = [1], strides = [1]} : vector<16xf32> to vector<1xf32>
        %squeeze3A_3604 = vector.extract %slice3A_3603[0] : f32 from vector<1xf32>
        %mul3A_3605 = vector.broadcast %squeeze3A_3604 : f32 to vector<16xf32>
        %mul3A_3606 = arith.mulf %gather3A_32, %mul3A_3605 : vector<16xf32>
        %add3A_3607 = arith.addf %add3A_3602, %mul3A_3606 : vector<16xf32>
        %slice3A_3608 = vector.extract_strided_slice %get3A_179 {offsets = [15], sizes = [1], strides = [1]} : vector<16xf32> to vector<1xf32>
        %squeeze3A_3609 = vector.extract %slice3A_3608[0] : f32 from vector<1xf32>
        %mul3A_3610 = vector.broadcast %squeeze3A_3609 : f32 to vector<16xf32>
        %mul3A_3611 = arith.mulf %gather3A_35, %mul3A_3610 : vector<16xf32>
        %add3A_3612 = arith.addf %add3A_3607, %mul3A_3611 : vector<16xf32>
        %slice3A_3613 = vector.extract_strided_slice %get3A_183 {offsets = [15], sizes = [1], strides = [1]} : vector<16xf32> to vector<1xf32>
        %squeeze3A_3614 = vector.extract %slice3A_3613[0] : f32 from vector<1xf32>
        %mul3A_3615 = vector.broadcast %squeeze3A_3614 : f32 to vector<16xf32>
        %mul3A_3616 = arith.mulf %gather3A_38, %mul3A_3615 : vector<16xf32>
        %add3A_3617 = arith.addf %add3A_3612, %mul3A_3616 : vector<16xf32>
        %slice3A_3618 = vector.extract_strided_slice %get3A_187 {offsets = [15], sizes = [1], strides = [1]} : vector<16xf32> to vector<1xf32>
        %squeeze3A_3619 = vector.extract %slice3A_3618[0] : f32 from vector<1xf32>
        %mul3A_3620 = vector.broadcast %squeeze3A_3619 : f32 to vector<16xf32>
        %mul3A_3621 = arith.mulf %gather3A_41, %mul3A_3620 : vector<16xf32>
        %add3A_3622 = arith.addf %add3A_3617, %mul3A_3621 : vector<16xf32>
        %slice3A_3623 = vector.extract_strided_slice %get3A_191 {offsets = [15], sizes = [1], strides = [1]} : vector<16xf32> to vector<1xf32>
        %squeeze3A_3624 = vector.extract %slice3A_3623[0] : f32 from vector<1xf32>
        %mul3A_3625 = vector.broadcast %squeeze3A_3624 : f32 to vector<16xf32>
        %mul3A_3626 = arith.mulf %gather3A_44, %mul3A_3625 : vector<16xf32>
        %add3A_3627 = arith.addf %add3A_3622, %mul3A_3626 : vector<16xf32>
        %slice3A_3628 = vector.extract_strided_slice %get3A_195 {offsets = [15], sizes = [1], strides = [1]} : vector<16xf32> to vector<1xf32>
        %squeeze3A_3629 = vector.extract %slice3A_3628[0] : f32 from vector<1xf32>
        %mul3A_3630 = vector.broadcast %squeeze3A_3629 : f32 to vector<16xf32>
        %mul3A_3631 = arith.mulf %gather3A_47, %mul3A_3630 : vector<16xf32>
        %add3A_3632 = arith.addf %add3A_3627, %mul3A_3631 : vector<16xf32>
        %mul3A_3633 = arith.mulf %gather3A_3593, %add3A_3632 : vector<16xf32>
        tpu.vector_store_idx %arg13[%add3A_3592, %add3A_3589], %mul3A_3633 : memref<80x128xf32, #tpu.memory_space<vmem>>[vector<16xi32>, vector<16xi32>], vector<16xf32>,
        %add3A_3634 = arith.constant 16 : i32
        %add3A_3635 = vector.broadcast %add3A_3634 : i32 to vector<16xi32>
        %add3A_3636 = arith.addi %iota3A, %add3A_3635 : vector<16xi32>
        %gather3A_3637 = tpu.vector_load_idx %arg12[%add3A_3636, %add3A_3589] : memref<80x128xf32, #tpu.memory_space<vmem>>[vector<16xi32>, vector<16xi32>], vector<16xf32>,
        %slice3A_3638 = vector.extract_strided_slice %get3A_167 {offsets = [15], sizes = [1], strides = [1]} : vector<16xf32> to vector<1xf32>
        %squeeze3A_3639 = vector.extract %slice3A_3638[0] : f32 from vector<1xf32>
        %mul3A_3640 = vector.broadcast %squeeze3A_3639 : f32 to vector<16xf32>
        %mul3A_3641 = arith.mulf %gather3A_53, %mul3A_3640 : vector<16xf32>
        %slice3A_3642 = vector.extract_strided_slice %get3A_171 {offsets = [15], sizes = [1], strides = [1]} : vector<16xf32> to vector<1xf32>
        %squeeze3A_3643 = vector.extract %slice3A_3642[0] : f32 from vector<1xf32>
        %mul3A_3644 = vector.broadcast %squeeze3A_3643 : f32 to vector<16xf32>
        %mul3A_3645 = arith.mulf %gather3A_56, %mul3A_3644 : vector<16xf32>
        %add3A_3646 = arith.addf %mul3A_3641, %mul3A_3645 : vector<16xf32>
        %slice3A_3647 = vector.extract_strided_slice %get3A_175 {offsets = [15], sizes = [1], strides = [1]} : vector<16xf32> to vector<1xf32>
        %squeeze3A_3648 = vector.extract %slice3A_3647[0] : f32 from vector<1xf32>
        %mul3A_3649 = vector.broadcast %squeeze3A_3648 : f32 to vector<16xf32>
        %mul3A_3650 = arith.mulf %gather3A_59, %mul3A_3649 : vector<16xf32>
        %add3A_3651 = arith.addf %add3A_3646, %mul3A_3650 : vector<16xf32>
        %slice3A_3652 = vector.extract_strided_slice %get3A_179 {offsets = [15], sizes = [1], strides = [1]} : vector<16xf32> to vector<1xf32>
        %squeeze3A_3653 = vector.extract %slice3A_3652[0] : f32 from vector<1xf32>
        %mul3A_3654 = vector.broadcast %squeeze3A_3653 : f32 to vector<16xf32>
        %mul3A_3655 = arith.mulf %gather3A_62, %mul3A_3654 : vector<16xf32>
        %add3A_3656 = arith.addf %add3A_3651, %mul3A_3655 : vector<16xf32>
        %slice3A_3657 = vector.extract_strided_slice %get3A_183 {offsets = [15], sizes = [1], strides = [1]} : vector<16xf32> to vector<1xf32>
        %squeeze3A_3658 = vector.extract %slice3A_3657[0] : f32 from vector<1xf32>
        %mul3A_3659 = vector.broadcast %squeeze3A_3658 : f32 to vector<16xf32>
        %mul3A_3660 = arith.mulf %gather3A_65, %mul3A_3659 : vector<16xf32>
        %add3A_3661 = arith.addf %add3A_3656, %mul3A_3660 : vector<16xf32>
        %slice3A_3662 = vector.extract_strided_slice %get3A_187 {offsets = [15], sizes = [1], strides = [1]} : vector<16xf32> to vector<1xf32>
        %squeeze3A_3663 = vector.extract %slice3A_3662[0] : f32 from vector<1xf32>
        %mul3A_3664 = vector.broadcast %squeeze3A_3663 : f32 to vector<16xf32>
        %mul3A_3665 = arith.mulf %gather3A_68, %mul3A_3664 : vector<16xf32>
        %add3A_3666 = arith.addf %add3A_3661, %mul3A_3665 : vector<16xf32>
        %slice3A_3667 = vector.extract_strided_slice %get3A_191 {offsets = [15], sizes = [1], strides = [1]} : vector<16xf32> to vector<1xf32>
        %squeeze3A_3668 = vector.extract %slice3A_3667[0] : f32 from vector<1xf32>
        %mul3A_3669 = vector.broadcast %squeeze3A_3668 : f32 to vector<16xf32>
        %mul3A_3670 = arith.mulf %gather3A_71, %mul3A_3669 : vector<16xf32>
        %add3A_3671 = arith.addf %add3A_3666, %mul3A_3670 : vector<16xf32>
        %slice3A_3672 = vector.extract_strided_slice %get3A_195 {offsets = [15], sizes = [1], strides = [1]} : vector<16xf32> to vector<1xf32>
        %squeeze3A_3673 = vector.extract %slice3A_3672[0] : f32 from vector<1xf32>
        %mul3A_3674 = vector.broadcast %squeeze3A_3673 : f32 to vector<16xf32>
        %mul3A_3675 = arith.mulf %gather3A_74, %mul3A_3674 : vector<16xf32>
        %add3A_3676 = arith.addf %add3A_3671, %mul3A_3675 : vector<16xf32>
        %mul3A_3677 = arith.mulf %gather3A_3637, %add3A_3676 : vector<16xf32>
        tpu.vector_store_idx %arg13[%add3A_3636, %add3A_3589], %mul3A_3677 : memref<80x128xf32, #tpu.memory_space<vmem>>[vector<16xi32>, vector<16xi32>], vector<16xf32>,
        %add3A_3678 = arith.constant 32 : i32
        %add3A_3679 = vector.broadcast %add3A_3678 : i32 to vector<16xi32>
        %add3A_3680 = arith.addi %iota3A, %add3A_3679 : vector<16xi32>
        %gather3A_3681 = tpu.vector_load_idx %arg12[%add3A_3680, %add3A_3589] : memref<80x128xf32, #tpu.memory_space<vmem>>[vector<16xi32>, vector<16xi32>], vector<16xf32>,
        %slice3A_3682 = vector.extract_strided_slice %get3A_167 {offsets = [15], sizes = [1], strides = [1]} : vector<16xf32> to vector<1xf32>
        %squeeze3A_3683 = vector.extract %slice3A_3682[0] : f32 from vector<1xf32>
        %mul3A_3684 = vector.broadcast %squeeze3A_3683 : f32 to vector<16xf32>
        %mul3A_3685 = arith.mulf %gather3A_80, %mul3A_3684 : vector<16xf32>
        %slice3A_3686 = vector.extract_strided_slice %get3A_171 {offsets = [15], sizes = [1], strides = [1]} : vector<16xf32> to vector<1xf32>
        %squeeze3A_3687 = vector.extract %slice3A_3686[0] : f32 from vector<1xf32>
        %mul3A_3688 = vector.broadcast %squeeze3A_3687 : f32 to vector<16xf32>
        %mul3A_3689 = arith.mulf %gather3A_83, %mul3A_3688 : vector<16xf32>
        %add3A_3690 = arith.addf %mul3A_3685, %mul3A_3689 : vector<16xf32>
        %slice3A_3691 = vector.extract_strided_slice %get3A_175 {offsets = [15], sizes = [1], strides = [1]} : vector<16xf32> to vector<1xf32>
        %squeeze3A_3692 = vector.extract %slice3A_3691[0] : f32 from vector<1xf32>
        %mul3A_3693 = vector.broadcast %squeeze3A_3692 : f32 to vector<16xf32>
        %mul3A_3694 = arith.mulf %gather3A_86, %mul3A_3693 : vector<16xf32>
        %add3A_3695 = arith.addf %add3A_3690, %mul3A_3694 : vector<16xf32>
        %slice3A_3696 = vector.extract_strided_slice %get3A_179 {offsets = [15], sizes = [1], strides = [1]} : vector<16xf32> to vector<1xf32>
        %squeeze3A_3697 = vector.extract %slice3A_3696[0] : f32 from vector<1xf32>
        %mul3A_3698 = vector.broadcast %squeeze3A_3697 : f32 to vector<16xf32>
        %mul3A_3699 = arith.mulf %gather3A_89, %mul3A_3698 : vector<16xf32>
        %add3A_3700 = arith.addf %add3A_3695, %mul3A_3699 : vector<16xf32>
        %slice3A_3701 = vector.extract_strided_slice %get3A_183 {offsets = [15], sizes = [1], strides = [1]} : vector<16xf32> to vector<1xf32>
        %squeeze3A_3702 = vector.extract %slice3A_3701[0] : f32 from vector<1xf32>
        %mul3A_3703 = vector.broadcast %squeeze3A_3702 : f32 to vector<16xf32>
        %mul3A_3704 = arith.mulf %gather3A_92, %mul3A_3703 : vector<16xf32>
        %add3A_3705 = arith.addf %add3A_3700, %mul3A_3704 : vector<16xf32>
        %slice3A_3706 = vector.extract_strided_slice %get3A_187 {offsets = [15], sizes = [1], strides = [1]} : vector<16xf32> to vector<1xf32>
        %squeeze3A_3707 = vector.extract %slice3A_3706[0] : f32 from vector<1xf32>
        %mul3A_3708 = vector.broadcast %squeeze3A_3707 : f32 to vector<16xf32>
        %mul3A_3709 = arith.mulf %gather3A_95, %mul3A_3708 : vector<16xf32>
        %add3A_3710 = arith.addf %add3A_3705, %mul3A_3709 : vector<16xf32>
        %slice3A_3711 = vector.extract_strided_slice %get3A_191 {offsets = [15], sizes = [1], strides = [1]} : vector<16xf32> to vector<1xf32>
        %squeeze3A_3712 = vector.extract %slice3A_3711[0] : f32 from vector<1xf32>
        %mul3A_3713 = vector.broadcast %squeeze3A_3712 : f32 to vector<16xf32>
        %mul3A_3714 = arith.mulf %gather3A_98, %mul3A_3713 : vector<16xf32>
        %add3A_3715 = arith.addf %add3A_3710, %mul3A_3714 : vector<16xf32>
        %slice3A_3716 = vector.extract_strided_slice %get3A_195 {offsets = [15], sizes = [1], strides = [1]} : vector<16xf32> to vector<1xf32>
        %squeeze3A_3717 = vector.extract %slice3A_3716[0] : f32 from vector<1xf32>
        %mul3A_3718 = vector.broadcast %squeeze3A_3717 : f32 to vector<16xf32>
        %mul3A_3719 = arith.mulf %gather3A_101, %mul3A_3718 : vector<16xf32>
        %add3A_3720 = arith.addf %add3A_3715, %mul3A_3719 : vector<16xf32>
        %mul3A_3721 = arith.mulf %gather3A_3681, %add3A_3720 : vector<16xf32>
        tpu.vector_store_idx %arg13[%add3A_3680, %add3A_3589], %mul3A_3721 : memref<80x128xf32, #tpu.memory_space<vmem>>[vector<16xi32>, vector<16xi32>], vector<16xf32>,
        %add3A_3722 = arith.constant 48 : i32
        %add3A_3723 = vector.broadcast %add3A_3722 : i32 to vector<16xi32>
        %add3A_3724 = arith.addi %iota3A, %add3A_3723 : vector<16xi32>
        %gather3A_3725 = tpu.vector_load_idx %arg12[%add3A_3724, %add3A_3589] : memref<80x128xf32, #tpu.memory_space<vmem>>[vector<16xi32>, vector<16xi32>], vector<16xf32>,
        %slice3A_3726 = vector.extract_strided_slice %get3A_167 {offsets = [15], sizes = [1], strides = [1]} : vector<16xf32> to vector<1xf32>
        %squeeze3A_3727 = vector.extract %slice3A_3726[0] : f32 from vector<1xf32>
        %mul3A_3728 = vector.broadcast %squeeze3A_3727 : f32 to vector<16xf32>
        %mul3A_3729 = arith.mulf %gather3A_107, %mul3A_3728 : vector<16xf32>
        %slice3A_3730 = vector.extract_strided_slice %get3A_171 {offsets = [15], sizes = [1], strides = [1]} : vector<16xf32> to vector<1xf32>
        %squeeze3A_3731 = vector.extract %slice3A_3730[0] : f32 from vector<1xf32>
        %mul3A_3732 = vector.broadcast %squeeze3A_3731 : f32 to vector<16xf32>
        %mul3A_3733 = arith.mulf %gather3A_110, %mul3A_3732 : vector<16xf32>
        %add3A_3734 = arith.addf %mul3A_3729, %mul3A_3733 : vector<16xf32>
        %slice3A_3735 = vector.extract_strided_slice %get3A_175 {offsets = [15], sizes = [1], strides = [1]} : vector<16xf32> to vector<1xf32>
        %squeeze3A_3736 = vector.extract %slice3A_3735[0] : f32 from vector<1xf32>
        %mul3A_3737 = vector.broadcast %squeeze3A_3736 : f32 to vector<16xf32>
        %mul3A_3738 = arith.mulf %gather3A_113, %mul3A_3737 : vector<16xf32>
        %add3A_3739 = arith.addf %add3A_3734, %mul3A_3738 : vector<16xf32>
        %slice3A_3740 = vector.extract_strided_slice %get3A_179 {offsets = [15], sizes = [1], strides = [1]} : vector<16xf32> to vector<1xf32>
        %squeeze3A_3741 = vector.extract %slice3A_3740[0] : f32 from vector<1xf32>
        %mul3A_3742 = vector.broadcast %squeeze3A_3741 : f32 to vector<16xf32>
        %mul3A_3743 = arith.mulf %gather3A_116, %mul3A_3742 : vector<16xf32>
        %add3A_3744 = arith.addf %add3A_3739, %mul3A_3743 : vector<16xf32>
        %slice3A_3745 = vector.extract_strided_slice %get3A_183 {offsets = [15], sizes = [1], strides = [1]} : vector<16xf32> to vector<1xf32>
        %squeeze3A_3746 = vector.extract %slice3A_3745[0] : f32 from vector<1xf32>
        %mul3A_3747 = vector.broadcast %squeeze3A_3746 : f32 to vector<16xf32>
        %mul3A_3748 = arith.mulf %gather3A_119, %mul3A_3747 : vector<16xf32>
        %add3A_3749 = arith.addf %add3A_3744, %mul3A_3748 : vector<16xf32>
        %slice3A_3750 = vector.extract_strided_slice %get3A_187 {offsets = [15], sizes = [1], strides = [1]} : vector<16xf32> to vector<1xf32>
        %squeeze3A_3751 = vector.extract %slice3A_3750[0] : f32 from vector<1xf32>
        %mul3A_3752 = vector.broadcast %squeeze3A_3751 : f32 to vector<16xf32>
        %mul3A_3753 = arith.mulf %gather3A_122, %mul3A_3752 : vector<16xf32>
        %add3A_3754 = arith.addf %add3A_3749, %mul3A_3753 : vector<16xf32>
        %slice3A_3755 = vector.extract_strided_slice %get3A_191 {offsets = [15], sizes = [1], strides = [1]} : vector<16xf32> to vector<1xf32>
        %squeeze3A_3756 = vector.extract %slice3A_3755[0] : f32 from vector<1xf32>
        %mul3A_3757 = vector.broadcast %squeeze3A_3756 : f32 to vector<16xf32>
        %mul3A_3758 = arith.mulf %gather3A_125, %mul3A_3757 : vector<16xf32>
        %add3A_3759 = arith.addf %add3A_3754, %mul3A_3758 : vector<16xf32>
        %slice3A_3760 = vector.extract_strided_slice %get3A_195 {offsets = [15], sizes = [1], strides = [1]} : vector<16xf32> to vector<1xf32>
        %squeeze3A_3761 = vector.extract %slice3A_3760[0] : f32 from vector<1xf32>
        %mul3A_3762 = vector.broadcast %squeeze3A_3761 : f32 to vector<16xf32>
        %mul3A_3763 = arith.mulf %gather3A_128, %mul3A_3762 : vector<16xf32>
        %add3A_3764 = arith.addf %add3A_3759, %mul3A_3763 : vector<16xf32>
        %mul3A_3765 = arith.mulf %gather3A_3725, %add3A_3764 : vector<16xf32>
        tpu.vector_store_idx %arg13[%add3A_3724, %add3A_3589], %mul3A_3765 : memref<80x128xf32, #tpu.memory_space<vmem>>[vector<16xi32>, vector<16xi32>], vector<16xf32>,
        %add3A_3766 = arith.constant 64 : i32
        %add3A_3767 = vector.broadcast %add3A_3766 : i32 to vector<16xi32>
        %add3A_3768 = arith.addi %iota3A, %add3A_3767 : vector<16xi32>
        %gather3A_3769 = tpu.vector_load_idx %arg12[%add3A_3768, %add3A_3589] : memref<80x128xf32, #tpu.memory_space<vmem>>[vector<16xi32>, vector<16xi32>], vector<16xf32>,
        %slice3A_3770 = vector.extract_strided_slice %get3A_167 {offsets = [15], sizes = [1], strides = [1]} : vector<16xf32> to vector<1xf32>
        %squeeze3A_3771 = vector.extract %slice3A_3770[0] : f32 from vector<1xf32>
        %mul3A_3772 = vector.broadcast %squeeze3A_3771 : f32 to vector<16xf32>
        %mul3A_3773 = arith.mulf %gather3A_134, %mul3A_3772 : vector<16xf32>
        %slice3A_3774 = vector.extract_strided_slice %get3A_171 {offsets = [15], sizes = [1], strides = [1]} : vector<16xf32> to vector<1xf32>
        %squeeze3A_3775 = vector.extract %slice3A_3774[0] : f32 from vector<1xf32>
        %mul3A_3776 = vector.broadcast %squeeze3A_3775 : f32 to vector<16xf32>
        %mul3A_3777 = arith.mulf %gather3A_137, %mul3A_3776 : vector<16xf32>
        %add3A_3778 = arith.addf %mul3A_3773, %mul3A_3777 : vector<16xf32>
        %slice3A_3779 = vector.extract_strided_slice %get3A_175 {offsets = [15], sizes = [1], strides = [1]} : vector<16xf32> to vector<1xf32>
        %squeeze3A_3780 = vector.extract %slice3A_3779[0] : f32 from vector<1xf32>
        %mul3A_3781 = vector.broadcast %squeeze3A_3780 : f32 to vector<16xf32>
        %mul3A_3782 = arith.mulf %gather3A_140, %mul3A_3781 : vector<16xf32>
        %add3A_3783 = arith.addf %add3A_3778, %mul3A_3782 : vector<16xf32>
        %slice3A_3784 = vector.extract_strided_slice %get3A_179 {offsets = [15], sizes = [1], strides = [1]} : vector<16xf32> to vector<1xf32>
        %squeeze3A_3785 = vector.extract %slice3A_3784[0] : f32 from vector<1xf32>
        %mul3A_3786 = vector.broadcast %squeeze3A_3785 : f32 to vector<16xf32>
        %mul3A_3787 = arith.mulf %gather3A_143, %mul3A_3786 : vector<16xf32>
        %add3A_3788 = arith.addf %add3A_3783, %mul3A_3787 : vector<16xf32>
        %slice3A_3789 = vector.extract_strided_slice %get3A_183 {offsets = [15], sizes = [1], strides = [1]} : vector<16xf32> to vector<1xf32>
        %squeeze3A_3790 = vector.extract %slice3A_3789[0] : f32 from vector<1xf32>
        %mul3A_3791 = vector.broadcast %squeeze3A_3790 : f32 to vector<16xf32>
        %mul3A_3792 = arith.mulf %gather3A_146, %mul3A_3791 : vector<16xf32>
        %add3A_3793 = arith.addf %add3A_3788, %mul3A_3792 : vector<16xf32>
        %slice3A_3794 = vector.extract_strided_slice %get3A_187 {offsets = [15], sizes = [1], strides = [1]} : vector<16xf32> to vector<1xf32>
        %squeeze3A_3795 = vector.extract %slice3A_3794[0] : f32 from vector<1xf32>
        %mul3A_3796 = vector.broadcast %squeeze3A_3795 : f32 to vector<16xf32>
        %mul3A_3797 = arith.mulf %gather3A_149, %mul3A_3796 : vector<16xf32>
        %add3A_3798 = arith.addf %add3A_3793, %mul3A_3797 : vector<16xf32>
        %slice3A_3799 = vector.extract_strided_slice %get3A_191 {offsets = [15], sizes = [1], strides = [1]} : vector<16xf32> to vector<1xf32>
        %squeeze3A_3800 = vector.extract %slice3A_3799[0] : f32 from vector<1xf32>
        %mul3A_3801 = vector.broadcast %squeeze3A_3800 : f32 to vector<16xf32>
        %mul3A_3802 = arith.mulf %gather3A_152, %mul3A_3801 : vector<16xf32>
        %add3A_3803 = arith.addf %add3A_3798, %mul3A_3802 : vector<16xf32>
        %slice3A_3804 = vector.extract_strided_slice %get3A_195 {offsets = [15], sizes = [1], strides = [1]} : vector<16xf32> to vector<1xf32>
        %squeeze3A_3805 = vector.extract %slice3A_3804[0] : f32 from vector<1xf32>
        %mul3A_3806 = vector.broadcast %squeeze3A_3805 : f32 to vector<16xf32>
        %mul3A_3807 = arith.mulf %gather3A_155, %mul3A_3806 : vector<16xf32>
        %add3A_3808 = arith.addf %add3A_3803, %mul3A_3807 : vector<16xf32>
        %mul3A_3809 = arith.mulf %gather3A_3769, %add3A_3808 : vector<16xf32>
        tpu.vector_store_idx %arg13[%add3A_3768, %add3A_3589], %mul3A_3809 : memref<80x128xf32, #tpu.memory_space<vmem>>[vector<16xi32>, vector<16xi32>], vector<16xf32>,
      }
      %scan3A_161 = arith.constant 8 : i32
      "tpu.region"() ({
        %run_scoped3A = tpu.sem_alloc : memref<!tpu.dma_semaphore, #tpu.memory_space<semaphore_mem>>
        %dma_start3A_162 = arith.constant 0 : i32
        %dma_start3A_163 = arith.constant 0 : i32
        %dma_start3A_164 = tpu.memref_slice %arg15[%dma_start3A_162, %dma_start3A_163] : memref<10240x128xf32, #tpu.memory_space<vmem_shared>> -> memref<10240x128xf32, #tpu.memory_space<vmem_shared>>
        tpu.enqueue_indirect_dma source(%arg13 : memref<80x128xf32, #tpu.memory_space<vmem>>) target(%dma_start3A_164 : memref<10240x128xf32, #tpu.memory_space<vmem_shared>>) offsets(%arg10 : memref<80xi32, #tpu.memory_space<vmem>>) semaphore(%run_scoped3A : memref<!tpu.dma_semaphore, #tpu.memory_space<semaphore_mem>>) {add = true}
        %dma_wait3A_165 = arith.constant 0 : i32
        %dma_wait3A_166 = arith.constant 0 : i32
        %dma_wait3A_167 = tpu.memref_slice %arg15[%dma_wait3A_165, %dma_wait3A_166] : memref<10240x128xf32, #tpu.memory_space<vmem_shared>> -> memref<10240x128xf32, #tpu.memory_space<vmem_shared>>
        tpu.wait_indirect_dma semaphore(%run_scoped3A : memref<!tpu.dma_semaphore, #tpu.memory_space<semaphore_mem>>) src(%arg13 : memref<80x128xf32, #tpu.memory_space<vmem>>) dst(%dma_wait3A_167 : memref<10240x128xf32, #tpu.memory_space<vmem_shared>>)
        tpu.yield
      }) : () -> ()
    }
    %scan3A_9 = arith.constant 125 : i32
    %barrier3A_10 = arith.constant 0 : index
    tpu.barrier barrier_id(%barrier3A_10)
    %mul3A_11 = arith.constant 640 : i32
    %mul3A_12 = arith.muli %arg1, %mul3A_11 : i32
    %mul3A_13 = arith.constant 640 : i32
    %mul3A_14 = arith.muli %arg1, %mul3A_13 : i32
    "tpu.region"() ({
      %run_scoped3A = tpu.sem_alloc : memref<!tpu.dma_semaphore, #tpu.memory_space<semaphore_mem>>
      %dma_start3A = arith.constant 0 : i32
      %dma_start3A_15 = tpu.memref_slice %arg8[%arg0, %mul3A_14, %dma_start3A] : memref<2x10240x128xf32, #tpu.memory_space<hbm>> -> memref<1x640x128xf32, #tpu.memory_space<hbm>>
      %dma_start3A_16 = tpu.memref_squeeze %dma_start3A_15 : memref<1x640x128xf32, #tpu.memory_space<hbm>> -> memref<640x128xf32, #tpu.memory_space<hbm>>
      %dma_start3A_17 = arith.constant 0 : i32
      %dma_start3A_18 = tpu.memref_slice %arg15[%mul3A_12, %dma_start3A_17] : memref<10240x128xf32, #tpu.memory_space<vmem_shared>> -> memref<640x128xf32, #tpu.memory_space<vmem_shared>>
      tpu.enqueue_dma source(%dma_start3A_18 : memref<640x128xf32, #tpu.memory_space<vmem_shared>>) target(%dma_start3A_16 : memref<640x128xf32, #tpu.memory_space<hbm>>) target_semaphore(%run_scoped3A : memref<!tpu.dma_semaphore, #tpu.memory_space<semaphore_mem>>)
      %dma_wait3A = arith.constant 0 : i32
      %dma_wait3A_19 = tpu.memref_slice %arg8[%arg0, %mul3A_14, %dma_wait3A] : memref<2x10240x128xf32, #tpu.memory_space<hbm>> -> memref<1x640x128xf32, #tpu.memory_space<hbm>>
      %dma_wait3A_20 = tpu.memref_squeeze %dma_wait3A_19 : memref<1x640x128xf32, #tpu.memory_space<hbm>> -> memref<640x128xf32, #tpu.memory_space<hbm>>
      %dma_wait3A_21 = arith.constant 0 : i32
      %dma_wait3A_22 = tpu.memref_slice %arg15[%mul3A_12, %dma_wait3A_21] : memref<10240x128xf32, #tpu.memory_space<vmem_shared>> -> memref<640x128xf32, #tpu.memory_space<vmem_shared>>
      tpu.wait_dma2 semaphore(%run_scoped3A : memref<!tpu.dma_semaphore, #tpu.memory_space<semaphore_mem>>) src(%dma_wait3A_22 : memref<640x128xf32, #tpu.memory_space<vmem_shared>>) dst(%dma_wait3A_20 : memref<640x128xf32, #tpu.memory_space<hbm>>)
      tpu.yield
    }) : () -> ()
    return
  }
}

module attributes {stable_mosaic.version = 14 : i64} {
  func.func @_xlin_body(%arg0: i32, %arg1: memref<1000x128xf32, #tpu.memory_space<vmem>>, %arg2: memref<128x128xf32, #tpu.memory_space<vmem>>, %arg3: memref<1000x128xf32, #tpu.memory_space<vmem>>) attributes {dimension_semantics = [#tpu.dimension_semantics<arbitrary>], iteration_bounds = array<i64: 10>, scalar_prefetch = 0 : i64, scratch_operands = 0 : i64, tpu.core_type = #tpu.core_type<tc>, window_params = [{transform_indices = @transform_0, window_bounds = array<i64: 1000, 128>}, {pipeline_mode = #tpu.pipeline_mode<synchronous>, transform_indices = @transform_1, window_bounds = array<i64: 128, 128>}, {transform_indices = @transform_2, window_bounds = array<i64: 1000, 128>}]} {
    %get3A = arith.constant 0 : index
    %get3A_0 = arith.constant 0 : index
    %get3A_1 = vector.load %arg1[%get3A, %get3A_0] : memref<1000x128xf32, #tpu.memory_space<vmem>>, vector<1000x128xf32>
    %get3A_2 = arith.constant 0 : index
    %get3A_3 = arith.constant 0 : index
    %get3A_4 = vector.load %arg2[%get3A_2, %get3A_3] : memref<128x128xf32, #tpu.memory_space<vmem>>, vector<128x128xf32>
    %dot_general3A = arith.constant dense<0.000000e+00> : vector<1000x128xf32>
    %dot_general3A_5 = tpu.matmul %get3A_1, %get3A_4, %dot_general3A {dimension_numbers = #tpu.dot_dimension_numbers<[1], [0], [0], [1], [0, 0, 1, 1], [], []>, transpose_lhs_hint = false} : vector<1000x128xf32>, vector<128x128xf32>, vector<1000x128xf32> -> vector<1000x128xf32>
    %mul3A = arith.constant 0.0883883461 : f32
    %mul3A_6 = vector.broadcast %mul3A : f32 to vector<1000x128xf32>
    %mul3A_7 = arith.mulf %dot_general3A_5, %mul3A_6 : vector<1000x128xf32>
    %swap3A = arith.constant 0 : index
    %swap3A_8 = arith.constant 0 : index
    %swap3A_9 = vector.load %arg3[%swap3A, %swap3A_8] : memref<1000x128xf32, #tpu.memory_space<vmem>>, vector<1000x128xf32>
    tpu.vector_store %arg3[%swap3A, %swap3A_8], %mul3A_7 {strides = array<i32>} : memref<1000x128xf32, #tpu.memory_space<vmem>>, vector<1000x128xf32>,
    return
  }
  func.func @transform_0(%arg0: i32) -> (i32, i32) {
    %c0_i32 = arith.constant 0 : i32
    %c0_i32_0 = arith.constant 0 : i32
    return %arg0, %c0_i32 : i32, i32
  }
  func.func @transform_1(%arg0: i32) -> (i32, i32) {
    %c0_i32 = arith.constant 0 : i32
    %c0_i32_0 = arith.constant 0 : i32
    %c0_i32_1 = arith.constant 0 : i32
    return %c0_i32, %c0_i32_0 : i32, i32
  }
  func.func @transform_2(%arg0: i32) -> (i32, i32) {
    %c0_i32 = arith.constant 0 : i32
    %c0_i32_0 = arith.constant 0 : i32
    return %arg0, %c0_i32 : i32, i32
  }
}

module attributes {stable_mosaic.version = 14 : i64} {
  func.func @_hp_body(%arg0: i32, %arg1: memref<8000x8xf32, #tpu.memory_space<vmem>>, %arg2: memref<8000x1xf32, #tpu.memory_space<vmem>>, %arg3: memref<8x8xf32, #tpu.memory_space<vmem>>, %arg4: memref<8000x8xf32, #tpu.memory_space<vmem>>) attributes {dimension_semantics = [#tpu.dimension_semantics<arbitrary>], iteration_bounds = array<i64: 40>, scalar_prefetch = 0 : i64, scratch_operands = 0 : i64, tpu.core_type = #tpu.core_type<tc>, window_params = [{transform_indices = @transform_0, window_bounds = array<i64: 8000, 8>}, {transform_indices = @transform_1, window_bounds = array<i64: 8000, 1>}, {pipeline_mode = #tpu.pipeline_mode<synchronous>, transform_indices = @transform_2, window_bounds = array<i64: 8, 8>}, {transform_indices = @transform_3, window_bounds = array<i64: 8000, 8>}]} {
    %get3A = arith.constant 0 : index
    %get3A_0 = arith.constant 0 : index
    %get3A_1 = vector.load %arg1[%get3A, %get3A_0] : memref<8000x8xf32, #tpu.memory_space<vmem>>, vector<8000x8xf32>
    %get3A_2 = arith.constant 0 : index
    %get3A_3 = arith.constant 0 : index
    %get3A_4 = vector.load %arg3[%get3A_2, %get3A_3] : memref<8x8xf32, #tpu.memory_space<vmem>>, vector<8x8xf32>
    %dot_general3A = arith.constant dense<0.000000e+00> : vector<8000x8xf32>
    %dot_general3A_5 = tpu.matmul %get3A_1, %get3A_4, %dot_general3A {dimension_numbers = #tpu.dot_dimension_numbers<[1], [0], [0], [1], [0, 0, 1, 1], [], []>, transpose_lhs_hint = false} : vector<8000x8xf32>, vector<8x8xf32>, vector<8000x8xf32> -> vector<8000x8xf32>
    %mul3A = arith.constant 0.353553385 : f32
    %mul3A_6 = vector.broadcast %mul3A : f32 to vector<8000x8xf32>
    %mul3A_7 = arith.mulf %dot_general3A_5, %mul3A_6 : vector<8000x8xf32>
    %custom_jvp_call3A = arith.constant 0.000000e+00 : f32
    %max3A = vector.broadcast %custom_jvp_call3A : f32 to vector<8000x8xf32>
    %max3A_8 = arith.maximumf %mul3A_7, %max3A : vector<8000x8xf32>
    %sub3A = vector.broadcast %custom_jvp_call3A : f32 to vector<8000x8xf32>
    %sub3A_9 = arith.subf %mul3A_7, %sub3A : vector<8000x8xf32>
    %ne3A = arith.cmpf one, %sub3A_9, %sub3A_9 : vector<8000x8xf32>
    %add3A = vector.broadcast %custom_jvp_call3A : f32 to vector<8000x8xf32>
    %add3A_10 = arith.addf %mul3A_7, %add3A : vector<8000x8xf32>
    %abs3A = math.absf %sub3A_9 : vector<8000x8xf32>
    %neg3A = arith.constant 0.000000e+00 : f32
    %neg3A_11 = vector.broadcast %neg3A : f32 to vector<8000x8xf32>
    %neg3A_12 = arith.subf %neg3A_11, %abs3A : vector<8000x8xf32>
    %exp3A = math.exp %neg3A_12 : vector<8000x8xf32>
    %log1p3A = math.log1p %exp3A : vector<8000x8xf32>
    %add3A_13 = arith.addf %max3A_8, %log1p3A : vector<8000x8xf32>
    %select_n3A = arith.select %ne3A, %add3A_10, %add3A_13 : vector<8000x8xi1>, vector<8000x8xf32>
    %sub3A_14 = arith.constant 0.693147182 : f32
    %sub3A_15 = vector.broadcast %sub3A_14 : f32 to vector<8000x8xf32>
    %sub3A_16 = arith.subf %select_n3A, %sub3A_15 : vector<8000x8xf32>
    %get3A_17 = arith.constant 0 : index
    %get3A_18 = arith.constant 0 : index
    %get3A_19 = vector.load %arg2[%get3A_17, %get3A_18] : memref<8000x1xf32, #tpu.memory_space<vmem>>, vector<8000x1xf32>
    %mul3A_20 = vector.broadcast %get3A_19 : vector<8000x1xf32> to vector<8000x8xf32>
    %mul3A_21 = arith.mulf %sub3A_16, %mul3A_20 : vector<8000x8xf32>
    %mul3A_22 = arith.constant 0.353553385 : f32
    %mul3A_23 = vector.broadcast %mul3A_22 : f32 to vector<8000x8xf32>
    %mul3A_24 = arith.mulf %mul3A_21, %mul3A_23 : vector<8000x8xf32>
    %swap3A = arith.constant 0 : index
    %swap3A_25 = arith.constant 0 : index
    %swap3A_26 = vector.load %arg4[%swap3A, %swap3A_25] : memref<8000x8xf32, #tpu.memory_space<vmem>>, vector<8000x8xf32>
    tpu.vector_store %arg4[%swap3A, %swap3A_25], %mul3A_24 {strides = array<i32>} : memref<8000x8xf32, #tpu.memory_space<vmem>>, vector<8000x8xf32>,
    return
  }
  func.func @transform_0(%arg0: i32) -> (i32, i32) {
    %c0_i32 = arith.constant 0 : i32
    %c0_i32_0 = arith.constant 0 : i32
    return %arg0, %c0_i32 : i32, i32
  }
  func.func @transform_1(%arg0: i32) -> (i32, i32) {
    %c0_i32 = arith.constant 0 : i32
    %c0_i32_0 = arith.constant 0 : i32
    return %arg0, %c0_i32 : i32, i32
  }
  func.func @transform_2(%arg0: i32) -> (i32, i32) {
    %c0_i32 = arith.constant 0 : i32
    %c0_i32_0 = arith.constant 0 : i32
    %c0_i32_1 = arith.constant 0 : i32
    return %c0_i32, %c0_i32_0 : i32, i32
  }
  func.func @transform_3(%arg0: i32) -> (i32, i32) {
    %c0_i32 = arith.constant 0 : i32
    %c0_i32_0 = arith.constant 0 : i32
    return %arg0, %c0_i32 : i32, i32
  }
}

module attributes {stable_mosaic.version = 14 : i64} {
  func.func @_final_body(%arg0: i32, %arg1: memref<1x1000x128xf32, #tpu.memory_space<vmem>>, %arg2: memref<1x1000x128xf32, #tpu.memory_space<vmem>>, %arg3: memref<1000x128xf32, #tpu.memory_space<vmem>>, %arg4: memref<1000x16xf32, #tpu.memory_space<vmem>>, %arg5: memref<128x128xf32, #tpu.memory_space<vmem>>, %arg6: memref<16x128x128xf32, #tpu.memory_space<vmem>>, %arg7: memref<1000x128xf32, #tpu.memory_space<vmem>>) attributes {dimension_semantics = [#tpu.dimension_semantics<arbitrary>], iteration_bounds = array<i64: 10>, scalar_prefetch = 0 : i64, scratch_operands = 0 : i64, tpu.core_type = #tpu.core_type<tc>, window_params = [{transform_indices = @transform_0, window_bounds = array<i64: 1, 1000, 128>}, {transform_indices = @transform_1, window_bounds = array<i64: 1, 1000, 128>}, {transform_indices = @transform_2, window_bounds = array<i64: 1000, 128>}, {transform_indices = @transform_3, window_bounds = array<i64: 1000, 16>}, {pipeline_mode = #tpu.pipeline_mode<synchronous>, transform_indices = @transform_4, window_bounds = array<i64: 128, 128>}, {pipeline_mode = #tpu.pipeline_mode<synchronous>, transform_indices = @transform_5, window_bounds = array<i64: 16, 128, 128>}, {transform_indices = @transform_6, window_bounds = array<i64: 1000, 128>}]} {
    %get3A = arith.constant 0 : index
    %get3A_0 = arith.constant 0 : index
    %get3A_1 = arith.constant 0 : index
    %get3A_2 = vector.load %arg1[%get3A, %get3A_0, %get3A_1] : memref<1x1000x128xf32, #tpu.memory_space<vmem>>, vector<1x1000x128xf32>
    %get3A_3 = vector.shape_cast %get3A_2 : vector<1x1000x128xf32> to vector<1000x128xf32>
    %get3A_4 = arith.constant 0 : index
    %get3A_5 = arith.constant 0 : index
    %get3A_6 = arith.constant 0 : index
    %get3A_7 = vector.load %arg2[%get3A_4, %get3A_5, %get3A_6] : memref<1x1000x128xf32, #tpu.memory_space<vmem>>, vector<1x1000x128xf32>
    %get3A_8 = vector.shape_cast %get3A_7 : vector<1x1000x128xf32> to vector<1000x128xf32>
    %add3A = arith.addf %get3A_3, %get3A_8 : vector<1000x128xf32>
    %get3A_9 = arith.constant 0 : index
    %get3A_10 = arith.constant 0 : index
    %get3A_11 = vector.load %arg5[%get3A_9, %get3A_10] : memref<128x128xf32, #tpu.memory_space<vmem>>, vector<128x128xf32>
    %dot_general3A = arith.constant dense<0.000000e+00> : vector<1000x128xf32>
    %dot_general3A_12 = tpu.matmul %add3A, %get3A_11, %dot_general3A {dimension_numbers = #tpu.dot_dimension_numbers<[1], [0], [0], [1], [0, 0, 1, 1], [], []>, transpose_lhs_hint = false} : vector<1000x128xf32>, vector<128x128xf32>, vector<1000x128xf32> -> vector<1000x128xf32>
    %mul3A = arith.constant 1.562500e-02 : f32
    %mul3A_13 = vector.broadcast %mul3A : f32 to vector<1000x128xf32>
    %mul3A_14 = arith.mulf %dot_general3A_12, %mul3A_13 : vector<1000x128xf32>
    %get3A_15 = arith.constant 0 : index
    %get3A_16 = arith.constant 0 : index
    %get3A_17 = vector.load %arg3[%get3A_15, %get3A_16] : memref<1000x128xf32, #tpu.memory_space<vmem>>, vector<1000x128xf32>
    %get3A_18 = arith.constant 0 : index
    %get3A_19 = arith.constant 0 : index
    %get3A_20 = vector.load %arg4[%get3A_18, %get3A_19] : memref<1000x16xf32, #tpu.memory_space<vmem>>, vector<1000x16xf32>
    %broadcast_in_dim3A = arith.constant 0.000000e+00 : f32
    %broadcast_in_dim3A_21 = vector.broadcast %broadcast_in_dim3A : f32 to vector<1000x128xf32>
    %slice3A = vector.extract_strided_slice %get3A_20 {offsets = [0, 0], sizes = [1000, 1], strides = [1, 1]} : vector<1000x16xf32> to vector<1000x1xf32>
    %get3A_22 = arith.constant 0 : index
    %get3A_23 = arith.constant 0 : index
    %get3A_24 = arith.constant 0 : index
    %get3A_25 = vector.load %arg6[%get3A_22, %get3A_23, %get3A_24] : memref<16x128x128xf32, #tpu.memory_space<vmem>>, vector<1x128x128xf32>
    %get3A_26 = vector.shape_cast %get3A_25 : vector<1x128x128xf32> to vector<128x128xf32>
    %dot_general3A_27 = arith.constant dense<0.000000e+00> : vector<1000x128xf32>
    %dot_general3A_28 = tpu.matmul %get3A_17, %get3A_26, %dot_general3A_27 {dimension_numbers = #tpu.dot_dimension_numbers<[1], [0], [0], [1], [0, 0, 1, 1], [], []>, transpose_lhs_hint = false} : vector<1000x128xf32>, vector<128x128xf32>, vector<1000x128xf32> -> vector<1000x128xf32>
    %mul3A_29 = vector.broadcast %slice3A : vector<1000x1xf32> to vector<1000x128xf32>
    %mul3A_30 = arith.mulf %mul3A_29, %dot_general3A_28 : vector<1000x128xf32>
    %add3A_31 = arith.addf %broadcast_in_dim3A_21, %mul3A_30 : vector<1000x128xf32>
    %slice3A_32 = vector.extract_strided_slice %get3A_20 {offsets = [0, 1], sizes = [1000, 1], strides = [1, 1]} : vector<1000x16xf32> to vector<1000x1xf32>
    %get3A_33 = arith.constant 1 : index
    %get3A_34 = arith.constant 0 : index
    %get3A_35 = arith.constant 0 : index
    %get3A_36 = vector.load %arg6[%get3A_33, %get3A_34, %get3A_35] : memref<16x128x128xf32, #tpu.memory_space<vmem>>, vector<1x128x128xf32>
    %get3A_37 = vector.shape_cast %get3A_36 : vector<1x128x128xf32> to vector<128x128xf32>
    %dot_general3A_38 = arith.constant dense<0.000000e+00> : vector<1000x128xf32>
    %dot_general3A_39 = tpu.matmul %get3A_17, %get3A_37, %dot_general3A_38 {dimension_numbers = #tpu.dot_dimension_numbers<[1], [0], [0], [1], [0, 0, 1, 1], [], []>, transpose_lhs_hint = false} : vector<1000x128xf32>, vector<128x128xf32>, vector<1000x128xf32> -> vector<1000x128xf32>
    %mul3A_40 = vector.broadcast %slice3A_32 : vector<1000x1xf32> to vector<1000x128xf32>
    %mul3A_41 = arith.mulf %mul3A_40, %dot_general3A_39 : vector<1000x128xf32>
    %add3A_42 = arith.addf %add3A_31, %mul3A_41 : vector<1000x128xf32>
    %slice3A_43 = vector.extract_strided_slice %get3A_20 {offsets = [0, 2], sizes = [1000, 1], strides = [1, 1]} : vector<1000x16xf32> to vector<1000x1xf32>
    %get3A_44 = arith.constant 2 : index
    %get3A_45 = arith.constant 0 : index
    %get3A_46 = arith.constant 0 : index
    %get3A_47 = vector.load %arg6[%get3A_44, %get3A_45, %get3A_46] : memref<16x128x128xf32, #tpu.memory_space<vmem>>, vector<1x128x128xf32>
    %get3A_48 = vector.shape_cast %get3A_47 : vector<1x128x128xf32> to vector<128x128xf32>
    %dot_general3A_49 = arith.constant dense<0.000000e+00> : vector<1000x128xf32>
    %dot_general3A_50 = tpu.matmul %get3A_17, %get3A_48, %dot_general3A_49 {dimension_numbers = #tpu.dot_dimension_numbers<[1], [0], [0], [1], [0, 0, 1, 1], [], []>, transpose_lhs_hint = false} : vector<1000x128xf32>, vector<128x128xf32>, vector<1000x128xf32> -> vector<1000x128xf32>
    %mul3A_51 = vector.broadcast %slice3A_43 : vector<1000x1xf32> to vector<1000x128xf32>
    %mul3A_52 = arith.mulf %mul3A_51, %dot_general3A_50 : vector<1000x128xf32>
    %add3A_53 = arith.addf %add3A_42, %mul3A_52 : vector<1000x128xf32>
    %slice3A_54 = vector.extract_strided_slice %get3A_20 {offsets = [0, 3], sizes = [1000, 1], strides = [1, 1]} : vector<1000x16xf32> to vector<1000x1xf32>
    %get3A_55 = arith.constant 3 : index
    %get3A_56 = arith.constant 0 : index
    %get3A_57 = arith.constant 0 : index
    %get3A_58 = vector.load %arg6[%get3A_55, %get3A_56, %get3A_57] : memref<16x128x128xf32, #tpu.memory_space<vmem>>, vector<1x128x128xf32>
    %get3A_59 = vector.shape_cast %get3A_58 : vector<1x128x128xf32> to vector<128x128xf32>
    %dot_general3A_60 = arith.constant dense<0.000000e+00> : vector<1000x128xf32>
    %dot_general3A_61 = tpu.matmul %get3A_17, %get3A_59, %dot_general3A_60 {dimension_numbers = #tpu.dot_dimension_numbers<[1], [0], [0], [1], [0, 0, 1, 1], [], []>, transpose_lhs_hint = false} : vector<1000x128xf32>, vector<128x128xf32>, vector<1000x128xf32> -> vector<1000x128xf32>
    %mul3A_62 = vector.broadcast %slice3A_54 : vector<1000x1xf32> to vector<1000x128xf32>
    %mul3A_63 = arith.mulf %mul3A_62, %dot_general3A_61 : vector<1000x128xf32>
    %add3A_64 = arith.addf %add3A_53, %mul3A_63 : vector<1000x128xf32>
    %slice3A_65 = vector.extract_strided_slice %get3A_20 {offsets = [0, 4], sizes = [1000, 1], strides = [1, 1]} : vector<1000x16xf32> to vector<1000x1xf32>
    %get3A_66 = arith.constant 4 : index
    %get3A_67 = arith.constant 0 : index
    %get3A_68 = arith.constant 0 : index
    %get3A_69 = vector.load %arg6[%get3A_66, %get3A_67, %get3A_68] : memref<16x128x128xf32, #tpu.memory_space<vmem>>, vector<1x128x128xf32>
    %get3A_70 = vector.shape_cast %get3A_69 : vector<1x128x128xf32> to vector<128x128xf32>
    %dot_general3A_71 = arith.constant dense<0.000000e+00> : vector<1000x128xf32>
    %dot_general3A_72 = tpu.matmul %get3A_17, %get3A_70, %dot_general3A_71 {dimension_numbers = #tpu.dot_dimension_numbers<[1], [0], [0], [1], [0, 0, 1, 1], [], []>, transpose_lhs_hint = false} : vector<1000x128xf32>, vector<128x128xf32>, vector<1000x128xf32> -> vector<1000x128xf32>
    %mul3A_73 = vector.broadcast %slice3A_65 : vector<1000x1xf32> to vector<1000x128xf32>
    %mul3A_74 = arith.mulf %mul3A_73, %dot_general3A_72 : vector<1000x128xf32>
    %add3A_75 = arith.addf %add3A_64, %mul3A_74 : vector<1000x128xf32>
    %slice3A_76 = vector.extract_strided_slice %get3A_20 {offsets = [0, 5], sizes = [1000, 1], strides = [1, 1]} : vector<1000x16xf32> to vector<1000x1xf32>
    %get3A_77 = arith.constant 5 : index
    %get3A_78 = arith.constant 0 : index
    %get3A_79 = arith.constant 0 : index
    %get3A_80 = vector.load %arg6[%get3A_77, %get3A_78, %get3A_79] : memref<16x128x128xf32, #tpu.memory_space<vmem>>, vector<1x128x128xf32>
    %get3A_81 = vector.shape_cast %get3A_80 : vector<1x128x128xf32> to vector<128x128xf32>
    %dot_general3A_82 = arith.constant dense<0.000000e+00> : vector<1000x128xf32>
    %dot_general3A_83 = tpu.matmul %get3A_17, %get3A_81, %dot_general3A_82 {dimension_numbers = #tpu.dot_dimension_numbers<[1], [0], [0], [1], [0, 0, 1, 1], [], []>, transpose_lhs_hint = false} : vector<1000x128xf32>, vector<128x128xf32>, vector<1000x128xf32> -> vector<1000x128xf32>
    %mul3A_84 = vector.broadcast %slice3A_76 : vector<1000x1xf32> to vector<1000x128xf32>
    %mul3A_85 = arith.mulf %mul3A_84, %dot_general3A_83 : vector<1000x128xf32>
    %add3A_86 = arith.addf %add3A_75, %mul3A_85 : vector<1000x128xf32>
    %slice3A_87 = vector.extract_strided_slice %get3A_20 {offsets = [0, 6], sizes = [1000, 1], strides = [1, 1]} : vector<1000x16xf32> to vector<1000x1xf32>
    %get3A_88 = arith.constant 6 : index
    %get3A_89 = arith.constant 0 : index
    %get3A_90 = arith.constant 0 : index
    %get3A_91 = vector.load %arg6[%get3A_88, %get3A_89, %get3A_90] : memref<16x128x128xf32, #tpu.memory_space<vmem>>, vector<1x128x128xf32>
    %get3A_92 = vector.shape_cast %get3A_91 : vector<1x128x128xf32> to vector<128x128xf32>
    %dot_general3A_93 = arith.constant dense<0.000000e+00> : vector<1000x128xf32>
    %dot_general3A_94 = tpu.matmul %get3A_17, %get3A_92, %dot_general3A_93 {dimension_numbers = #tpu.dot_dimension_numbers<[1], [0], [0], [1], [0, 0, 1, 1], [], []>, transpose_lhs_hint = false} : vector<1000x128xf32>, vector<128x128xf32>, vector<1000x128xf32> -> vector<1000x128xf32>
    %mul3A_95 = vector.broadcast %slice3A_87 : vector<1000x1xf32> to vector<1000x128xf32>
    %mul3A_96 = arith.mulf %mul3A_95, %dot_general3A_94 : vector<1000x128xf32>
    %add3A_97 = arith.addf %add3A_86, %mul3A_96 : vector<1000x128xf32>
    %slice3A_98 = vector.extract_strided_slice %get3A_20 {offsets = [0, 7], sizes = [1000, 1], strides = [1, 1]} : vector<1000x16xf32> to vector<1000x1xf32>
    %get3A_99 = arith.constant 7 : index
    %get3A_100 = arith.constant 0 : index
    %get3A_101 = arith.constant 0 : index
    %get3A_102 = vector.load %arg6[%get3A_99, %get3A_100, %get3A_101] : memref<16x128x128xf32, #tpu.memory_space<vmem>>, vector<1x128x128xf32>
    %get3A_103 = vector.shape_cast %get3A_102 : vector<1x128x128xf32> to vector<128x128xf32>
    %dot_general3A_104 = arith.constant dense<0.000000e+00> : vector<1000x128xf32>
    %dot_general3A_105 = tpu.matmul %get3A_17, %get3A_103, %dot_general3A_104 {dimension_numbers = #tpu.dot_dimension_numbers<[1], [0], [0], [1], [0, 0, 1, 1], [], []>, transpose_lhs_hint = false} : vector<1000x128xf32>, vector<128x128xf32>, vector<1000x128xf32> -> vector<1000x128xf32>
    %mul3A_106 = vector.broadcast %slice3A_98 : vector<1000x1xf32> to vector<1000x128xf32>
    %mul3A_107 = arith.mulf %mul3A_106, %dot_general3A_105 : vector<1000x128xf32>
    %add3A_108 = arith.addf %add3A_97, %mul3A_107 : vector<1000x128xf32>
    %slice3A_109 = vector.extract_strided_slice %get3A_20 {offsets = [0, 8], sizes = [1000, 1], strides = [1, 1]} : vector<1000x16xf32> to vector<1000x1xf32>
    %get3A_110 = arith.constant 8 : index
    %get3A_111 = arith.constant 0 : index
    %get3A_112 = arith.constant 0 : index
    %get3A_113 = vector.load %arg6[%get3A_110, %get3A_111, %get3A_112] : memref<16x128x128xf32, #tpu.memory_space<vmem>>, vector<1x128x128xf32>
    %get3A_114 = vector.shape_cast %get3A_113 : vector<1x128x128xf32> to vector<128x128xf32>
    %dot_general3A_115 = arith.constant dense<0.000000e+00> : vector<1000x128xf32>
    %dot_general3A_116 = tpu.matmul %get3A_17, %get3A_114, %dot_general3A_115 {dimension_numbers = #tpu.dot_dimension_numbers<[1], [0], [0], [1], [0, 0, 1, 1], [], []>, transpose_lhs_hint = false} : vector<1000x128xf32>, vector<128x128xf32>, vector<1000x128xf32> -> vector<1000x128xf32>
    %mul3A_117 = vector.broadcast %slice3A_109 : vector<1000x1xf32> to vector<1000x128xf32>
    %mul3A_118 = arith.mulf %mul3A_117, %dot_general3A_116 : vector<1000x128xf32>
    %add3A_119 = arith.addf %add3A_108, %mul3A_118 : vector<1000x128xf32>
    %slice3A_120 = vector.extract_strided_slice %get3A_20 {offsets = [0, 9], sizes = [1000, 1], strides = [1, 1]} : vector<1000x16xf32> to vector<1000x1xf32>
    %get3A_121 = arith.constant 9 : index
    %get3A_122 = arith.constant 0 : index
    %get3A_123 = arith.constant 0 : index
    %get3A_124 = vector.load %arg6[%get3A_121, %get3A_122, %get3A_123] : memref<16x128x128xf32, #tpu.memory_space<vmem>>, vector<1x128x128xf32>
    %get3A_125 = vector.shape_cast %get3A_124 : vector<1x128x128xf32> to vector<128x128xf32>
    %dot_general3A_126 = arith.constant dense<0.000000e+00> : vector<1000x128xf32>
    %dot_general3A_127 = tpu.matmul %get3A_17, %get3A_125, %dot_general3A_126 {dimension_numbers = #tpu.dot_dimension_numbers<[1], [0], [0], [1], [0, 0, 1, 1], [], []>, transpose_lhs_hint = false} : vector<1000x128xf32>, vector<128x128xf32>, vector<1000x128xf32> -> vector<1000x128xf32>
    %mul3A_128 = vector.broadcast %slice3A_120 : vector<1000x1xf32> to vector<1000x128xf32>
    %mul3A_129 = arith.mulf %mul3A_128, %dot_general3A_127 : vector<1000x128xf32>
    %add3A_130 = arith.addf %add3A_119, %mul3A_129 : vector<1000x128xf32>
    %slice3A_131 = vector.extract_strided_slice %get3A_20 {offsets = [0, 10], sizes = [1000, 1], strides = [1, 1]} : vector<1000x16xf32> to vector<1000x1xf32>
    %get3A_132 = arith.constant 10 : index
    %get3A_133 = arith.constant 0 : index
    %get3A_134 = arith.constant 0 : index
    %get3A_135 = vector.load %arg6[%get3A_132, %get3A_133, %get3A_134] : memref<16x128x128xf32, #tpu.memory_space<vmem>>, vector<1x128x128xf32>
    %get3A_136 = vector.shape_cast %get3A_135 : vector<1x128x128xf32> to vector<128x128xf32>
    %dot_general3A_137 = arith.constant dense<0.000000e+00> : vector<1000x128xf32>
    %dot_general3A_138 = tpu.matmul %get3A_17, %get3A_136, %dot_general3A_137 {dimension_numbers = #tpu.dot_dimension_numbers<[1], [0], [0], [1], [0, 0, 1, 1], [], []>, transpose_lhs_hint = false} : vector<1000x128xf32>, vector<128x128xf32>, vector<1000x128xf32> -> vector<1000x128xf32>
    %mul3A_139 = vector.broadcast %slice3A_131 : vector<1000x1xf32> to vector<1000x128xf32>
    %mul3A_140 = arith.mulf %mul3A_139, %dot_general3A_138 : vector<1000x128xf32>
    %add3A_141 = arith.addf %add3A_130, %mul3A_140 : vector<1000x128xf32>
    %slice3A_142 = vector.extract_strided_slice %get3A_20 {offsets = [0, 11], sizes = [1000, 1], strides = [1, 1]} : vector<1000x16xf32> to vector<1000x1xf32>
    %get3A_143 = arith.constant 11 : index
    %get3A_144 = arith.constant 0 : index
    %get3A_145 = arith.constant 0 : index
    %get3A_146 = vector.load %arg6[%get3A_143, %get3A_144, %get3A_145] : memref<16x128x128xf32, #tpu.memory_space<vmem>>, vector<1x128x128xf32>
    %get3A_147 = vector.shape_cast %get3A_146 : vector<1x128x128xf32> to vector<128x128xf32>
    %dot_general3A_148 = arith.constant dense<0.000000e+00> : vector<1000x128xf32>
    %dot_general3A_149 = tpu.matmul %get3A_17, %get3A_147, %dot_general3A_148 {dimension_numbers = #tpu.dot_dimension_numbers<[1], [0], [0], [1], [0, 0, 1, 1], [], []>, transpose_lhs_hint = false} : vector<1000x128xf32>, vector<128x128xf32>, vector<1000x128xf32> -> vector<1000x128xf32>
    %mul3A_150 = vector.broadcast %slice3A_142 : vector<1000x1xf32> to vector<1000x128xf32>
    %mul3A_151 = arith.mulf %mul3A_150, %dot_general3A_149 : vector<1000x128xf32>
    %add3A_152 = arith.addf %add3A_141, %mul3A_151 : vector<1000x128xf32>
    %slice3A_153 = vector.extract_strided_slice %get3A_20 {offsets = [0, 12], sizes = [1000, 1], strides = [1, 1]} : vector<1000x16xf32> to vector<1000x1xf32>
    %get3A_154 = arith.constant 12 : index
    %get3A_155 = arith.constant 0 : index
    %get3A_156 = arith.constant 0 : index
    %get3A_157 = vector.load %arg6[%get3A_154, %get3A_155, %get3A_156] : memref<16x128x128xf32, #tpu.memory_space<vmem>>, vector<1x128x128xf32>
    %get3A_158 = vector.shape_cast %get3A_157 : vector<1x128x128xf32> to vector<128x128xf32>
    %dot_general3A_159 = arith.constant dense<0.000000e+00> : vector<1000x128xf32>
    %dot_general3A_160 = tpu.matmul %get3A_17, %get3A_158, %dot_general3A_159 {dimension_numbers = #tpu.dot_dimension_numbers<[1], [0], [0], [1], [0, 0, 1, 1], [], []>, transpose_lhs_hint = false} : vector<1000x128xf32>, vector<128x128xf32>, vector<1000x128xf32> -> vector<1000x128xf32>
    %mul3A_161 = vector.broadcast %slice3A_153 : vector<1000x1xf32> to vector<1000x128xf32>
    %mul3A_162 = arith.mulf %mul3A_161, %dot_general3A_160 : vector<1000x128xf32>
    %add3A_163 = arith.addf %add3A_152, %mul3A_162 : vector<1000x128xf32>
    %slice3A_164 = vector.extract_strided_slice %get3A_20 {offsets = [0, 13], sizes = [1000, 1], strides = [1, 1]} : vector<1000x16xf32> to vector<1000x1xf32>
    %get3A_165 = arith.constant 13 : index
    %get3A_166 = arith.constant 0 : index
    %get3A_167 = arith.constant 0 : index
    %get3A_168 = vector.load %arg6[%get3A_165, %get3A_166, %get3A_167] : memref<16x128x128xf32, #tpu.memory_space<vmem>>, vector<1x128x128xf32>
    %get3A_169 = vector.shape_cast %get3A_168 : vector<1x128x128xf32> to vector<128x128xf32>
    %dot_general3A_170 = arith.constant dense<0.000000e+00> : vector<1000x128xf32>
    %dot_general3A_171 = tpu.matmul %get3A_17, %get3A_169, %dot_general3A_170 {dimension_numbers = #tpu.dot_dimension_numbers<[1], [0], [0], [1], [0, 0, 1, 1], [], []>, transpose_lhs_hint = false} : vector<1000x128xf32>, vector<128x128xf32>, vector<1000x128xf32> -> vector<1000x128xf32>
    %mul3A_172 = vector.broadcast %slice3A_164 : vector<1000x1xf32> to vector<1000x128xf32>
    %mul3A_173 = arith.mulf %mul3A_172, %dot_general3A_171 : vector<1000x128xf32>
    %add3A_174 = arith.addf %add3A_163, %mul3A_173 : vector<1000x128xf32>
    %slice3A_175 = vector.extract_strided_slice %get3A_20 {offsets = [0, 14], sizes = [1000, 1], strides = [1, 1]} : vector<1000x16xf32> to vector<1000x1xf32>
    %get3A_176 = arith.constant 14 : index
    %get3A_177 = arith.constant 0 : index
    %get3A_178 = arith.constant 0 : index
    %get3A_179 = vector.load %arg6[%get3A_176, %get3A_177, %get3A_178] : memref<16x128x128xf32, #tpu.memory_space<vmem>>, vector<1x128x128xf32>
    %get3A_180 = vector.shape_cast %get3A_179 : vector<1x128x128xf32> to vector<128x128xf32>
    %dot_general3A_181 = arith.constant dense<0.000000e+00> : vector<1000x128xf32>
    %dot_general3A_182 = tpu.matmul %get3A_17, %get3A_180, %dot_general3A_181 {dimension_numbers = #tpu.dot_dimension_numbers<[1], [0], [0], [1], [0, 0, 1, 1], [], []>, transpose_lhs_hint = false} : vector<1000x128xf32>, vector<128x128xf32>, vector<1000x128xf32> -> vector<1000x128xf32>
    %mul3A_183 = vector.broadcast %slice3A_175 : vector<1000x1xf32> to vector<1000x128xf32>
    %mul3A_184 = arith.mulf %mul3A_183, %dot_general3A_182 : vector<1000x128xf32>
    %add3A_185 = arith.addf %add3A_174, %mul3A_184 : vector<1000x128xf32>
    %slice3A_186 = vector.extract_strided_slice %get3A_20 {offsets = [0, 15], sizes = [1000, 1], strides = [1, 1]} : vector<1000x16xf32> to vector<1000x1xf32>
    %get3A_187 = arith.constant 15 : index
    %get3A_188 = arith.constant 0 : index
    %get3A_189 = arith.constant 0 : index
    %get3A_190 = vector.load %arg6[%get3A_187, %get3A_188, %get3A_189] : memref<16x128x128xf32, #tpu.memory_space<vmem>>, vector<1x128x128xf32>
    %get3A_191 = vector.shape_cast %get3A_190 : vector<1x128x128xf32> to vector<128x128xf32>
    %dot_general3A_192 = arith.constant dense<0.000000e+00> : vector<1000x128xf32>
    %dot_general3A_193 = tpu.matmul %get3A_17, %get3A_191, %dot_general3A_192 {dimension_numbers = #tpu.dot_dimension_numbers<[1], [0], [0], [1], [0, 0, 1, 1], [], []>, transpose_lhs_hint = false} : vector<1000x128xf32>, vector<128x128xf32>, vector<1000x128xf32> -> vector<1000x128xf32>
    %mul3A_194 = vector.broadcast %slice3A_186 : vector<1000x1xf32> to vector<1000x128xf32>
    %mul3A_195 = arith.mulf %mul3A_194, %dot_general3A_193 : vector<1000x128xf32>
    %add3A_196 = arith.addf %add3A_185, %mul3A_195 : vector<1000x128xf32>
    %mul3A_197 = arith.constant 0.0220970865 : f32
    %mul3A_198 = vector.broadcast %mul3A_197 : f32 to vector<1000x128xf32>
    %mul3A_199 = arith.mulf %add3A_196, %mul3A_198 : vector<1000x128xf32>
    %add3A_200 = arith.addf %mul3A_14, %mul3A_199 : vector<1000x128xf32>
    %swap3A = arith.constant 0 : index
    %swap3A_201 = arith.constant 0 : index
    %swap3A_202 = vector.load %arg7[%swap3A, %swap3A_201] : memref<1000x128xf32, #tpu.memory_space<vmem>>, vector<1000x128xf32>
    tpu.vector_store %arg7[%swap3A, %swap3A_201], %add3A_200 {strides = array<i32>} : memref<1000x128xf32, #tpu.memory_space<vmem>>, vector<1000x128xf32>,
    return
  }
  func.func @transform_0(%arg0: i32) -> (i32, i32, i32) {
    %c0_i32 = arith.constant 0 : i32
    %c0_i32_0 = arith.constant 0 : i32
    %c0_i32_1 = arith.constant 0 : i32
    return %c0_i32, %arg0, %c0_i32_0 : i32, i32, i32
  }
  func.func @transform_1(%arg0: i32) -> (i32, i32, i32) {
    %c1_i32 = arith.constant 1 : i32
    %c0_i32 = arith.constant 0 : i32
    %c0_i32_0 = arith.constant 0 : i32
    return %c1_i32, %arg0, %c0_i32 : i32, i32, i32
  }
  func.func @transform_2(%arg0: i32) -> (i32, i32) {
    %c0_i32 = arith.constant 0 : i32
    %c0_i32_0 = arith.constant 0 : i32
    return %arg0, %c0_i32 : i32, i32
  }
  func.func @transform_3(%arg0: i32) -> (i32, i32) {
    %c0_i32 = arith.constant 0 : i32
    %c0_i32_0 = arith.constant 0 : i32
    return %arg0, %c0_i32 : i32, i32
  }
  func.func @transform_4(%arg0: i32) -> (i32, i32) {
    %c0_i32 = arith.constant 0 : i32
    %c0_i32_0 = arith.constant 0 : i32
    %c0_i32_1 = arith.constant 0 : i32
    return %c0_i32, %c0_i32_0 : i32, i32
  }
  func.func @transform_5(%arg0: i32) -> (i32, i32, i32) {
    %c0_i32 = arith.constant 0 : i32
    %c0_i32_0 = arith.constant 0 : i32
    %c0_i32_1 = arith.constant 0 : i32
    %c0_i32_2 = arith.constant 0 : i32
    return %c0_i32, %c0_i32_0, %c0_i32_1 : i32, i32, i32
  }
  func.func @transform_6(%arg0: i32) -> (i32, i32) {
    %c0_i32 = arith.constant 0 : i32
    %c0_i32_0 = arith.constant 0 : i32
    return %arg0, %c0_i32 : i32, i32
  }
}

</mosaic_0001>

<sc_bundles>
// kernel: kernel.6.cloned.1.call-start
scs
__scs_entry_jumppad:
0x0: {  	(pc) =	sbr.rel $0x88, $3  }
0x1: {  	(tag) =	ssettag $0x0;
	lr =	simm.s32 $0x1  }
0x2: {  	[smem:$0x3F97] =	sst lr;
	_ =	strace $0xD0000000  }
0x3: {  	_ = 	snop  }
0x4: {  	_ = 	snop  }
0x5: {  	_ = 	snop  }
0x6: {  	_ = 	snop  }
0x7: {  	_ = 	snop  }
__scs_overlays_trampoline_lowered:
0x8: {  	[smem:$0x3FA6] =	sst s0  }
0x9: {  	[smem:$0x3FA7] =	sst s1  }
0xa: {  	[smem:$0x3FA8] =	sst s2  }
0xb: {  	[smem:$0x3FA9] =	sst s3  }
0xc: {  	[smem:$0x3FAA] =	sst s4  }
0xd: {  	[smem:$0x3FAB] =	sst s5  }
0xe: {  	[smem:$0x3FAC] =	sst s6  }
0xf: {  	[smem:$0x3FAD] =	sst s7  }
0x10: {  	[smem:$0x3FAE] =	sst s8  }
0x11: {  	[smem:$0x3FAF] =	sst s9;
	s0 =	simm.s32 @!p0 $0x0  }
0x12: {  	s1 =	sld [smem:$0x3F95];
	s0 =	simm.s32 @p0 $0x1  }
0x13: {  	[smem:$0x3FB0] =	sst s0;
	s0 =	simm.s32 @!p1 $0x0  }
0x14: {  	s2 =	sld [smem:$0x3F94];
	s0 =	simm.s32 @p1 $0x1  }
0x15: {  	[smem:$0x3FB1] =	sst s0;
	s0 =	simm.s32 @!p2 $0x0  }
0x16: {  	s3 =	sld [smem:$0x3FDB];
	s0 =	simm.s32 @p2 $0x1  }
0x17: {  	s4 =	simm.s32 $0x1BF5;
	[smem:$0x3FB3] =	sst s0  }
0x18: {  	s0 =	sld [smem:$0x3F96];
	_ =	swait.ge [sflag:s4], $0x0  }
0x19: {  	s7 =	sld [smem:$0x3F97]  }
0x1a: {  	s8 =	sadd.s32 $0xFFFFE003, lr  }
0x1b: {  	s9 =	sadd.s32 $0xFFFFFEF7, lr;
	s5 =	simm.s32 $0xFFFFFFFF;
	p2 =	slt.u32 s8, $0xFFFFF086  }
0x1c: {  	p1 =	slt.u32 s9, $0xF7A;
	s5 =	simm.s32 @!p2 $0x0  }
0x1d: {  	s5 =	simm.s32 @p1 $0x1;
	p0 =	seq.s32 s7, s2  }
0x1e: {  	s7 =	smul.u32 @!p0 $0xF7A, s2;
	p2 =	seq.s32 @!p0 s5, $0x0  }
0x1f: {  	s9 =	smul.u32 $0xF7A, s1;
	s8 =	simm.s32 @!p0 $0x1BF5;
	p2 =	por !p2, p0  }
0x20: {  	[sflag:s8] =	ssyncset.s32 @!p0 $0xFFFFF086;
	s6 =	sadd.s32 @!p0 s3, s7;
	s7 =	simm.s32 @!p0 $0x108  }
0x21: {  	s3 =	sadd.s32 s3, s9;
	s6 =	sadd.s32 @!p0 $0x88, s6;
	s7 =	simm.s32 @p2 $0x1082  }
0x22: {  	[simem:s7], [sflag:s8] =	dma.local @!p0 [hbm:s6], $0xF7A  }
0x23: {  	s9 =	sor.u32 $0xD0000000, s2;
	s6 =	simm.s32 $0x108;
	_ =	swait.ge @!p0 [sflag:s8], $0x0  }
0x24: {  	s3 =	sadd.s32 $0x88, s3;
	s6 =	simm.s32 @!p1 $0x1082;
	[sflag:s4] =	ssyncset.s32 $0xFFFFF086  }
0x25: {  	[simem:s6], [sflag:s4] =	dma.local [hbm:s3], $0xF7A  }
0x26: {  	[smem:$0x3F97] =	sst s1;
	(tag) =	ssettag s2;
	_ =	strace s9  }
0x27: {  	s1 =	sld [smem:$0x3FA7]  }
0x28: {  	s2 =	sld [smem:$0x3FA8]  }
0x29: {  	s4 =	sld [smem:$0x3FAA]  }
0x2a: {  	p0 =	seq.s32 s5, $0x0;
	s5 =	sld [smem:$0x3FAB]  }
0x2b: {  	s6 =	sld [smem:$0x3FAC]  }
0x2c: {  	s7 =	sld [smem:$0x3FAD]  }
0x2d: {  	s3 =	simm.s32 $0x108;
	s8 =	sld [smem:$0x3FAE]  }
0x2e: {  	s3 =	simm.s32 @!p0 $0x1082;
	s9 =	sld [smem:$0x3FAF]  }
0x2f: {  	lr =	sadd.s32 s0, s3;
	s0 =	sld [smem:$0x3FA6]  }
0x30: {  	s3 =	sld [smem:$0x3FA9]  }
0x31: {  	[smem:$0x3FB2] =	sst s10  }
0x32: {  	s10 =	sld [smem:$0x3FB0];
	_ =	sdelay $0x3  }
0x33: {  	p0 =	seq.s32 s10, $0x1;
	s10 =	sld [smem:$0x3FB2];
	_ =	sdelay $0x3  }
0x34: {  	[smem:$0x3FB2] =	sst s10  }
0x35: {  	s10 =	sld [smem:$0x3FB1];
	_ =	sdelay $0x3  }
0x36: {  	p1 =	seq.s32 s10, $0x1;
	s10 =	sld [smem:$0x3FB2];
	_ =	sdelay $0x3  }
0x37: {  	[smem:$0x3FB2] =	sst s10  }
0x38: {  	s10 =	sld [smem:$0x3FB3]  }
0x39: {  	_ = 	snop;
	(pc) =	sbr.ind lr, $3  }
0x3a: {  	_ = 	snop  }
0x3b: {  	_ = 	snop  }
0x3c: {  	p2 =	seq.s32 s10, $0x1;
	s10 =	sld [smem:$0x3FB2]  }
0x3d: {  	_ =	shalt  }
0x3e: {  	_ =	shalt  }
0x3f: {  	_ =	shalt  }
0x40: {  	_ =	shalt  }
0x41: {  	_ =	shalt  }
0x42: {  	_ =	shalt  }
0x43: {  	_ =	shalt  }
0x44: {  	_ =	shalt  }
0x45: {  	_ =	shalt  }
0x46: {  	_ =	shalt  }
0x47: {  	_ =	shalt  }
0x48: {  	_ =	shalt  }
0x49: {  	_ =	shalt  }
0x4a: {  	_ =	shalt  }
0x4b: {  	_ =	shalt  }
0x4c: {  	_ =	shalt  }
0x4d: {  	_ =	shalt  }
0x4e: {  	_ =	shalt  }
0x4f: {  	_ =	shalt  }
0x50: {  	_ =	shalt  }
0x51: {  	_ =	shalt  }
0x52: {  	_ =	shalt  }
0x53: {  	_ =	shalt  }
0x54: {  	_ =	shalt  }
0x55: {  	_ =	shalt  }
0x56: {  	_ =	shalt  }
0x57: {  	_ =	shalt  }
0x58: {  	_ =	shalt  }
0x59: {  	_ =	shalt  }
0x5a: {  	_ =	shalt  }
0x5b: {  	_ =	shalt  }
0x5c: {  	_ =	shalt  }
0x5d: {  	_ =	shalt  }
0x5e: {  	_ =	shalt  }
0x5f: {  	_ =	shalt  }
0x60: {  	_ =	shalt  }
0x61: {  	_ =	shalt  }
0x62: {  	_ =	shalt  }
0x63: {  	_ =	shalt  }
0x64: {  	_ =	shalt  }
0x65: {  	_ =	shalt  }
0x66: {  	_ =	shalt  }
0x67: {  	_ =	shalt  }
0x68: {  	_ =	shalt  }
0x69: {  	_ =	shalt  }
0x6a: {  	_ =	shalt  }
0x6b: {  	_ =	shalt  }
0x6c: {  	_ =	shalt  }
0x6d: {  	_ =	shalt  }
0x6e: {  	_ =	shalt  }
0x6f: {  	_ =	shalt  }
0x70: {  	_ =	shalt  }
0x71: {  	_ =	shalt  }
0x72: {  	_ =	shalt  }
0x73: {  	_ =	shalt  }
0x74: {  	_ =	shalt  }
0x75: {  	_ =	shalt  }
0x76: {  	_ =	shalt  }
0x77: {  	_ =	shalt  }
0x78: {  	_ =	shalt  }
0x79: {  	_ =	shalt  }
0x7a: {  	_ =	shalt  }
0x7b: {  	_ =	shalt  }
0x7c: {  	_ =	shalt  }
0x7d: {  	_ =	shalt  }
0x7e: {  	_ =	shalt  }
0x7f: {  	_ =	shalt  }
0x80: {  	_ =	shalt  }
0x81: {  	_ =	shalt  }
0x82: {  	_ =	shalt  }
0x83: {  	_ =	shalt  }
0x84: {  	_ =	shalt  }
0x85: {  	_ =	shalt  }
0x86: {  	_ =	shalt  }
0x87: {  	_ =	shalt  }
.Lfunc_end0:
.L_simem_size_0:
called_computation_lowered:
.L_overlay_start_0:
0x88: {  	s2 =	sld [smem:$0x3FD9]  }
0x89: {  	s3 =	sld [smem:$0x3FFE];
	_ =	sdelay $0x1  }
0x8a: {  	s1 =	srdreg.scid  }
0x8b: {  	s0 =	sand.u32 $0x1, s1  }
0x8c: {  	s17 =	sshll.u32 s0, $0xA;
	s2 =	sadd.s32 s3, s2  }
0x8d: {  	s2 =	sadd.s32 s2, s17  }
0x8e: {  	[smem:$0x3FBE] =	sst s2  }
0x8f: {  	_ = 	snop  }
0x90: {  	s2 =	sld [smem:$0x3FC2]  }
0x91: {  	s18 =	sld [smem:$0x3FD0];
	(tm) =	ssettm $0x1  }
0x92: {  	s4 =	sld [smem:$0x3FFB];
	_ =	sdelay $0x3  }
0x93: {  	_ =	strace s4  }
0x94: {  	s4 =	sld [smem:$0x3FFC];
	_ =	sdelay $0x3  }
0x95: {  	_ =	strace s4  }
0x96: {  	s4 =	sld [smem:$0x3FFD];
	_ =	sdelay $0x3  }
0x97: {  	_ =	strace s4  }
0x98: {  	_ =	strace $0x8FFFFFFF  }
0x99: {  	s19 =	sld [smem:$0x3FDB];
	_ =	sdelay $0x1  }
0x9a: {  	s5 =	simm.s32 $_scs_section_size  }
0x9b: {  	s6 =	simm.s32 $_size__tile_overlayer_lowered;
	s7 =	simm.s32 $_tile_overlayer_lowered  }
0x9c: {  	s22 =	simm.s32 $0x1BFF;
	s21 =	sshll.u32 s7, $0x1;
	s4 =	sadd.s32 s5, s19  }
0x9d: {  	s8 =	simm.s32 $0x0;
	s20 =	sshll.u32 s6, $0x1;
	s6 =	sadd.s32 s21, s4  }
0x9e: {  	[timem:s8], [sflag:s22] =	dma.local [hbm:s6], s20  }
0x9f: {  	_ =	swait.ge [sflag:s22], s20  }
0xa0: {  	s5 =	ssub.s32 $0x0, s20;
	[sflag:s22] =	ssyncset.done $0x0  }
0xa1: {  	[sflag:s22] =	ssyncadd.s32 s5;
	_ =	sdelay $0x1  }
0xa2: {  	s23 =	simm.s32 $0x1B8B  }
0xa3: {  	_ =	swait.ge [sflag:s23], $0x1  }
0xa4: {  	[sflag:s23] =	ssyncset.done $0x0  }
0xa5: {  	s25 =	simm.s32 $0x1B8E;
	s24 =	sld [smem:$0x3FFE];
	[sflag:s23] =	ssyncadd.s32 $0xFFFFFFFF  }
0xa6: {  	s26 =	simm.s32 $execute0_lowered;
	[smem:$0x3FD2] =	sst s25  }
0xa7: {  	s6 =	sshll.u32 s26, $0x1;
	_ =	strace $0x80000046;
	[dreg:$0x1] =	wrdreg $0xFFFFFFFF  }
0xa8: {  	s28 =	simm.s32 $_size_execute0_lowered;
	s4 =	sadd.s32 s4, s6;
	[dreg:$0x0] =	wrdreg $0x0  }
0xa9: {  	s6 =	sshll.u32 s28, $0x1;
	[dreg:$0x2] =	wrdreg s4  }
0xaa: {  	[dreg:$0x3] =	wrdreg s6  }
0xab: {  	[dreg:$0x4] =	wrdreg $0xC0  }
0xac: {  	_ =	task [dreg:s8], $0x5FFFF  }
0xad: {  	[dreg:$0x1] =	wrdreg $0xFFFFFFFF  }
0xae: {  	[dreg:$0x0] =	wrdreg $0x60  }
0xaf: {  	[dreg:$0x2] =	wrdreg s18  }
0xb0: {  	[dreg:$0x3] =	wrdreg s24  }
0xb1: {  	[dreg:$0x4] =	wrdreg s2  }
0xb2: {  	[dreg:$0x5] =	wrdreg $0x7D000  }
0xb3: {  	[dreg:$0x6] =	wrdreg $0x9  }
0xb4: {  	_ =	task.clear_ibuf [dreg:s8], $0x7FFFF;
	_ =	strace $0x90000046  }
0xb5: {  	s29 =	simm.s32 $0x9;
	_ =	strace $0x80000048  }
0xb6: {  	_ =	swait.ge [sflag:s29], $0x1  }
0xb7: {  	[sflag:s29] =	ssyncadd.s32 $0xFFFFFFFF  }
0xb8: {  	_ =	strace $0x90000048  }
0xb9: {  	_ =	sfence  }
0xba: {  	s30 =	sld [smem:$0x0];
	_ =	sdelay $0x2  }
0xbb: {  	s31 =	sshll.u32 s1, $0xD;
	s1 =	sshrl.u32 s1, $0x2  }
0xbc: {  	s3 =	sand.u32 $0x4000, s31;
	s1 =	sadd.s32 s1, s30  }
0xbd: {  	s0 =	sor.u32 s3, s0;
	s1 =	sshll.u32 s1, $0x11  }
0xbe: {  	s0 =	sor.u32 s1, s0  }
0xbf: {  	s0 =	sadd.s32 $0x8F2B, s0  }
0xc0: {  	[sflag:s0] =	ssyncadd.remote.s32 $0x1  }
0xc1: {  	_ =	sfence.sel $0xFFFF  }
0xc2: {  	[dreg:$0x0] =	wrdreg $0xFFFFFFFF;
	(pc) =	sbr.abs _section_cstart, $3  }
0xc3: {  	[dreg:$0x1] =	wrdreg $0xFFFFFFFF  }
0xc4: {  	_ =	task.clear_ibuf [dreg:s8], $0x2FFFF;
	_ =	strace $0x9FFFFFFF  }
0xc5: {  	(tm) =	ssettm $0x7FFFFFFF  }
tec
execute0_lowered:
.L_overlay_start_1:
0x0: {  	(tag) =	ssettag $0x1  }
0x1: {  	v0 =	vlaneseq.u32  }
0x2: {  	v32 =	vmul.u32 $0x80, v0;
	_ =	sdelay $0x1  }
0x3: {  	v0 =	vor.u32 $0x1, v32  }
0x4: {  	[tilespmem:$0x1FD80] =	vst v0;
	v0 =	vor.u32 $0x2, v32  }
0x5: {  	s1 =	rddreg [dreg:$0x0];
	[tilespmem:$0x1FD90] =	vst v0;
	v0 =	vor.u32 $0x3, v32  }
0x6: {  	s10 =	rddreg [dreg:$0x1];
	[tilespmem:$0x1FDA0] =	vst v0;
	v0 =	vor.u32 $0x4, v32  }
0x7: {  	s2 =	rddreg [dreg:$0x2];
	[tilespmem:$0x1FDB0] =	vst v0;
	v0 =	vor.u32 $0x5, v32  }
0x8: {  	s3 =	rddreg [dreg:$0x3];
	s4 =	simm.s32 $0x0;
	[tilespmem:$0x1FDC0] =	vst v0;
	v0 =	vor.u32 $0x6, v32  }
0x9: {  	[smem:$0x7FF] =	sst s4;
	[tilespmem:$0x1FDD0] =	vst v0;
	v0 =	vor.u32 $0x7, v32  }
0xa: {  	s0 =	rddreg [dreg:$0x4];
	v1 =	vor.u32 $0x1000, v32;
	_ =	strace $0x80000047;
	[tilespmem:$0x1FDE0] =	vst v0  }
0xb: {  	v43 =	vor.u32 $0x1800, v32;
	[tilespmem:$0x1FFB0] =	vst v1  }
0xc: {  	v2 =	vor.u32 $0x2000, v32;
	[tilespmem:$0x1FFC0] =	vst v43  }
0xd: {  	[tilespmem:$0x1FFD0] =	vst v2  }
0xe: {  	v6 =	vor.u32 $0x800, v32;
	[tilespmem:$0x1FFE0] =	vst v32  }
0xf: {  	v0 =	vor.u32 $0x801, v32;
	[tilespmem:$0x1FFF0] =	vst v6  }
0x10: {  	[tilespmem:$0x1FDF0] =	vst v0;
	v0 =	vor.u32 $0x802, v32  }
0x11: {  	[tilespmem:$0x1FE00] =	vst v0;
	v0 =	vor.u32 $0x803, v32  }
0x12: {  	[tilespmem:$0x1FE10] =	vst v0;
	v0 =	vor.u32 $0x804, v32  }
0x13: {  	[tilespmem:$0x1FE20] =	vst v0;
	v0 =	vor.u32 $0x805, v32  }
0x14: {  	[tilespmem:$0x1FE30] =	vst v0;
	v0 =	vor.u32 $0x806, v32  }
0x15: {  	[tilespmem:$0x1FE40] =	vst v0;
	v0 =	vor.u32 $0x807, v32  }
0x16: {  	[tilespmem:$0x1FE50] =	vst v0;
	v0 =	vor.u32 $0x1001, v32  }
0x17: {  	[tilespmem:$0x1FE60] =	vst v0;
	v0 =	vor.u32 $0x1002, v32  }
0x18: {  	[tilespmem:$0x1FE70] =	vst v0;
	v0 =	vor.u32 $0x1003, v32  }
0x19: {  	[tilespmem:$0x1FE80] =	vst v0;
	v0 =	vor.u32 $0x1004, v32  }
0x1a: {  	[tilespmem:$0x1FE90] =	vst v0;
	v0 =	vor.u32 $0x1005, v32  }
0x1b: {  	[tilespmem:$0x1FEA0] =	vst v0;
	v0 =	vor.u32 $0x1006, v32  }
0x1c: {  	[tilespmem:$0x1FEB0] =	vst v0;
	v0 =	vor.u32 $0x1007, v32  }
0x1d: {  	[tilespmem:$0x1FEC0] =	vst v0;
	v0 =	vor.u32 $0x1801, v32  }
0x1e: {  	[tilespmem:$0x1FED0] =	vst v0;
	v0 =	vor.u32 $0x1802, v32  }
0x1f: {  	[tilespmem:$0x1FEE0] =	vst v0;
	v0 =	vor.u32 $0x1803, v32  }
0x20: {  	s5 =	srdreg.scid;
	s16 =	simm.s32 $0x7900;
	[tilespmem:$0x1FEF0] =	vst v0;
	v0 =	vor.u32 $0x1804, v32  }
0x21: {  	s17 =	simm.s32 $0x80;
	s18 =	simm.s32 $0x100;
	s19 =	simm.s32 $0x50;
	[tilespmem:$0x1FF00] =	vst v0;
	v0 =	vor.u32 $0x1805, v32  }
0x22: {  	s20 =	simm.s32 $0x2900;
	s21 =	simm.s32 $0x1;
	s22 =	simm.s32 $0x5100;
	[tilespmem:$0x1FF10] =	vst v0;
	v0 =	vor.u32 $0x1806, v32  }
0x23: {  	s23 =	simm.s32 $0x0;
	s11 =	sand.u32 $0x1, s5;
	s5 =	stileid.u32;
	[tilespmem:$0x1FF20] =	vst v0;
	v0 =	vor.u32 $0x1807, v32  }
0x24: {  	s6 =	sadd.s32 $0x9D9000, s10;
	s7 =	sadd.s32 $0xB200, s10;
	s12 =	smul.u32 $0x140000, s11;
	[tilespmem:$0x1FF30] =	vst v0;
	v0 =	vor.u32 $0x2001, v32  }
0x25: {  	s8 =	sadd.s32 $0x1400, s10;
	s9 =	sadd.s32 $0x15000, s10;
	s13 =	smul.u32 $0x14000, s5;
	[tilespmem:$0x1FF40] =	vst v0;
	v0 =	vor.u32 $0x2002, v32  }
0x26: {  	s28 =	ssub.s32 $0x2, s11;
	s15 =	smul.u32 $0x50000, s5;
	s29 =	sshll.u32 s5, $0x1;
	[tilespmem:$0x1FF50] =	vst v0;
	v0 =	vor.u32 $0x2003, v32  }
0x27: {  	s31 =	sshll.u32 s5, $0x6;
	s14 =	sshrl.u32 s28, $0x1;
	s11 =	sor.u32 s11, s29;
	[tilespmem:$0x1FF60] =	vst v0;
	v0 =	vor.u32 $0x2004, v32  }
0x28: {  	s12 =	sadd.s32 s13, s12;
	s13 =	ssub.s32 s28, s14;
	s30 =	sshrl.u32 s15, $0x2;
	[tilespmem:$0x1FF70] =	vst v0;
	v0 =	vor.u32 $0x2005, v32  }
0x29: {  	s11 =	smul.u32 $0x2710, s11;
	s12 =	sshrl.u32 s12, $0x3;
	s15 =	sadd.s32 s30, s3;
	[tilespmem:$0x1FF80] =	vst v0;
	v0 =	vor.u32 $0x2006, v32  }
0x2a: {  	s13 =	smax.u32 s13, $0x1;
	s12 =	sadd.s32 s12, s10;
	s10 =	sor.u32 $0x1C02, s31;
	[tilespmem:$0x1FF90] =	vst v0;
	v0 =	vor.u32 $0x2007, v32  }
0x2b: {  	s14 =	sshrl.u32 s15, $0x3;
	s15 =	simm.s32 $0x2;
	s12 =	sadd.s32 $0x17800, s12;
	[tilespmem:$0x1FFA0] =	vst v0  }
.LBB2_1:
0x2c: {  	[spmem:s14], [sflag:s10] =	dma.local [hbm:s9], $0x2800  }
0x2d: {  	_ =	swait.ge [sflag:s15], $0x2800  }
0x2e: {  	[sflag:s15] =	ssyncset.done $0x0  }
0x2f: {  	[sflag:s15] =	ssyncadd.s32 $0xFFFFD800  }
0x30: {  	[tilespmem:s16], [sflag:$0x2] =	stream.linear.gather [hbm4b:s2+s4], $0x400, $0x38;
	[tilespmem:$0x1BD00] =	vst v63  }
0x31: {  	_ =	swait.ge [sflag:s15], $0x400  }
0x32: {  	[sflag:s15] =	ssyncset.done $0x0  }
0x33: {  	[sflag:s15] =	ssyncadd.s32 $0xFFFFFC00  }
0x34: {  	s24 =	simm.s32 $0x0;
	[bflag:$0x0] =	sbarrier.arrive $0xFFFF  }
.LBB2_2:
0x35: {  	s25 =	smul.u32 $0x50, s24;
	_ =	sdelay $0x1  }
0x36: {  	s25 =	sadd.s32 s11, s25  }
0x37: {  	s26 =	sshrl.u32 s25, $0x3  }
0x38: {  	s28 =	sadd.s32 s7, s26  }
0x39: {  	[tilespmem:s4], [sflag:$0x2] =	stream.linear.gather [hbm4b:s28+s4], $0x50, $0x38;
	[tilespmem:$0x1BD00] =	vst v63  }
0x3a: {  	_ =	swait.ge [sflag:s15], $0x50  }
0x3b: {  	[sflag:s15] =	ssyncset.done $0x0  }
0x3c: {  	s26 =	sadd.s32 s8, s26;
	[sflag:s15] =	ssyncadd.s32 $0xFFFFFFB0  }
0x3d: {  	[tilespmem:s17], [sflag:$0x2] =	stream.linear.gather [hbm4b:s26+s4], $0x50, $0x38;
	[tilespmem:$0x1BD00] =	vst v63  }
0x3e: {  	_ =	swait.ge [sflag:s15], $0x50  }
0x3f: {  	s25 =	sshll.u32 s25, $0x4;
	[sflag:s15] =	ssyncset.done $0x0  }
0x40: {  	s25 =	sadd.s32 s6, s25;
	[sflag:s15] =	ssyncadd.s32 $0xFFFFFFB0  }
0x41: {  	[tilespmem:s18], [sflag:$0x2] =	stream.linear.gather [hbm4b:s25+s4], $0x2800, $0x38;
	[tilespmem:$0x1BD00] =	vst v63  }
0x42: {  	_ =	swait.ge [sflag:s15], $0x2800  }
0x43: {  	[sflag:s15] =	ssyncset.done $0x0  }
0x44: {  	[sflag:s15] =	ssyncadd.s32 $0xFFFFD800  }
0x45: {  	[tilespmem:s20], [sflag:$0x1] =	stream.indirect.gather [hbm4b:s1+s19], $0x80, s4, s19, $0xb8;
	[tilespmem:$0x1BD00] =	vst v63  }
0x46: {  	_ =	swait.ge [sflag:s21], $0x2800  }
0x47: {  	v23 =	vld [tilespmem:$0x1FD80]  }
0x48: {  	[sflag:s21] =	ssyncset.done $0x0  }
0x49: {  	[sflag:s21] =	ssyncadd.s32 $0xFFFFD800  }
0x4a: {  	v0 =	vld.idx.msk [tilespmem:v32+s18+$0x0], $0xffff;
	_ =	sdelay $0x1  }
0x4b: {  	v24 =	vld [tilespmem:$0x1FD90];
	_ =	sdelay $0x2  }
0x4c: {  	[tilespmem:$0x1FB00] =	vst v0;
	v0 =	vld.idx.msk [tilespmem:v23+s18+$0x0], $0xffff;
	_ =	sdelay $0x1  }
0x4d: {  	v25 =	vld [tilespmem:$0x1FDA0];
	_ =	sdelay $0x2  }
0x4e: {  	[tilespmem:$0x1FB10] =	vst v0;
	v0 =	vld.idx.msk [tilespmem:v24+s18+$0x0], $0xffff;
	_ =	sdelay $0x1  }
0x4f: {  	v26 =	vld [tilespmem:$0x1FDB0];
	_ =	sdelay $0x2  }
0x50: {  	[tilespmem:$0x1FB20] =	vst v0;
	v0 =	vld.idx.msk [tilespmem:v25+s18+$0x0], $0xffff;
	_ =	sdelay $0x1  }
0x51: {  	v27 =	vld [tilespmem:$0x1FDC0];
	_ =	sdelay $0x2  }
0x52: {  	[tilespmem:$0x1FB30] =	vst v0;
	v0 =	vld.idx.msk [tilespmem:v26+s18+$0x0], $0xffff;
	_ =	sdelay $0x1  }
0x53: {  	v28 =	vld [tilespmem:$0x1FDD0];
	_ =	sdelay $0x2  }
0x54: {  	[tilespmem:$0x1FB40] =	vst v0;
	v0 =	vld.idx.msk [tilespmem:v27+s18+$0x0], $0xffff;
	_ =	sdelay $0x1  }
0x55: {  	v29 =	vld [tilespmem:$0x1FDE0];
	_ =	sdelay $0x2  }
0x56: {  	[tilespmem:$0x1FB50] =	vst v0;
	v0 =	vld.idx.msk [tilespmem:v28+s18+$0x0], $0xffff;
	_ =	sdelay $0x1  }
0x57: {  	v31 =	vld [tilespmem:$0x1FDF0];
	_ =	sdelay $0x2  }
0x58: {  	[tilespmem:$0x1FB60] =	vst v0;
	v0 =	vld.idx.msk [tilespmem:v29+s18+$0x0], $0xffff;
	_ =	sdelay $0x1  }
0x59: {  	v33 =	vld [tilespmem:$0x1FE00];
	_ =	sdelay $0x2  }
0x5a: {  	[tilespmem:$0x1FB70] =	vst v0;
	v0 =	vld.idx.msk [tilespmem:v31+s18+$0x0], $0xffff;
	_ =	sdelay $0x1  }
0x5b: {  	v34 =	vld [tilespmem:$0x1FE10];
	_ =	sdelay $0x2  }
0x5c: {  	[tilespmem:$0x1FB90] =	vst v0;
	v0 =	vld.idx.msk [tilespmem:v33+s18+$0x0], $0xffff;
	_ =	sdelay $0x1  }
0x5d: {  	v35 =	vld [tilespmem:$0x1FE20];
	_ =	sdelay $0x2  }
0x5e: {  	[tilespmem:$0x1FBA0] =	vst v0;
	v0 =	vld.idx.msk [tilespmem:v34+s18+$0x0], $0xffff;
	_ =	sdelay $0x1  }
0x5f: {  	v36 =	vld [tilespmem:$0x1FE30];
	_ =	sdelay $0x2  }
0x60: {  	[tilespmem:$0x1FBB0] =	vst v0;
	v0 =	vld.idx.msk [tilespmem:v35+s18+$0x0], $0xffff;
	_ =	sdelay $0x1  }
0x61: {  	v37 =	vld [tilespmem:$0x1FE40];
	_ =	sdelay $0x2  }
0x62: {  	[tilespmem:$0x1FBC0] =	vst v0;
	v0 =	vld.idx.msk [tilespmem:v36+s18+$0x0], $0xffff;
	_ =	sdelay $0x1  }
0x63: {  	v38 =	vld [tilespmem:$0x1FE50];
	_ =	sdelay $0x2  }
0x64: {  	[tilespmem:$0x1FBD0] =	vst v0;
	v0 =	vld.idx.msk [tilespmem:v37+s18+$0x0], $0xffff;
	_ =	sdelay $0x1  }
0x65: {  	v40 =	vld [tilespmem:$0x1FE60];
	_ =	sdelay $0x2  }
0x66: {  	[tilespmem:$0x1FBE0] =	vst v0;
	v0 =	vld.idx.msk [tilespmem:v38+s18+$0x0], $0xffff;
	_ =	sdelay $0x1  }
0x67: {  	v41 =	vld [tilespmem:$0x1FE70];
	_ =	sdelay $0x2  }
0x68: {  	[tilespmem:$0x1FBF0] =	vst v0;
	v0 =	vld.idx.msk [tilespmem:v40+s18+$0x0], $0xffff;
	_ =	sdelay $0x1  }
0x69: {  	v42 =	vld [tilespmem:$0x1FE80];
	_ =	sdelay $0x2  }
0x6a: {  	[tilespmem:$0x1FC10] =	vst v0;
	v0 =	vld.idx.msk [tilespmem:v41+s18+$0x0], $0xffff;
	_ =	sdelay $0x1  }
0x6b: {  	v44 =	vld [tilespmem:$0x1FE90];
	_ =	sdelay $0x2  }
0x6c: {  	[tilespmem:$0x1FC20] =	vst v0;
	v0 =	vld.idx.msk [tilespmem:v42+s18+$0x0], $0xffff;
	_ =	sdelay $0x1  }
0x6d: {  	v45 =	vld [tilespmem:$0x1FEA0];
	_ =	sdelay $0x2  }
0x6e: {  	[tilespmem:$0x1FC30] =	vst v0;
	v0 =	vld.idx.msk [tilespmem:v44+s18+$0x0], $0xffff;
	_ =	sdelay $0x1  }
0x6f: {  	v46 =	vld [tilespmem:$0x1FEB0];
	_ =	sdelay $0x2  }
0x70: {  	[tilespmem:$0x1FC40] =	vst v0;
	v0 =	vld.idx.msk [tilespmem:v45+s18+$0x0], $0xffff;
	_ =	sdelay $0x1  }
0x71: {  	v47 =	vld [tilespmem:$0x1FEC0];
	_ =	sdelay $0x2  }
0x72: {  	[tilespmem:$0x1FC50] =	vst v0;
	v0 =	vld.idx.msk [tilespmem:v46+s18+$0x0], $0xffff;
	_ =	sdelay $0x1  }
0x73: {  	v49 =	vld [tilespmem:$0x1FED0];
	_ =	sdelay $0x2  }
0x74: {  	[tilespmem:$0x1FC60] =	vst v0;
	v0 =	vld.idx.msk [tilespmem:v47+s18+$0x0], $0xffff;
	_ =	sdelay $0x1  }
0x75: {  	v50 =	vld [tilespmem:$0x1FEE0];
	_ =	sdelay $0x2  }
0x76: {  	[tilespmem:$0x1FC70] =	vst v0;
	v0 =	vld.idx.msk [tilespmem:v49+s18+$0x0], $0xffff;
	_ =	sdelay $0x1  }
0x77: {  	v51 =	vld [tilespmem:$0x1FEF0];
	_ =	sdelay $0x2  }
0x78: {  	[tilespmem:$0x1FC90] =	vst v0;
	v0 =	vld.idx.msk [tilespmem:v50+s18+$0x0], $0xffff;
	_ =	sdelay $0x1  }
0x79: {  	v52 =	vld [tilespmem:$0x1FF00];
	_ =	sdelay $0x2  }
0x7a: {  	[tilespmem:$0x1FCA0] =	vst v0;
	v0 =	vld.idx.msk [tilespmem:v51+s18+$0x0], $0xffff;
	_ =	sdelay $0x1  }
0x7b: {  	v53 =	vld [tilespmem:$0x1FF10];
	_ =	sdelay $0x2  }
0x7c: {  	[tilespmem:$0x1FCB0] =	vst v0;
	v0 =	vld.idx.msk [tilespmem:v52+s18+$0x0], $0xffff;
	_ =	sdelay $0x1  }
0x7d: {  	v54 =	vld [tilespmem:$0x1FF20];
	_ =	sdelay $0x2  }
0x7e: {  	[tilespmem:$0x1FCC0] =	vst v0;
	v0 =	vld.idx.msk [tilespmem:v53+s18+$0x0], $0xffff;
	_ =	sdelay $0x1  }
0x7f: {  	v55 =	vld [tilespmem:$0x1FF30];
	_ =	sdelay $0x2  }
0x80: {  	[tilespmem:$0x1FCD0] =	vst v0;
	v0 =	vld.idx.msk [tilespmem:v54+s18+$0x0], $0xffff;
	_ =	sdelay $0x1  }
0x81: {  	v57 =	vld [tilespmem:$0x1FF40];
	_ =	sdelay $0x2  }
0x82: {  	[tilespmem:$0x1FCE0] =	vst v0;
	v0 =	vld.idx.msk [tilespmem:v55+s18+$0x0], $0xffff;
	_ =	sdelay $0x1  }
0x83: {  	v58 =	vld [tilespmem:$0x1FF50];
	_ =	sdelay $0x2  }
0x84: {  	[tilespmem:$0x1FCF0] =	vst v0;
	v0 =	vld.idx.msk [tilespmem:v57+s18+$0x0], $0xffff;
	_ =	sdelay $0x1  }
0x85: {  	v59 =	vld [tilespmem:$0x1FF60];
	_ =	sdelay $0x2  }
0x86: {  	[tilespmem:$0x1FD10] =	vst v0;
	v0 =	vld.idx.msk [tilespmem:v58+s18+$0x0], $0xffff;
	_ =	sdelay $0x1  }
0x87: {  	v60 =	vld [tilespmem:$0x1FF70];
	_ =	sdelay $0x2  }
0x88: {  	[tilespmem:$0x1FD20] =	vst v0;
	v0 =	vld.idx.msk [tilespmem:v59+s18+$0x0], $0xffff;
	_ =	sdelay $0x1  }
0x89: {  	v61 =	vld [tilespmem:$0x1FF80];
	_ =	sdelay $0x2  }
0x8a: {  	[tilespmem:$0x1FD30] =	vst v0;
	v0 =	vld.idx.msk [tilespmem:v60+s18+$0x0], $0xffff;
	_ =	sdelay $0x1  }
0x8b: {  	v62 =	vld [tilespmem:$0x1FF90];
	_ =	sdelay $0x2  }
0x8c: {  	[tilespmem:$0x1FD40] =	vst v0;
	v0 =	vld.idx.msk [tilespmem:v61+s18+$0x0], $0xffff;
	_ =	sdelay $0x1  }
0x8d: {  	v63 =	vld [tilespmem:$0x1FFA0];
	_ =	sdelay $0x2  }
0x8e: {  	[tilespmem:$0x1FD50] =	vst v0;
	v0 =	vld.idx.msk [tilespmem:v62+s18+$0x0], $0xffff  }
0x8f: {  	v30 =	vld.idx.msk [tilespmem:v6+s18+$0x0], $0xffff  }
0x90: {  	v39 =	vld.idx.msk [tilespmem:v1+s18+$0x0], $0xffff  }
0x91: {  	v48 =	vld.idx.msk [tilespmem:v43+s18+$0x0], $0xffff  }
0x92: {  	v56 =	vld.idx.msk [tilespmem:v2+s18+$0x0], $0xffff  }
0x93: {  	[tilespmem:$0x1FD60] =	vst v0;
	v0 =	vld.idx.msk [tilespmem:v63+s18+$0x0], $0xffff  }
0x94: {  	[tilespmem:$0x1FB80] =	vst v30  }
0x95: {  	[tilespmem:$0x1FC00] =	vst v39  }
0x96: {  	[tilespmem:$0x1FC80] =	vst v48  }
0x97: {  	[tilespmem:$0x1FD00] =	vst v56  }
0x98: {  	s26 =	simm.s32 $0x7B00;
	s25 =	simm.s32 $0xF;
	[tilespmem:$0x1FD70] =	vst v0  }
.LBB2_3:
0x99: {  	v18 =	vld [tilespmem:s26+$0xFFFFFE00]  }
0x9a: {  	v14 =	vld [tilespmem:s26+$0xFFFFFE80]  }
0x9b: {  	v13 =	vld [tilespmem:s26+$0xFFFFFF00]  }
0x9c: {  	v5 =	vld [tilespmem:s26+$0xFFFFFF80]  }
0x9d: {  	v23 =	vld [tilespmem:s26+$0x0]  }
0x9e: {  	v58 =	vld [tilespmem:$0x1FB00]  }
0x9f: {  	v60 =	vld [tilespmem:$0x1FB10]  }
0xa0: {  	v56 =	vld [tilespmem:s26+$0x80]  }
0xa1: {  	v54 =	vld [tilespmem:$0x1FB20]  }
0xa2: {  	v17 =	vld [tilespmem:s26+$0x100]  }
0xa3: {  	v48 =	vld [tilespmem:$0x1FB30]  }
0xa4: {  	v26 =	vld [tilespmem:s26+$0x180];
	v28 =	vbroadcast v18, $0x0;
	v29 =	vbroadcast v14, $0x0  }
0xa5: {  	s28 =	sadd.s32 $0xFFFFFFF1, s25;
	v27 =	vld [tilespmem:$0x1FB40];
	v30 =	vbroadcast v13, $0x0  }
0xa6: {  	v52 =	vld [tilespmem:$0x1FB50];
	v31 =	vmov s28;
	v21 =	vmul.f32 v28, v58;
	v22 =	vmul.f32 v29, v60  }
0xa7: {  	v47 =	vld [tilespmem:$0x1FB80];
	v31 =	vand.u32 $0x70, v31  }
0xa8: {  	v53 =	vld [tilespmem:$0x1FB90];
	v34 =	vbroadcast v5, $0x0;
	v33 =	vmul.f32 v30, v54;
	v22 =	vadd.f32 v22, v21  }
0xa9: {  	v51 =	vld [tilespmem:$0x1FB60];
	v31 =	vbroadcast v31, $0x0  }
0xaa: {  	v40 =	vld [tilespmem:$0x1FBA0];
	v36 =	vbroadcast v23, $0x0;
	v35 =	vmul.f32 v34, v48;
	v33 =	vadd.f32 v33, v22  }
0xab: {  	v44 =	vld [tilespmem:$0x1FB70];
	v37 =	vbroadcast v56, $0x0  }
0xac: {  	v61 =	vld [tilespmem:$0x1FBB0];
	v38 =	vor.u32 v32, v31;
	v20 =	vmul.f32 v36, v27;
	v33 =	vadd.f32 v35, v33  }
0xad: {  	v25 =	vld [tilespmem:$0x1FBC0]  }
0xae: {  	v45 =	vld [tilespmem:$0x1FC00];
	v39 =	vbroadcast v17, $0x0;
	v21 =	vmul.f32 v37, v52;
	v33 =	vadd.f32 v20, v33  }
0xaf: {  	v4 =	vld [tilespmem:$0x1FC10];
	v0 =	vmul.f32 v28, v47;
	v8 =	vmul.f32 v29, v53  }
0xb0: {  	v41 =	vld [tilespmem:$0x1FC20];
	v16 =	vbroadcast v26, $0x0;
	v22 =	vmul.f32 v39, v51;
	v33 =	vadd.f32 v21, v33  }
0xb1: {  	v0 =	vadd.f32 v8, v0;
	v8 =	vmul.f32 v30, v40;
	v24 =	vld.idx.msk [tilespmem:v38+s20+$0x0], $0xffff  }
0xb2: {  	v42 =	vmul.f32 v16, v44;
	v35 =	vor.u32 v6, v31;
	v6 =	vld [tilespmem:$0x1FBD0];
	v33 =	vadd.f32 v22, v33  }
0xb3: {  	v0 =	vadd.f32 v8, v0;
	v8 =	vmul.f32 v34, v61  }
0xb4: {  	v2 =	vld [tilespmem:$0x1FBE0];
	v43 =	vmul.f32 v28, v45;
	v46 =	vmul.f32 v29, v4;
	v33 =	vadd.f32 v42, v33  }
0xb5: {  	v63 =	vld [tilespmem:$0x1FBF0];
	v0 =	vadd.f32 v8, v0;
	v8 =	vmul.f32 v36, v25  }
0xb6: {  	v1 =	vld [tilespmem:$0x1FC40];
	v50 =	vmul.f32 v30, v41;
	v49 =	vadd.f32 v46, v43;
	v24 =	vmul.f32 v33, v24  }
0xb7: {  	v12 =	vld [tilespmem:$0x1FC80];
	v0 =	vadd.f32 v8, v0;
	v8 =	vmul.f32 v37, v6  }
0xb8: {  	[tilespmem:v38+s22+$0x0] =	vst.idx.msk $0xffff, v24;
	v24 =	vadd.f32 v50, v49;
	v49 =	vld [tilespmem:$0x1FC30]  }
0xb9: {  	v9 =	vld [tilespmem:$0x1FC90];
	v0 =	vadd.f32 v8, v0;
	v8 =	vmul.f32 v39, v2  }
0xba: {  	v55 =	vld.idx.msk [tilespmem:v35+s20+$0x0], $0xffff  }
0xbb: {  	v10 =	vld [tilespmem:$0x1FFB0];
	v0 =	vadd.f32 v8, v0;
	v8 =	vmul.f32 v16, v63  }
0xbc: {  	v7 =	vld [tilespmem:$0x1FC50]  }
0xbd: {  	v0 =	vadd.f32 v8, v0;
	v57 =	vmul.f32 v34, v49  }
0xbe: {  	v59 =	vmul.f32 v36, v1;
	v15 =	vmul.f32 v28, v12;
	v21 =	vld [tilespmem:$0x1FC60]  }
0xbf: {  	v19 =	vmul.f32 v29, v9;
	v0 =	vmul.f32 v0, v55;
	v55 =	vld [tilespmem:$0x1FCA0];
	v8 =	vadd.f32 v57, v24  }
0xc0: {  	v11 =	vld [tilespmem:$0x1FCC0];
	v32 =	vor.u32 v10, v31  }
0xc1: {  	v62 =	vmul.f32 v37, v7;
	v38 =	vadd.f32 v19, v15;
	v15 =	vld [tilespmem:$0x1FCB0];
	v8 =	vadd.f32 v59, v8  }
0xc2: {  	v12 =	vld [tilespmem:$0x1FC70]  }
0xc3: {  	v20 =	vld [tilespmem:$0x1FD00];
	v22 =	vmul.f32 v39, v21;
	v8 =	vadd.f32 v62, v8  }
0xc4: {  	v3 =	vld [tilespmem:$0x1FCE0];
	v42 =	vmul.f32 v30, v55  }
0xc5: {  	[tilespmem:v35+s22+$0x0] =	vst.idx.msk $0xffff, v0;
	v8 =	vadd.f32 v22, v8;
	v22 =	vld [tilespmem:$0x1FFC0]  }
0xc6: {  	v46 =	vmul.f32 v34, v15;
	v35 =	vld.idx.msk [tilespmem:v32+s20+$0x0], $0xffff;
	v0 =	vadd.f32 v42, v38  }
0xc7: {  	v43 =	vmul.f32 v16, v12;
	v62 =	vld [tilespmem:$0x1FCD0]  }
0xc8: {  	v28 =	vmul.f32 v28, v20;
	v20 =	vld [tilespmem:$0x1FFD0];
	v59 =	vmul.f32 v36, v11;
	v0 =	vadd.f32 v46, v0  }
0xc9: {  	v57 =	vld [tilespmem:$0x1FD30]  }
0xca: {  	v8 =	vadd.f32 v43, v8;
	v0 =	vadd.f32 v59, v0;
	v59 =	vld [tilespmem:$0x1FD10];
	v50 =	vor.u32 v22, v31  }
0xcb: {  	v42 =	vld [tilespmem:$0x1FCF0]  }
0xcc: {  	v19 =	vmul.f32 v37, v62;
	v62 =	vld [tilespmem:$0x1FD20];
	v8 =	vmul.f32 v35, v8  }
0xcd: {  	v46 =	vld [tilespmem:$0x1FD50]  }
0xce: {  	[tilespmem:v32+s22+$0x0] =	vst.idx.msk $0xffff, v8;
	v0 =	vadd.f32 v19, v0;
	v8 =	vmul.f32 v39, v3;
	v19 =	vld [tilespmem:$0x1FD40]  }
0xcf: {  	v29 =	vmul.f32 v29, v59;
	v32 =	vld.idx.msk [tilespmem:v50+s20+$0x0], $0xffff  }
0xd0: {  	v34 =	vmul.f32 v34, v57;
	v0 =	vadd.f32 v8, v0;
	v8 =	vmul.f32 v16, v42  }
0xd1: {  	v33 =	vmul.f32 v30, v62;
	v30 =	vbroadcast v18, $0x1;
	v28 =	vadd.f32 v29, v28  }
0xd2: {  	v0 =	vadd.f32 v8, v0;
	v8 =	vor.u32 v20, v31;
	v31 =	vbroadcast v14, $0x1  }
0xd3: {  	v35 =	vmul.f32 v36, v19;
	v36 =	vmul.f32 v37, v46;
	v28 =	vadd.f32 v33, v28  }
0xd4: {  	v0 =	vmul.f32 v32, v0;
	v32 =	vmul.f32 v30, v58;
	v58 =	vld [tilespmem:$0x1FD60]  }
0xd5: {  	v37 =	vmul.f32 v31, v60;
	v28 =	vadd.f32 v34, v28;
	v34 =	vbroadcast v13, $0x1;
	_ =	sdelay $0x1  }
0xd6: {  	v28 =	vadd.f32 v35, v28;
	v32 =	vadd.f32 v37, v32;
	v37 =	vmul.f32 v34, v54;
	v54 =	vld [tilespmem:$0x1FD70]  }
0xd7: {  	s30 =	sadd.s32 $0xFFFFFFF2, s25;
	v33 =	vbroadcast v23, $0x1  }
0xd8: {  	[tilespmem:v50+s22+$0x0] =	vst.idx.msk $0xffff, v0;
	v50 =	vmov s30;
	v38 =	vadd.f32 v36, v28;
	v43 =	vmul.f32 v39, v58  }
0xd9: {  	v35 =	vbroadcast v5, $0x1;
	v36 =	vld.idx.msk [tilespmem:v8+s20+$0x0], $0xffff;
	v39 =	vadd.f32 v37, v32;
	v32 =	vbroadcast v56, $0x1  }
0xda: {  	v0 =	vadd.f32 v43, v38;
	v38 =	vand.u32 $0x71, v50;
	v50 =	vmul.f32 v33, v27;
	v27 =	vmovc v56;
	v56 =	vld [tilespmem:$0x1FFE0]  }
0xdb: {  	v16 =	vmul.f32 v16, v54;
	v43 =	vmul.f32 v35, v48;
	_ =	sdelay $0x1  }
0xdc: {  	v0 =	vadd.f32 v16, v0;
	v16 =	vbroadcast v38, $0x0;
	v48 =	vadd.f32 v43, v39  }
0xdd: {  	v1 =	vmul.f32 v32, v52;
	v43 =	vmul.f32 v30, v47  }
0xde: {  	v0 =	vmul.f32 v36, v0;
	v24 =	vadd.f32 v50, v48;
	v29 =	vor.u32 v56, v16  }
0xdf: {  	v36 =	vbroadcast v17, $0x1;
	v50 =	vmul.f32 v31, v53  }
0xe0: {  	v56 =	vmul.f32 v34, v40;
	v24 =	vadd.f32 v1, v24  }
0xe1: {  	v48 =	vmov v52;
	v52 =	vmul.f32 v36, v51;
	[tilespmem:v8+s22+$0x0] =	vst.idx.msk $0xffff, v0;
	v8 =	vadd.f32 v50, v43  }
0xe2: {  	v0 =	vbroadcast v26, $0x1;
	v50 =	vmul.f32 v35, v61  }
0xe3: {  	v24 =	vadd.f32 v52, v24;
	v8 =	vadd.f32 v56, v8;
	v52 =	vmul.f32 v33, v25;
	v1 =	vld.idx.msk [tilespmem:v29+s20+$0x0], $0xffff  }
0xe4: {  	v43 =	vmul.f32 v0, v44;
	v56 =	vld [tilespmem:$0x1FFF0]  }
0xe5: {  	v8 =	vadd.f32 v50, v8  }
0xe6: {  	v24 =	vadd.f32 v43, v24  }
0xe7: {  	v50 =	vmul.f32 v31, v4;
	v8 =	vadd.f32 v52, v8;
	v52 =	vmovc v45;
	v45 =	vmul.f32 v30, v45  }
0xe8: {  	v24 =	vmul.f32 v1, v24;
	v1 =	vmul.f32 v32, v6  }
0xe9: {  	v37 =	vor.u32 v56, v16;
	v56 =	vmul.f32 v36, v2  }
0xea: {  	v2 =	vmul.f32 v34, v41;
	v8 =	vadd.f32 v1, v8;
	v1 =	vadd.f32 v50, v45;
	_ =	sdelay $0x1  }
0xeb: {  	[tilespmem:v29+s22+$0x0] =	vst.idx.msk $0xffff, v24;
	v24 =	vadd.f32 v2, v1;
	v2 =	vld [tilespmem:$0x1FC40];
	_ =	sdelay $0x2  }
0xec: {  	v45 =	vmov v41;
	v41 =	vmul.f32 v35, v49  }
0xed: {  	v39 =	vmul.f32 v0, v63;
	v29 =	vor.u32 v10, v16;
	v38 =	vld.idx.msk [tilespmem:v37+s20+$0x0], $0xffff  }
0xee: {  	v8 =	vadd.f32 v56, v8;
	v56 =	vmovc v10;
	v10 =	vld [tilespmem:$0x1FC80];
	v24 =	vadd.f32 v41, v24;
	v50 =	vmul.f32 v33, v2  }
0xef: {  	v43 =	vmov v4  }
0xf0: {  	v4 =	vmovc v63;
	v63 =	vmul.f32 v32, v7;
	v8 =	vadd.f32 v39, v8;
	v24 =	vadd.f32 v50, v24  }
0xf1: {  	v9 =	vmul.f32 v31, v9;
	v41 =	vmul.f32 v0, v12  }
0xf2: {  	v8 =	vmul.f32 v38, v8;
	v50 =	vmul.f32 v36, v21;
	v24 =	vadd.f32 v63, v24  }
0xf3: {  	v1 =	vmul.f32 v30, v10  }
0xf4: {  	[tilespmem:v37+s22+$0x0] =	vst.idx.msk $0xffff, v8;
	v24 =	vadd.f32 v50, v24  }
0xf5: {  	v8 =	vadd.f32 v9, v1;
	v1 =	vld.idx.msk [tilespmem:v29+s20+$0x0], $0xffff;
	v63 =	vmul.f32 v34, v55  }
0xf6: {  	v9 =	vmovc v55;
	v55 =	vmul.f32 v33, v11;
	v24 =	vadd.f32 v41, v24;
	v41 =	vmov v11;
	v11 =	vld [tilespmem:$0x1FCD0]  }
0xf7: {  	v12 =	vld [tilespmem:$0x1FD00];
	v8 =	vadd.f32 v63, v8;
	v50 =	vmul.f32 v35, v15;
	_ =	sdelay $0x1  }
0xf8: {  	v28 =	vor.u32 v22, v16;
	v8 =	vadd.f32 v50, v8;
	_ =	sdelay $0x1  }
0xf9: {  	v24 =	vmul.f32 v1, v24;
	v8 =	vadd.f32 v55, v8;
	v1 =	vmul.f32 v32, v11  }
0xfa: {  	v31 =	vmul.f32 v31, v59;
	v30 =	vmul.f32 v30, v12  }
0xfb: {  	v63 =	vmov v22;
	v22 =	vmul.f32 v36, v3;
	[tilespmem:v29+s22+$0x0] =	vst.idx.msk $0xffff, v24;
	v8 =	vadd.f32 v1, v8  }
0xfc: {  	v37 =	vmul.f32 v0, v42;
	v29 =	vld.idx.msk [tilespmem:v28+s20+$0x0], $0xffff  }
0xfd: {  	v30 =	vadd.f32 v31, v30;
	v34 =	vmul.f32 v34, v62;
	v55 =	vmovc v59;
	v59 =	vld [tilespmem:$0x1FB00];
	v8 =	vadd.f32 v22, v8;
	_ =	sdelay $0x1  }
0xfe: {  	v38 =	vmul.f32 v35, v57;
	v30 =	vadd.f32 v34, v30;
	v8 =	vadd.f32 v37, v8  }
0xff: {  	v31 =	vbroadcast v18, $0x2  }
0x100: {  	v39 =	vadd.f32 v38, v30;
	v8 =	vmul.f32 v29, v8;
	v29 =	vbroadcast v14, $0x2  }
0x101: {  	[tilespmem:$0x1FAD0] =	vst v14;
	v22 =	vmovc v42;
	v1 =	vmov v57;
	v42 =	vmul.f32 v33, v19;
	v57 =	vmul.f32 v31, v59  }
0x102: {  	v7 =	vmovc v58;
	v16 =	vor.u32 v20, v16;
	v14 =	vmul.f32 v36, v58;
	v58 =	vld [tilespmem:$0x1FB20];
	v3 =	vmul.f32 v29, v60  }
0x103: {  	v24 =	vadd.f32 v42, v39;
	v42 =	vld [tilespmem:$0x1FB40]  }
0x104: {  	v50 =	vmul.f32 v32, v46;
	v32 =	vadd.f32 v3, v57;
	v57 =	vld [tilespmem:$0x1FB30]  }
0x105: {  	v34 =	vbroadcast v13, $0x2  }
0x106: {  	s31 =	sadd.s32 $0xFFFFFFF3, s25;
	v35 =	vbroadcast v5, $0x2;
	[tilespmem:v28+s22+$0x0] =	vst.idx.msk $0xffff, v8;
	v8 =	vadd.f32 v50, v24;
	v50 =	vld [tilespmem:$0x1FFE0]  }
0x107: {  	[tilespmem:$0x1FAF0] =	vst v18;
	v18 =	vmov s31;
	v33 =	vbroadcast v23, $0x2;
	v19 =	vld.idx.msk [tilespmem:v16+s20+$0x0], $0xffff;
	v20 =	vmul.f32 v34, v58  }
0x108: {  	v0 =	vmul.f32 v0, v54;
	v36 =	vand.u32 $0x72, v18;
	v8 =	vadd.f32 v14, v8  }
0x109: {  	v46 =	vmul.f32 v33, v42;
	v37 =	vadd.f32 v20, v32;
	v38 =	vmul.f32 v35, v57  }
0x10a: {  	[tilespmem:$0x1FAC0] =	vst v13;
	v13 =	vmul.f32 v31, v47;
	v0 =	vadd.f32 v0, v8;
	v8 =	vbroadcast v36, $0x0  }
0x10b: {  	v32 =	vbroadcast v27, $0x2;
	v20 =	vmul.f32 v29, v53;
	v39 =	vadd.f32 v38, v37  }
0x10c: {  	v0 =	vmul.f32 v19, v0;
	v30 =	vor.u32 v50, v8;
	v50 =	vmul.f32 v34, v40  }
0x10d: {  	v3 =	vmul.f32 v32, v48;
	v24 =	vadd.f32 v46, v39;
	v46 =	vmovc v48;
	v48 =	vadd.f32 v20, v13  }
0x10e: {  	v36 =	vbroadcast v17, $0x2  }
0x10f: {  	[tilespmem:v16+s22+$0x0] =	vst.idx.msk $0xffff, v0;
	v0 =	vbroadcast v26, $0x2;
	v16 =	vadd.f32 v50, v48;
	v48 =	vld [tilespmem:$0x1FFF0]  }
0x110: {  	v47 =	vmul.f32 v36, v51;
	v24 =	vadd.f32 v3, v24  }
0x111: {  	v18 =	vmovc v40;
	v40 =	vmul.f32 v0, v44;
	v13 =	vmov v44;
	v44 =	vmul.f32 v35, v61;
	v3 =	vld.idx.msk [tilespmem:v30+s20+$0x0], $0xffff  }
0x112: {  	[tilespmem:$0x1FAA0] =	vst v27;
	v14 =	vmov v27;
	v27 =	vld [tilespmem:$0x1FBE0];
	v24 =	vadd.f32 v47, v24  }
0x113: {  	v20 =	vmov v61;
	v61 =	vmul.f32 v31, v52;
	v16 =	vadd.f32 v44, v16  }
0x114: {  	v47 =	vmul.f32 v33, v25;
	v24 =	vadd.f32 v40, v24;
	v37 =	vor.u32 v48, v8  }
0x115: {  	v50 =	vmul.f32 v32, v6;
	v44 =	vmul.f32 v34, v45  }
0x116: {  	v16 =	vadd.f32 v47, v16;
	v24 =	vmul.f32 v3, v24;
	v3 =	vmul.f32 v29, v43  }
0x117: {  	v40 =	vmul.f32 v36, v27;
	v48 =	vmul.f32 v0, v4;
	v4 =	vld [tilespmem:$0x1FC90]  }
0x118: {  	v16 =	vadd.f32 v50, v16;
	[tilespmem:v30+s22+$0x0] =	vst.idx.msk $0xffff, v24;
	v43 =	vadd.f32 v3, v61;
	v3 =	vld [tilespmem:$0x1FC50]  }
0x119: {  	v47 =	vld.idx.msk [tilespmem:v37+s20+$0x0], $0xffff  }
0x11a: {  	v50 =	vmul.f32 v35, v49;
	v16 =	vadd.f32 v40, v16;
	v24 =	vadd.f32 v44, v43  }
0x11b: {  	v52 =	vmul.f32 v33, v2;
	v2 =	vmul.f32 v31, v10  }
0x11c: {  	v30 =	vor.u32 v56, v8;
	v16 =	vadd.f32 v48, v16;
	v24 =	vadd.f32 v50, v24  }
0x11d: {  	v19 =	vmul.f32 v29, v4;
	v43 =	vmul.f32 v34, v9;
	v9 =	vld [tilespmem:$0x1FC70]  }
0x11e: {  	v61 =	vmul.f32 v32, v3;
	v24 =	vadd.f32 v52, v24;
	v16 =	vmul.f32 v47, v16  }
0x11f: {  	[tilespmem:$0x1FA90] =	vst v23;
	v23 =	vmov v17;
	v17 =	vmov v26;
	v26 =	vmul.f32 v36, v21  }
0x120: {  	v40 =	vadd.f32 v19, v2;
	v24 =	vadd.f32 v61, v24;
	[tilespmem:v37+s22+$0x0] =	vst.idx.msk $0xffff, v16  }
0x121: {  	v52 =	vmul.f32 v35, v15;
	v44 =	vld.idx.msk [tilespmem:v30+s20+$0x0], $0xffff  }
0x122: {  	v47 =	vmul.f32 v0, v9;
	v16 =	vadd.f32 v43, v40;
	v24 =	vadd.f32 v26, v24  }
0x123: {  	v28 =	vor.u32 v63, v8;
	v48 =	vld [tilespmem:$0x1FCE0]  }
0x124: {  	v61 =	vmul.f32 v33, v41;
	v16 =	vadd.f32 v52, v16;
	v24 =	vadd.f32 v47, v24;
	_ =	sdelay $0x1  }
0x125: {  	v2 =	vmul.f32 v32, v11;
	v16 =	vadd.f32 v61, v16;
	v24 =	vmul.f32 v44, v24  }
0x126: {  	v43 =	vld [tilespmem:$0x1FAF0]  }
0x127: {  	v19 =	vmul.f32 v36, v48;
	v40 =	vld [tilespmem:$0x1FAD0];
	v16 =	vadd.f32 v2, v16;
	[tilespmem:v30+s22+$0x0] =	vst.idx.msk $0xffff, v24  }
0x128: {  	v30 =	vld.idx.msk [tilespmem:v28+s20+$0x0], $0xffff  }
0x129: {  	v10 =	vmovc v21;
	v21 =	vmul.f32 v34, v62;
	v34 =	vmul.f32 v0, v22;
	v16 =	vadd.f32 v19, v16  }
0x12a: {  	v31 =	vmul.f32 v31, v12;
	v29 =	vmul.f32 v29, v55  }
0x12b: {  	[tilespmem:$0x1FA80] =	vst v5;
	v5 =	vld [tilespmem:$0x1FD40];
	v16 =	vadd.f32 v34, v16  }
0x12c: {  	v29 =	vadd.f32 v29, v31;
	v61 =	vmov v12;
	v12 =	vld [tilespmem:$0x1FD50];
	v31 =	vbroadcast v43, $0x3  }
0x12d: {  	v44 =	vld [tilespmem:$0x1FAC0];
	v16 =	vmul.f32 v30, v16;
	v30 =	vbroadcast v40, $0x3  }
0x12e: {  	v35 =	vmul.f32 v35, v1;
	v26 =	vld [tilespmem:$0x1FA80]  }
0x12f: {  	v25 =	vmovc v6;
	v6 =	vmovc v41;
	v41 =	vmov v1;
	v52 =	vmul.f32 v31, v59;
	v19 =	vld [tilespmem:$0x1FFD0];
	v1 =	vmul.f32 v30, v60  }
0x130: {  	v29 =	vadd.f32 v21, v29  }
0x131: {  	v39 =	vmul.f32 v32, v12;
	v32 =	vadd.f32 v1, v52;
	v1 =	vld [tilespmem:$0x1FA90]  }
0x132: {  	v38 =	vmul.f32 v33, v5;
	v37 =	vadd.f32 v35, v29;
	v34 =	vbroadcast v44, $0x3  }
0x133: {  	v35 =	vbroadcast v26, $0x3  }
0x134: {  	v24 =	vadd.f32 v38, v37;
	v8 =	vor.u32 v19, v8;
	v37 =	vmul.f32 v34, v58  }
0x135: {  	v50 =	vmovc v15;
	v15 =	vmov v11;
	v11 =	vmul.f32 v36, v7;
	v47 =	vmul.f32 v35, v57  }
0x136: {  	v2 =	vadd.f32 v39, v24;
	v39 =	vadd.f32 v37, v32;
	v33 =	vbroadcast v1, $0x3  }
0x137: {  	v0 =	vmul.f32 v0, v54;
	[tilespmem:v28+s22+$0x0] =	vst.idx.msk $0xffff, v16  }
0x138: {  	v16 =	vadd.f32 v11, v2;
	v11 =	vld [tilespmem:$0x1FFE0];
	v52 =	vadd.f32 v47, v39;
	v54 =	vmul.f32 v33, v42  }
0x139: {  	v36 =	vld.idx.msk [tilespmem:v8+s20+$0x0], $0xffff  }
0x13a: {  	s29 =	sadd.s32 $0xFFFFFFF4, s25;
	v24 =	vadd.f32 v54, v52;
	v52 =	vld [tilespmem:$0x1FB80]  }
0x13b: {  	v21 =	vmov s29  }
0x13c: {  	v38 =	vand.u32 $0x73, v21;
	v0 =	vadd.f32 v0, v16  }
0x13d: {  	v16 =	vbroadcast v38, $0x0;
	v32 =	vbroadcast v14, $0x3  }
0x13e: {  	v0 =	vmul.f32 v36, v0;
	v36 =	vbroadcast v23, $0x3  }
0x13f: {  	v29 =	vor.u32 v11, v16;
	v47 =	vmovc v23;
	v23 =	vmul.f32 v30, v53;
	v21 =	vmul.f32 v31, v52  }
0x140: {  	v14 =	vmul.f32 v32, v46;
	v46 =	vmul.f32 v36, v51  }
0x141: {  	[tilespmem:v8+s22+$0x0] =	vst.idx.msk $0xffff, v0;
	v51 =	vmul.f32 v34, v18;
	v8 =	vadd.f32 v23, v21;
	_ =	sdelay $0x1  }
0x142: {  	v11 =	vld [tilespmem:$0x1FC10];
	v24 =	vadd.f32 v14, v24;
	v14 =	vmul.f32 v35, v20;
	v8 =	vadd.f32 v51, v8  }
0x143: {  	v54 =	vld.idx.msk [tilespmem:v29+s20+$0x0], $0xffff  }
0x144: {  	v0 =	vbroadcast v17, $0x3;
	v8 =	vadd.f32 v14, v8;
	v14 =	vld [tilespmem:$0x1FBC0]  }
0x145: {  	v24 =	vadd.f32 v46, v24;
	v46 =	vld [tilespmem:$0x1FC00]  }
0x146: {  	v2 =	vmul.f32 v0, v13  }
0x147: {  	v21 =	vld [tilespmem:$0x1FFF0]  }
0x148: {  	v24 =	vadd.f32 v2, v24  }
0x149: {  	v2 =	vmul.f32 v30, v11;
	v51 =	vmov v20;
	v20 =	vmul.f32 v33, v14  }
0x14a: {  	v24 =	vmul.f32 v54, v24;
	v54 =	vmul.f32 v31, v46  }
0x14b: {  	v23 =	vmul.f32 v32, v25;
	v8 =	vadd.f32 v20, v8  }
0x14c: {  	v37 =	vor.u32 v21, v16;
	v21 =	vmul.f32 v34, v45;
	v20 =	vadd.f32 v2, v54  }
0x14d: {  	v7 =	vmov v13;
	v13 =	vmul.f32 v36, v27;
	v8 =	vadd.f32 v23, v8  }
0x14e: {  	[tilespmem:v29+s22+$0x0] =	vst.idx.msk $0xffff, v24;
	v54 =	vmul.f32 v35, v49;
	v24 =	vadd.f32 v21, v20  }
0x14f: {  	v8 =	vadd.f32 v13, v8;
	v13 =	vld [tilespmem:$0x1FBF0]  }
0x150: {  	v24 =	vadd.f32 v54, v24;
	v54 =	vld [tilespmem:$0x1FC40];
	_ =	sdelay $0x1  }
0x151: {  	v49 =	vld [tilespmem:$0x1FC80]  }
0x152: {  	v23 =	vld.idx.msk [tilespmem:v37+s20+$0x0], $0xffff  }
0x153: {  	v39 =	vmul.f32 v0, v13  }
0x154: {  	v20 =	vld [tilespmem:$0x1FCA0];
	v2 =	vmul.f32 v33, v54  }
0x155: {  	v29 =	vor.u32 v56, v16;
	v8 =	vadd.f32 v39, v8  }
0x156: {  	v3 =	vmul.f32 v32, v3;
	v38 =	vmul.f32 v31, v49;
	v24 =	vadd.f32 v2, v24  }
0x157: {  	v2 =	vmul.f32 v30, v4;
	v8 =	vmul.f32 v23, v8  }
0x158: {  	v24 =	vadd.f32 v3, v24;
	v3 =	vmul.f32 v36, v10  }
0x159: {  	v23 =	vmul.f32 v34, v20;
	[tilespmem:v37+s22+$0x0] =	vst.idx.msk $0xffff, v8;
	v8 =	vadd.f32 v2, v38  }
0x15a: {  	v24 =	vadd.f32 v3, v24;
	v38 =	vld.idx.msk [tilespmem:v29+s20+$0x0], $0xffff  }
0x15b: {  	v2 =	vmul.f32 v0, v9;
	v3 =	vmul.f32 v35, v50;
	v8 =	vadd.f32 v23, v8  }
0x15c: {  	v28 =	vor.u32 v63, v16  }
0x15d: {  	v24 =	vadd.f32 v2, v24;
	v23 =	vmul.f32 v33, v6;
	v8 =	vadd.f32 v3, v8;
	_ =	sdelay $0x1  }
0x15e: {  	v27 =	vmul.f32 v32, v15;
	v24 =	vmul.f32 v38, v24;
	v8 =	vadd.f32 v23, v8;
	_ =	sdelay $0x1  }
0x15f: {  	v37 =	vmul.f32 v36, v48;
	[tilespmem:v29+s22+$0x0] =	vst.idx.msk $0xffff, v24;
	v8 =	vadd.f32 v27, v8  }
0x160: {  	v29 =	vld.idx.msk [tilespmem:v28+s20+$0x0], $0xffff  }
0x161: {  	v39 =	vmul.f32 v0, v22;
	v8 =	vadd.f32 v37, v8  }
0x162: {  	v31 =	vmul.f32 v31, v61;
	v30 =	vmul.f32 v30, v55  }
0x163: {  	v8 =	vadd.f32 v39, v8  }
0x164: {  	v30 =	vadd.f32 v30, v31;
	v31 =	vbroadcast v43, $0x4;
	v2 =	vmul.f32 v32, v12  }
0x165: {  	v8 =	vmul.f32 v29, v8;
	v29 =	vbroadcast v40, $0x4  }
0x166: {  	v3 =	vmul.f32 v31, v59;
	v38 =	vmul.f32 v34, v62  }
0x167: {  	v34 =	vbroadcast v44, $0x4;
	v27 =	vmov v12;
	v12 =	vmul.f32 v29, v60  }
0x168: {  	v23 =	vmov v48;
	v48 =	vmul.f32 v35, v41;
	v30 =	vadd.f32 v38, v30  }
0x169: {  	v35 =	vbroadcast v26, $0x4;
	v37 =	vmul.f32 v34, v58;
	v32 =	vadd.f32 v12, v3  }
0x16a: {  	v10 =	vmovc v9;
	v9 =	vmov v63;
	v63 =	vmul.f32 v33, v5;
	v61 =	vadd.f32 v48, v30  }
0x16b: {  	v22 =	vmovc v40;
	v33 =	vbroadcast v1, $0x4;
	v40 =	vmul.f32 v35, v57;
	v39 =	vadd.f32 v37, v32  }
0x16c: {  	v24 =	vadd.f32 v63, v61;
	v61 =	vld [tilespmem:$0x1FD60]  }
0x16d: {  	v48 =	vmul.f32 v33, v42;
	v3 =	vld [tilespmem:$0x1FAA0];
	v44 =	vadd.f32 v40, v39  }
0x16e: {  	v16 =	vor.u32 v19, v16;
	v63 =	vld [tilespmem:$0x1FD70]  }
0x16f: {  	[tilespmem:v28+s22+$0x0] =	vst.idx.msk $0xffff, v8;
	v8 =	vadd.f32 v2, v24;
	v24 =	vadd.f32 v48, v44;
	v48 =	vld [tilespmem:$0x1FB50];
	_ =	sdelay $0x2  }
0x170: {  	s30 =	sadd.s32 $0xFFFFFFF5, s25;
	v15 =	vmul.f32 v36, v61;
	v32 =	vbroadcast v3, $0x4  }
0x171: {  	v19 =	vmov s30;
	v12 =	vld [tilespmem:$0x1FFE0]  }
0x172: {  	v36 =	vld.idx.msk [tilespmem:v16+s20+$0x0], $0xffff;
	v0 =	vmul.f32 v0, v63;
	v8 =	vadd.f32 v15, v8;
	v15 =	vmul.f32 v32, v48  }
0x173: {  	v38 =	vand.u32 $0x74, v19  }
0x174: {  	v0 =	vadd.f32 v0, v8;
	v8 =	vbroadcast v38, $0x0;
	v24 =	vadd.f32 v15, v24;
	v15 =	vld [tilespmem:$0x1FB60];
	_ =	sdelay $0x1  }
0x175: {  	v19 =	vmul.f32 v29, v53;
	v37 =	vmul.f32 v31, v52;
	v30 =	vor.u32 v12, v8  }
0x176: {  	v0 =	vmul.f32 v36, v0;
	v36 =	vbroadcast v47, $0x4  }
0x177: {  	v6 =	vmov v1;
	v2 =	vmul.f32 v34, v18  }
0x178: {  	v1 =	vadd.f32 v19, v37;
	v39 =	vld [tilespmem:$0x1FFF0];
	[tilespmem:v16+s22+$0x0] =	vst.idx.msk $0xffff, v0;
	v0 =	vbroadcast v17, $0x4;
	v40 =	vmul.f32 v36, v15  }
0x179: {  	v18 =	vmul.f32 v35, v51  }
0x17a: {  	v16 =	vadd.f32 v2, v1;
	v12 =	vmul.f32 v0, v7;
	v38 =	vld.idx.msk [tilespmem:v30+s20+$0x0], $0xffff;
	v24 =	vadd.f32 v40, v24;
	_ =	sdelay $0x1  }
0x17b: {  	v19 =	vmul.f32 v33, v14;
	v16 =	vadd.f32 v18, v16;
	v24 =	vadd.f32 v12, v24;
	v12 =	vld [tilespmem:$0x1FBE0]  }
0x17c: {  	v21 =	vmov v4;
	v4 =	vld [tilespmem:$0x1FC30];
	v11 =	vmul.f32 v29, v11;
	v37 =	vor.u32 v39, v8  }
0x17d: {  	v2 =	vmul.f32 v31, v46;
	v16 =	vadd.f32 v19, v16;
	v40 =	vmovc v51;
	v51 =	vmul.f32 v32, v25  }
0x17e: {  	v24 =	vmul.f32 v38, v24  }
0x17f: {  	v25 =	vmov v46;
	v46 =	vadd.f32 v11, v2;
	v16 =	vadd.f32 v51, v16  }
0x180: {  	v5 =	vmov v7;
	v7 =	vld [tilespmem:$0x1FC50];
	v51 =	vmul.f32 v34, v45;
	[tilespmem:v30+s22+$0x0] =	vst.idx.msk $0xffff, v24;
	v19 =	vmul.f32 v36, v12  }
0x181: {  	v11 =	vmul.f32 v0, v13;
	v13 =	vmul.f32 v35, v4;
	v2 =	vld.idx.msk [tilespmem:v37+s20+$0x0], $0xffff  }
0x182: {  	v45 =	vmul.f32 v31, v49;
	v49 =	vld [tilespmem:$0x1FC60];
	v24 =	vadd.f32 v51, v46;
	v16 =	vadd.f32 v19, v16  }
0x183: {  	v1 =	vmov v14;
	v14 =	vmul.f32 v33, v54  }
0x184: {  	v30 =	vor.u32 v56, v8;
	v24 =	vadd.f32 v13, v24;
	v16 =	vadd.f32 v11, v16  }
0x185: {  	v46 =	vmul.f32 v29, v21  }
0x186: {  	v19 =	vmul.f32 v32, v7;
	v24 =	vadd.f32 v14, v24;
	v16 =	vmul.f32 v2, v16  }
0x187: {  	v54 =	vadd.f32 v46, v45;
	v51 =	vmul.f32 v36, v49  }
0x188: {  	v24 =	vadd.f32 v19, v24;
	v2 =	vmul.f32 v34, v20;
	[tilespmem:v37+s22+$0x0] =	vst.idx.msk $0xffff, v16  }
0x189: {  	v11 =	vld.idx.msk [tilespmem:v30+s20+$0x0], $0xffff  }
0x18a: {  	v13 =	vmul.f32 v0, v10;
	v24 =	vadd.f32 v51, v24;
	v16 =	vadd.f32 v2, v54;
	v54 =	vld [tilespmem:$0x1FCC0];
	_ =	sdelay $0x1  }
0x18b: {  	v19 =	vmov v10;
	v10 =	vld [tilespmem:$0x1FCD0];
	v24 =	vadd.f32 v13, v24  }
0x18c: {  	v14 =	vmul.f32 v35, v50  }
0x18d: {  	v24 =	vmul.f32 v11, v24;
	v11 =	vld [tilespmem:$0x1FD00]  }
0x18e: {  	v44 =	vmov v17;
	v16 =	vadd.f32 v14, v16;
	v17 =	vmul.f32 v33, v54;
	_ =	sdelay $0x1  }
0x18f: {  	v18 =	vmul.f32 v32, v10;
	v16 =	vadd.f32 v17, v16;
	_ =	sdelay $0x1  }
0x190: {  	v29 =	vmul.f32 v29, v55;
	v16 =	vadd.f32 v18, v16;
	v18 =	vld [tilespmem:$0x1FCF0];
	v31 =	vmul.f32 v31, v11  }
0x191: {  	v28 =	vor.u32 v9, v8  }
0x192: {  	v45 =	vmul.f32 v34, v62;
	v29 =	vadd.f32 v29, v31  }
0x193: {  	v50 =	vmul.f32 v35, v41;
	v13 =	vmov v41;
	v41 =	vld [tilespmem:$0x1FD40]  }
0x194: {  	v29 =	vadd.f32 v45, v29;
	v45 =	vld [tilespmem:$0x1FFD0]  }
0x195: {  	v39 =	vmul.f32 v36, v23;
	[tilespmem:v30+s22+$0x0] =	vst.idx.msk $0xffff, v24;
	v46 =	vmul.f32 v0, v18  }
0x196: {  	v30 =	vld.idx.msk [tilespmem:v28+s20+$0x0], $0xffff  }
0x197: {  	v16 =	vadd.f32 v39, v16  }
0x198: {  	v14 =	vmul.f32 v32, v27;
	v2 =	vmul.f32 v33, v41  }
0x199: {  	v16 =	vadd.f32 v46, v16;
	v55 =	vadd.f32 v50, v29;
	v46 =	vmovc v27;
	v27 =	vld [tilespmem:$0x1FAC0];
	v8 =	vor.u32 v45, v8  }
0x19a: {  	v35 =	vbroadcast v26, $0x5  }
0x19b: {  	v31 =	vbroadcast v43, $0x5;
	v16 =	vmul.f32 v30, v16;
	v24 =	vadd.f32 v2, v55  }
0x19c: {  	v51 =	vmovc v23;
	v23 =	vmov v22;
	v39 =	vmul.f32 v36, v61;
	v30 =	vbroadcast v22, $0x5  }
0x19d: {  	v33 =	vbroadcast v6, $0x5;
	v22 =	vmul.f32 v31, v59;
	[tilespmem:v28+s22+$0x0] =	vst.idx.msk $0xffff, v16;
	v38 =	vadd.f32 v14, v24  }
0x19e: {  	s31 =	sadd.s32 $0xFFFFFFF6, s25;
	v37 =	vmul.f32 v30, v60;
	v34 =	vbroadcast v27, $0x5;
	v50 =	vld.idx.msk [tilespmem:v8+s20+$0x0], $0xffff  }
0x19f: {  	v17 =	vmovc v43;
	v43 =	vmov s31;
	v0 =	vmul.f32 v0, v63;
	v16 =	vadd.f32 v39, v38  }
0x1a0: {  	v32 =	vadd.f32 v37, v22;
	v22 =	vand.u32 $0x75, v43;
	v55 =	vmul.f32 v34, v58  }
0x1a1: {  	v36 =	vmul.f32 v35, v57;
	v0 =	vadd.f32 v0, v16;
	v16 =	vbroadcast v22, $0x0  }
0x1a2: {  	v14 =	vmovc v26;
	v22 =	vmul.f32 v30, v53;
	v26 =	vadd.f32 v55, v32;
	v32 =	vbroadcast v3, $0x5  }
0x1a3: {  	v55 =	vmul.f32 v31, v52;
	v0 =	vmul.f32 v50, v0  }
0x1a4: {  	v38 =	vmul.f32 v33, v42;
	v39 =	vld [tilespmem:$0x1FFE0];
	v37 =	vadd.f32 v36, v26  }
0x1a5: {  	v50 =	vmul.f32 v32, v48;
	[tilespmem:v8+s22+$0x0] =	vst.idx.msk $0xffff, v0;
	v8 =	vadd.f32 v22, v55;
	v55 =	vld [tilespmem:$0x1FBA0]  }
0x1a6: {  	v36 =	vbroadcast v47, $0x5;
	v24 =	vadd.f32 v38, v37;
	_ =	sdelay $0x1  }
0x1a7: {  	v26 =	vmul.f32 v36, v15;
	v24 =	vadd.f32 v50, v24  }
0x1a8: {  	v29 =	vor.u32 v39, v16;
	v50 =	vmov v15;
	v15 =	vmul.f32 v35, v40;
	v40 =	vld [tilespmem:$0x1FFF0]  }
0x1a9: {  	v24 =	vadd.f32 v26, v24;
	v26 =	vld [tilespmem:$0x1FBD0];
	v2 =	vmul.f32 v34, v55  }
0x1aa: {  	v43 =	vmov v6;
	v6 =	vld [tilespmem:$0x1FC10]  }
0x1ab: {  	v8 =	vadd.f32 v2, v8  }
0x1ac: {  	v0 =	vbroadcast v44, $0x5  }
0x1ad: {  	v22 =	vmul.f32 v33, v1;
	v38 =	vld.idx.msk [tilespmem:v29+s20+$0x0], $0xffff;
	v8 =	vadd.f32 v15, v8  }
0x1ae: {  	v3 =	vmul.f32 v0, v5;
	v37 =	vor.u32 v40, v16;
	v15 =	vmul.f32 v32, v26  }
0x1af: {  	v40 =	vld [tilespmem:$0x1FC20];
	v8 =	vadd.f32 v22, v8;
	v22 =	vmul.f32 v31, v25;
	v25 =	vmul.f32 v30, v6  }
0x1b0: {  	v24 =	vadd.f32 v3, v24  }
0x1b1: {  	v1 =	vmul.f32 v36, v12;
	v8 =	vadd.f32 v15, v8;
	v2 =	vadd.f32 v25, v22;
	v25 =	vld [tilespmem:$0x1FBF0]  }
0x1b2: {  	v24 =	vmul.f32 v38, v24  }
0x1b3: {  	v8 =	vadd.f32 v1, v8;
	v1 =	vld [tilespmem:$0x1FC40]  }
0x1b4: {  	[tilespmem:v29+s22+$0x0] =	vst.idx.msk $0xffff, v24;
	v3 =	vmul.f32 v34, v40  }
0x1b5: {  	v12 =	vld.idx.msk [tilespmem:v37+s20+$0x0], $0xffff  }
0x1b6: {  	v22 =	vmul.f32 v35, v4;
	v24 =	vadd.f32 v3, v2;
	v15 =	vmul.f32 v0, v25  }
0x1b7: {  	v5 =	vld [tilespmem:$0x1FC80]  }
0x1b8: {  	v24 =	vadd.f32 v22, v24;
	v8 =	vadd.f32 v15, v8;
	v39 =	vmul.f32 v33, v1  }
0x1b9: {  	v29 =	vor.u32 v56, v16  }
0x1ba: {  	v8 =	vmul.f32 v12, v8;
	v24 =	vadd.f32 v39, v24;
	v12 =	vmul.f32 v32, v7  }
0x1bb: {  	v49 =	vmul.f32 v36, v49;
	v4 =	vmov v7;
	v7 =	vld [tilespmem:$0x1FCB0]  }
0x1bc: {  	v22 =	vmul.f32 v30, v21;
	v15 =	vmul.f32 v31, v5;
	v24 =	vadd.f32 v12, v24  }
0x1bd: {  	v3 =	vmov v56;
	v56 =	vmul.f32 v34, v20;
	[tilespmem:v37+s22+$0x0] =	vst.idx.msk $0xffff, v8  }
0x1be: {  	v8 =	vadd.f32 v22, v15;
	v12 =	vmul.f32 v0, v19;
	v24 =	vadd.f32 v49, v24  }
0x1bf: {  	v2 =	vld.idx.msk [tilespmem:v29+s20+$0x0], $0xffff  }
0x1c0: {  	v8 =	vadd.f32 v56, v8;
	v15 =	vmul.f32 v35, v7;
	v24 =	vadd.f32 v12, v24;
	v12 =	vld [tilespmem:$0x1FD10];
	_ =	sdelay $0x1  }
0x1c1: {  	v28 =	vor.u32 v9, v16;
	v19 =	vmul.f32 v33, v54;
	v8 =	vadd.f32 v15, v8;
	_ =	sdelay $0x1  }
0x1c2: {  	v20 =	vmul.f32 v32, v10;
	v24 =	vmul.f32 v2, v24;
	v8 =	vadd.f32 v19, v8  }
0x1c3: {  	v31 =	vmul.f32 v31, v11;
	v30 =	vmul.f32 v30, v12  }
0x1c4: {  	v38 =	vmul.f32 v36, v51;
	[tilespmem:v29+s22+$0x0] =	vst.idx.msk $0xffff, v24;
	v8 =	vadd.f32 v20, v8  }
0x1c5: {  	v39 =	vmul.f32 v34, v62;
	v29 =	vld.idx.msk [tilespmem:v28+s20+$0x0], $0xffff;
	v30 =	vadd.f32 v30, v31  }
0x1c6: {  	v49 =	vmul.f32 v0, v18;
	v8 =	vadd.f32 v38, v8  }
0x1c7: {  	v16 =	vor.u32 v45, v16;
	v22 =	vmovc v54;
	v54 =	vmul.f32 v35, v13;
	v30 =	vadd.f32 v39, v30  }
0x1c8: {  	v34 =	vbroadcast v27, $0x6;
	v0 =	vmul.f32 v0, v63;
	v8 =	vadd.f32 v49, v8  }
0x1c9: {  	v15 =	vmovc v62;
	v62 =	vmul.f32 v33, v41;
	v31 =	vbroadcast v17, $0x6;
	v56 =	vadd.f32 v54, v30  }
0x1ca: {  	v8 =	vmul.f32 v29, v8;
	v29 =	vbroadcast v23, $0x6  }
0x1cb: {  	v35 =	vbroadcast v14, $0x6;
	v2 =	vmul.f32 v32, v46;
	v24 =	vadd.f32 v62, v56  }
0x1cc: {  	v41 =	vmov v14;
	v14 =	vld [tilespmem:$0x1FAA0];
	v13 =	vmul.f32 v31, v59;
	v17 =	vmul.f32 v29, v60  }
0x1cd: {  	s29 =	sadd.s32 $0xFFFFFFF7, s25;
	v19 =	vmul.f32 v36, v61;
	v33 =	vbroadcast v43, $0x6;
	[tilespmem:v28+s22+$0x0] =	vst.idx.msk $0xffff, v8;
	v8 =	vadd.f32 v2, v24  }
0x1ce: {  	v9 =	vmovc v10;
	v36 =	vmul.f32 v34, v58;
	v20 =	vmov s29;
	v23 =	vld.idx.msk [tilespmem:v16+s20+$0x0], $0xffff;
	v32 =	vadd.f32 v17, v13  }
0x1cf: {  	v10 =	vmovc v18;
	v18 =	vmovc v46;
	v46 =	vld [tilespmem:$0x1FFE0];
	v45 =	vmul.f32 v33, v42;
	v37 =	vand.u32 $0x76, v20;
	v8 =	vadd.f32 v19, v8  }
0x1d0: {  	v39 =	vmul.f32 v35, v57;
	v54 =	vmul.f32 v31, v52;
	v38 =	vadd.f32 v36, v32  }
0x1d1: {  	v56 =	vmul.f32 v29, v53;
	v32 =	vbroadcast v14, $0x6;
	v0 =	vadd.f32 v0, v8  }
0x1d2: {  	v36 =	vbroadcast v47, $0x6;
	v8 =	vbroadcast v37, $0x0;
	v43 =	vadd.f32 v39, v38  }
0x1d3: {  	v20 =	vadd.f32 v56, v54;
	v0 =	vmul.f32 v23, v0;
	v23 =	vmul.f32 v34, v55  }
0x1d4: {  	v54 =	vld [tilespmem:$0x1FB70];
	v49 =	vmul.f32 v32, v48;
	v30 =	vor.u32 v46, v8;
	v24 =	vadd.f32 v45, v43  }
0x1d5: {  	[tilespmem:v16+s22+$0x0] =	vst.idx.msk $0xffff, v0;
	v16 =	vadd.f32 v23, v20;
	v23 =	vld [tilespmem:$0x1FBB0]  }
0x1d6: {  	v57 =	vmul.f32 v36, v50;
	v24 =	vadd.f32 v49, v24  }
0x1d7: {  	v20 =	vld [tilespmem:$0x1FBC0]  }
0x1d8: {  	v0 =	vbroadcast v44, $0x6;
	v24 =	vadd.f32 v57, v24;
	v57 =	vld [tilespmem:$0x1FC00]  }
0x1d9: {  	v19 =	vmov v42;
	v42 =	vld.idx.msk [tilespmem:v30+s20+$0x0], $0xffff  }
0x1da: {  	v43 =	vmul.f32 v0, v54;
	v45 =	vmul.f32 v35, v23  }
0x1db: {  	[tilespmem:$0x1FAE0] =	vst v47;
	v47 =	vld [tilespmem:$0x1FFF0]  }
0x1dc: {  	v24 =	vadd.f32 v43, v24;
	v46 =	vmul.f32 v33, v20;
	v16 =	vadd.f32 v45, v16  }
0x1dd: {  	v49 =	vmul.f32 v32, v26;
	v2 =	vmul.f32 v31, v57  }
0x1de: {  	v24 =	vmul.f32 v42, v24;
	v42 =	vmovc v26;
	v26 =	vmul.f32 v29, v6;
	v16 =	vadd.f32 v46, v16  }
0x1df: {  	v13 =	vmov v55;
	v55 =	vmul.f32 v34, v40  }
0x1e0: {  	v37 =	vor.u32 v47, v8;
	v47 =	vld [tilespmem:$0x1FBE0];
	v16 =	vadd.f32 v49, v16;
	v49 =	vadd.f32 v26, v2;
	_ =	sdelay $0x1  }
0x1e1: {  	[tilespmem:v30+s22+$0x0] =	vst.idx.msk $0xffff, v24;
	v24 =	vadd.f32 v55, v49;
	v49 =	vld [tilespmem:$0x1FC30];
	_ =	sdelay $0x2  }
0x1e2: {  	v43 =	vmul.f32 v36, v47  }
0x1e3: {  	v2 =	vld.idx.msk [tilespmem:v37+s20+$0x0], $0xffff  }
0x1e4: {  	v56 =	vmovc v6;
	v45 =	vmul.f32 v0, v25;
	v6 =	vld [tilespmem:$0x1FC60];
	v16 =	vadd.f32 v43, v16;
	v55 =	vmul.f32 v35, v49  }
0x1e5: {  	v1 =	vmul.f32 v33, v1;
	v46 =	vmov v40;
	v26 =	vld [tilespmem:$0x1FCA0]  }
0x1e6: {  	v40 =	vmovc v25;
	v25 =	vld [tilespmem:$0x1FC70];
	v30 =	vor.u32 v3, v8;
	v16 =	vadd.f32 v45, v16;
	v24 =	vadd.f32 v55, v24  }
0x1e7: {  	v17 =	vmul.f32 v31, v5;
	v43 =	vmul.f32 v29, v21  }
0x1e8: {  	v16 =	vmul.f32 v2, v16;
	v2 =	vmul.f32 v32, v4;
	v24 =	vadd.f32 v1, v24  }
0x1e9: {  	v45 =	vmul.f32 v36, v6;
	v1 =	vadd.f32 v43, v17;
	v17 =	vld [tilespmem:$0x1FFC0]  }
0x1ea: {  	[tilespmem:v37+s22+$0x0] =	vst.idx.msk $0xffff, v16;
	v24 =	vadd.f32 v2, v24;
	v2 =	vmul.f32 v34, v26  }
0x1eb: {  	v55 =	vmov v3;
	v3 =	vld.idx.msk [tilespmem:v30+s20+$0x0], $0xffff;
	v43 =	vmul.f32 v0, v25  }
0x1ec: {  	v24 =	vadd.f32 v45, v24;
	v16 =	vadd.f32 v2, v1;
	v1 =	vmul.f32 v35, v7  }
0x1ed: {  	v31 =	vmul.f32 v31, v11;
	v2 =	vmul.f32 v33, v22  }
0x1ee: {  	v28 =	vor.u32 v17, v8;
	v24 =	vadd.f32 v43, v24;
	v16 =	vadd.f32 v1, v16  }
0x1ef: {  	v62 =	vmov v27;
	v11 =	vmul.f32 v34, v15;
	v29 =	vmul.f32 v29, v12  }
0x1f0: {  	v27 =	vmovc v15;
	v15 =	vld [tilespmem:$0x1FD30];
	v24 =	vmul.f32 v3, v24;
	v16 =	vadd.f32 v2, v16;
	v3 =	vmul.f32 v32, v9  }
0x1f1: {  	v29 =	vadd.f32 v29, v31;
	v45 =	vmov v7;
	v7 =	vld [tilespmem:$0x1FAF0]  }
0x1f2: {  	v9 =	vmul.f32 v36, v51;
	[tilespmem:v30+s22+$0x0] =	vst.idx.msk $0xffff, v24;
	v16 =	vadd.f32 v3, v16;
	v3 =	vld [tilespmem:$0x1FAD0]  }
0x1f3: {  	v30 =	vld.idx.msk [tilespmem:v28+s20+$0x0], $0xffff  }
0x1f4: {  	v29 =	vadd.f32 v11, v29;
	v11 =	vld [tilespmem:$0x1FD40];
	v22 =	vmul.f32 v0, v10;
	v16 =	vadd.f32 v9, v16;
	_ =	sdelay $0x1  }
0x1f5: {  	v16 =	vadd.f32 v22, v16  }
0x1f6: {  	v34 =	vmul.f32 v35, v15;
	v31 =	vbroadcast v7, $0x7  }
0x1f7: {  	v16 =	vmul.f32 v30, v16;
	v30 =	vbroadcast v3, $0x7  }
0x1f8: {  	s30 =	sadd.s32 $0xFFFFFFF8, s25;
	v37 =	vmul.f32 v33, v11;
	v35 =	vadd.f32 v34, v29;
	v22 =	vld [tilespmem:$0x1FFD0]  }
0x1f9: {  	v10 =	vmov s30;
	v39 =	vmul.f32 v31, v59;
	v43 =	vmul.f32 v30, v60  }
0x1fa: {  	v24 =	vadd.f32 v37, v35;
	v37 =	vand.u32 $0x77, v10;
	v10 =	vld [tilespmem:$0x1FA90]  }
0x1fb: {  	v38 =	vmul.f32 v32, v18;
	v32 =	vadd.f32 v43, v39;
	v43 =	vld [tilespmem:$0x1FB30]  }
0x1fc: {  	v34 =	vbroadcast v62, $0x7  }
0x1fd: {  	v35 =	vbroadcast v41, $0x7;
	v8 =	vor.u32 v22, v8  }
0x1fe: {  	v9 =	vmul.f32 v36, v61;
	v36 =	vmul.f32 v34, v58  }
0x1ff: {  	v2 =	vadd.f32 v38, v24  }
0x200: {  	v33 =	vbroadcast v10, $0x7;
	v38 =	vadd.f32 v36, v32;
	v39 =	vmul.f32 v35, v43  }
0x201: {  	v4 =	vmovc v5;
	v5 =	vmov v14;
	v1 =	vmov v62;
	[tilespmem:v28+s22+$0x0] =	vst.idx.msk $0xffff, v16;
	v32 =	vbroadcast v14, $0x7;
	v14 =	vld [tilespmem:$0x1FFE0]  }
0x202: {  	v16 =	vadd.f32 v9, v2;
	v9 =	vmul.f32 v33, v19;
	v29 =	vld.idx.msk [tilespmem:v8+s20+$0x0], $0xffff;
	v62 =	vadd.f32 v39, v38  }
0x203: {  	v0 =	vmul.f32 v0, v63  }
0x204: {  	v24 =	vadd.f32 v9, v62;
	v9 =	vld [tilespmem:$0x1FAE0]  }
0x205: {  	v0 =	vadd.f32 v0, v16;
	v16 =	vbroadcast v37, $0x0;
	_ =	sdelay $0x1  }
0x206: {  	v18 =	vmul.f32 v32, v48;
	v0 =	vmul.f32 v29, v0;
	v29 =	vor.u32 v14, v16  }
0x207: {  	v19 =	vmul.f32 v31, v52;
	v14 =	vmov v48;
	v48 =	vmul.f32 v30, v53  }
0x208: {  	v24 =	vadd.f32 v18, v24;
	v36 =	vbroadcast v9, $0x7  }
0x209: {  	[tilespmem:v8+s22+$0x0] =	vst.idx.msk $0xffff, v0;
	v8 =	vadd.f32 v48, v19;
	v18 =	vmul.f32 v34, v13;
	v13 =	vld [tilespmem:$0x1FFF0]  }
0x20a: {  	v0 =	vbroadcast v44, $0x7;
	v62 =	vmul.f32 v36, v50  }
0x20b: {  	v48 =	vmul.f32 v35, v23;
	v8 =	vadd.f32 v18, v8;
	v19 =	vld.idx.msk [tilespmem:v29+s20+$0x0], $0xffff  }
0x20c: {  	[tilespmem:$0x1FAB0] =	vst v44;
	v44 =	vmul.f32 v0, v54;
	v24 =	vadd.f32 v62, v24  }
0x20d: {  	v54 =	vmul.f32 v33, v20;
	v8 =	vadd.f32 v48, v8  }
0x20e: {  	v37 =	vor.u32 v13, v16;
	v24 =	vadd.f32 v44, v24  }
0x20f: {  	v18 =	vmul.f32 v32, v42;
	v8 =	vadd.f32 v54, v8  }
0x210: {  	v24 =	vmul.f32 v19, v24  }
0x211: {  	v42 =	vmul.f32 v36, v47;
	v8 =	vadd.f32 v18, v8  }
0x212: {  	v62 =	vmov v20;
	v20 =	vmul.f32 v30, v56;
	v19 =	vmul.f32 v31, v57;
	[tilespmem:v29+s22+$0x0] =	vst.idx.msk $0xffff, v24  }
0x213: {  	v48 =	vmul.f32 v34, v46;
	v54 =	vld.idx.msk [tilespmem:v37+s20+$0x0], $0xffff  }
0x214: {  	v46 =	vld [tilespmem:$0x1FC40];
	v8 =	vadd.f32 v42, v8;
	v57 =	vmovc v56;
	v56 =	vmul.f32 v0, v40;
	v44 =	vadd.f32 v20, v19;
	_ =	sdelay $0x1  }
0x215: {  	v8 =	vadd.f32 v56, v8;
	v24 =	vadd.f32 v48, v44;
	v48 =	vld [tilespmem:$0x1FC50]  }
0x216: {  	v2 =	vmul.f32 v35, v49;
	v13 =	vmov v49;
	v49 =	vmul.f32 v30, v21  }
0x217: {  	v29 =	vor.u32 v55, v16;
	v20 =	vmul.f32 v31, v4;
	v8 =	vmul.f32 v54, v8  }
0x218: {  	v18 =	vmul.f32 v33, v46;
	v24 =	vadd.f32 v2, v24  }
0x219: {  	v54 =	vmov v21;
	v21 =	vmul.f32 v34, v26;
	[tilespmem:v37+s22+$0x0] =	vst.idx.msk $0xffff, v8;
	v8 =	vadd.f32 v49, v20  }
0x21a: {  	v2 =	vmul.f32 v36, v6;
	v6 =	vld [tilespmem:$0x1FCC0];
	v24 =	vadd.f32 v18, v24;
	v19 =	vmul.f32 v32, v48  }
0x21b: {  	v18 =	vld [tilespmem:$0x1FCD0];
	v49 =	vmul.f32 v35, v45;
	v8 =	vadd.f32 v21, v8  }
0x21c: {  	v24 =	vadd.f32 v19, v24;
	v40 =	vld.idx.msk [tilespmem:v29+s20+$0x0], $0xffff  }
0x21d: {  	v8 =	vadd.f32 v49, v8;
	v49 =	vld [tilespmem:$0x1FD00]  }
0x21e: {  	v42 =	vmul.f32 v0, v25;
	v24 =	vadd.f32 v2, v24;
	_ =	sdelay $0x1  }
0x21f: {  	v28 =	vor.u32 v17, v16;
	v2 =	vmul.f32 v33, v6;
	v24 =	vadd.f32 v42, v24  }
0x220: {  	v30 =	vmul.f32 v30, v12;
	v56 =	vmov v17;
	v17 =	vmul.f32 v32, v18;
	v42 =	vld [tilespmem:$0x1FCF0]  }
0x221: {  	v8 =	vadd.f32 v2, v8;
	v24 =	vmul.f32 v40, v24;
	v31 =	vmul.f32 v31, v49  }
0x222: {  	v34 =	vmul.f32 v34, v27;
	v21 =	vmul.f32 v36, v51  }
0x223: {  	v27 =	vld [tilespmem:$0x1FD50];
	v8 =	vadd.f32 v17, v8;
	[tilespmem:v29+s22+$0x0] =	vst.idx.msk $0xffff, v24;
	v30 =	vadd.f32 v30, v31  }
0x224: {  	v38 =	vmul.f32 v35, v15;
	v29 =	vld.idx.msk [tilespmem:v28+s20+$0x0], $0xffff  }
0x225: {  	v8 =	vadd.f32 v21, v8;
	v37 =	vmul.f32 v0, v42;
	v30 =	vadd.f32 v34, v30  }
0x226: {  	v35 =	vbroadcast v41, $0x8  }
0x227: {  	v40 =	vmul.f32 v33, v11;
	v8 =	vadd.f32 v37, v8;
	v39 =	vadd.f32 v38, v30  }
0x228: {  	v16 =	vor.u32 v22, v16;
	v20 =	vmovc v26;
	v26 =	vmovc v45;
	v45 =	vmul.f32 v32, v27;
	v31 =	vbroadcast v7, $0x8  }
0x229: {  	v8 =	vmul.f32 v29, v8;
	v29 =	vbroadcast v3, $0x8;
	v24 =	vadd.f32 v40, v39  }
0x22a: {  	v17 =	vmul.f32 v36, v61;
	v2 =	vmul.f32 v31, v59  }
0x22b: {  	s31 =	sadd.s32 $0xFFFFFFF9, s25;
	v34 =	vbroadcast v1, $0x8;
	v59 =	vld [tilespmem:$0x1FFE0];
	v3 =	vmul.f32 v29, v60;
	[tilespmem:v28+s22+$0x0] =	vst.idx.msk $0xffff, v8;
	v8 =	vadd.f32 v45, v24  }
0x22c: {  	v19 =	vmovc v25;
	v25 =	vmov s31;
	v0 =	vmul.f32 v0, v63;
	v40 =	vmul.f32 v35, v43;
	v43 =	vld [tilespmem:$0x1FB40]  }
0x22d: {  	v37 =	vmul.f32 v34, v58;
	v32 =	vadd.f32 v3, v2;
	v8 =	vadd.f32 v17, v8  }
0x22e: {  	v33 =	vbroadcast v10, $0x8;
	v38 =	vand.u32 $0x78, v25;
	v36 =	vld.idx.msk [tilespmem:v16+s20+$0x0], $0xffff  }
0x22f: {  	v39 =	vadd.f32 v37, v32;
	v0 =	vadd.f32 v0, v8;
	v8 =	vbroadcast v38, $0x0  }
0x230: {  	v44 =	vmovc v4;
	v4 =	vmovc v15;
	v15 =	vmov v7;
	v7 =	vmov v1;
	v1 =	vld [tilespmem:$0x1FAB0];
	v32 =	vbroadcast v5, $0x8  }
0x231: {  	v45 =	vmul.f32 v33, v43;
	v41 =	vadd.f32 v40, v39;
	v30 =	vor.u32 v59, v8  }
0x232: {  	v3 =	vmul.f32 v32, v14;
	v40 =	vld [tilespmem:$0x1FB70]  }
0x233: {  	v0 =	vmul.f32 v36, v0;
	v24 =	vadd.f32 v45, v41;
	v36 =	vbroadcast v9, $0x8  }
0x234: {  	v21 =	vmov v11  }
0x235: {  	v24 =	vadd.f32 v3, v24;
	v11 =	vmul.f32 v36, v50;
	[tilespmem:v16+s22+$0x0] =	vst.idx.msk $0xffff, v0;
	v0 =	vbroadcast v1, $0x8  }
0x236: {  	v59 =	vmov v52;
	v41 =	vmov v9;
	v9 =	vmul.f32 v31, v52;
	v52 =	vld.idx.msk [tilespmem:v30+s20+$0x0], $0xffff  }
0x237: {  	v17 =	vld [tilespmem:$0x1FBA0];
	v24 =	vadd.f32 v11, v24;
	v3 =	vmul.f32 v0, v40;
	_ =	sdelay $0x1  }
0x238: {  	v24 =	vadd.f32 v3, v24  }
0x239: {  	v10 =	vmul.f32 v29, v53  }
0x23a: {  	v24 =	vmul.f32 v52, v24;
	v52 =	vld [tilespmem:$0x1FC00]  }
0x23b: {  	v45 =	vmul.f32 v34, v17;
	v14 =	vadd.f32 v10, v9;
	v11 =	vld [tilespmem:$0x1FFF0];
	_ =	sdelay $0x1  }
0x23c: {  	v16 =	vadd.f32 v45, v14;
	v45 =	vld [tilespmem:$0x1FBD0]  }
0x23d: {  	v9 =	vmul.f32 v35, v23  }
0x23e: {  	v43 =	vmul.f32 v29, v57;
	v25 =	vmul.f32 v31, v52  }
0x23f: {  	v10 =	vmul.f32 v33, v62;
	v16 =	vadd.f32 v9, v16;
	v37 =	vor.u32 v11, v8  }
0x240: {  	v62 =	vadd.f32 v43, v25;
	v25 =	vld [tilespmem:$0x1FBF0]  }
0x241: {  	v3 =	vld [tilespmem:$0x1FC20];
	v14 =	vmov v23;
	v16 =	vadd.f32 v10, v16;
	v23 =	vmul.f32 v32, v45;
	_ =	sdelay $0x1  }
0x242: {  	v11 =	vmov v57;
	v57 =	vmul.f32 v36, v47;
	[tilespmem:v30+s22+$0x0] =	vst.idx.msk $0xffff, v24;
	v16 =	vadd.f32 v23, v16  }
0x243: {  	v9 =	vld.idx.msk [tilespmem:v37+s20+$0x0], $0xffff  }
0x244: {  	v16 =	vadd.f32 v57, v16;
	v10 =	vmul.f32 v0, v25  }
0x245: {  	v2 =	vmul.f32 v34, v3  }
0x246: {  	v16 =	vadd.f32 v10, v16  }
0x247: {  	v23 =	vmul.f32 v35, v13;
	v24 =	vadd.f32 v2, v62  }
0x248: {  	v16 =	vmul.f32 v9, v16;
	v9 =	vld [tilespmem:$0x1FC60]  }
0x249: {  	v39 =	vmul.f32 v33, v46;
	v30 =	vor.u32 v55, v8;
	v24 =	vadd.f32 v23, v24  }
0x24a: {  	v46 =	vmul.f32 v31, v44;
	v57 =	vmov v55;
	v55 =	vmul.f32 v29, v54  }
0x24b: {  	v43 =	vmul.f32 v32, v48;
	v24 =	vadd.f32 v39, v24  }
0x24c: {  	v62 =	vmov v13;
	v13 =	vmul.f32 v34, v20;
	v10 =	vadd.f32 v55, v46  }
0x24d: {  	v24 =	vadd.f32 v43, v24;
	[tilespmem:v37+s22+$0x0] =	vst.idx.msk $0xffff, v16;
	v2 =	vmul.f32 v36, v9  }
0x24e: {  	v54 =	vmul.f32 v35, v26;
	v16 =	vadd.f32 v13, v10;
	v23 =	vld.idx.msk [tilespmem:v30+s20+$0x0], $0xffff  }
0x24f: {  	v43 =	vmul.f32 v0, v19;
	v24 =	vadd.f32 v2, v24  }
0x250: {  	v16 =	vadd.f32 v54, v16;
	v2 =	vmul.f32 v33, v6  }
0x251: {  	v28 =	vor.u32 v56, v8;
	v24 =	vadd.f32 v43, v24  }
0x252: {  	v10 =	vmul.f32 v32, v18;
	v16 =	vadd.f32 v2, v16  }
0x253: {  	v31 =	vmul.f32 v31, v49;
	v24 =	vmul.f32 v23, v24  }
0x254: {  	v29 =	vmul.f32 v29, v12;
	v46 =	vmovc v20;
	v20 =	vmul.f32 v35, v4;
	v16 =	vadd.f32 v10, v16;
	v10 =	vld [tilespmem:$0x1FD20]  }
0x255: {  	v49 =	vmovc v4;
	v4 =	vld [tilespmem:$0x1FAD0];
	v54 =	vmov v6;
	v6 =	vmov v12;
	v12 =	vmul.f32 v36, v51;
	[tilespmem:v30+s22+$0x0] =	vst.idx.msk $0xffff, v24  }
0x256: {  	v30 =	vld.idx.msk [tilespmem:v28+s20+$0x0], $0xffff  }
0x257: {  	v19 =	vmul.f32 v0, v42;
	v42 =	vld [tilespmem:$0x1FB00];
	v16 =	vadd.f32 v12, v16;
	_ =	sdelay $0x1  }
0x258: {  	v29 =	vadd.f32 v29, v31;
	v16 =	vadd.f32 v19, v16;
	v13 =	vmul.f32 v34, v10  }
0x259: {  	v8 =	vor.u32 v22, v8;
	v31 =	vbroadcast v15, $0x9  }
0x25a: {  	s29 =	sadd.s32 $0xFFFFFFFA, s25;
	v29 =	vadd.f32 v13, v29;
	v16 =	vmul.f32 v30, v16;
	v30 =	vbroadcast v4, $0x9  }
0x25b: {  	v37 =	vmul.f32 v31, v42;
	v23 =	vmul.f32 v33, v21;
	v12 =	vmov s29  }
0x25c: {  	v43 =	vmovc v22;
	v34 =	vbroadcast v7, $0x9;
	v22 =	vadd.f32 v20, v29;
	v38 =	vmul.f32 v30, v60  }
0x25d: {  	v55 =	vmovc v26;
	v26 =	vmul.f32 v32, v27;
	v2 =	vmul.f32 v36, v61;
	v36 =	vand.u32 $0x79, v12;
	v12 =	vld [tilespmem:$0x1FB40]  }
0x25e: {  	v13 =	vmul.f32 v34, v58;
	v24 =	vadd.f32 v23, v22;
	v23 =	vld [tilespmem:$0x1FA80];
	v32 =	vadd.f32 v38, v37  }
0x25f: {  	v20 =	vld [tilespmem:$0x1FA90]  }
0x260: {  	v37 =	vadd.f32 v13, v32;
	v13 =	vld [tilespmem:$0x1FB30]  }
0x261: {  	v7 =	vld [tilespmem:$0x1FAA0];
	[tilespmem:v28+s22+$0x0] =	vst.idx.msk $0xffff, v16  }
0x262: {  	v29 =	vld.idx.msk [tilespmem:v8+s20+$0x0], $0xffff;
	v39 =	vadd.f32 v26, v24  }
0x263: {  	v22 =	vld [tilespmem:$0x1FFE0];
	v35 =	vbroadcast v23, $0x9  }
0x264: {  	v0 =	vmul.f32 v0, v63;
	v33 =	vbroadcast v20, $0x9;
	v16 =	vadd.f32 v2, v39;
	v2 =	vld [tilespmem:$0x1FB50]  }
0x265: {  	v38 =	vmul.f32 v35, v13  }
0x266: {  	v21 =	vmul.f32 v33, v12;
	v0 =	vadd.f32 v0, v16  }
0x267: {  	v32 =	vbroadcast v7, $0x9;
	v16 =	vbroadcast v36, $0x0;
	v39 =	vadd.f32 v38, v37  }
0x268: {  	v5 =	vmov v15;
	v15 =	vmul.f32 v30, v53;
	v0 =	vmul.f32 v29, v0  }
0x269: {  	v29 =	vor.u32 v22, v16;
	v26 =	vmul.f32 v32, v2;
	v24 =	vadd.f32 v21, v39  }
0x26a: {  	v36 =	vbroadcast v41, $0x9;
	v21 =	vmovc v41;
	v41 =	vmov v59;
	v59 =	vmul.f32 v31, v59  }
0x26b: {  	v24 =	vadd.f32 v26, v24;
	v26 =	vld [tilespmem:$0x1FBC0]  }
0x26c: {  	v18 =	vmul.f32 v36, v50;
	[tilespmem:v8+s22+$0x0] =	vst.idx.msk $0xffff, v0;
	v0 =	vbroadcast v1, $0x9;
	v8 =	vadd.f32 v15, v59;
	v15 =	vld [tilespmem:$0x1FFF0]  }
0x26d: {  	v19 =	vmul.f32 v34, v17  }
0x26e: {  	v22 =	vld.idx.msk [tilespmem:v29+s20+$0x0], $0xffff;
	v59 =	vmul.f32 v0, v40;
	v24 =	vadd.f32 v18, v24  }
0x26f: {  	v1 =	vmul.f32 v35, v14;
	v8 =	vadd.f32 v19, v8  }
0x270: {  	v18 =	vmul.f32 v31, v52;
	v19 =	vmul.f32 v30, v11;
	v24 =	vadd.f32 v59, v24  }
0x271: {  	v8 =	vadd.f32 v1, v8;
	v14 =	vmul.f32 v33, v26;
	v37 =	vor.u32 v15, v16  }
0x272: {  	v17 =	vmul.f32 v32, v45;
	v45 =	vmul.f32 v34, v3  }
0x273: {  	v40 =	vadd.f32 v19, v18;
	v24 =	vmul.f32 v22, v24;
	v8 =	vadd.f32 v14, v8  }
0x274: {  	v22 =	vmul.f32 v36, v47  }
0x275: {  	[tilespmem:v29+s22+$0x0] =	vst.idx.msk $0xffff, v24;
	v24 =	vadd.f32 v45, v40;
	v40 =	vld [tilespmem:$0x1FC90];
	v8 =	vadd.f32 v17, v8  }
0x276: {  	v47 =	vld.idx.msk [tilespmem:v37+s20+$0x0], $0xffff  }
0x277: {  	v27 =	vmov v52;
	v52 =	vmul.f32 v0, v25;
	v8 =	vadd.f32 v22, v8;
	v22 =	vld [tilespmem:$0x1FC40];
	_ =	sdelay $0x1  }
0x278: {  	v8 =	vadd.f32 v52, v8  }
0x279: {  	v59 =	vmul.f32 v35, v62;
	v15 =	vmul.f32 v31, v44  }
0x27a: {  	v45 =	vmul.f32 v30, v40;
	v8 =	vmul.f32 v47, v8  }
0x27b: {  	v29 =	vor.u32 v57, v16;
	v24 =	vadd.f32 v59, v24;
	v1 =	vmul.f32 v33, v22  }
0x27c: {  	[tilespmem:v37+s22+$0x0] =	vst.idx.msk $0xffff, v8;
	v8 =	vadd.f32 v45, v15;
	v15 =	vld [tilespmem:$0x1FC70]  }
0x27d: {  	v14 =	vmul.f32 v32, v48;
	v24 =	vadd.f32 v1, v24  }
0x27e: {  	v28 =	vor.u32 v56, v16;
	v56 =	vld [tilespmem:$0x1FCD0];
	v52 =	vmul.f32 v34, v46  }
0x27f: {  	v25 =	vld [tilespmem:$0x1FD00];
	v47 =	vmul.f32 v36, v9;
	v24 =	vadd.f32 v14, v24  }
0x280: {  	v59 =	vmov v57;
	v57 =	vld.idx.msk [tilespmem:v29+s20+$0x0], $0xffff;
	v8 =	vadd.f32 v52, v8;
	v14 =	vmul.f32 v35, v55  }
0x281: {  	v24 =	vadd.f32 v47, v24;
	v1 =	vmul.f32 v0, v15  }
0x282: {  	v17 =	vmul.f32 v33, v54;
	v8 =	vadd.f32 v14, v8  }
0x283: {  	v24 =	vadd.f32 v1, v24  }
0x284: {  	v31 =	vmul.f32 v31, v25;
	v30 =	vmul.f32 v30, v6;
	v8 =	vadd.f32 v17, v8;
	v17 =	vld [tilespmem:$0x1FCF0]  }
0x285: {  	v19 =	vmul.f32 v32, v56;
	v24 =	vmul.f32 v57, v24  }
0x286: {  	v18 =	vmov v44;
	v44 =	vmul.f32 v34, v10;
	v30 =	vadd.f32 v30, v31  }
0x287: {  	v39 =	vmul.f32 v36, v51;
	v8 =	vadd.f32 v19, v8;
	[tilespmem:v29+s22+$0x0] =	vst.idx.msk $0xffff, v24  }
0x288: {  	v30 =	vadd.f32 v44, v30;
	v47 =	vmul.f32 v35, v49;
	v29 =	vld.idx.msk [tilespmem:v28+s20+$0x0], $0xffff  }
0x289: {  	v8 =	vadd.f32 v39, v8;
	v45 =	vmul.f32 v0, v17  }
0x28a: {  	v49 =	vadd.f32 v47, v30;
	v47 =	vld [tilespmem:$0x1FAC0]  }
0x28b: {  	v6 =	vld [tilespmem:$0x1FD40];
	v8 =	vadd.f32 v45, v8  }
0x28c: {  	v31 =	vbroadcast v5, $0xA;
	v9 =	vld [tilespmem:$0x1FD50]  }
0x28d: {  	v8 =	vmul.f32 v29, v8;
	v29 =	vbroadcast v4, $0xA  }
0x28e: {  	v57 =	vmul.f32 v31, v42  }
0x28f: {  	v34 =	vbroadcast v47, $0xA;
	v14 =	vmul.f32 v29, v60  }
0x290: {  	v52 =	vmul.f32 v33, v6;
	v35 =	vbroadcast v23, $0xA  }
0x291: {  	v1 =	vmovc v54;
	v54 =	vmul.f32 v32, v9;
	v38 =	vmul.f32 v34, v58;
	v32 =	vadd.f32 v14, v57  }
0x292: {  	v16 =	vor.u32 v43, v16;
	v24 =	vadd.f32 v52, v49  }
0x293: {  	s30 =	sadd.s32 $0xFFFFFFFB, s25;
	v33 =	vbroadcast v20, $0xA;
	v43 =	vmul.f32 v35, v13;
	v42 =	vadd.f32 v38, v32  }
0x294: {  	v19 =	vmul.f32 v36, v61;
	v36 =	vmov s30;
	[tilespmem:v28+s22+$0x0] =	vst.idx.msk $0xffff, v8;
	v8 =	vadd.f32 v54, v24  }
0x295: {  	v52 =	vmul.f32 v33, v12;
	v54 =	vld [tilespmem:$0x1FFE0];
	v32 =	vbroadcast v7, $0xA;
	v49 =	vadd.f32 v43, v42  }
0x296: {  	v39 =	vand.u32 $0x7A, v36;
	v0 =	vmul.f32 v0, v63;
	v8 =	vadd.f32 v19, v8  }
0x297: {  	v36 =	vbroadcast v21, $0xA;
	v37 =	vld.idx.msk [tilespmem:v16+s20+$0x0], $0xffff;
	v10 =	vmul.f32 v32, v2;
	v24 =	vadd.f32 v52, v49  }
0x298: {  	v0 =	vadd.f32 v0, v8;
	v8 =	vbroadcast v39, $0x0  }
0x299: {  	v45 =	vmov v20;
	v20 =	vmul.f32 v36, v50;
	v43 =	vld [tilespmem:$0x1FAB0];
	v24 =	vadd.f32 v10, v24  }
0x29a: {  	v30 =	vor.u32 v54, v8  }
0x29b: {  	v24 =	vadd.f32 v20, v24;
	v20 =	vld [tilespmem:$0x1FB70]  }
0x29c: {  	v0 =	vmul.f32 v37, v0;
	v54 =	vld [tilespmem:$0x1FBA0]  }
0x29d: {  	v14 =	vmul.f32 v31, v41  }
0x29e: {  	v19 =	vmul.f32 v29, v53;
	[tilespmem:v16+s22+$0x0] =	vst.idx.msk $0xffff, v0;
	v10 =	vld [tilespmem:$0x1FBB0];
	v0 =	vbroadcast v43, $0xA  }
0x29f: {  	v44 =	vld.idx.msk [tilespmem:v30+s20+$0x0], $0xffff  }
0x2a0: {  	v52 =	vmov v41;
	v41 =	vadd.f32 v19, v14;
	v14 =	vld [tilespmem:$0x1FFF0];
	v49 =	vmul.f32 v0, v20  }
0x2a1: {  	v42 =	vmul.f32 v34, v54  }
0x2a2: {  	v5 =	vld [tilespmem:$0x1FBD0];
	v57 =	vmov v13;
	v24 =	vadd.f32 v49, v24  }
0x2a3: {  	v13 =	vmovc v2;
	v16 =	vadd.f32 v42, v41;
	v42 =	vmul.f32 v31, v27;
	v2 =	vmul.f32 v35, v10  }
0x2a4: {  	v49 =	vld [tilespmem:$0x1FBE0];
	v24 =	vmul.f32 v44, v24;
	v44 =	vmul.f32 v29, v11  }
0x2a5: {  	v12 =	vmul.f32 v33, v26;
	v37 =	vor.u32 v14, v8;
	v16 =	vadd.f32 v2, v16  }
0x2a6: {  	v11 =	vadd.f32 v44, v42;
	v44 =	vld [tilespmem:$0x1FBF0]  }
0x2a7: {  	v26 =	vmul.f32 v32, v5;
	v16 =	vadd.f32 v12, v16  }
0x2a8: {  	v12 =	vmul.f32 v34, v3  }
0x2a9: {  	v16 =	vadd.f32 v26, v16;
	[tilespmem:v30+s22+$0x0] =	vst.idx.msk $0xffff, v24;
	v2 =	vmul.f32 v36, v49  }
0x2aa: {  	v39 =	vmul.f32 v35, v62;
	v14 =	vld.idx.msk [tilespmem:v37+s20+$0x0], $0xffff  }
0x2ab: {  	v24 =	vadd.f32 v12, v11;
	v16 =	vadd.f32 v2, v16;
	v19 =	vmul.f32 v0, v44  }
0x2ac: {  	v41 =	vmul.f32 v33, v22;
	v11 =	vld [tilespmem:$0x1FC60]  }
0x2ad: {  	v30 =	vor.u32 v59, v8;
	v24 =	vadd.f32 v39, v24;
	v16 =	vadd.f32 v19, v16;
	_ =	sdelay $0x1  }
0x2ae: {  	v42 =	vmul.f32 v32, v48;
	v24 =	vadd.f32 v41, v24;
	v16 =	vmul.f32 v14, v16;
	_ =	sdelay $0x1  }
0x2af: {  	v62 =	vmul.f32 v36, v11;
	v24 =	vadd.f32 v42, v24;
	[tilespmem:v37+s22+$0x0] =	vst.idx.msk $0xffff, v16  }
0x2b0: {  	v12 =	vld.idx.msk [tilespmem:v30+s20+$0x0], $0xffff  }
0x2b1: {  	v14 =	vmul.f32 v0, v15;
	v24 =	vadd.f32 v62, v24;
	_ =	sdelay $0x1  }
0x2b2: {  	v48 =	vmul.f32 v31, v18;
	v59 =	vmul.f32 v29, v40;
	v24 =	vadd.f32 v14, v24  }
0x2b3: {  	v3 =	vmul.f32 v34, v46;
	v46 =	vld [tilespmem:$0x1FFC0]  }
0x2b4: {  	v2 =	vadd.f32 v59, v48;
	v24 =	vmul.f32 v12, v24;
	v12 =	vld [tilespmem:$0x1FD10];
	_ =	sdelay $0x1  }
0x2b5: {  	v22 =	vmul.f32 v33, v1;
	v1 =	vld [tilespmem:$0x1FD20];
	v19 =	vmul.f32 v35, v55;
	v16 =	vadd.f32 v3, v2;
	_ =	sdelay $0x1  }
0x2b6: {  	v28 =	vor.u32 v46, v8;
	v2 =	vld [tilespmem:$0x1FD30];
	v16 =	vadd.f32 v19, v16  }
0x2b7: {  	v31 =	vmul.f32 v31, v25;
	v29 =	vmul.f32 v29, v12  }
0x2b8: {  	v26 =	vmul.f32 v32, v56;
	v16 =	vadd.f32 v22, v16  }
0x2b9: {  	v40 =	vmul.f32 v0, v17;
	v18 =	vmovc v17;
	v17 =	vld [tilespmem:$0x1FFD0];
	v39 =	vmul.f32 v34, v1;
	v29 =	vadd.f32 v29, v31  }
0x2ba: {  	v38 =	vmul.f32 v36, v51;
	v16 =	vadd.f32 v26, v16;
	[tilespmem:v30+s22+$0x0] =	vst.idx.msk $0xffff, v24  }
0x2bb: {  	v42 =	vmul.f32 v35, v2;
	v30 =	vld.idx.msk [tilespmem:v28+s20+$0x0], $0xffff;
	v29 =	vadd.f32 v39, v29  }
0x2bc: {  	v16 =	vadd.f32 v38, v16  }
0x2bd: {  	v59 =	vmul.f32 v33, v6;
	v41 =	vmov v56;
	v56 =	vadd.f32 v42, v29;
	v42 =	vld [tilespmem:$0x1FAF0]  }
0x2be: {  	v8 =	vor.u32 v17, v8;
	v16 =	vadd.f32 v40, v16  }
0x2bf: {  	v24 =	vadd.f32 v59, v56;
	v59 =	vld [tilespmem:$0x1FB00]  }
0x2c0: {  	v16 =	vmul.f32 v30, v16  }
0x2c1: {  	v62 =	vmul.f32 v32, v9  }
0x2c2: {  	v30 =	vbroadcast v4, $0xB;
	[tilespmem:v28+s22+$0x0] =	vst.idx.msk $0xffff, v16;
	v31 =	vbroadcast v42, $0xB  }
0x2c3: {  	v34 =	vbroadcast v47, $0xB;
	v22 =	vmul.f32 v36, v61;
	v36 =	vld.idx.msk [tilespmem:v8+s20+$0x0], $0xffff  }
0x2c4: {  	v56 =	vmovc v9;
	v9 =	vmul.f32 v30, v60;
	v14 =	vadd.f32 v62, v24;
	v3 =	vmul.f32 v31, v59  }
0x2c5: {  	v33 =	vbroadcast v45, $0xB;
	v37 =	vmul.f32 v34, v58;
	v62 =	vmov v45;
	v45 =	vld [tilespmem:$0x1FB40]  }
0x2c6: {  	s31 =	sadd.s32 $0xFFFFFFFC, s25;
	v35 =	vbroadcast v23, $0xB;
	v16 =	vadd.f32 v22, v14;
	v14 =	vld [tilespmem:$0x1FFE0];
	v32 =	vadd.f32 v9, v3  }
0x2c7: {  	v0 =	vmul.f32 v0, v63;
	v26 =	vmov s31  }
0x2c8: {  	v38 =	vand.u32 $0x7B, v26;
	v40 =	vmul.f32 v35, v57;
	v39 =	vadd.f32 v37, v32  }
0x2c9: {  	v0 =	vadd.f32 v0, v16;
	v16 =	vbroadcast v38, $0x0  }
0x2ca: {  	v9 =	vmul.f32 v33, v45;
	v32 =	vbroadcast v7, $0xB;
	v57 =	vadd.f32 v40, v39  }
0x2cb: {  	v0 =	vmul.f32 v36, v0;
	v29 =	vor.u32 v14, v16  }
0x2cc: {  	v36 =	vbroadcast v21, $0xB;
	v15 =	vmul.f32 v32, v13;
	v24 =	vadd.f32 v9, v57  }
0x2cd: {  	v22 =	vmul.f32 v30, v53;
	v19 =	vmul.f32 v31, v52;
	v7 =	vmov v13;
	v14 =	vld [tilespmem:$0x1FBC0]  }
0x2ce: {  	[tilespmem:v8+s22+$0x0] =	vst.idx.msk $0xffff, v0;
	v0 =	vbroadcast v43, $0xB;
	v40 =	vmul.f32 v36, v50;
	v13 =	vld [tilespmem:$0x1FFF0];
	v24 =	vadd.f32 v15, v24  }
0x2cf: {  	v54 =	vmul.f32 v34, v54;
	v8 =	vadd.f32 v22, v19  }
0x2d0: {  	v3 =	vmul.f32 v0, v20;
	v57 =	vld.idx.msk [tilespmem:v29+s20+$0x0], $0xffff;
	v24 =	vadd.f32 v40, v24  }
0x2d1: {  	v8 =	vadd.f32 v54, v8;
	v9 =	vmul.f32 v35, v10  }
0x2d2: {  	v24 =	vadd.f32 v3, v24;
	v3 =	vld [tilespmem:$0x1FC10]  }
0x2d3: {  	v26 =	vmovc v10;
	v10 =	vmul.f32 v33, v14;
	v8 =	vadd.f32 v9, v8;
	v37 =	vor.u32 v13, v16;
	_ =	sdelay $0x1  }
0x2d4: {  	v15 =	vmul.f32 v32, v5;
	v8 =	vadd.f32 v10, v8;
	v24 =	vmul.f32 v57, v24  }
0x2d5: {  	v19 =	vmul.f32 v31, v27;
	v40 =	vmul.f32 v36, v49  }
0x2d6: {  	v48 =	vmov v25;
	v8 =	vadd.f32 v15, v8;
	[tilespmem:v29+s22+$0x0] =	vst.idx.msk $0xffff, v24;
	v25 =	vmul.f32 v30, v3  }
0x2d7: {  	v57 =	vld.idx.msk [tilespmem:v37+s20+$0x0], $0xffff  }
0x2d8: {  	v8 =	vadd.f32 v40, v8;
	v49 =	vadd.f32 v25, v19;
	v19 =	vmul.f32 v0, v44;
	_ =	sdelay $0x1  }
0x2d9: {  	v43 =	vmov v20;
	v20 =	vmov v5;
	v5 =	vld [tilespmem:$0x1FC20];
	v8 =	vadd.f32 v19, v8  }
0x2da: {  	v22 =	vmov v27;
	v27 =	vld [tilespmem:$0x1FC90]  }
0x2db: {  	v8 =	vmul.f32 v57, v8;
	v57 =	vld [tilespmem:$0x1FC80];
	_ =	sdelay $0x2  }
0x2dc: {  	v13 =	vld [tilespmem:$0x1FC30];
	v54 =	vmul.f32 v34, v5;
	_ =	sdelay $0x1  }
0x2dd: {  	v10 =	vmul.f32 v30, v27;
	v24 =	vadd.f32 v54, v49;
	v54 =	vld [tilespmem:$0x1FC40];
	v9 =	vmul.f32 v31, v57  }
0x2de: {  	v25 =	vld [tilespmem:$0x1FFB0]  }
0x2df: {  	[tilespmem:v37+s22+$0x0] =	vst.idx.msk $0xffff, v8;
	v8 =	vadd.f32 v10, v9;
	v10 =	vld [tilespmem:$0x1FCA0]  }
0x2e0: {  	v15 =	vld [tilespmem:$0x1FC50];
	v39 =	vmul.f32 v35, v13;
	_ =	sdelay $0x1  }
0x2e1: {  	v24 =	vadd.f32 v39, v24;
	v40 =	vmul.f32 v33, v54  }
0x2e2: {  	v29 =	vor.u32 v25, v16  }
0x2e3: {  	v24 =	vadd.f32 v40, v24;
	v9 =	vld [tilespmem:$0x1FC70];
	v40 =	vmul.f32 v34, v10  }
0x2e4: {  	v49 =	vmul.f32 v32, v15  }
0x2e5: {  	v8 =	vadd.f32 v40, v8;
	v40 =	vmul.f32 v35, v55;
	v55 =	vld [tilespmem:$0x1FCC0]  }
0x2e6: {  	v19 =	vmul.f32 v36, v11;
	v24 =	vadd.f32 v49, v24  }
0x2e7: {  	v49 =	vld.idx.msk [tilespmem:v29+s20+$0x0], $0xffff  }
0x2e8: {  	v24 =	vadd.f32 v19, v24;
	v19 =	vmul.f32 v0, v9  }
0x2e9: {  	v28 =	vor.u32 v46, v16  }
0x2ea: {  	v24 =	vadd.f32 v19, v24;
	v8 =	vadd.f32 v40, v8;
	v46 =	vmul.f32 v33, v55;
	_ =	sdelay $0x1  }
0x2eb: {  	v24 =	vmul.f32 v49, v24;
	v49 =	vmul.f32 v32, v41;
	v8 =	vadd.f32 v46, v8  }
0x2ec: {  	v30 =	vmul.f32 v30, v12;
	v31 =	vmul.f32 v31, v48  }
0x2ed: {  	v19 =	vmul.f32 v36, v51;
	[tilespmem:v29+s22+$0x0] =	vst.idx.msk $0xffff, v24;
	v8 =	vadd.f32 v49, v8  }
0x2ee: {  	v30 =	vadd.f32 v30, v31;
	v34 =	vmul.f32 v34, v1;
	v29 =	vld.idx.msk [tilespmem:v28+s20+$0x0], $0xffff  }
0x2ef: {  	v37 =	vmul.f32 v0, v18;
	v8 =	vadd.f32 v19, v8  }
0x2f0: {  	v38 =	vmul.f32 v35, v2;
	v30 =	vadd.f32 v34, v30  }
0x2f1: {  	v2 =	vmul.f32 v32, v56;
	v8 =	vadd.f32 v37, v8  }
0x2f2: {  	v31 =	vbroadcast v42, $0xC;
	v39 =	vadd.f32 v38, v30;
	v40 =	vmul.f32 v33, v6  }
0x2f3: {  	v16 =	vor.u32 v17, v16;
	v8 =	vmul.f32 v29, v8;
	v29 =	vbroadcast v4, $0xC  }
0x2f4: {  	v34 =	vbroadcast v47, $0xC;
	v24 =	vadd.f32 v40, v39;
	v46 =	vmov v4;
	v4 =	vld [tilespmem:$0x1FB30]  }
0x2f5: {  	v37 =	vmul.f32 v31, v59;
	v38 =	vmul.f32 v29, v60  }
0x2f6: {  	v35 =	vbroadcast v23, $0xC;
	v33 =	vbroadcast v62, $0xC;
	[tilespmem:v28+s22+$0x0] =	vst.idx.msk $0xffff, v8;
	v8 =	vadd.f32 v2, v24;
	v2 =	vmovc v62;
	v62 =	vld [tilespmem:$0x1FAA0]  }
0x2f7: {  	s29 =	sadd.s32 $0xFFFFFFFD, s25;
	v39 =	vmul.f32 v36, v61;
	v19 =	vmul.f32 v34, v58;
	v32 =	vadd.f32 v38, v37  }
0x2f8: {  	v0 =	vmul.f32 v0, v63;
	v47 =	vmov s29;
	v40 =	vmovc v59;
	v59 =	vmov v60;
	v18 =	vld.idx.msk [tilespmem:v16+s20+$0x0], $0xffff  }
0x2f9: {  	v60 =	vmovc v63;
	v63 =	vld [tilespmem:$0x1FFE0];
	v8 =	vadd.f32 v39, v8;
	v38 =	vmul.f32 v35, v4;
	v37 =	vadd.f32 v19, v32  }
0x2fa: {  	v36 =	vand.u32 $0x7C, v47;
	v47 =	vmul.f32 v33, v45;
	v49 =	vmovc v1;
	v1 =	vmov v6;
	v6 =	vld [tilespmem:$0x1FAB0]  }
0x2fb: {  	v0 =	vadd.f32 v0, v8;
	v32 =	vbroadcast v62, $0xC;
	v39 =	vadd.f32 v38, v37  }
0x2fc: {  	v8 =	vbroadcast v36, $0x0;
	v36 =	vbroadcast v21, $0xC  }
0x2fd: {  	v0 =	vmul.f32 v18, v0;
	v19 =	vmul.f32 v32, v7;
	v24 =	vadd.f32 v47, v39  }
0x2fe: {  	v30 =	vor.u32 v63, v8  }
0x2ff: {  	v63 =	vmul.f32 v36, v50;
	v7 =	vld [tilespmem:$0x1FBA0];
	[tilespmem:v16+s22+$0x0] =	vst.idx.msk $0xffff, v0;
	v0 =	vbroadcast v6, $0xC;
	v24 =	vadd.f32 v19, v24;
	_ =	sdelay $0x1  }
0x300: {  	v24 =	vadd.f32 v63, v24;
	v63 =	vmul.f32 v0, v43  }
0x301: {  	v17 =	vmovc v56;
	v56 =	vmovc v58;
	v58 =	vmov v45;
	v45 =	vmul.f32 v31, v52;
	v47 =	vmul.f32 v29, v53  }
0x302: {  	v24 =	vadd.f32 v63, v24;
	v63 =	vld [tilespmem:$0x1FFF0]  }
0x303: {  	v45 =	vadd.f32 v47, v45;
	v47 =	vmul.f32 v34, v7;
	_ =	sdelay $0x1  }
0x304: {  	v19 =	vmul.f32 v35, v26;
	v38 =	vld.idx.msk [tilespmem:v30+s20+$0x0], $0xffff;
	v16 =	vadd.f32 v47, v45  }
0x305: {  	v45 =	vmul.f32 v33, v14  }
0x306: {  	v16 =	vadd.f32 v19, v16;
	v37 =	vor.u32 v63, v8;
	v63 =	vmul.f32 v29, v3;
	v3 =	vld [tilespmem:$0x1FBE0];
	_ =	sdelay $0x1  }
0x307: {  	v47 =	vmovc v26;
	v26 =	vmul.f32 v32, v20;
	v16 =	vadd.f32 v45, v16;
	v45 =	vmul.f32 v31, v22  }
0x308: {  	v24 =	vmul.f32 v38, v24  }
0x309: {  	v16 =	vadd.f32 v26, v16;
	v26 =	vmul.f32 v34, v5;
	v22 =	vadd.f32 v63, v45  }
0x30a: {  	[tilespmem:v30+s22+$0x0] =	vst.idx.msk $0xffff, v24;
	v19 =	vmul.f32 v36, v3  }
0x30b: {  	v13 =	vmul.f32 v35, v13;
	v24 =	vadd.f32 v26, v22;
	v45 =	vld.idx.msk [tilespmem:v37+s20+$0x0], $0xffff  }
0x30c: {  	v63 =	vmul.f32 v0, v44;
	v16 =	vadd.f32 v19, v16  }
0x30d: {  	v22 =	vmul.f32 v33, v54;
	v24 =	vadd.f32 v13, v24  }
0x30e: {  	v30 =	vor.u32 v25, v8;
	v16 =	vadd.f32 v63, v16  }
0x30f: {  	v18 =	vld [tilespmem:$0x1FCB0];
	v54 =	vmul.f32 v29, v27;
	v13 =	vmovc v25;
	v25 =	vmul.f32 v32, v15;
	v24 =	vadd.f32 v22, v24  }
0x310: {  	v16 =	vmul.f32 v45, v16;
	v45 =	vmul.f32 v31, v57  }
0x311: {  	v63 =	vmul.f32 v36, v11;
	v24 =	vadd.f32 v25, v24  }
0x312: {  	v27 =	vmov v11;
	v19 =	vmul.f32 v34, v10;
	v11 =	vadd.f32 v54, v45  }
0x313: {  	v24 =	vadd.f32 v63, v24;
	v63 =	vld [tilespmem:$0x1FFC0]  }
0x314: {  	[tilespmem:v37+s22+$0x0] =	vst.idx.msk $0xffff, v16;
	v45 =	vmul.f32 v35, v18;
	v16 =	vadd.f32 v19, v11  }
0x315: {  	v29 =	vmul.f32 v29, v12;
	v22 =	vld.idx.msk [tilespmem:v30+s20+$0x0], $0xffff  }
0x316: {  	v25 =	vmul.f32 v0, v9;
	v11 =	vmul.f32 v33, v55;
	v16 =	vadd.f32 v45, v16  }
0x317: {  	v26 =	vmov v15;
	v15 =	vmul.f32 v32, v41;
	v31 =	vmul.f32 v31, v48  }
0x318: {  	v24 =	vadd.f32 v25, v24;
	v54 =	vor.u32 v63, v8;
	v16 =	vadd.f32 v11, v16  }
0x319: {  	v29 =	vadd.f32 v29, v31;
	v11 =	vld [tilespmem:$0x1FCF0]  }
0x31a: {  	v24 =	vmul.f32 v22, v24;
	v22 =	vmul.f32 v34, v49;
	v16 =	vadd.f32 v15, v16;
	v15 =	vld [tilespmem:$0x1FD30]  }
0x31b: {  	v5 =	vmov v49;
	v49 =	vld [tilespmem:$0x1FAC0]  }
0x31c: {  	v19 =	vmul.f32 v36, v51;
	[tilespmem:v30+s22+$0x0] =	vst.idx.msk $0xffff, v24;
	v29 =	vadd.f32 v22, v29;
	v22 =	vld [tilespmem:$0x1FFD0]  }
0x31d: {  	v30 =	vld.idx.msk [tilespmem:v54+s20+$0x0], $0xffff  }
0x31e: {  	v16 =	vadd.f32 v19, v16;
	v34 =	vmul.f32 v0, v11  }
0x31f: {  	v35 =	vmul.f32 v35, v15  }
0x320: {  	v38 =	vmul.f32 v33, v1;
	v31 =	vbroadcast v42, $0xD;
	v16 =	vadd.f32 v34, v16  }
0x321: {  	v8 =	vor.u32 v22, v8;
	v34 =	vbroadcast v49, $0xD;
	v37 =	vadd.f32 v35, v29  }
0x322: {  	v16 =	vmul.f32 v30, v16;
	v30 =	vbroadcast v46, $0xD  }
0x323: {  	v39 =	vmul.f32 v32, v17;
	v40 =	vmul.f32 v31, v40;
	v24 =	vadd.f32 v38, v37  }
0x324: {  	v41 =	vmul.f32 v30, v59;
	[tilespmem:v54+s22+$0x0] =	vst.idx.msk $0xffff, v16;
	v54 =	vmul.f32 v34, v56  }
0x325: {  	v25 =	vmov v1;
	v1 =	vmov v42  }
0x326: {  	s30 =	sadd.s32 $0xFFFFFFFE, s25;
	v46 =	vmul.f32 v36, v61;
	v29 =	vld.idx.msk [tilespmem:v8+s20+$0x0], $0xffff;
	v42 =	vadd.f32 v39, v24;
	v32 =	vadd.f32 v41, v40  }
0x327: {  	v51 =	vmov s30;
	v33 =	vbroadcast v2, $0xD;
	v35 =	vbroadcast v23, $0xD;
	v41 =	vld [tilespmem:$0x1FB50]  }
0x328: {  	v0 =	vmul.f32 v0, v60;
	v16 =	vadd.f32 v46, v42;
	v37 =	vadd.f32 v54, v32;
	v54 =	vmovc v2;
	v2 =	vld [tilespmem:$0x1FFE0]  }
0x329: {  	v45 =	vmovc v17;
	v17 =	vmovc v23;
	v36 =	vand.u32 $0x7D, v51;
	v23 =	vmul.f32 v31, v52;
	v38 =	vmul.f32 v35, v4  }
0x32a: {  	v46 =	vmovc v60;
	v60 =	vmul.f32 v33, v58;
	v32 =	vbroadcast v62, $0xD;
	v0 =	vadd.f32 v0, v16  }
0x32b: {  	v42 =	vmul.f32 v30, v53;
	v16 =	vbroadcast v36, $0x0;
	v51 =	vadd.f32 v38, v37  }
0x32c: {  	v36 =	vbroadcast v21, $0xD;
	v0 =	vmul.f32 v29, v0  }
0x32d: {  	v19 =	vmul.f32 v32, v41;
	v24 =	vadd.f32 v60, v51;
	v29 =	vor.u32 v2, v16  }
0x32e: {  	v52 =	vmul.f32 v34, v7;
	[tilespmem:v8+s22+$0x0] =	vst.idx.msk $0xffff, v0;
	v8 =	vadd.f32 v42, v23  }
0x32f: {  	v21 =	vmul.f32 v35, v47;
	v51 =	vmul.f32 v36, v50;
	v24 =	vadd.f32 v19, v24  }
0x330: {  	v8 =	vadd.f32 v52, v8  }
0x331: {  	v0 =	vbroadcast v6, $0xD;
	v24 =	vadd.f32 v51, v24;
	v51 =	vld [tilespmem:$0x1FFF0]  }
0x332: {  	v42 =	vmul.f32 v33, v14;
	v60 =	vld.idx.msk [tilespmem:v29+s20+$0x0], $0xffff;
	v8 =	vadd.f32 v21, v8  }
0x333: {  	v19 =	vmul.f32 v0, v43;
	v21 =	vmov v14;
	v14 =	vld [tilespmem:$0x1FC10]  }
0x334: {  	v52 =	vmul.f32 v32, v20;
	v8 =	vadd.f32 v42, v8;
	v42 =	vld [tilespmem:$0x1FC00]  }
0x335: {  	v2 =	vmov v6;
	v24 =	vadd.f32 v19, v24  }
0x336: {  	v6 =	vmovc v3;
	v37 =	vor.u32 v51, v16;
	v51 =	vmul.f32 v36, v3;
	v3 =	vld [tilespmem:$0x1FC20];
	v8 =	vadd.f32 v52, v8;
	_ =	sdelay $0x1  }
0x337: {  	v24 =	vmul.f32 v60, v24;
	v8 =	vadd.f32 v51, v8;
	v51 =	vld [tilespmem:$0x1FC30]  }
0x338: {  	v19 =	vmul.f32 v30, v14;
	v60 =	vmul.f32 v31, v42  }
0x339: {  	v40 =	vmov v4;
	v4 =	vld [tilespmem:$0x1FC40]  }
0x33a: {  	v52 =	vadd.f32 v19, v60;
	v60 =	vmul.f32 v34, v3;
	_ =	sdelay $0x1  }
0x33b: {  	[tilespmem:v29+s22+$0x0] =	vst.idx.msk $0xffff, v24;
	v24 =	vadd.f32 v60, v52;
	v52 =	vmul.f32 v35, v51;
	_ =	sdelay $0x1  }
0x33c: {  	v60 =	vmul.f32 v33, v4;
	v24 =	vadd.f32 v52, v24  }
0x33d: {  	v19 =	vld.idx.msk [tilespmem:v37+s20+$0x0], $0xffff  }
0x33e: {  	v24 =	vadd.f32 v60, v24;
	v60 =	vld [tilespmem:$0x1FC90]  }
0x33f: {  	v39 =	vmul.f32 v0, v44;
	_ =	sdelay $0x1  }
0x340: {  	v8 =	vadd.f32 v39, v8  }
0x341: {  	v52 =	vmul.f32 v31, v57  }
0x342: {  	v29 =	vor.u32 v13, v16;
	v8 =	vmul.f32 v19, v8;
	v13 =	vmul.f32 v30, v60  }
0x343: {  	v19 =	vmul.f32 v32, v26  }
0x344: {  	[tilespmem:v37+s22+$0x0] =	vst.idx.msk $0xffff, v8;
	v8 =	vadd.f32 v13, v52;
	v52 =	vmul.f32 v34, v10  }
0x345: {  	v24 =	vadd.f32 v19, v24;
	v19 =	vmul.f32 v36, v27  }
0x346: {  	v8 =	vadd.f32 v52, v8;
	v52 =	vmul.f32 v35, v18  }
0x347: {  	v24 =	vadd.f32 v19, v24  }
0x348: {  	v19 =	vmul.f32 v0, v9;
	v9 =	vmul.f32 v33, v55;
	v8 =	vadd.f32 v52, v8  }
0x349: {  	v13 =	vld.idx.msk [tilespmem:v29+s20+$0x0], $0xffff  }
0x34a: {  	v8 =	vadd.f32 v9, v8;
	v9 =	vld [tilespmem:$0x1FCD0];
	_ =	sdelay $0x1  }
0x34b: {  	v31 =	vmul.f32 v31, v48;
	v48 =	vld [tilespmem:$0x1FCE0]  }
0x34c: {  	v28 =	vor.u32 v63, v16;
	v24 =	vadd.f32 v19, v24;
	_ =	sdelay $0x1  }
0x34d: {  	v24 =	vmul.f32 v13, v24;
	v13 =	vmul.f32 v32, v9  }
0x34e: {  	v30 =	vmul.f32 v30, v12  }
0x34f: {  	v63 =	vmov v12;
	v12 =	vld [tilespmem:$0x1FAD0];
	v18 =	vmul.f32 v36, v48;
	[tilespmem:v29+s22+$0x0] =	vst.idx.msk $0xffff, v24;
	v8 =	vadd.f32 v13, v8  }
0x350: {  	v19 =	vmul.f32 v34, v5;
	v30 =	vadd.f32 v30, v31;
	v29 =	vld.idx.msk [tilespmem:v28+s20+$0x0], $0xffff  }
0x351: {  	v34 =	vmul.f32 v0, v11;
	v8 =	vadd.f32 v18, v8  }
0x352: {  	v37 =	vmul.f32 v35, v15;
	v30 =	vadd.f32 v19, v30;
	v13 =	vmov v5;
	v5 =	vld [tilespmem:$0x1FB00]  }
0x353: {  	v8 =	vadd.f32 v34, v8  }
0x354: {  	v39 =	vmul.f32 v33, v25;
	v31 =	vbroadcast v1, $0xE;
	v38 =	vadd.f32 v37, v30  }
0x355: {  	v8 =	vmul.f32 v29, v8;
	v29 =	vbroadcast v12, $0xE  }
0x356: {  	v52 =	vmovc v15;
	v15 =	vmul.f32 v32, v45;
	v24 =	vadd.f32 v39, v38;
	v34 =	vbroadcast v49, $0xE  }
0x357: {  	v16 =	vor.u32 v22, v16;
	v18 =	vmul.f32 v31, v5;
	v19 =	vmul.f32 v29, v59  }
0x358: {  	v22 =	vmul.f32 v36, v61;
	[tilespmem:v28+s22+$0x0] =	vst.idx.msk $0xffff, v8;
	v8 =	vadd.f32 v15, v24  }
0x359: {  	v23 =	vmovc v7;
	v7 =	vld [tilespmem:$0x1FAE0];
	v35 =	vbroadcast v17, $0xE;
	v38 =	vmul.f32 v34, v56;
	v32 =	vadd.f32 v19, v18  }
0x35a: {  	s31 =	sadd.s32 $0xFFFFFFFF, s25;
	v33 =	vbroadcast v54, $0xE;
	v0 =	vmul.f32 v0, v46;
	v15 =	vld [tilespmem:$0x1FFE0];
	v8 =	vadd.f32 v22, v8  }
0x35b: {  	v25 =	vmovc v49;
	v36 =	vmov s31;
	v49 =	vmul.f32 v35, v40;
	v45 =	vadd.f32 v38, v32  }
0x35c: {  	v39 =	vand.u32 $0x7E, v36;
	v59 =	vmul.f32 v33, v58;
	v37 =	vld.idx.msk [tilespmem:v16+s20+$0x0], $0xffff;
	v0 =	vadd.f32 v0, v8  }
0x35d: {  	v1 =	vld [tilespmem:$0x1FB80];
	v8 =	vbroadcast v39, $0x0;
	v32 =	vbroadcast v62, $0xE;
	v56 =	vadd.f32 v49, v45  }
0x35e: {  	v36 =	vbroadcast v7, $0xE  }
0x35f: {  	v30 =	vor.u32 v15, v8;
	v22 =	vmul.f32 v32, v41;
	v24 =	vadd.f32 v59, v56;
	_ =	sdelay $0x1  }
0x360: {  	v0 =	vmul.f32 v37, v0;
	v49 =	vmul.f32 v36, v50;
	v24 =	vadd.f32 v22, v24  }
0x361: {  	v40 =	vmul.f32 v31, v1;
	v45 =	vmov v41;
	v41 =	vmul.f32 v29, v53  }
0x362: {  	[tilespmem:v16+s22+$0x0] =	vst.idx.msk $0xffff, v0;
	v0 =	vbroadcast v2, $0xE;
	v24 =	vadd.f32 v49, v24;
	v49 =	vld [tilespmem:$0x1FFF0]  }
0x363: {  	v59 =	vmul.f32 v34, v23;
	v56 =	vmovc v50;
	v22 =	vmov v2;
	v50 =	vadd.f32 v41, v40;
	v2 =	vld.idx.msk [tilespmem:v30+s20+$0x0], $0xffff  }
0x364: {  	v18 =	vmov v54;
	v54 =	vmov v23;
	v23 =	vmul.f32 v0, v43  }
0x365: {  	v40 =	vmul.f32 v35, v47;
	v16 =	vadd.f32 v59, v50  }
0x366: {  	v41 =	vmul.f32 v33, v21;
	v24 =	vadd.f32 v23, v24  }
0x367: {  	v59 =	vmul.f32 v31, v42;
	v16 =	vadd.f32 v40, v16;
	v37 =	vor.u32 v49, v8  }
0x368: {  	v24 =	vmul.f32 v2, v24;
	v2 =	vmul.f32 v29, v14  }
0x369: {  	v50 =	vmul.f32 v32, v20;
	v16 =	vadd.f32 v41, v16  }
0x36a: {  	v21 =	vmul.f32 v34, v3;
	v41 =	vld [tilespmem:$0x1FFB0];
	v20 =	vadd.f32 v2, v59  }
0x36b: {  	v19 =	vmul.f32 v36, v6;
	v16 =	vadd.f32 v50, v16;
	[tilespmem:v30+s22+$0x0] =	vst.idx.msk $0xffff, v24  }
0x36c: {  	v59 =	vmul.f32 v35, v51;
	v24 =	vadd.f32 v21, v20;
	v23 =	vld.idx.msk [tilespmem:v37+s20+$0x0], $0xffff  }
0x36d: {  	v50 =	vmul.f32 v0, v44;
	v16 =	vadd.f32 v19, v16  }
0x36e: {  	v2 =	vmul.f32 v33, v4;
	v24 =	vadd.f32 v59, v24  }
0x36f: {  	v30 =	vor.u32 v41, v8;
	v16 =	vadd.f32 v50, v16  }
0x370: {  	v24 =	vadd.f32 v2, v24;
	v2 =	vld [tilespmem:$0x1FC70]  }
0x371: {  	v20 =	vmul.f32 v32, v26;
	v16 =	vmul.f32 v23, v16  }
0x372: {  	v21 =	vmul.f32 v31, v57;
	v23 =	vmul.f32 v29, v60  }
0x373: {  	v15 =	vmov v26;
	v26 =	vmul.f32 v36, v27;
	v24 =	vadd.f32 v20, v24;
	[tilespmem:v37+s22+$0x0] =	vst.idx.msk $0xffff, v16  }
0x374: {  	v19 =	vmul.f32 v34, v10;
	v59 =	vadd.f32 v23, v21;
	v38 =	vld.idx.msk [tilespmem:v30+s20+$0x0], $0xffff  }
0x375: {  	v24 =	vadd.f32 v26, v24;
	v20 =	vmul.f32 v0, v2  }
0x376: {  	v16 =	vadd.f32 v19, v59;
	v59 =	vld [tilespmem:$0x1FCB0]  }
0x377: {  	v39 =	vld [tilespmem:$0x1FFC0];
	v24 =	vadd.f32 v20, v24;
	_ =	sdelay $0x1  }
0x378: {  	v24 =	vmul.f32 v38, v24;
	v38 =	vld [tilespmem:$0x1FD00];
	_ =	sdelay $0x1  }
0x379: {  	v49 =	vmov v6;
	v6 =	vld [tilespmem:$0x1FAF0];
	v21 =	vmul.f32 v35, v59  }
0x37a: {  	v37 =	vor.u32 v39, v8  }
0x37b: {  	v23 =	vmul.f32 v33, v55;
	v16 =	vadd.f32 v21, v16  }
0x37c: {  	v29 =	vmul.f32 v29, v63;
	v31 =	vmul.f32 v31, v38  }
0x37d: {  	v40 =	vmovc v27;
	v50 =	vmovc v4;
	v4 =	vmov v9;
	v9 =	vmul.f32 v32, v9;
	v16 =	vadd.f32 v23, v16  }
0x37e: {  	v27 =	vbroadcast v6, $0xF;
	[tilespmem:v30+s22+$0x0] =	vst.idx.msk $0xffff, v24;
	v21 =	vmul.f32 v34, v13;
	v20 =	vadd.f32 v29, v31  }
0x37f: {  	v19 =	vmul.f32 v36, v48;
	v23 =	vld.idx.msk [tilespmem:v37+s20+$0x0], $0xffff;
	v16 =	vadd.f32 v9, v16  }
0x380: {  	v24 =	vadd.f32 v21, v20;
	v21 =	vmul.f32 v27, v5;
	v5 =	vld [tilespmem:$0x1FB10]  }
0x381: {  	v26 =	vmul.f32 v0, v11;
	v34 =	vmul.f32 v35, v52;
	v16 =	vadd.f32 v19, v16  }
0x382: {  	v9 =	vld [tilespmem:$0x1FD40]  }
0x383: {  	v16 =	vadd.f32 v26, v16;
	v24 =	vadd.f32 v34, v24;
	v34 =	vld [tilespmem:$0x1FFD0];
	v26 =	vbroadcast v12, $0xF  }
0x384: {  	v12 =	vld [tilespmem:$0x1FD50]  }
0x385: {  	v16 =	vmul.f32 v23, v16;
	v23 =	vmul.f32 v26, v5;
	v5 =	vld [tilespmem:$0x1FB20];
	_ =	sdelay $0x1  }
0x386: {  	v35 =	vmul.f32 v33, v9  }
0x387: {  	v25 =	vbroadcast v25, $0xF;
	v8 =	vor.u32 v34, v8  }
0x388: {  	v24 =	vadd.f32 v35, v24;
	v20 =	vmul.f32 v32, v12  }
0x389: {  	[tilespmem:v37+s22+$0x0] =	vst.idx.msk $0xffff, v16;
	v37 =	vmul.f32 v25, v5;
	v5 =	vld [tilespmem:$0x1FB30]  }
0x38a: {  	v35 =	vmul.f32 v36, v61;
	v33 =	vadd.f32 v20, v24  }
0x38b: {  	v0 =	vmul.f32 v0, v46;
	v32 =	vld [tilespmem:$0x1FFE0];
	v29 =	vadd.f32 v23, v21  }
0x38c: {  	v36 =	vmov s25;
	v23 =	vbroadcast v17, $0xF;
	v16 =	vadd.f32 v35, v33;
	v31 =	vld.idx.msk [tilespmem:v8+s20+$0x0], $0xffff  }
0x38d: {  	v19 =	vbroadcast v18, $0xF;
	v33 =	vand.u32 $0x7F, v36;
	v35 =	vadd.f32 v37, v29  }
0x38e: {  	v0 =	vadd.f32 v0, v16;
	v16 =	vbroadcast v33, $0x0;
	v36 =	vmul.f32 v23, v5  }
0x38f: {  	v58 =	vmul.f32 v19, v58;
	v18 =	vmul.f32 v26, v53  }
0x390: {  	v20 =	vbroadcast v62, $0xF;
	v29 =	vor.u32 v32, v16;
	v37 =	vadd.f32 v36, v35  }
0x391: {  	v21 =	vbroadcast v7, $0xF;
	v0 =	vmul.f32 v31, v0  }
0x392: {  	v6 =	vld [tilespmem:$0x1FFF0];
	v17 =	vmul.f32 v27, v1;
	v62 =	vmul.f32 v20, v45;
	v24 =	vadd.f32 v58, v37  }
0x393: {  	v45 =	vld [tilespmem:$0x1FBC0];
	v33 =	vmul.f32 v21, v56;
	[tilespmem:v8+s22+$0x0] =	vst.idx.msk $0xffff, v0;
	v0 =	vbroadcast v22, $0xF  }
0x394: {  	v35 =	vmul.f32 v25, v54;
	v54 =	vld [tilespmem:$0x1FBD0];
	v8 =	vadd.f32 v18, v17;
	v24 =	vadd.f32 v62, v24  }
0x395: {  	v36 =	vld.idx.msk [tilespmem:v29+s20+$0x0], $0xffff;
	v37 =	vmul.f32 v0, v43  }
0x396: {  	v8 =	vadd.f32 v35, v8;
	v43 =	vmul.f32 v23, v47;
	v24 =	vadd.f32 v33, v24  }
0x397: {  	v53 =	vor.u32 v6, v16  }
0x398: {  	v47 =	vmul.f32 v19, v45;
	v8 =	vadd.f32 v43, v8;
	v24 =	vadd.f32 v37, v24  }
0x399: {  	v58 =	vmul.f32 v27, v42;
	v62 =	vmul.f32 v26, v14  }
0x39a: {  	v56 =	vmul.f32 v20, v54;
	v8 =	vadd.f32 v47, v8;
	v24 =	vmul.f32 v36, v24  }
0x39b: {  	v1 =	vmul.f32 v21, v49;
	v17 =	vmul.f32 v25, v3  }
0x39c: {  	v14 =	vadd.f32 v62, v58;
	v8 =	vadd.f32 v56, v8;
	[tilespmem:v29+s22+$0x0] =	vst.idx.msk $0xffff, v24  }
0x39d: {  	v35 =	vmul.f32 v23, v51;
	v18 =	vld.idx.msk [tilespmem:v53+s20+$0x0], $0xffff  }
0x39e: {  	v33 =	vmul.f32 v0, v44;
	v8 =	vadd.f32 v1, v8;
	v24 =	vadd.f32 v17, v14  }
0x39f: {  	v42 =	vor.u32 v41, v16  }
0x3a0: {  	v37 =	vmul.f32 v19, v50;
	v8 =	vadd.f32 v33, v8;
	v36 =	vadd.f32 v35, v24  }
0x3a1: {  	v45 =	vmul.f32 v26, v60;
	v43 =	vmul.f32 v20, v15  }
0x3a2: {  	v44 =	vmul.f32 v27, v57;
	v22 =	vadd.f32 v37, v36;
	v8 =	vmul.f32 v18, v8  }
0x3a3: {  	v49 =	vmul.f32 v25, v10;
	v47 =	vmul.f32 v21, v40  }
0x3a4: {  	v22 =	vadd.f32 v43, v22;
	[tilespmem:v53+s22+$0x0] =	vst.idx.msk $0xffff, v8;
	v8 =	vadd.f32 v45, v44  }
0x3a5: {  	v51 =	vmul.f32 v0, v2;
	v50 =	vld.idx.msk [tilespmem:v42+s20+$0x0], $0xffff  }
0x3a6: {  	v22 =	vadd.f32 v47, v22;
	v53 =	vmul.f32 v23, v59;
	v8 =	vadd.f32 v49, v8  }
0x3a7: {  	v54 =	vmul.f32 v19, v55  }
0x3a8: {  	v55 =	vor.u32 v39, v16;
	v22 =	vadd.f32 v51, v22;
	v8 =	vadd.f32 v53, v8  }
0x3a9: {  	v26 =	vmul.f32 v26, v63;
	v27 =	vmul.f32 v27, v38  }
0x3aa: {  	v56 =	vmul.f32 v20, v4;
	v22 =	vmul.f32 v50, v22;
	v8 =	vadd.f32 v54, v8  }
0x3ab: {  	v25 =	vmul.f32 v25, v13;
	v57 =	vmul.f32 v21, v48  }
0x3ac: {  	v58 =	vadd.f32 v26, v27;
	v8 =	vadd.f32 v56, v8;
	[tilespmem:v42+s22+$0x0] =	vst.idx.msk $0xffff, v22  }
0x3ad: {  	v60 =	vmul.f32 v0, v11;
	v59 =	vld.idx.msk [tilespmem:v55+s20+$0x0], $0xffff  }
0x3ae: {  	v23 =	vmul.f32 v23, v52;
	v22 =	vadd.f32 v25, v58;
	v8 =	vadd.f32 v57, v8  }
0x3af: {  	v16 =	vor.u32 v34, v16  }
0x3b0: {  	v19 =	vmul.f32 v19, v9;
	v22 =	vadd.f32 v23, v22;
	v8 =	vadd.f32 v60, v8;
	_ =	sdelay $0x1  }
0x3b1: {  	v20 =	vmul.f32 v20, v12;
	v19 =	vadd.f32 v19, v22;
	v8 =	vmul.f32 v59, v8;
	_ =	sdelay $0x1  }
0x3b2: {  	v62 =	vmul.f32 v21, v61;
	[tilespmem:v55+s22+$0x0] =	vst.idx.msk $0xffff, v8;
	v8 =	vadd.f32 v20, v19  }
0x3b3: {  	v63 =	vld.idx.msk [tilespmem:v16+s20+$0x0], $0xffff  }
0x3b4: {  	v0 =	vmul.f32 v0, v46;
	v8 =	vadd.f32 v62, v8  }
0x3b5: {  	p0 =	sne.s32 s25, $0x7F  }
.Ltmp0:
0x3b6: {  	v0 =	vadd.f32 v0, v8;
	(pc) =	sbr.rel @p0 .LBB2_3-.Ltmp0, $3  }
0x3b7: {  	_ = 	snop  }
0x3b8: {  	v0 =	vmul.f32 v63, v0;
	_ =	sdelay $0x1  }
0x3b9: {  	s26 =	sadd.s32 $0x10, s26;
	s25 =	sadd.s32 $0x10, s25;
	[tilespmem:v16+s22+$0x0] =	vst.idx.msk $0xffff, v0  }
0x3ba: {  	[spmem:s3] =	stream.indirect.scatter.add.f32 [tilespmem:s22], [sflag:$0x2], $0x80, s17, s19, $0xb8;
	[tilespmem:$0x1BD00] =	vst v63  }
0x3bb: {  	s24 =	sadd.s32 $0x1, s24  }
0x3bc: {  	p0 =	sne.s32 s24, $0x7D  }
.Ltmp1:
0x3bd: {  	_ = 	snop;
	(pc) =	sbr.rel @p0 .LBB2_2-.Ltmp1, $4  }
0x3be: {  	_ =	swait.ge [sflag:s15], $0x2800  }
0x3bf: {  	v1 =	vld [tilespmem:$0x1FFB0]  }
0x3c0: {  	[sflag:s15] =	ssyncset.done $0x0;
	v43 =	vld [tilespmem:$0x1FFC0]  }
0x3c1: {  	v2 =	vld [tilespmem:$0x1FFD0];
	[sflag:s15] =	ssyncadd.s32 $0xFFFFD800  }
0x3c2: {  	s23 =	sadd.s32 $0x1, s23  }
0x3c3: {  	p0 =	sne.s32 s23, s13  }
.Ltmp2:
0x3c4: {  	[bflag:$0x0] =	sbarrier.arrive $0xFFFF;
	(pc) =	sbr.rel @p0 .LBB2_1-.Ltmp2, $4  }
0x3c5: {  	[hbm:s12], [sflag:s10] =	dma.local [spmem:s14], $0x2800  }
0x3c6: {  	_ =	swait.ge [sflag:s15], $0x2800  }
0x3c7: {  	[sflag:s15] =	ssyncset.done $0x0  }
0x3c8: {  	[sflag:s15] =	ssyncadd.s32 $0xFFFFD800  }
0x3c9: {  	_ =	sfence.sel $0x180000  }
0x3ca: {  	[bflag:$0x0] =	sbarrier.arrive $0xFFFF  }
0x3cb: {  	p0 =	sne.s32 s5, $0x0;
	_ =	strace $0x90000047  }
0x3cc: {  	s0 =	sadd.s32 @!p0 $0x100000, s0;
	[bflag:$0x2] =	sbarrier.arrive $0xFFFF  }
0x3cd: {  	[sflag:s0] =	ssyncadd.tile.s32 @!p0 $0x1;
	_ =	shalt  }
.Lfunc_end2:
_tile_overlayer_lowered:
.L_overlay_start_2:
0x3ce: {  	(tag) =	ssettag $0x2  }
0x3cf: {  	s0 =	rddreg [dreg:$0x0];
	s2 =	stileid.u32  }
0x3d0: {  	s1 =	rddreg [dreg:$0x1];
	p0 =	sne.s32 s2, $0x0  }
0x3d1: {  	s3 =	rddreg [dreg:$0x2];
	[bflag:$0x3] =	sbarrier.arrive $0xFFFF;
	s2 =	simm.s32 @!p0 $0x1C02  }
0x3d2: {  	[timem:s3], [sflag:s2] =	dma.local @!p0 [hbm:s0], s1  }
0x3d3: {  	s0 =	simm.s32 @!p0 $0x2  }
0x3d4: {  	_ =	swait.ge @!p0 [sflag:s0], s1  }
0x3d5: {  	s1 =	ssub.s32 @!p0 $0x0, s1;
	[sflag:s0] =	ssyncset.done @!p0 $0x0  }
0x3d6: {  	[sflag:s0] =	ssyncadd.s32 @!p0 s1  }
0x3d7: {  	[bflag:$0x3] =	sbarrier.arrive $0xFFFF  }
0x3d8: {  	_ =	shalt  }

</sc_bundles>
